<compile_context>
chip_gen: v7x
topology: tpu7x:2x2x1
jax: 0.10.2.dev20260603
libtpu: 0.0.44.dev20260713+nightly
codegen_flags: <defaults>
</compile_context>

<pallas_src>
import functools

import jax
import jax.numpy as jnp
from jax import lax
from jax.experimental import pallas as pl
from jax.experimental.pallas import tpu as pltpu
from jax.experimental.pallas import tpu_sc as plsc

N = 10000
E = 320000
D = 128
G = 128
L = 4
OUT = 128

NC = 2
NS = 16
NW = NC * NS

CHUNK = 128
N_PAD = 10112
ROWS_PER_TILE = N_PAD // NS
CPT = 80
TOTAL_CHUNKS = CPT * NW
E_PAD = TOTAL_CHUNKS * CHUNK
T0 = 80
T1 = 2 * CPT - T0
PP = 16



def _deg_body(colb_hbm, zeros_hbm, ones_hbm, out_hbm, shared, cidx_v, ones_v):
    c = lax.axis_index("c")
    s = lax.axis_index("s")
    r0 = s * ROWS_PER_TILE
    start = (c * NS + s) * CPT
    pltpu.sync_copy(colb_hbm.at[pl.ds(start, CPT)], cidx_v)
    pltpu.sync_copy(zeros_hbm.at[pl.ds(r0, ROWS_PER_TILE), :],
                    shared.at[pl.ds(r0, ROWS_PER_TILE), :])
    pltpu.sync_copy(ones_hbm, ones_v)
    plsc.subcore_barrier()

    def body(j, carry):
        pltpu.sync_copy(ones_v, shared.at[cidx_v.at[j]], add=True)
        return carry

    lax.fori_loop(0, CPT, body, 0)
    plsc.subcore_barrier()
    pltpu.sync_copy(shared.at[pl.ds(r0, ROWS_PER_TILE), :],
                    out_hbm.at[pl.ds(c * N_PAD + r0, ROWS_PER_TILE), :])


@functools.cache
def _deg_kernel():
    mesh = plsc.VectorSubcoreMesh(core_axis_name="c", subcore_axis_name="s")
    return pl.kernel(
        _deg_body,
        out_type=jax.ShapeDtypeStruct((NC * N_PAD, D), jnp.float32),
        mesh=mesh,
        scratch_types=[
            pltpu.VMEM_SHARED((N_PAD, D), jnp.float32),
            pltpu.VMEM((CPT, CHUNK), jnp.int32),
            pltpu.VMEM((CHUNK, D), jnp.float32),
        ],
    )


def _agg_body(hs_hbm, rowb_hbm, colb_hbm, zeros_hbm, out_hbm,
              shared, ridx_v, cidx_v, rows0, rows1, sem0, sem1):
    c = lax.axis_index("c")
    s = lax.axis_index("s")
    r0 = s * ROWS_PER_TILE
    pltpu.sync_copy(zeros_hbm.at[pl.ds(r0, ROWS_PER_TILE), :],
                    shared.at[pl.ds(r0, ROWS_PER_TILE), :])
    plsc.subcore_barrier()

    start = jnp.where(c == 0, s * T0, NS * T0 + s * T1)
    nph = jnp.where(c == 0, T0 // PP, T1 // PP)

    def phase(p, carry):
        pltpu.sync_copy(rowb_hbm.at[pl.ds(start + p * PP, PP)], ridx_v)
        pltpu.sync_copy(colb_hbm.at[pl.ds(start + p * PP, PP)], cidx_v)
        pltpu.async_copy(hs_hbm.at[ridx_v.at[0]], rows0, sem0)

        def body(i, carry2):
            j0 = 2 * i
            j1 = j0 + 1
            pltpu.async_copy(hs_hbm.at[ridx_v.at[j1]], rows1, sem1)
            pltpu.make_async_copy(hs_hbm.at[ridx_v.at[j0]], rows0, sem0).wait()
            pltpu.sync_copy(rows0, shared.at[cidx_v.at[j0]], add=True)

            @pl.when(i < PP // 2 - 1)
            def _():
                pltpu.async_copy(hs_hbm.at[ridx_v.at[j0 + 2]], rows0, sem0)

            pltpu.make_async_copy(hs_hbm.at[ridx_v.at[j1]], rows1, sem1).wait()
            pltpu.sync_copy(rows1, shared.at[cidx_v.at[j1]], add=True)
            return carry2

        lax.fori_loop(0, PP // 2, body, 0)
        return carry

    lax.fori_loop(0, nph, phase, 0)
    plsc.subcore_barrier()
    pltpu.sync_copy(shared.at[pl.ds(r0, ROWS_PER_TILE), :],
                    out_hbm.at[pl.ds(c * N_PAD + r0, ROWS_PER_TILE), :])


@functools.cache
def _agg_kernel():
    mesh = plsc.VectorSubcoreMesh(core_axis_name="c", subcore_axis_name="s")
    return pl.kernel(
        _agg_body,
        out_type=jax.ShapeDtypeStruct((NC * N_PAD, D), jnp.float32),
        mesh=mesh,
        scratch_types=[
            pltpu.VMEM_SHARED((N_PAD, D), jnp.float32),
            pltpu.VMEM((PP, CHUNK), jnp.int32),
            pltpu.VMEM((PP, CHUNK), jnp.int32),
            pltpu.VMEM((CHUNK, D), jnp.float32),
            pltpu.VMEM((CHUNK, D), jnp.float32),
            pltpu.SemaphoreType.DMA,
            pltpu.SemaphoreType.DMA,
        ],
    )



def _proj_body(x_ref, wp_ref, bp_ref, degp_ref, h_ref, hs_ref, dis_ref):
    deg = degp_ref[0:N_PAD, 0:1] + degp_ref[N_PAD:2 * N_PAD, 0:1]
    dis = lax.rsqrt(jnp.maximum(deg, 1.0))
    dis_ref[...] = dis
    h = jnp.dot(x_ref[...], wp_ref[...], preferred_element_type=jnp.float32)
    h = h + bp_ref[...]
    h_ref[...] = h
    hs_ref[...] = dis[:N] * h


_proj_kernel = pl.pallas_call(
    _proj_body,
    out_shape=(
        jax.ShapeDtypeStruct((N, D), jnp.float32),
        jax.ShapeDtypeStruct((N, D), jnp.float32),
        jax.ShapeDtypeStruct((N_PAD, 1), jnp.float32),
    ),
)


def _layer_body(aggp_ref, dis_ref, h_ref, w_ref, b_ref, hn_ref, hsn_ref):
    agg = aggp_ref[0:N, :] + aggp_ref[N_PAD:N_PAD + N, :]
    agg = agg * dis_ref[0:N, :]
    out = jnp.dot(agg, w_ref[...], preferred_element_type=jnp.float32)
    out = jnp.maximum(out + b_ref[...], 0.0) + h_ref[...]
    hn_ref[...] = out
    hsn_ref[...] = dis_ref[0:N, :] * out


_layer_kernel = pl.pallas_call(
    _layer_body,
    out_shape=(
        jax.ShapeDtypeStruct((N, D), jnp.float32),
        jax.ShapeDtypeStruct((N, D), jnp.float32),
    ),
)


def _pool_body(h_ref, batch_ref, wr1_ref, br1_ref, wr2_ref, br2_ref, out_ref):
    gids = lax.broadcasted_iota(jnp.int32, (G, N), 0)
    onehot_t = jnp.where(gids == batch_ref[...], 1.0, 0.0)
    sums = jnp.dot(onehot_t, h_ref[...], preferred_element_type=jnp.float32)
    counts = jnp.dot(onehot_t, jnp.ones((N, 1), jnp.float32),
                     preferred_element_type=jnp.float32)
    emb = sums / jnp.maximum(counts, 1.0)
    hid = jnp.dot(emb, wr1_ref[...], preferred_element_type=jnp.float32)
    hid = jnp.maximum(hid + br1_ref[...], 0.0)
    out = jnp.dot(hid, wr2_ref[...], preferred_element_type=jnp.float32)
    out_ref[...] = out + br2_ref[...]


_pool_kernel = pl.pallas_call(
    _pool_body,
    out_shape=jax.ShapeDtypeStruct((G, OUT), jnp.float32),
)



def kernel(x, edge_index, edge_attr, batch, Wp, bp, Wls, bls, Wr1, br1, Wr2, br2):
    del edge_attr
    row = edge_index[0]
    col = edge_index[1]
    pad = E_PAD - E
    pad_iota = jnp.arange(pad, dtype=jnp.int32)
    row_b = jnp.concatenate([row, pad_iota % N]).reshape(TOTAL_CHUNKS, CHUNK)
    col_b = jnp.concatenate([col, N + pad_iota % (N_PAD - N)]).reshape(TOTAL_CHUNKS, CHUNK)

    zeros_nd = jnp.zeros((N_PAD, D), jnp.float32)
    ones_kd = jnp.ones((CHUNK, D), jnp.float32)

    degp = _deg_kernel()(col_b, zeros_nd, ones_kd)
    h, hs, dis = _proj_kernel(x, Wp, bp[None, :], degp)
    for i in range(L):
        aggp = _agg_kernel()(hs, row_b, col_b, zeros_nd)
        h, hs = _layer_kernel(aggp, dis, h, Wls[i], bls[i][None, :])
    return _pool_kernel(h, batch[None, :], Wr1, br1[None, :], Wr2, br2[None, :])

# --- scband reference (transcript-rebuilt; emitter-appended) ---
"""Pipeline reference for scband-gnnplus-6055903888032 (READ-ONLY COPY).

The authoritative reference and input builder live on the scoring server;
editing this copy changes nothing except your own understanding.
"""

import jax, jax.numpy as jnp
import numpy as np

N = 10000
E = 320000
D = 128
G = 128
L = 4
OUT = 128


def setup_inputs(seed: int = 0):
    key = jax.random.key(seed)
    ks = jax.random.split(key, 12)
    x = jax.random.normal(ks[0], (N, D), dtype=jnp.float32)
    edge_index = jax.random.randint(ks[1], (2, E), 0, N, dtype=jnp.int32)
    edge_attr = jax.random.normal(ks[2], (E, 3), dtype=jnp.float32)
    batch = jnp.sort(jax.random.randint(ks[3], (N,), 0, G, dtype=jnp.int32))
    s = 1.0 / np.sqrt(D)
    Wp = jax.random.uniform(ks[4], (D, D), jnp.float32, -s, s)
    bp = jnp.zeros((D,), jnp.float32)
    Wls = jax.random.uniform(ks[5], (L, D, D), jnp.float32, -s, s)
    bls = jnp.zeros((L, D), jnp.float32)
    Wr1 = jax.random.uniform(ks[6], (D, D // 2), jnp.float32, -s, s)
    br1 = jnp.zeros((D // 2,), jnp.float32)
    Wr2 = jax.random.uniform(ks[7], (D // 2, OUT), jnp.float32, -s, s)
    br2 = jnp.zeros((OUT,), jnp.float32)
    return {"x": x, "edge_index": edge_index, "edge_attr": edge_attr, "batch": batch,
            "Wp": Wp, "bp": bp, "Wls": Wls, "bls": bls,
            "Wr1": Wr1, "br1": br1, "Wr2": Wr2, "br2": br2}


def _gcn_layer(h, row, col, norm, W, b):
    # message: norm * x_j (source-gather), aggr='add' scatter to dst
    msg = norm[:, None] * h[row]
    agg = jnp.zeros_like(h).at[col].add(msg)
    out = agg @ W + b
    out = jax.nn.relu(out)
    # use_residual=True
    return out + h


def reference(x, edge_index, edge_attr, batch, Wp, bp, Wls, bls, Wr1, br1, Wr2, br2):
    row, col = edge_index[0], edge_index[1]
    # GCN symmetric normalization (degree over dst, clamp min 1)
    deg = jnp.zeros((x.shape[0],), x.dtype).at[col].add(1.0)
    deg = jnp.clip(deg, 1.0)
    dis = deg ** -0.5
    norm = dis[row] * dis[col]
    # input projection
    h = x @ Wp + bp
    for i in range(L):
        h = _gcn_layer(h, row, col, norm, Wls[i], bls[i])
    # global_mean_pool over batch ids
    sums = jax.ops.segment_sum(h, batch, num_segments=G)
    counts = jax.ops.segment_sum(jnp.ones((h.shape[0],), h.dtype), batch, num_segments=G)
    graph_emb = sums / jnp.clip(counts, 1.0)[:, None]
    # readout MLP
    hid = jax.nn.relu(graph_emb @ Wr1 + br1)
    return hid @ Wr2 + br2

if __name__ == "__main__":
    import jax
    _d = setup_inputs()
    print(jax.jit(kernel)(*tuple(_d.values())))

</pallas_src>

<mosaic_0001>
#map = affine_map<(d0, d1) -> (0, 0)>
module attributes {stable_mosaic.version = 14 : i64} {
  func.func @_agg_body(%arg0: i32, %arg1: i32, %arg2: memref<10000x128xf32, #tpu.memory_space<hbm>>, %arg3: memref<2560x128xi32, #tpu.memory_space<hbm>>, %arg4: memref<2560x128xi32, #tpu.memory_space<hbm>>, %arg5: memref<10112x128xf32, #tpu.memory_space<hbm>>, %arg6: memref<20224x128xf32, #tpu.memory_space<hbm>>, %arg7: memref<10112x128xf32, #tpu.memory_space<vmem_shared>>, %arg8: memref<16x128xi32, #tpu.memory_space<vmem>>, %arg9: memref<16x128xi32, #tpu.memory_space<vmem>>, %arg10: memref<128x128xf32, #tpu.memory_space<vmem>>, %arg11: memref<128x128xf32, #tpu.memory_space<vmem>>, %arg12: memref<!tpu.dma_semaphore, #tpu.memory_space<semaphore_mem>>, %arg13: memref<!tpu.dma_semaphore, #tpu.memory_space<semaphore_mem>>) attributes {dimension_semantics = [#tpu.dimension_semantics<core_parallel>, #tpu.dimension_semantics<subcore_parallel>], iteration_bounds = array<i64: 2, 16>, scalar_prefetch = 0 : i64, scratch_operands = 7 : i64, tpu.core_type = #tpu.core_type<sc_vector_subcore>, window_params = [{transform_indices = #map}, {transform_indices = #map}, {transform_indices = #map}, {transform_indices = #map}, {transform_indices = #map}]} {
    %mul3A = arith.constant 632 : i32
    %mul3A_0 = arith.muli %arg1, %mul3A : i32
    "tpu.region"() ({
      %run_scoped3A = tpu.sem_alloc : memref<!tpu.dma_semaphore, #tpu.memory_space<semaphore_mem>>
      %dma_start3A = arith.constant 0 : i32
      %dma_start3A_24 = tpu.memref_slice %arg7[%mul3A_0, %dma_start3A] : memref<10112x128xf32, #tpu.memory_space<vmem_shared>> -> memref<632x128xf32, #tpu.memory_space<vmem_shared>>
      %dma_start3A_25 = arith.constant 0 : i32
      %dma_start3A_26 = tpu.memref_slice %arg5[%mul3A_0, %dma_start3A_25] : memref<10112x128xf32, #tpu.memory_space<hbm>> -> memref<632x128xf32, #tpu.memory_space<hbm>>
      tpu.enqueue_dma source(%dma_start3A_26 : memref<632x128xf32, #tpu.memory_space<hbm>>) target(%dma_start3A_24 : memref<632x128xf32, #tpu.memory_space<vmem_shared>>) target_semaphore(%run_scoped3A : memref<!tpu.dma_semaphore, #tpu.memory_space<semaphore_mem>>)
      %dma_wait3A = arith.constant 0 : i32
      %dma_wait3A_27 = tpu.memref_slice %arg7[%mul3A_0, %dma_wait3A] : memref<10112x128xf32, #tpu.memory_space<vmem_shared>> -> memref<632x128xf32, #tpu.memory_space<vmem_shared>>
      %dma_wait3A_28 = arith.constant 0 : i32
      %dma_wait3A_29 = tpu.memref_slice %arg5[%mul3A_0, %dma_wait3A_28] : memref<10112x128xf32, #tpu.memory_space<hbm>> -> memref<632x128xf32, #tpu.memory_space<hbm>>
      tpu.wait_dma2 semaphore(%run_scoped3A : memref<!tpu.dma_semaphore, #tpu.memory_space<semaphore_mem>>) src(%dma_wait3A_29 : memref<632x128xf32, #tpu.memory_space<hbm>>) dst(%dma_wait3A_27 : memref<632x128xf32, #tpu.memory_space<vmem_shared>>)
      tpu.yield
    }) : () -> ()
    %barrier3A = arith.constant 0 : index
    tpu.barrier barrier_id(%barrier3A)
    %eq3A = arith.constant 0 : i32
    %eq3A_1 = arith.cmpi eq, %arg0, %eq3A : i32
    %mul3A_2 = arith.constant 80 : i32
    %mul3A_3 = arith.muli %arg1, %mul3A_2 : i32
    %mul3A_4 = arith.constant 80 : i32
    %mul3A_5 = arith.muli %arg1, %mul3A_4 : i32
    %add3A = arith.constant 1280 : i32
    %add3A_6 = arith.addi %add3A, %mul3A_5 : i32
    %select_n3A = arith.select %eq3A_1, %mul3A_3, %add3A_6 : i32
    %eq3A_7 = arith.constant 0 : i32
    %eq3A_8 = arith.cmpi eq, %arg0, %eq3A_7 : i32
    %jit3A = arith.constant 5 : i32
    %jit3A_9 = arith.constant 5 : i32
    %select_n3A_10 = arith.select %eq3A_8, %jit3A, %jit3A_9 : i32
    %while3A = arith.constant 0 : i32
    %while3A_11 = arith.constant 0 : i32
    %while3A_12 = arith.subi %select_n3A_10, %while3A_11 : i32
    %while3A_13 = arith.addi %while3A_11, %while3A_12 : i32
    %while3A_14 = arith.constant 1 : i32
    %while3A_15 = arith.divsi %while3A_12, %while3A_14 : i32
    %while3A_16 = arith.muli %while3A_15, %while3A_14 : i32
    %while3A_17 = arith.addi %while3A_11, %while3A_16 : i32
    %while3A_18 = arith.constant 1 : i32
    scf.for %while3A_24 = %while3A_11 to %while3A_17 step %while3A_18  : i32 {
      %mul3A_25 = arith.constant 16 : i32
      %mul3A_26 = arith.muli %while3A_24, %mul3A_25 : i32
      %add3A_27 = arith.addi %select_n3A, %mul3A_26 : i32
      "tpu.region"() ({
        %run_scoped3A = tpu.sem_alloc : memref<!tpu.dma_semaphore, #tpu.memory_space<semaphore_mem>>
        %dma_start3A_42 = arith.constant 0 : i32
        %dma_start3A_43 = tpu.memref_slice %arg3[%add3A_27, %dma_start3A_42] : memref<2560x128xi32, #tpu.memory_space<hbm>> -> memref<16x128xi32, #tpu.memory_space<hbm>>
        %dma_start3A_44 = arith.constant 0 : i32
        %dma_start3A_45 = tpu.memref_slice %arg3[%add3A_27, %dma_start3A_44] : memref<2560x128xi32, #tpu.memory_space<hbm>> -> memref<16x128xi32, #tpu.memory_space<hbm>>
        tpu.enqueue_dma source(%dma_start3A_45 : memref<16x128xi32, #tpu.memory_space<hbm>>) target(%arg8 : memref<16x128xi32, #tpu.memory_space<vmem>>) target_semaphore(%run_scoped3A : memref<!tpu.dma_semaphore, #tpu.memory_space<semaphore_mem>>)
        %dma_wait3A = arith.constant 0 : i32
        %dma_wait3A_46 = tpu.memref_slice %arg3[%add3A_27, %dma_wait3A] : memref<2560x128xi32, #tpu.memory_space<hbm>> -> memref<16x128xi32, #tpu.memory_space<hbm>>
        %dma_wait3A_47 = arith.constant 0 : i32
        %dma_wait3A_48 = tpu.memref_slice %arg3[%add3A_27, %dma_wait3A_47] : memref<2560x128xi32, #tpu.memory_space<hbm>> -> memref<16x128xi32, #tpu.memory_space<hbm>>
        tpu.wait_dma2 semaphore(%run_scoped3A : memref<!tpu.dma_semaphore, #tpu.memory_space<semaphore_mem>>) src(%dma_wait3A_48 : memref<16x128xi32, #tpu.memory_space<hbm>>) dst(%arg8 : memref<16x128xi32, #tpu.memory_space<vmem>>)
        tpu.yield
      }) : () -> ()
      %mul3A_28 = arith.constant 16 : i32
      %mul3A_29 = arith.muli %while3A_24, %mul3A_28 : i32
      %add3A_30 = arith.addi %select_n3A, %mul3A_29 : i32
      "tpu.region"() ({
        %run_scoped3A = tpu.sem_alloc : memref<!tpu.dma_semaphore, #tpu.memory_space<semaphore_mem>>
        %dma_start3A_42 = arith.constant 0 : i32
        %dma_start3A_43 = tpu.memref_slice %arg4[%add3A_30, %dma_start3A_42] : memref<2560x128xi32, #tpu.memory_space<hbm>> -> memref<16x128xi32, #tpu.memory_space<hbm>>
        %dma_start3A_44 = arith.constant 0 : i32
        %dma_start3A_45 = tpu.memref_slice %arg4[%add3A_30, %dma_start3A_44] : memref<2560x128xi32, #tpu.memory_space<hbm>> -> memref<16x128xi32, #tpu.memory_space<hbm>>
        tpu.enqueue_dma source(%dma_start3A_45 : memref<16x128xi32, #tpu.memory_space<hbm>>) target(%arg9 : memref<16x128xi32, #tpu.memory_space<vmem>>) target_semaphore(%run_scoped3A : memref<!tpu.dma_semaphore, #tpu.memory_space<semaphore_mem>>)
        %dma_wait3A = arith.constant 0 : i32
        %dma_wait3A_46 = tpu.memref_slice %arg4[%add3A_30, %dma_wait3A] : memref<2560x128xi32, #tpu.memory_space<hbm>> -> memref<16x128xi32, #tpu.memory_space<hbm>>
        %dma_wait3A_47 = arith.constant 0 : i32
        %dma_wait3A_48 = tpu.memref_slice %arg4[%add3A_30, %dma_wait3A_47] : memref<2560x128xi32, #tpu.memory_space<hbm>> -> memref<16x128xi32, #tpu.memory_space<hbm>>
        tpu.wait_dma2 semaphore(%run_scoped3A : memref<!tpu.dma_semaphore, #tpu.memory_space<semaphore_mem>>) src(%dma_wait3A_48 : memref<16x128xi32, #tpu.memory_space<hbm>>) dst(%arg9 : memref<16x128xi32, #tpu.memory_space<vmem>>)
        tpu.yield
      }) : () -> ()
      %dma_start3A = arith.constant 0 : i32
      %dma_start3A_31 = arith.constant 0 : i32
      %dma_start3A_32 = tpu.memref_slice %arg8[%dma_start3A, %dma_start3A_31] : memref<16x128xi32, #tpu.memory_space<vmem>> -> memref<1x128xi32, #tpu.memory_space<vmem>>
      %dma_start3A_33 = tpu.memref_squeeze %dma_start3A_32 : memref<1x128xi32, #tpu.memory_space<vmem>> -> memref<128xi32, #tpu.memory_space<vmem>>
      %dma_start3A_34 = arith.constant 0 : i32
      %dma_start3A_35 = arith.constant 0 : i32
      %dma_start3A_36 = tpu.memref_slice %arg2[%dma_start3A_34, %dma_start3A_35] : memref<10000x128xf32, #tpu.memory_space<hbm>> -> memref<10000x128xf32, #tpu.memory_space<hbm>>
      tpu.enqueue_indirect_dma source(%dma_start3A_36 : memref<10000x128xf32, #tpu.memory_space<hbm>>) target(%arg10 : memref<128x128xf32, #tpu.memory_space<vmem>>) offsets(%dma_start3A_33 : memref<128xi32, #tpu.memory_space<vmem>>) semaphore(%arg12 : memref<!tpu.dma_semaphore, #tpu.memory_space<semaphore_mem>>)
      %scan3A = arith.constant 0 : i32
      %scan3A_37 = arith.constant 0 : i32
      %scan3A_38 = arith.constant 8 : i32
      %scan3A_39 = arith.addi %scan3A_37, %scan3A_38 : i32
      %scan3A_40 = arith.constant 1 : i32
      scf.for %scan3A_42 = %scan3A_37 to %scan3A_39 step %scan3A_40  : i32 {
        %mul3A_43 = arith.constant 2 : i32
        %mul3A_44 = arith.muli %mul3A_43, %scan3A_42 : i32
        %add3A_45 = arith.constant 1 : i32
        %add3A_46 = arith.addi %mul3A_44, %add3A_45 : i32
        %dma_start3A_47 = arith.constant 0 : i32
        %dma_start3A_48 = tpu.memref_slice %arg8[%add3A_46, %dma_start3A_47] : memref<16x128xi32, #tpu.memory_space<vmem>> -> memref<1x128xi32, #tpu.memory_space<vmem>>
        %dma_start3A_49 = tpu.memref_squeeze %dma_start3A_48 : memref<1x128xi32, #tpu.memory_space<vmem>> -> memref<128xi32, #tpu.memory_space<vmem>>
        %dma_start3A_50 = arith.constant 0 : i32
        %dma_start3A_51 = arith.constant 0 : i32
        %dma_start3A_52 = tpu.memref_slice %arg2[%dma_start3A_50, %dma_start3A_51] : memref<10000x128xf32, #tpu.memory_space<hbm>> -> memref<10000x128xf32, #tpu.memory_space<hbm>>
        tpu.enqueue_indirect_dma source(%dma_start3A_52 : memref<10000x128xf32, #tpu.memory_space<hbm>>) target(%arg11 : memref<128x128xf32, #tpu.memory_space<vmem>>) offsets(%dma_start3A_49 : memref<128xi32, #tpu.memory_space<vmem>>) semaphore(%arg13 : memref<!tpu.dma_semaphore, #tpu.memory_space<semaphore_mem>>)
        %dma_wait3A = arith.constant 0 : i32
        %dma_wait3A_53 = tpu.memref_slice %arg8[%mul3A_44, %dma_wait3A] : memref<16x128xi32, #tpu.memory_space<vmem>> -> memref<1x128xi32, #tpu.memory_space<vmem>>
        %dma_wait3A_54 = tpu.memref_squeeze %dma_wait3A_53 : memref<1x128xi32, #tpu.memory_space<vmem>> -> memref<128xi32, #tpu.memory_space<vmem>>
        %dma_wait3A_55 = arith.constant 0 : i32
        %dma_wait3A_56 = arith.constant 0 : i32
        %dma_wait3A_57 = tpu.memref_slice %arg2[%dma_wait3A_55, %dma_wait3A_56] : memref<10000x128xf32, #tpu.memory_space<hbm>> -> memref<10000x128xf32, #tpu.memory_space<hbm>>
        tpu.wait_indirect_dma semaphore(%arg12 : memref<!tpu.dma_semaphore, #tpu.memory_space<semaphore_mem>>) src(%dma_wait3A_57 : memref<10000x128xf32, #tpu.memory_space<hbm>>) dst(%arg10 : memref<128x128xf32, #tpu.memory_space<vmem>>)
        "tpu.region"() ({
          %run_scoped3A = tpu.sem_alloc : memref<!tpu.dma_semaphore, #tpu.memory_space<semaphore_mem>>
          %dma_start3A_66 = arith.constant 0 : i32
          %dma_start3A_67 = tpu.memref_slice %arg9[%mul3A_44, %dma_start3A_66] : memref<16x128xi32, #tpu.memory_space<vmem>> -> memref<1x128xi32, #tpu.memory_space<vmem>>
          %dma_start3A_68 = tpu.memref_squeeze %dma_start3A_67 : memref<1x128xi32, #tpu.memory_space<vmem>> -> memref<128xi32, #tpu.memory_space<vmem>>
          %dma_start3A_69 = arith.constant 0 : i32
          %dma_start3A_70 = arith.constant 0 : i32
          %dma_start3A_71 = tpu.memref_slice %arg7[%dma_start3A_69, %dma_start3A_70] : memref<10112x128xf32, #tpu.memory_space<vmem_shared>> -> memref<10112x128xf32, #tpu.memory_space<vmem_shared>>
          tpu.enqueue_indirect_dma source(%arg10 : memref<128x128xf32, #tpu.memory_space<vmem>>) target(%dma_start3A_71 : memref<10112x128xf32, #tpu.memory_space<vmem_shared>>) offsets(%dma_start3A_68 : memref<128xi32, #tpu.memory_space<vmem>>) semaphore(%run_scoped3A : memref<!tpu.dma_semaphore, #tpu.memory_space<semaphore_mem>>) {add = true}
          %dma_wait3A_72 = arith.constant 0 : i32
          %dma_wait3A_73 = tpu.memref_slice %arg9[%mul3A_44, %dma_wait3A_72] : memref<16x128xi32, #tpu.memory_space<vmem>> -> memref<1x128xi32, #tpu.memory_space<vmem>>
          %dma_wait3A_74 = tpu.memref_squeeze %dma_wait3A_73 : memref<1x128xi32, #tpu.memory_space<vmem>> -> memref<128xi32, #tpu.memory_space<vmem>>
          %dma_wait3A_75 = arith.constant 0 : i32
          %dma_wait3A_76 = arith.constant 0 : i32
          %dma_wait3A_77 = tpu.memref_slice %arg7[%dma_wait3A_75, %dma_wait3A_76] : memref<10112x128xf32, #tpu.memory_space<vmem_shared>> -> memref<10112x128xf32, #tpu.memory_space<vmem_shared>>
          tpu.wait_indirect_dma semaphore(%run_scoped3A : memref<!tpu.dma_semaphore, #tpu.memory_space<semaphore_mem>>) src(%arg10 : memref<128x128xf32, #tpu.memory_space<vmem>>) dst(%dma_wait3A_77 : memref<10112x128xf32, #tpu.memory_space<vmem_shared>>)
          tpu.yield
        }) : () -> ()
        %lt3A = arith.constant 7 : i32
        %lt3A_58 = arith.cmpi slt, %scan3A_42, %lt3A : i32
        %convert_element_type3A = arith.extui %lt3A_58 : i1 to i32
        %cond3A = arith.constant 0 : i32
        %cond3A_59 = arith.cmpi ne, %convert_element_type3A, %cond3A : i32
        scf.if %cond3A_59 {
          %add3A_66 = arith.constant 2 : i32
          %add3A_67 = arith.addi %mul3A_44, %add3A_66 : i32
          %dma_start3A_68 = arith.constant 0 : i32
          %dma_start3A_69 = tpu.memref_slice %arg8[%add3A_67, %dma_start3A_68] : memref<16x128xi32, #tpu.memory_space<vmem>> -> memref<1x128xi32, #tpu.memory_space<vmem>>
          %dma_start3A_70 = tpu.memref_squeeze %dma_start3A_69 : memref<1x128xi32, #tpu.memory_space<vmem>> -> memref<128xi32, #tpu.memory_space<vmem>>
          %dma_start3A_71 = arith.constant 0 : i32
          %dma_start3A_72 = arith.constant 0 : i32
          %dma_start3A_73 = tpu.memref_slice %arg2[%dma_start3A_71, %dma_start3A_72] : memref<10000x128xf32, #tpu.memory_space<hbm>> -> memref<10000x128xf32, #tpu.memory_space<hbm>>
          tpu.enqueue_indirect_dma source(%dma_start3A_73 : memref<10000x128xf32, #tpu.memory_space<hbm>>) target(%arg10 : memref<128x128xf32, #tpu.memory_space<vmem>>) offsets(%dma_start3A_70 : memref<128xi32, #tpu.memory_space<vmem>>) semaphore(%arg12 : memref<!tpu.dma_semaphore, #tpu.memory_space<semaphore_mem>>)
        } else {
        }
        %dma_wait3A_60 = arith.constant 0 : i32
        %dma_wait3A_61 = tpu.memref_slice %arg8[%add3A_46, %dma_wait3A_60] : memref<16x128xi32, #tpu.memory_space<vmem>> -> memref<1x128xi32, #tpu.memory_space<vmem>>
        %dma_wait3A_62 = tpu.memref_squeeze %dma_wait3A_61 : memref<1x128xi32, #tpu.memory_space<vmem>> -> memref<128xi32, #tpu.memory_space<vmem>>
        %dma_wait3A_63 = arith.constant 0 : i32
        %dma_wait3A_64 = arith.constant 0 : i32
        %dma_wait3A_65 = tpu.memref_slice %arg2[%dma_wait3A_63, %dma_wait3A_64] : memref<10000x128xf32, #tpu.memory_space<hbm>> -> memref<10000x128xf32, #tpu.memory_space<hbm>>
        tpu.wait_indirect_dma semaphore(%arg13 : memref<!tpu.dma_semaphore, #tpu.memory_space<semaphore_mem>>) src(%dma_wait3A_65 : memref<10000x128xf32, #tpu.memory_space<hbm>>) dst(%arg11 : memref<128x128xf32, #tpu.memory_space<vmem>>)
        "tpu.region"() ({
          %run_scoped3A = tpu.sem_alloc : memref<!tpu.dma_semaphore, #tpu.memory_space<semaphore_mem>>
          %dma_start3A_66 = arith.constant 0 : i32
          %dma_start3A_67 = tpu.memref_slice %arg9[%add3A_46, %dma_start3A_66] : memref<16x128xi32, #tpu.memory_space<vmem>> -> memref<1x128xi32, #tpu.memory_space<vmem>>
          %dma_start3A_68 = tpu.memref_squeeze %dma_start3A_67 : memref<1x128xi32, #tpu.memory_space<vmem>> -> memref<128xi32, #tpu.memory_space<vmem>>
          %dma_start3A_69 = arith.constant 0 : i32
          %dma_start3A_70 = arith.constant 0 : i32
          %dma_start3A_71 = tpu.memref_slice %arg7[%dma_start3A_69, %dma_start3A_70] : memref<10112x128xf32, #tpu.memory_space<vmem_shared>> -> memref<10112x128xf32, #tpu.memory_space<vmem_shared>>
          tpu.enqueue_indirect_dma source(%arg11 : memref<128x128xf32, #tpu.memory_space<vmem>>) target(%dma_start3A_71 : memref<10112x128xf32, #tpu.memory_space<vmem_shared>>) offsets(%dma_start3A_68 : memref<128xi32, #tpu.memory_space<vmem>>) semaphore(%run_scoped3A : memref<!tpu.dma_semaphore, #tpu.memory_space<semaphore_mem>>) {add = true}
          %dma_wait3A_72 = arith.constant 0 : i32
          %dma_wait3A_73 = tpu.memref_slice %arg9[%add3A_46, %dma_wait3A_72] : memref<16x128xi32, #tpu.memory_space<vmem>> -> memref<1x128xi32, #tpu.memory_space<vmem>>
          %dma_wait3A_74 = tpu.memref_squeeze %dma_wait3A_73 : memref<1x128xi32, #tpu.memory_space<vmem>> -> memref<128xi32, #tpu.memory_space<vmem>>
          %dma_wait3A_75 = arith.constant 0 : i32
          %dma_wait3A_76 = arith.constant 0 : i32
          %dma_wait3A_77 = tpu.memref_slice %arg7[%dma_wait3A_75, %dma_wait3A_76] : memref<10112x128xf32, #tpu.memory_space<vmem_shared>> -> memref<10112x128xf32, #tpu.memory_space<vmem_shared>>
          tpu.wait_indirect_dma semaphore(%run_scoped3A : memref<!tpu.dma_semaphore, #tpu.memory_space<semaphore_mem>>) src(%arg11 : memref<128x128xf32, #tpu.memory_space<vmem>>) dst(%dma_wait3A_77 : memref<10112x128xf32, #tpu.memory_space<vmem_shared>>)
          tpu.yield
        }) : () -> ()
      }
      %scan3A_41 = arith.constant 8 : i32
    }
    %while3A_19 = arith.constant 1 : i32
    scf.for %while3A_24 = %while3A_17 to %while3A_13 step %while3A_19  : i32 {
      %mul3A_25 = arith.constant 16 : i32
      %mul3A_26 = arith.muli %while3A_24, %mul3A_25 : i32
      %add3A_27 = arith.addi %select_n3A, %mul3A_26 : i32
      "tpu.region"() ({
        %run_scoped3A = tpu.sem_alloc : memref<!tpu.dma_semaphore, #tpu.memory_space<semaphore_mem>>
        %dma_start3A_42 = arith.constant 0 : i32
        %dma_start3A_43 = tpu.memref_slice %arg3[%add3A_27, %dma_start3A_42] : memref<2560x128xi32, #tpu.memory_space<hbm>> -> memref<16x128xi32, #tpu.memory_space<hbm>>
        %dma_start3A_44 = arith.constant 0 : i32
        %dma_start3A_45 = tpu.memref_slice %arg3[%add3A_27, %dma_start3A_44] : memref<2560x128xi32, #tpu.memory_space<hbm>> -> memref<16x128xi32, #tpu.memory_space<hbm>>
        tpu.enqueue_dma source(%dma_start3A_45 : memref<16x128xi32, #tpu.memory_space<hbm>>) target(%arg8 : memref<16x128xi32, #tpu.memory_space<vmem>>) target_semaphore(%run_scoped3A : memref<!tpu.dma_semaphore, #tpu.memory_space<semaphore_mem>>)
        %dma_wait3A = arith.constant 0 : i32
        %dma_wait3A_46 = tpu.memref_slice %arg3[%add3A_27, %dma_wait3A] : memref<2560x128xi32, #tpu.memory_space<hbm>> -> memref<16x128xi32, #tpu.memory_space<hbm>>
        %dma_wait3A_47 = arith.constant 0 : i32
        %dma_wait3A_48 = tpu.memref_slice %arg3[%add3A_27, %dma_wait3A_47] : memref<2560x128xi32, #tpu.memory_space<hbm>> -> memref<16x128xi32, #tpu.memory_space<hbm>>
        tpu.wait_dma2 semaphore(%run_scoped3A : memref<!tpu.dma_semaphore, #tpu.memory_space<semaphore_mem>>) src(%dma_wait3A_48 : memref<16x128xi32, #tpu.memory_space<hbm>>) dst(%arg8 : memref<16x128xi32, #tpu.memory_space<vmem>>)
        tpu.yield
      }) : () -> ()
      %mul3A_28 = arith.constant 16 : i32
      %mul3A_29 = arith.muli %while3A_24, %mul3A_28 : i32
      %add3A_30 = arith.addi %select_n3A, %mul3A_29 : i32
      "tpu.region"() ({
        %run_scoped3A = tpu.sem_alloc : memref<!tpu.dma_semaphore, #tpu.memory_space<semaphore_mem>>
        %dma_start3A_42 = arith.constant 0 : i32
        %dma_start3A_43 = tpu.memref_slice %arg4[%add3A_30, %dma_start3A_42] : memref<2560x128xi32, #tpu.memory_space<hbm>> -> memref<16x128xi32, #tpu.memory_space<hbm>>
        %dma_start3A_44 = arith.constant 0 : i32
        %dma_start3A_45 = tpu.memref_slice %arg4[%add3A_30, %dma_start3A_44] : memref<2560x128xi32, #tpu.memory_space<hbm>> -> memref<16x128xi32, #tpu.memory_space<hbm>>
        tpu.enqueue_dma source(%dma_start3A_45 : memref<16x128xi32, #tpu.memory_space<hbm>>) target(%arg9 : memref<16x128xi32, #tpu.memory_space<vmem>>) target_semaphore(%run_scoped3A : memref<!tpu.dma_semaphore, #tpu.memory_space<semaphore_mem>>)
        %dma_wait3A = arith.constant 0 : i32
        %dma_wait3A_46 = tpu.memref_slice %arg4[%add3A_30, %dma_wait3A] : memref<2560x128xi32, #tpu.memory_space<hbm>> -> memref<16x128xi32, #tpu.memory_space<hbm>>
        %dma_wait3A_47 = arith.constant 0 : i32
        %dma_wait3A_48 = tpu.memref_slice %arg4[%add3A_30, %dma_wait3A_47] : memref<2560x128xi32, #tpu.memory_space<hbm>> -> memref<16x128xi32, #tpu.memory_space<hbm>>
        tpu.wait_dma2 semaphore(%run_scoped3A : memref<!tpu.dma_semaphore, #tpu.memory_space<semaphore_mem>>) src(%dma_wait3A_48 : memref<16x128xi32, #tpu.memory_space<hbm>>) dst(%arg9 : memref<16x128xi32, #tpu.memory_space<vmem>>)
        tpu.yield
      }) : () -> ()
      %dma_start3A = arith.constant 0 : i32
      %dma_start3A_31 = arith.constant 0 : i32
      %dma_start3A_32 = tpu.memref_slice %arg8[%dma_start3A, %dma_start3A_31] : memref<16x128xi32, #tpu.memory_space<vmem>> -> memref<1x128xi32, #tpu.memory_space<vmem>>
      %dma_start3A_33 = tpu.memref_squeeze %dma_start3A_32 : memref<1x128xi32, #tpu.memory_space<vmem>> -> memref<128xi32, #tpu.memory_space<vmem>>
      %dma_start3A_34 = arith.constant 0 : i32
      %dma_start3A_35 = arith.constant 0 : i32
      %dma_start3A_36 = tpu.memref_slice %arg2[%dma_start3A_34, %dma_start3A_35] : memref<10000x128xf32, #tpu.memory_space<hbm>> -> memref<10000x128xf32, #tpu.memory_space<hbm>>
      tpu.enqueue_indirect_dma source(%dma_start3A_36 : memref<10000x128xf32, #tpu.memory_space<hbm>>) target(%arg10 : memref<128x128xf32, #tpu.memory_space<vmem>>) offsets(%dma_start3A_33 : memref<128xi32, #tpu.memory_space<vmem>>) semaphore(%arg12 : memref<!tpu.dma_semaphore, #tpu.memory_space<semaphore_mem>>)
      %scan3A = arith.constant 0 : i32
      %scan3A_37 = arith.constant 0 : i32
      %scan3A_38 = arith.constant 8 : i32
      %scan3A_39 = arith.addi %scan3A_37, %scan3A_38 : i32
      %scan3A_40 = arith.constant 1 : i32
      scf.for %scan3A_42 = %scan3A_37 to %scan3A_39 step %scan3A_40  : i32 {
        %mul3A_43 = arith.constant 2 : i32
        %mul3A_44 = arith.muli %mul3A_43, %scan3A_42 : i32
        %add3A_45 = arith.constant 1 : i32
        %add3A_46 = arith.addi %mul3A_44, %add3A_45 : i32
        %dma_start3A_47 = arith.constant 0 : i32
        %dma_start3A_48 = tpu.memref_slice %arg8[%add3A_46, %dma_start3A_47] : memref<16x128xi32, #tpu.memory_space<vmem>> -> memref<1x128xi32, #tpu.memory_space<vmem>>
        %dma_start3A_49 = tpu.memref_squeeze %dma_start3A_48 : memref<1x128xi32, #tpu.memory_space<vmem>> -> memref<128xi32, #tpu.memory_space<vmem>>
        %dma_start3A_50 = arith.constant 0 : i32
        %dma_start3A_51 = arith.constant 0 : i32
        %dma_start3A_52 = tpu.memref_slice %arg2[%dma_start3A_50, %dma_start3A_51] : memref<10000x128xf32, #tpu.memory_space<hbm>> -> memref<10000x128xf32, #tpu.memory_space<hbm>>
        tpu.enqueue_indirect_dma source(%dma_start3A_52 : memref<10000x128xf32, #tpu.memory_space<hbm>>) target(%arg11 : memref<128x128xf32, #tpu.memory_space<vmem>>) offsets(%dma_start3A_49 : memref<128xi32, #tpu.memory_space<vmem>>) semaphore(%arg13 : memref<!tpu.dma_semaphore, #tpu.memory_space<semaphore_mem>>)
        %dma_wait3A = arith.constant 0 : i32
        %dma_wait3A_53 = tpu.memref_slice %arg8[%mul3A_44, %dma_wait3A] : memref<16x128xi32, #tpu.memory_space<vmem>> -> memref<1x128xi32, #tpu.memory_space<vmem>>
        %dma_wait3A_54 = tpu.memref_squeeze %dma_wait3A_53 : memref<1x128xi32, #tpu.memory_space<vmem>> -> memref<128xi32, #tpu.memory_space<vmem>>
        %dma_wait3A_55 = arith.constant 0 : i32
        %dma_wait3A_56 = arith.constant 0 : i32
        %dma_wait3A_57 = tpu.memref_slice %arg2[%dma_wait3A_55, %dma_wait3A_56] : memref<10000x128xf32, #tpu.memory_space<hbm>> -> memref<10000x128xf32, #tpu.memory_space<hbm>>
        tpu.wait_indirect_dma semaphore(%arg12 : memref<!tpu.dma_semaphore, #tpu.memory_space<semaphore_mem>>) src(%dma_wait3A_57 : memref<10000x128xf32, #tpu.memory_space<hbm>>) dst(%arg10 : memref<128x128xf32, #tpu.memory_space<vmem>>)
        "tpu.region"() ({
          %run_scoped3A = tpu.sem_alloc : memref<!tpu.dma_semaphore, #tpu.memory_space<semaphore_mem>>
          %dma_start3A_66 = arith.constant 0 : i32
          %dma_start3A_67 = tpu.memref_slice %arg9[%mul3A_44, %dma_start3A_66] : memref<16x128xi32, #tpu.memory_space<vmem>> -> memref<1x128xi32, #tpu.memory_space<vmem>>
          %dma_start3A_68 = tpu.memref_squeeze %dma_start3A_67 : memref<1x128xi32, #tpu.memory_space<vmem>> -> memref<128xi32, #tpu.memory_space<vmem>>
          %dma_start3A_69 = arith.constant 0 : i32
          %dma_start3A_70 = arith.constant 0 : i32
          %dma_start3A_71 = tpu.memref_slice %arg7[%dma_start3A_69, %dma_start3A_70] : memref<10112x128xf32, #tpu.memory_space<vmem_shared>> -> memref<10112x128xf32, #tpu.memory_space<vmem_shared>>
          tpu.enqueue_indirect_dma source(%arg10 : memref<128x128xf32, #tpu.memory_space<vmem>>) target(%dma_start3A_71 : memref<10112x128xf32, #tpu.memory_space<vmem_shared>>) offsets(%dma_start3A_68 : memref<128xi32, #tpu.memory_space<vmem>>) semaphore(%run_scoped3A : memref<!tpu.dma_semaphore, #tpu.memory_space<semaphore_mem>>) {add = true}
          %dma_wait3A_72 = arith.constant 0 : i32
          %dma_wait3A_73 = tpu.memref_slice %arg9[%mul3A_44, %dma_wait3A_72] : memref<16x128xi32, #tpu.memory_space<vmem>> -> memref<1x128xi32, #tpu.memory_space<vmem>>
          %dma_wait3A_74 = tpu.memref_squeeze %dma_wait3A_73 : memref<1x128xi32, #tpu.memory_space<vmem>> -> memref<128xi32, #tpu.memory_space<vmem>>
          %dma_wait3A_75 = arith.constant 0 : i32
          %dma_wait3A_76 = arith.constant 0 : i32
          %dma_wait3A_77 = tpu.memref_slice %arg7[%dma_wait3A_75, %dma_wait3A_76] : memref<10112x128xf32, #tpu.memory_space<vmem_shared>> -> memref<10112x128xf32, #tpu.memory_space<vmem_shared>>
          tpu.wait_indirect_dma semaphore(%run_scoped3A : memref<!tpu.dma_semaphore, #tpu.memory_space<semaphore_mem>>) src(%arg10 : memref<128x128xf32, #tpu.memory_space<vmem>>) dst(%dma_wait3A_77 : memref<10112x128xf32, #tpu.memory_space<vmem_shared>>)
          tpu.yield
        }) : () -> ()
        %lt3A = arith.constant 7 : i32
        %lt3A_58 = arith.cmpi slt, %scan3A_42, %lt3A : i32
        %convert_element_type3A = arith.extui %lt3A_58 : i1 to i32
        %cond3A = arith.constant 0 : i32
        %cond3A_59 = arith.cmpi ne, %convert_element_type3A, %cond3A : i32
        scf.if %cond3A_59 {
          %add3A_66 = arith.constant 2 : i32
          %add3A_67 = arith.addi %mul3A_44, %add3A_66 : i32
          %dma_start3A_68 = arith.constant 0 : i32
          %dma_start3A_69 = tpu.memref_slice %arg8[%add3A_67, %dma_start3A_68] : memref<16x128xi32, #tpu.memory_space<vmem>> -> memref<1x128xi32, #tpu.memory_space<vmem>>
          %dma_start3A_70 = tpu.memref_squeeze %dma_start3A_69 : memref<1x128xi32, #tpu.memory_space<vmem>> -> memref<128xi32, #tpu.memory_space<vmem>>
          %dma_start3A_71 = arith.constant 0 : i32
          %dma_start3A_72 = arith.constant 0 : i32
          %dma_start3A_73 = tpu.memref_slice %arg2[%dma_start3A_71, %dma_start3A_72] : memref<10000x128xf32, #tpu.memory_space<hbm>> -> memref<10000x128xf32, #tpu.memory_space<hbm>>
          tpu.enqueue_indirect_dma source(%dma_start3A_73 : memref<10000x128xf32, #tpu.memory_space<hbm>>) target(%arg10 : memref<128x128xf32, #tpu.memory_space<vmem>>) offsets(%dma_start3A_70 : memref<128xi32, #tpu.memory_space<vmem>>) semaphore(%arg12 : memref<!tpu.dma_semaphore, #tpu.memory_space<semaphore_mem>>)
        } else {
        }
        %dma_wait3A_60 = arith.constant 0 : i32
        %dma_wait3A_61 = tpu.memref_slice %arg8[%add3A_46, %dma_wait3A_60] : memref<16x128xi32, #tpu.memory_space<vmem>> -> memref<1x128xi32, #tpu.memory_space<vmem>>
        %dma_wait3A_62 = tpu.memref_squeeze %dma_wait3A_61 : memref<1x128xi32, #tpu.memory_space<vmem>> -> memref<128xi32, #tpu.memory_space<vmem>>
        %dma_wait3A_63 = arith.constant 0 : i32
        %dma_wait3A_64 = arith.constant 0 : i32
        %dma_wait3A_65 = tpu.memref_slice %arg2[%dma_wait3A_63, %dma_wait3A_64] : memref<10000x128xf32, #tpu.memory_space<hbm>> -> memref<10000x128xf32, #tpu.memory_space<hbm>>
        tpu.wait_indirect_dma semaphore(%arg13 : memref<!tpu.dma_semaphore, #tpu.memory_space<semaphore_mem>>) src(%dma_wait3A_65 : memref<10000x128xf32, #tpu.memory_space<hbm>>) dst(%arg11 : memref<128x128xf32, #tpu.memory_space<vmem>>)
        "tpu.region"() ({
          %run_scoped3A = tpu.sem_alloc : memref<!tpu.dma_semaphore, #tpu.memory_space<semaphore_mem>>
          %dma_start3A_66 = arith.constant 0 : i32
          %dma_start3A_67 = tpu.memref_slice %arg9[%add3A_46, %dma_start3A_66] : memref<16x128xi32, #tpu.memory_space<vmem>> -> memref<1x128xi32, #tpu.memory_space<vmem>>
          %dma_start3A_68 = tpu.memref_squeeze %dma_start3A_67 : memref<1x128xi32, #tpu.memory_space<vmem>> -> memref<128xi32, #tpu.memory_space<vmem>>
          %dma_start3A_69 = arith.constant 0 : i32
          %dma_start3A_70 = arith.constant 0 : i32
          %dma_start3A_71 = tpu.memref_slice %arg7[%dma_start3A_69, %dma_start3A_70] : memref<10112x128xf32, #tpu.memory_space<vmem_shared>> -> memref<10112x128xf32, #tpu.memory_space<vmem_shared>>
          tpu.enqueue_indirect_dma source(%arg11 : memref<128x128xf32, #tpu.memory_space<vmem>>) target(%dma_start3A_71 : memref<10112x128xf32, #tpu.memory_space<vmem_shared>>) offsets(%dma_start3A_68 : memref<128xi32, #tpu.memory_space<vmem>>) semaphore(%run_scoped3A : memref<!tpu.dma_semaphore, #tpu.memory_space<semaphore_mem>>) {add = true}
          %dma_wait3A_72 = arith.constant 0 : i32
          %dma_wait3A_73 = tpu.memref_slice %arg9[%add3A_46, %dma_wait3A_72] : memref<16x128xi32, #tpu.memory_space<vmem>> -> memref<1x128xi32, #tpu.memory_space<vmem>>
          %dma_wait3A_74 = tpu.memref_squeeze %dma_wait3A_73 : memref<1x128xi32, #tpu.memory_space<vmem>> -> memref<128xi32, #tpu.memory_space<vmem>>
          %dma_wait3A_75 = arith.constant 0 : i32
          %dma_wait3A_76 = arith.constant 0 : i32
          %dma_wait3A_77 = tpu.memref_slice %arg7[%dma_wait3A_75, %dma_wait3A_76] : memref<10112x128xf32, #tpu.memory_space<vmem_shared>> -> memref<10112x128xf32, #tpu.memory_space<vmem_shared>>
          tpu.wait_indirect_dma semaphore(%run_scoped3A : memref<!tpu.dma_semaphore, #tpu.memory_space<semaphore_mem>>) src(%arg11 : memref<128x128xf32, #tpu.memory_space<vmem>>) dst(%dma_wait3A_77 : memref<10112x128xf32, #tpu.memory_space<vmem_shared>>)
          tpu.yield
        }) : () -> ()
      }
      %scan3A_41 = arith.constant 8 : i32
    }
    %barrier3A_20 = arith.constant 0 : index
    tpu.barrier barrier_id(%barrier3A_20)
    %mul3A_21 = arith.constant 10112 : i32
    %mul3A_22 = arith.muli %arg0, %mul3A_21 : i32
    %add3A_23 = arith.addi %mul3A_22, %mul3A_0 : i32
    "tpu.region"() ({
      %run_scoped3A = tpu.sem_alloc : memref<!tpu.dma_semaphore, #tpu.memory_space<semaphore_mem>>
      %dma_start3A = arith.constant 0 : i32
      %dma_start3A_24 = tpu.memref_slice %arg6[%add3A_23, %dma_start3A] : memref<20224x128xf32, #tpu.memory_space<hbm>> -> memref<632x128xf32, #tpu.memory_space<hbm>>
      %dma_start3A_25 = arith.constant 0 : i32
      %dma_start3A_26 = tpu.memref_slice %arg7[%mul3A_0, %dma_start3A_25] : memref<10112x128xf32, #tpu.memory_space<vmem_shared>> -> memref<632x128xf32, #tpu.memory_space<vmem_shared>>
      tpu.enqueue_dma source(%dma_start3A_26 : memref<632x128xf32, #tpu.memory_space<vmem_shared>>) target(%dma_start3A_24 : memref<632x128xf32, #tpu.memory_space<hbm>>) target_semaphore(%run_scoped3A : memref<!tpu.dma_semaphore, #tpu.memory_space<semaphore_mem>>)
      %dma_wait3A = arith.constant 0 : i32
      %dma_wait3A_27 = tpu.memref_slice %arg6[%add3A_23, %dma_wait3A] : memref<20224x128xf32, #tpu.memory_space<hbm>> -> memref<632x128xf32, #tpu.memory_space<hbm>>
      %dma_wait3A_28 = arith.constant 0 : i32
      %dma_wait3A_29 = tpu.memref_slice %arg7[%mul3A_0, %dma_wait3A_28] : memref<10112x128xf32, #tpu.memory_space<vmem_shared>> -> memref<632x128xf32, #tpu.memory_space<vmem_shared>>
      tpu.wait_dma2 semaphore(%run_scoped3A : memref<!tpu.dma_semaphore, #tpu.memory_space<semaphore_mem>>) src(%dma_wait3A_29 : memref<632x128xf32, #tpu.memory_space<vmem_shared>>) dst(%dma_wait3A_27 : memref<632x128xf32, #tpu.memory_space<hbm>>)
      tpu.yield
    }) : () -> ()
    return
  }
}

#map = affine_map<(d0, d1) -> (0, 0)>
module attributes {stable_mosaic.version = 14 : i64} {
  func.func @_deg_body(%arg0: i32, %arg1: i32, %arg2: memref<2560x128xi32, #tpu.memory_space<hbm>>, %arg3: memref<10112x128xf32, #tpu.memory_space<hbm>>, %arg4: memref<128x128xf32, #tpu.memory_space<hbm>>, %arg5: memref<20224x128xf32, #tpu.memory_space<hbm>>, %arg6: memref<10112x128xf32, #tpu.memory_space<vmem_shared>>, %arg7: memref<80x128xi32, #tpu.memory_space<vmem>>, %arg8: memref<128x128xf32, #tpu.memory_space<vmem>>) attributes {dimension_semantics = [#tpu.dimension_semantics<core_parallel>, #tpu.dimension_semantics<subcore_parallel>], iteration_bounds = array<i64: 2, 16>, scalar_prefetch = 0 : i64, scratch_operands = 3 : i64, tpu.core_type = #tpu.core_type<sc_vector_subcore>, window_params = [{transform_indices = #map}, {transform_indices = #map}, {transform_indices = #map}, {transform_indices = #map}]} {
    %mul3A = arith.constant 632 : i32
    %mul3A_0 = arith.muli %arg1, %mul3A : i32
    %mul3A_1 = arith.constant 16 : i32
    %mul3A_2 = arith.muli %arg0, %mul3A_1 : i32
    %add3A = arith.addi %mul3A_2, %arg1 : i32
    %mul3A_3 = arith.constant 80 : i32
    %mul3A_4 = arith.muli %add3A, %mul3A_3 : i32
    "tpu.region"() ({
      %run_scoped3A = tpu.sem_alloc : memref<!tpu.dma_semaphore, #tpu.memory_space<semaphore_mem>>
      %dma_start3A = arith.constant 0 : i32
      %dma_start3A_14 = tpu.memref_slice %arg2[%mul3A_4, %dma_start3A] : memref<2560x128xi32, #tpu.memory_space<hbm>> -> memref<80x128xi32, #tpu.memory_space<hbm>>
      %dma_start3A_15 = arith.constant 0 : i32
      %dma_start3A_16 = tpu.memref_slice %arg2[%mul3A_4, %dma_start3A_15] : memref<2560x128xi32, #tpu.memory_space<hbm>> -> memref<80x128xi32, #tpu.memory_space<hbm>>
      tpu.enqueue_dma source(%dma_start3A_16 : memref<80x128xi32, #tpu.memory_space<hbm>>) target(%arg7 : memref<80x128xi32, #tpu.memory_space<vmem>>) target_semaphore(%run_scoped3A : memref<!tpu.dma_semaphore, #tpu.memory_space<semaphore_mem>>)
      %dma_wait3A = arith.constant 0 : i32
      %dma_wait3A_17 = tpu.memref_slice %arg2[%mul3A_4, %dma_wait3A] : memref<2560x128xi32, #tpu.memory_space<hbm>> -> memref<80x128xi32, #tpu.memory_space<hbm>>
      %dma_wait3A_18 = arith.constant 0 : i32
      %dma_wait3A_19 = tpu.memref_slice %arg2[%mul3A_4, %dma_wait3A_18] : memref<2560x128xi32, #tpu.memory_space<hbm>> -> memref<80x128xi32, #tpu.memory_space<hbm>>
      tpu.wait_dma2 semaphore(%run_scoped3A : memref<!tpu.dma_semaphore, #tpu.memory_space<semaphore_mem>>) src(%dma_wait3A_19 : memref<80x128xi32, #tpu.memory_space<hbm>>) dst(%arg7 : memref<80x128xi32, #tpu.memory_space<vmem>>)
      tpu.yield
    }) : () -> ()
    "tpu.region"() ({
      %run_scoped3A = tpu.sem_alloc : memref<!tpu.dma_semaphore, #tpu.memory_space<semaphore_mem>>
      %dma_start3A = arith.constant 0 : i32
      %dma_start3A_14 = tpu.memref_slice %arg6[%mul3A_0, %dma_start3A] : memref<10112x128xf32, #tpu.memory_space<vmem_shared>> -> memref<632x128xf32, #tpu.memory_space<vmem_shared>>
      %dma_start3A_15 = arith.constant 0 : i32
      %dma_start3A_16 = tpu.memref_slice %arg3[%mul3A_0, %dma_start3A_15] : memref<10112x128xf32, #tpu.memory_space<hbm>> -> memref<632x128xf32, #tpu.memory_space<hbm>>
      tpu.enqueue_dma source(%dma_start3A_16 : memref<632x128xf32, #tpu.memory_space<hbm>>) target(%dma_start3A_14 : memref<632x128xf32, #tpu.memory_space<vmem_shared>>) target_semaphore(%run_scoped3A : memref<!tpu.dma_semaphore, #tpu.memory_space<semaphore_mem>>)
      %dma_wait3A = arith.constant 0 : i32
      %dma_wait3A_17 = tpu.memref_slice %arg6[%mul3A_0, %dma_wait3A] : memref<10112x128xf32, #tpu.memory_space<vmem_shared>> -> memref<632x128xf32, #tpu.memory_space<vmem_shared>>
      %dma_wait3A_18 = arith.constant 0 : i32
      %dma_wait3A_19 = tpu.memref_slice %arg3[%mul3A_0, %dma_wait3A_18] : memref<10112x128xf32, #tpu.memory_space<hbm>> -> memref<632x128xf32, #tpu.memory_space<hbm>>
      tpu.wait_dma2 semaphore(%run_scoped3A : memref<!tpu.dma_semaphore, #tpu.memory_space<semaphore_mem>>) src(%dma_wait3A_19 : memref<632x128xf32, #tpu.memory_space<hbm>>) dst(%dma_wait3A_17 : memref<632x128xf32, #tpu.memory_space<vmem_shared>>)
      tpu.yield
    }) : () -> ()
    "tpu.region"() ({
      %run_scoped3A = tpu.sem_alloc : memref<!tpu.dma_semaphore, #tpu.memory_space<semaphore_mem>>
      tpu.enqueue_dma source(%arg4 : memref<128x128xf32, #tpu.memory_space<hbm>>) target(%arg8 : memref<128x128xf32, #tpu.memory_space<vmem>>) target_semaphore(%run_scoped3A : memref<!tpu.dma_semaphore, #tpu.memory_space<semaphore_mem>>)
      tpu.wait_dma2 semaphore(%run_scoped3A : memref<!tpu.dma_semaphore, #tpu.memory_space<semaphore_mem>>) src(%arg4 : memref<128x128xf32, #tpu.memory_space<hbm>>) dst(%arg8 : memref<128x128xf32, #tpu.memory_space<vmem>>)
      tpu.yield
    }) : () -> ()
    %barrier3A = arith.constant 0 : index
    tpu.barrier barrier_id(%barrier3A)
    %scan3A = arith.constant 0 : i32
    %scan3A_5 = arith.constant 0 : i32
    %scan3A_6 = arith.constant 80 : i32
    %scan3A_7 = arith.addi %scan3A_5, %scan3A_6 : i32
    %scan3A_8 = arith.constant 1 : i32
    scf.for %scan3A_14 = %scan3A_5 to %scan3A_7 step %scan3A_8  : i32 {
      "tpu.region"() ({
        %run_scoped3A = tpu.sem_alloc : memref<!tpu.dma_semaphore, #tpu.memory_space<semaphore_mem>>
        %dma_start3A = arith.constant 0 : i32
        %dma_start3A_15 = tpu.memref_slice %arg7[%scan3A_14, %dma_start3A] : memref<80x128xi32, #tpu.memory_space<vmem>> -> memref<1x128xi32, #tpu.memory_space<vmem>>
        %dma_start3A_16 = tpu.memref_squeeze %dma_start3A_15 : memref<1x128xi32, #tpu.memory_space<vmem>> -> memref<128xi32, #tpu.memory_space<vmem>>
        %dma_start3A_17 = arith.constant 0 : i32
        %dma_start3A_18 = arith.constant 0 : i32
        %dma_start3A_19 = tpu.memref_slice %arg6[%dma_start3A_17, %dma_start3A_18] : memref<10112x128xf32, #tpu.memory_space<vmem_shared>> -> memref<10112x128xf32, #tpu.memory_space<vmem_shared>>
        tpu.enqueue_indirect_dma source(%arg8 : memref<128x128xf32, #tpu.memory_space<vmem>>) target(%dma_start3A_19 : memref<10112x128xf32, #tpu.memory_space<vmem_shared>>) offsets(%dma_start3A_16 : memref<128xi32, #tpu.memory_space<vmem>>) semaphore(%run_scoped3A : memref<!tpu.dma_semaphore, #tpu.memory_space<semaphore_mem>>) {add = true}
        %dma_wait3A = arith.constant 0 : i32
        %dma_wait3A_20 = tpu.memref_slice %arg7[%scan3A_14, %dma_wait3A] : memref<80x128xi32, #tpu.memory_space<vmem>> -> memref<1x128xi32, #tpu.memory_space<vmem>>
        %dma_wait3A_21 = tpu.memref_squeeze %dma_wait3A_20 : memref<1x128xi32, #tpu.memory_space<vmem>> -> memref<128xi32, #tpu.memory_space<vmem>>
        %dma_wait3A_22 = arith.constant 0 : i32
        %dma_wait3A_23 = arith.constant 0 : i32
        %dma_wait3A_24 = tpu.memref_slice %arg6[%dma_wait3A_22, %dma_wait3A_23] : memref<10112x128xf32, #tpu.memory_space<vmem_shared>> -> memref<10112x128xf32, #tpu.memory_space<vmem_shared>>
        tpu.wait_indirect_dma semaphore(%run_scoped3A : memref<!tpu.dma_semaphore, #tpu.memory_space<semaphore_mem>>) src(%arg8 : memref<128x128xf32, #tpu.memory_space<vmem>>) dst(%dma_wait3A_24 : memref<10112x128xf32, #tpu.memory_space<vmem_shared>>)
        tpu.yield
      }) : () -> ()
    }
    %scan3A_9 = arith.constant 80 : i32
    %barrier3A_10 = arith.constant 0 : index
    tpu.barrier barrier_id(%barrier3A_10)
    %mul3A_11 = arith.constant 10112 : i32
    %mul3A_12 = arith.muli %arg0, %mul3A_11 : i32
    %add3A_13 = arith.addi %mul3A_12, %mul3A_0 : i32
    "tpu.region"() ({
      %run_scoped3A = tpu.sem_alloc : memref<!tpu.dma_semaphore, #tpu.memory_space<semaphore_mem>>
      %dma_start3A = arith.constant 0 : i32
      %dma_start3A_14 = tpu.memref_slice %arg5[%add3A_13, %dma_start3A] : memref<20224x128xf32, #tpu.memory_space<hbm>> -> memref<632x128xf32, #tpu.memory_space<hbm>>
      %dma_start3A_15 = arith.constant 0 : i32
      %dma_start3A_16 = tpu.memref_slice %arg6[%mul3A_0, %dma_start3A_15] : memref<10112x128xf32, #tpu.memory_space<vmem_shared>> -> memref<632x128xf32, #tpu.memory_space<vmem_shared>>
      tpu.enqueue_dma source(%dma_start3A_16 : memref<632x128xf32, #tpu.memory_space<vmem_shared>>) target(%dma_start3A_14 : memref<632x128xf32, #tpu.memory_space<hbm>>) target_semaphore(%run_scoped3A : memref<!tpu.dma_semaphore, #tpu.memory_space<semaphore_mem>>)
      %dma_wait3A = arith.constant 0 : i32
      %dma_wait3A_17 = tpu.memref_slice %arg5[%add3A_13, %dma_wait3A] : memref<20224x128xf32, #tpu.memory_space<hbm>> -> memref<632x128xf32, #tpu.memory_space<hbm>>
      %dma_wait3A_18 = arith.constant 0 : i32
      %dma_wait3A_19 = tpu.memref_slice %arg6[%mul3A_0, %dma_wait3A_18] : memref<10112x128xf32, #tpu.memory_space<vmem_shared>> -> memref<632x128xf32, #tpu.memory_space<vmem_shared>>
      tpu.wait_dma2 semaphore(%run_scoped3A : memref<!tpu.dma_semaphore, #tpu.memory_space<semaphore_mem>>) src(%dma_wait3A_19 : memref<632x128xf32, #tpu.memory_space<vmem_shared>>) dst(%dma_wait3A_17 : memref<632x128xf32, #tpu.memory_space<hbm>>)
      tpu.yield
    }) : () -> ()
    return
  }
}

#map = affine_map<(d0, d1) -> (0, 0)>
module attributes {stable_mosaic.version = 14 : i64} {
  func.func @_agg_body(%arg0: i32, %arg1: i32, %arg2: memref<10000x128xf32, #tpu.memory_space<hbm>>, %arg3: memref<2560x128xi32, #tpu.memory_space<hbm>>, %arg4: memref<2560x128xi32, #tpu.memory_space<hbm>>, %arg5: memref<10112x128xf32, #tpu.memory_space<hbm>>, %arg6: memref<20224x128xf32, #tpu.memory_space<hbm>>, %arg7: memref<10112x128xf32, #tpu.memory_space<vmem_shared>>, %arg8: memref<16x128xi32, #tpu.memory_space<vmem>>, %arg9: memref<16x128xi32, #tpu.memory_space<vmem>>, %arg10: memref<128x128xf32, #tpu.memory_space<vmem>>, %arg11: memref<128x128xf32, #tpu.memory_space<vmem>>, %arg12: memref<!tpu.dma_semaphore, #tpu.memory_space<semaphore_mem>>, %arg13: memref<!tpu.dma_semaphore, #tpu.memory_space<semaphore_mem>>) attributes {dimension_semantics = [#tpu.dimension_semantics<core_parallel>, #tpu.dimension_semantics<subcore_parallel>], iteration_bounds = array<i64: 2, 16>, scalar_prefetch = 0 : i64, scratch_operands = 7 : i64, tpu.core_type = #tpu.core_type<sc_vector_subcore>, window_params = [{transform_indices = #map}, {transform_indices = #map}, {transform_indices = #map}, {transform_indices = #map}, {transform_indices = #map}]} {
    %mul3A = arith.constant 632 : i32
    %mul3A_0 = arith.muli %arg1, %mul3A : i32
    "tpu.region"() ({
      %run_scoped3A = tpu.sem_alloc : memref<!tpu.dma_semaphore, #tpu.memory_space<semaphore_mem>>
      %dma_start3A = arith.constant 0 : i32
      %dma_start3A_24 = tpu.memref_slice %arg7[%mul3A_0, %dma_start3A] : memref<10112x128xf32, #tpu.memory_space<vmem_shared>> -> memref<632x128xf32, #tpu.memory_space<vmem_shared>>
      %dma_start3A_25 = arith.constant 0 : i32
      %dma_start3A_26 = tpu.memref_slice %arg5[%mul3A_0, %dma_start3A_25] : memref<10112x128xf32, #tpu.memory_space<hbm>> -> memref<632x128xf32, #tpu.memory_space<hbm>>
      tpu.enqueue_dma source(%dma_start3A_26 : memref<632x128xf32, #tpu.memory_space<hbm>>) target(%dma_start3A_24 : memref<632x128xf32, #tpu.memory_space<vmem_shared>>) target_semaphore(%run_scoped3A : memref<!tpu.dma_semaphore, #tpu.memory_space<semaphore_mem>>)
      %dma_wait3A = arith.constant 0 : i32
      %dma_wait3A_27 = tpu.memref_slice %arg7[%mul3A_0, %dma_wait3A] : memref<10112x128xf32, #tpu.memory_space<vmem_shared>> -> memref<632x128xf32, #tpu.memory_space<vmem_shared>>
      %dma_wait3A_28 = arith.constant 0 : i32
      %dma_wait3A_29 = tpu.memref_slice %arg5[%mul3A_0, %dma_wait3A_28] : memref<10112x128xf32, #tpu.memory_space<hbm>> -> memref<632x128xf32, #tpu.memory_space<hbm>>
      tpu.wait_dma2 semaphore(%run_scoped3A : memref<!tpu.dma_semaphore, #tpu.memory_space<semaphore_mem>>) src(%dma_wait3A_29 : memref<632x128xf32, #tpu.memory_space<hbm>>) dst(%dma_wait3A_27 : memref<632x128xf32, #tpu.memory_space<vmem_shared>>)
      tpu.yield
    }) : () -> ()
    %barrier3A = arith.constant 0 : index
    tpu.barrier barrier_id(%barrier3A)
    %eq3A = arith.constant 0 : i32
    %eq3A_1 = arith.cmpi eq, %arg0, %eq3A : i32
    %mul3A_2 = arith.constant 80 : i32
    %mul3A_3 = arith.muli %arg1, %mul3A_2 : i32
    %mul3A_4 = arith.constant 80 : i32
    %mul3A_5 = arith.muli %arg1, %mul3A_4 : i32
    %add3A = arith.constant 1280 : i32
    %add3A_6 = arith.addi %add3A, %mul3A_5 : i32
    %select_n3A = arith.select %eq3A_1, %mul3A_3, %add3A_6 : i32
    %eq3A_7 = arith.constant 0 : i32
    %eq3A_8 = arith.cmpi eq, %arg0, %eq3A_7 : i32
    %jit3A = arith.constant 5 : i32
    %jit3A_9 = arith.constant 5 : i32
    %select_n3A_10 = arith.select %eq3A_8, %jit3A, %jit3A_9 : i32
    %while3A = arith.constant 0 : i32
    %while3A_11 = arith.constant 0 : i32
    %while3A_12 = arith.subi %select_n3A_10, %while3A_11 : i32
    %while3A_13 = arith.addi %while3A_11, %while3A_12 : i32
    %while3A_14 = arith.constant 1 : i32
    %while3A_15 = arith.divsi %while3A_12, %while3A_14 : i32
    %while3A_16 = arith.muli %while3A_15, %while3A_14 : i32
    %while3A_17 = arith.addi %while3A_11, %while3A_16 : i32
    %while3A_18 = arith.constant 1 : i32
    scf.for %while3A_24 = %while3A_11 to %while3A_17 step %while3A_18  : i32 {
      %mul3A_25 = arith.constant 16 : i32
      %mul3A_26 = arith.muli %while3A_24, %mul3A_25 : i32
      %add3A_27 = arith.addi %select_n3A, %mul3A_26 : i32
      "tpu.region"() ({
        %run_scoped3A = tpu.sem_alloc : memref<!tpu.dma_semaphore, #tpu.memory_space<semaphore_mem>>
        %dma_start3A_42 = arith.constant 0 : i32
        %dma_start3A_43 = tpu.memref_slice %arg3[%add3A_27, %dma_start3A_42] : memref<2560x128xi32, #tpu.memory_space<hbm>> -> memref<16x128xi32, #tpu.memory_space<hbm>>
        %dma_start3A_44 = arith.constant 0 : i32
        %dma_start3A_45 = tpu.memref_slice %arg3[%add3A_27, %dma_start3A_44] : memref<2560x128xi32, #tpu.memory_space<hbm>> -> memref<16x128xi32, #tpu.memory_space<hbm>>
        tpu.enqueue_dma source(%dma_start3A_45 : memref<16x128xi32, #tpu.memory_space<hbm>>) target(%arg8 : memref<16x128xi32, #tpu.memory_space<vmem>>) target_semaphore(%run_scoped3A : memref<!tpu.dma_semaphore, #tpu.memory_space<semaphore_mem>>)
        %dma_wait3A = arith.constant 0 : i32
        %dma_wait3A_46 = tpu.memref_slice %arg3[%add3A_27, %dma_wait3A] : memref<2560x128xi32, #tpu.memory_space<hbm>> -> memref<16x128xi32, #tpu.memory_space<hbm>>
        %dma_wait3A_47 = arith.constant 0 : i32
        %dma_wait3A_48 = tpu.memref_slice %arg3[%add3A_27, %dma_wait3A_47] : memref<2560x128xi32, #tpu.memory_space<hbm>> -> memref<16x128xi32, #tpu.memory_space<hbm>>
        tpu.wait_dma2 semaphore(%run_scoped3A : memref<!tpu.dma_semaphore, #tpu.memory_space<semaphore_mem>>) src(%dma_wait3A_48 : memref<16x128xi32, #tpu.memory_space<hbm>>) dst(%arg8 : memref<16x128xi32, #tpu.memory_space<vmem>>)
        tpu.yield
      }) : () -> ()
      %mul3A_28 = arith.constant 16 : i32
      %mul3A_29 = arith.muli %while3A_24, %mul3A_28 : i32
      %add3A_30 = arith.addi %select_n3A, %mul3A_29 : i32
      "tpu.region"() ({
        %run_scoped3A = tpu.sem_alloc : memref<!tpu.dma_semaphore, #tpu.memory_space<semaphore_mem>>
        %dma_start3A_42 = arith.constant 0 : i32
        %dma_start3A_43 = tpu.memref_slice %arg4[%add3A_30, %dma_start3A_42] : memref<2560x128xi32, #tpu.memory_space<hbm>> -> memref<16x128xi32, #tpu.memory_space<hbm>>
        %dma_start3A_44 = arith.constant 0 : i32
        %dma_start3A_45 = tpu.memref_slice %arg4[%add3A_30, %dma_start3A_44] : memref<2560x128xi32, #tpu.memory_space<hbm>> -> memref<16x128xi32, #tpu.memory_space<hbm>>
        tpu.enqueue_dma source(%dma_start3A_45 : memref<16x128xi32, #tpu.memory_space<hbm>>) target(%arg9 : memref<16x128xi32, #tpu.memory_space<vmem>>) target_semaphore(%run_scoped3A : memref<!tpu.dma_semaphore, #tpu.memory_space<semaphore_mem>>)
        %dma_wait3A = arith.constant 0 : i32
        %dma_wait3A_46 = tpu.memref_slice %arg4[%add3A_30, %dma_wait3A] : memref<2560x128xi32, #tpu.memory_space<hbm>> -> memref<16x128xi32, #tpu.memory_space<hbm>>
        %dma_wait3A_47 = arith.constant 0 : i32
        %dma_wait3A_48 = tpu.memref_slice %arg4[%add3A_30, %dma_wait3A_47] : memref<2560x128xi32, #tpu.memory_space<hbm>> -> memref<16x128xi32, #tpu.memory_space<hbm>>
        tpu.wait_dma2 semaphore(%run_scoped3A : memref<!tpu.dma_semaphore, #tpu.memory_space<semaphore_mem>>) src(%dma_wait3A_48 : memref<16x128xi32, #tpu.memory_space<hbm>>) dst(%arg9 : memref<16x128xi32, #tpu.memory_space<vmem>>)
        tpu.yield
      }) : () -> ()
      %dma_start3A = arith.constant 0 : i32
      %dma_start3A_31 = arith.constant 0 : i32
      %dma_start3A_32 = tpu.memref_slice %arg8[%dma_start3A, %dma_start3A_31] : memref<16x128xi32, #tpu.memory_space<vmem>> -> memref<1x128xi32, #tpu.memory_space<vmem>>
      %dma_start3A_33 = tpu.memref_squeeze %dma_start3A_32 : memref<1x128xi32, #tpu.memory_space<vmem>> -> memref<128xi32, #tpu.memory_space<vmem>>
      %dma_start3A_34 = arith.constant 0 : i32
      %dma_start3A_35 = arith.constant 0 : i32
      %dma_start3A_36 = tpu.memref_slice %arg2[%dma_start3A_34, %dma_start3A_35] : memref<10000x128xf32, #tpu.memory_space<hbm>> -> memref<10000x128xf32, #tpu.memory_space<hbm>>
      tpu.enqueue_indirect_dma source(%dma_start3A_36 : memref<10000x128xf32, #tpu.memory_space<hbm>>) target(%arg10 : memref<128x128xf32, #tpu.memory_space<vmem>>) offsets(%dma_start3A_33 : memref<128xi32, #tpu.memory_space<vmem>>) semaphore(%arg12 : memref<!tpu.dma_semaphore, #tpu.memory_space<semaphore_mem>>)
      %scan3A = arith.constant 0 : i32
      %scan3A_37 = arith.constant 0 : i32
      %scan3A_38 = arith.constant 8 : i32
      %scan3A_39 = arith.addi %scan3A_37, %scan3A_38 : i32
      %scan3A_40 = arith.constant 1 : i32
      scf.for %scan3A_42 = %scan3A_37 to %scan3A_39 step %scan3A_40  : i32 {
        %mul3A_43 = arith.constant 2 : i32
        %mul3A_44 = arith.muli %mul3A_43, %scan3A_42 : i32
        %add3A_45 = arith.constant 1 : i32
        %add3A_46 = arith.addi %mul3A_44, %add3A_45 : i32
        %dma_start3A_47 = arith.constant 0 : i32
        %dma_start3A_48 = tpu.memref_slice %arg8[%add3A_46, %dma_start3A_47] : memref<16x128xi32, #tpu.memory_space<vmem>> -> memref<1x128xi32, #tpu.memory_space<vmem>>
        %dma_start3A_49 = tpu.memref_squeeze %dma_start3A_48 : memref<1x128xi32, #tpu.memory_space<vmem>> -> memref<128xi32, #tpu.memory_space<vmem>>
        %dma_start3A_50 = arith.constant 0 : i32
        %dma_start3A_51 = arith.constant 0 : i32
        %dma_start3A_52 = tpu.memref_slice %arg2[%dma_start3A_50, %dma_start3A_51] : memref<10000x128xf32, #tpu.memory_space<hbm>> -> memref<10000x128xf32, #tpu.memory_space<hbm>>
        tpu.enqueue_indirect_dma source(%dma_start3A_52 : memref<10000x128xf32, #tpu.memory_space<hbm>>) target(%arg11 : memref<128x128xf32, #tpu.memory_space<vmem>>) offsets(%dma_start3A_49 : memref<128xi32, #tpu.memory_space<vmem>>) semaphore(%arg13 : memref<!tpu.dma_semaphore, #tpu.memory_space<semaphore_mem>>)
        %dma_wait3A = arith.constant 0 : i32
        %dma_wait3A_53 = tpu.memref_slice %arg8[%mul3A_44, %dma_wait3A] : memref<16x128xi32, #tpu.memory_space<vmem>> -> memref<1x128xi32, #tpu.memory_space<vmem>>
        %dma_wait3A_54 = tpu.memref_squeeze %dma_wait3A_53 : memref<1x128xi32, #tpu.memory_space<vmem>> -> memref<128xi32, #tpu.memory_space<vmem>>
        %dma_wait3A_55 = arith.constant 0 : i32
        %dma_wait3A_56 = arith.constant 0 : i32
        %dma_wait3A_57 = tpu.memref_slice %arg2[%dma_wait3A_55, %dma_wait3A_56] : memref<10000x128xf32, #tpu.memory_space<hbm>> -> memref<10000x128xf32, #tpu.memory_space<hbm>>
        tpu.wait_indirect_dma semaphore(%arg12 : memref<!tpu.dma_semaphore, #tpu.memory_space<semaphore_mem>>) src(%dma_wait3A_57 : memref<10000x128xf32, #tpu.memory_space<hbm>>) dst(%arg10 : memref<128x128xf32, #tpu.memory_space<vmem>>)
        "tpu.region"() ({
          %run_scoped3A = tpu.sem_alloc : memref<!tpu.dma_semaphore, #tpu.memory_space<semaphore_mem>>
          %dma_start3A_66 = arith.constant 0 : i32
          %dma_start3A_67 = tpu.memref_slice %arg9[%mul3A_44, %dma_start3A_66] : memref<16x128xi32, #tpu.memory_space<vmem>> -> memref<1x128xi32, #tpu.memory_space<vmem>>
          %dma_start3A_68 = tpu.memref_squeeze %dma_start3A_67 : memref<1x128xi32, #tpu.memory_space<vmem>> -> memref<128xi32, #tpu.memory_space<vmem>>
          %dma_start3A_69 = arith.constant 0 : i32
          %dma_start3A_70 = arith.constant 0 : i32
          %dma_start3A_71 = tpu.memref_slice %arg7[%dma_start3A_69, %dma_start3A_70] : memref<10112x128xf32, #tpu.memory_space<vmem_shared>> -> memref<10112x128xf32, #tpu.memory_space<vmem_shared>>
          tpu.enqueue_indirect_dma source(%arg10 : memref<128x128xf32, #tpu.memory_space<vmem>>) target(%dma_start3A_71 : memref<10112x128xf32, #tpu.memory_space<vmem_shared>>) offsets(%dma_start3A_68 : memref<128xi32, #tpu.memory_space<vmem>>) semaphore(%run_scoped3A : memref<!tpu.dma_semaphore, #tpu.memory_space<semaphore_mem>>) {add = true}
          %dma_wait3A_72 = arith.constant 0 : i32
          %dma_wait3A_73 = tpu.memref_slice %arg9[%mul3A_44, %dma_wait3A_72] : memref<16x128xi32, #tpu.memory_space<vmem>> -> memref<1x128xi32, #tpu.memory_space<vmem>>
          %dma_wait3A_74 = tpu.memref_squeeze %dma_wait3A_73 : memref<1x128xi32, #tpu.memory_space<vmem>> -> memref<128xi32, #tpu.memory_space<vmem>>
          %dma_wait3A_75 = arith.constant 0 : i32
          %dma_wait3A_76 = arith.constant 0 : i32
          %dma_wait3A_77 = tpu.memref_slice %arg7[%dma_wait3A_75, %dma_wait3A_76] : memref<10112x128xf32, #tpu.memory_space<vmem_shared>> -> memref<10112x128xf32, #tpu.memory_space<vmem_shared>>
          tpu.wait_indirect_dma semaphore(%run_scoped3A : memref<!tpu.dma_semaphore, #tpu.memory_space<semaphore_mem>>) src(%arg10 : memref<128x128xf32, #tpu.memory_space<vmem>>) dst(%dma_wait3A_77 : memref<10112x128xf32, #tpu.memory_space<vmem_shared>>)
          tpu.yield
        }) : () -> ()
        %lt3A = arith.constant 7 : i32
        %lt3A_58 = arith.cmpi slt, %scan3A_42, %lt3A : i32
        %convert_element_type3A = arith.extui %lt3A_58 : i1 to i32
        %cond3A = arith.constant 0 : i32
        %cond3A_59 = arith.cmpi ne, %convert_element_type3A, %cond3A : i32
        scf.if %cond3A_59 {
          %add3A_66 = arith.constant 2 : i32
          %add3A_67 = arith.addi %mul3A_44, %add3A_66 : i32
          %dma_start3A_68 = arith.constant 0 : i32
          %dma_start3A_69 = tpu.memref_slice %arg8[%add3A_67, %dma_start3A_68] : memref<16x128xi32, #tpu.memory_space<vmem>> -> memref<1x128xi32, #tpu.memory_space<vmem>>
          %dma_start3A_70 = tpu.memref_squeeze %dma_start3A_69 : memref<1x128xi32, #tpu.memory_space<vmem>> -> memref<128xi32, #tpu.memory_space<vmem>>
          %dma_start3A_71 = arith.constant 0 : i32
          %dma_start3A_72 = arith.constant 0 : i32
          %dma_start3A_73 = tpu.memref_slice %arg2[%dma_start3A_71, %dma_start3A_72] : memref<10000x128xf32, #tpu.memory_space<hbm>> -> memref<10000x128xf32, #tpu.memory_space<hbm>>
          tpu.enqueue_indirect_dma source(%dma_start3A_73 : memref<10000x128xf32, #tpu.memory_space<hbm>>) target(%arg10 : memref<128x128xf32, #tpu.memory_space<vmem>>) offsets(%dma_start3A_70 : memref<128xi32, #tpu.memory_space<vmem>>) semaphore(%arg12 : memref<!tpu.dma_semaphore, #tpu.memory_space<semaphore_mem>>)
        } else {
        }
        %dma_wait3A_60 = arith.constant 0 : i32
        %dma_wait3A_61 = tpu.memref_slice %arg8[%add3A_46, %dma_wait3A_60] : memref<16x128xi32, #tpu.memory_space<vmem>> -> memref<1x128xi32, #tpu.memory_space<vmem>>
        %dma_wait3A_62 = tpu.memref_squeeze %dma_wait3A_61 : memref<1x128xi32, #tpu.memory_space<vmem>> -> memref<128xi32, #tpu.memory_space<vmem>>
        %dma_wait3A_63 = arith.constant 0 : i32
        %dma_wait3A_64 = arith.constant 0 : i32
        %dma_wait3A_65 = tpu.memref_slice %arg2[%dma_wait3A_63, %dma_wait3A_64] : memref<10000x128xf32, #tpu.memory_space<hbm>> -> memref<10000x128xf32, #tpu.memory_space<hbm>>
        tpu.wait_indirect_dma semaphore(%arg13 : memref<!tpu.dma_semaphore, #tpu.memory_space<semaphore_mem>>) src(%dma_wait3A_65 : memref<10000x128xf32, #tpu.memory_space<hbm>>) dst(%arg11 : memref<128x128xf32, #tpu.memory_space<vmem>>)
        "tpu.region"() ({
          %run_scoped3A = tpu.sem_alloc : memref<!tpu.dma_semaphore, #tpu.memory_space<semaphore_mem>>
          %dma_start3A_66 = arith.constant 0 : i32
          %dma_start3A_67 = tpu.memref_slice %arg9[%add3A_46, %dma_start3A_66] : memref<16x128xi32, #tpu.memory_space<vmem>> -> memref<1x128xi32, #tpu.memory_space<vmem>>
          %dma_start3A_68 = tpu.memref_squeeze %dma_start3A_67 : memref<1x128xi32, #tpu.memory_space<vmem>> -> memref<128xi32, #tpu.memory_space<vmem>>
          %dma_start3A_69 = arith.constant 0 : i32
          %dma_start3A_70 = arith.constant 0 : i32
          %dma_start3A_71 = tpu.memref_slice %arg7[%dma_start3A_69, %dma_start3A_70] : memref<10112x128xf32, #tpu.memory_space<vmem_shared>> -> memref<10112x128xf32, #tpu.memory_space<vmem_shared>>
          tpu.enqueue_indirect_dma source(%arg11 : memref<128x128xf32, #tpu.memory_space<vmem>>) target(%dma_start3A_71 : memref<10112x128xf32, #tpu.memory_space<vmem_shared>>) offsets(%dma_start3A_68 : memref<128xi32, #tpu.memory_space<vmem>>) semaphore(%run_scoped3A : memref<!tpu.dma_semaphore, #tpu.memory_space<semaphore_mem>>) {add = true}
          %dma_wait3A_72 = arith.constant 0 : i32
          %dma_wait3A_73 = tpu.memref_slice %arg9[%add3A_46, %dma_wait3A_72] : memref<16x128xi32, #tpu.memory_space<vmem>> -> memref<1x128xi32, #tpu.memory_space<vmem>>
          %dma_wait3A_74 = tpu.memref_squeeze %dma_wait3A_73 : memref<1x128xi32, #tpu.memory_space<vmem>> -> memref<128xi32, #tpu.memory_space<vmem>>
          %dma_wait3A_75 = arith.constant 0 : i32
          %dma_wait3A_76 = arith.constant 0 : i32
          %dma_wait3A_77 = tpu.memref_slice %arg7[%dma_wait3A_75, %dma_wait3A_76] : memref<10112x128xf32, #tpu.memory_space<vmem_shared>> -> memref<10112x128xf32, #tpu.memory_space<vmem_shared>>
          tpu.wait_indirect_dma semaphore(%run_scoped3A : memref<!tpu.dma_semaphore, #tpu.memory_space<semaphore_mem>>) src(%arg11 : memref<128x128xf32, #tpu.memory_space<vmem>>) dst(%dma_wait3A_77 : memref<10112x128xf32, #tpu.memory_space<vmem_shared>>)
          tpu.yield
        }) : () -> ()
      }
      %scan3A_41 = arith.constant 8 : i32
    }
    %while3A_19 = arith.constant 1 : i32
    scf.for %while3A_24 = %while3A_17 to %while3A_13 step %while3A_19  : i32 {
      %mul3A_25 = arith.constant 16 : i32
      %mul3A_26 = arith.muli %while3A_24, %mul3A_25 : i32
      %add3A_27 = arith.addi %select_n3A, %mul3A_26 : i32
      "tpu.region"() ({
        %run_scoped3A = tpu.sem_alloc : memref<!tpu.dma_semaphore, #tpu.memory_space<semaphore_mem>>
        %dma_start3A_42 = arith.constant 0 : i32
        %dma_start3A_43 = tpu.memref_slice %arg3[%add3A_27, %dma_start3A_42] : memref<2560x128xi32, #tpu.memory_space<hbm>> -> memref<16x128xi32, #tpu.memory_space<hbm>>
        %dma_start3A_44 = arith.constant 0 : i32
        %dma_start3A_45 = tpu.memref_slice %arg3[%add3A_27, %dma_start3A_44] : memref<2560x128xi32, #tpu.memory_space<hbm>> -> memref<16x128xi32, #tpu.memory_space<hbm>>
        tpu.enqueue_dma source(%dma_start3A_45 : memref<16x128xi32, #tpu.memory_space<hbm>>) target(%arg8 : memref<16x128xi32, #tpu.memory_space<vmem>>) target_semaphore(%run_scoped3A : memref<!tpu.dma_semaphore, #tpu.memory_space<semaphore_mem>>)
        %dma_wait3A = arith.constant 0 : i32
        %dma_wait3A_46 = tpu.memref_slice %arg3[%add3A_27, %dma_wait3A] : memref<2560x128xi32, #tpu.memory_space<hbm>> -> memref<16x128xi32, #tpu.memory_space<hbm>>
        %dma_wait3A_47 = arith.constant 0 : i32
        %dma_wait3A_48 = tpu.memref_slice %arg3[%add3A_27, %dma_wait3A_47] : memref<2560x128xi32, #tpu.memory_space<hbm>> -> memref<16x128xi32, #tpu.memory_space<hbm>>
        tpu.wait_dma2 semaphore(%run_scoped3A : memref<!tpu.dma_semaphore, #tpu.memory_space<semaphore_mem>>) src(%dma_wait3A_48 : memref<16x128xi32, #tpu.memory_space<hbm>>) dst(%arg8 : memref<16x128xi32, #tpu.memory_space<vmem>>)
        tpu.yield
      }) : () -> ()
      %mul3A_28 = arith.constant 16 : i32
      %mul3A_29 = arith.muli %while3A_24, %mul3A_28 : i32
      %add3A_30 = arith.addi %select_n3A, %mul3A_29 : i32
      "tpu.region"() ({
        %run_scoped3A = tpu.sem_alloc : memref<!tpu.dma_semaphore, #tpu.memory_space<semaphore_mem>>
        %dma_start3A_42 = arith.constant 0 : i32
        %dma_start3A_43 = tpu.memref_slice %arg4[%add3A_30, %dma_start3A_42] : memref<2560x128xi32, #tpu.memory_space<hbm>> -> memref<16x128xi32, #tpu.memory_space<hbm>>
        %dma_start3A_44 = arith.constant 0 : i32
        %dma_start3A_45 = tpu.memref_slice %arg4[%add3A_30, %dma_start3A_44] : memref<2560x128xi32, #tpu.memory_space<hbm>> -> memref<16x128xi32, #tpu.memory_space<hbm>>
        tpu.enqueue_dma source(%dma_start3A_45 : memref<16x128xi32, #tpu.memory_space<hbm>>) target(%arg9 : memref<16x128xi32, #tpu.memory_space<vmem>>) target_semaphore(%run_scoped3A : memref<!tpu.dma_semaphore, #tpu.memory_space<semaphore_mem>>)
        %dma_wait3A = arith.constant 0 : i32
        %dma_wait3A_46 = tpu.memref_slice %arg4[%add3A_30, %dma_wait3A] : memref<2560x128xi32, #tpu.memory_space<hbm>> -> memref<16x128xi32, #tpu.memory_space<hbm>>
        %dma_wait3A_47 = arith.constant 0 : i32
        %dma_wait3A_48 = tpu.memref_slice %arg4[%add3A_30, %dma_wait3A_47] : memref<2560x128xi32, #tpu.memory_space<hbm>> -> memref<16x128xi32, #tpu.memory_space<hbm>>
        tpu.wait_dma2 semaphore(%run_scoped3A : memref<!tpu.dma_semaphore, #tpu.memory_space<semaphore_mem>>) src(%dma_wait3A_48 : memref<16x128xi32, #tpu.memory_space<hbm>>) dst(%arg9 : memref<16x128xi32, #tpu.memory_space<vmem>>)
        tpu.yield
      }) : () -> ()
      %dma_start3A = arith.constant 0 : i32
      %dma_start3A_31 = arith.constant 0 : i32
      %dma_start3A_32 = tpu.memref_slice %arg8[%dma_start3A, %dma_start3A_31] : memref<16x128xi32, #tpu.memory_space<vmem>> -> memref<1x128xi32, #tpu.memory_space<vmem>>
      %dma_start3A_33 = tpu.memref_squeeze %dma_start3A_32 : memref<1x128xi32, #tpu.memory_space<vmem>> -> memref<128xi32, #tpu.memory_space<vmem>>
      %dma_start3A_34 = arith.constant 0 : i32
      %dma_start3A_35 = arith.constant 0 : i32
      %dma_start3A_36 = tpu.memref_slice %arg2[%dma_start3A_34, %dma_start3A_35] : memref<10000x128xf32, #tpu.memory_space<hbm>> -> memref<10000x128xf32, #tpu.memory_space<hbm>>
      tpu.enqueue_indirect_dma source(%dma_start3A_36 : memref<10000x128xf32, #tpu.memory_space<hbm>>) target(%arg10 : memref<128x128xf32, #tpu.memory_space<vmem>>) offsets(%dma_start3A_33 : memref<128xi32, #tpu.memory_space<vmem>>) semaphore(%arg12 : memref<!tpu.dma_semaphore, #tpu.memory_space<semaphore_mem>>)
      %scan3A = arith.constant 0 : i32
      %scan3A_37 = arith.constant 0 : i32
      %scan3A_38 = arith.constant 8 : i32
      %scan3A_39 = arith.addi %scan3A_37, %scan3A_38 : i32
      %scan3A_40 = arith.constant 1 : i32
      scf.for %scan3A_42 = %scan3A_37 to %scan3A_39 step %scan3A_40  : i32 {
        %mul3A_43 = arith.constant 2 : i32
        %mul3A_44 = arith.muli %mul3A_43, %scan3A_42 : i32
        %add3A_45 = arith.constant 1 : i32
        %add3A_46 = arith.addi %mul3A_44, %add3A_45 : i32
        %dma_start3A_47 = arith.constant 0 : i32
        %dma_start3A_48 = tpu.memref_slice %arg8[%add3A_46, %dma_start3A_47] : memref<16x128xi32, #tpu.memory_space<vmem>> -> memref<1x128xi32, #tpu.memory_space<vmem>>
        %dma_start3A_49 = tpu.memref_squeeze %dma_start3A_48 : memref<1x128xi32, #tpu.memory_space<vmem>> -> memref<128xi32, #tpu.memory_space<vmem>>
        %dma_start3A_50 = arith.constant 0 : i32
        %dma_start3A_51 = arith.constant 0 : i32
        %dma_start3A_52 = tpu.memref_slice %arg2[%dma_start3A_50, %dma_start3A_51] : memref<10000x128xf32, #tpu.memory_space<hbm>> -> memref<10000x128xf32, #tpu.memory_space<hbm>>
        tpu.enqueue_indirect_dma source(%dma_start3A_52 : memref<10000x128xf32, #tpu.memory_space<hbm>>) target(%arg11 : memref<128x128xf32, #tpu.memory_space<vmem>>) offsets(%dma_start3A_49 : memref<128xi32, #tpu.memory_space<vmem>>) semaphore(%arg13 : memref<!tpu.dma_semaphore, #tpu.memory_space<semaphore_mem>>)
        %dma_wait3A = arith.constant 0 : i32
        %dma_wait3A_53 = tpu.memref_slice %arg8[%mul3A_44, %dma_wait3A] : memref<16x128xi32, #tpu.memory_space<vmem>> -> memref<1x128xi32, #tpu.memory_space<vmem>>
        %dma_wait3A_54 = tpu.memref_squeeze %dma_wait3A_53 : memref<1x128xi32, #tpu.memory_space<vmem>> -> memref<128xi32, #tpu.memory_space<vmem>>
        %dma_wait3A_55 = arith.constant 0 : i32
        %dma_wait3A_56 = arith.constant 0 : i32
        %dma_wait3A_57 = tpu.memref_slice %arg2[%dma_wait3A_55, %dma_wait3A_56] : memref<10000x128xf32, #tpu.memory_space<hbm>> -> memref<10000x128xf32, #tpu.memory_space<hbm>>
        tpu.wait_indirect_dma semaphore(%arg12 : memref<!tpu.dma_semaphore, #tpu.memory_space<semaphore_mem>>) src(%dma_wait3A_57 : memref<10000x128xf32, #tpu.memory_space<hbm>>) dst(%arg10 : memref<128x128xf32, #tpu.memory_space<vmem>>)
        "tpu.region"() ({
          %run_scoped3A = tpu.sem_alloc : memref<!tpu.dma_semaphore, #tpu.memory_space<semaphore_mem>>
          %dma_start3A_66 = arith.constant 0 : i32
          %dma_start3A_67 = tpu.memref_slice %arg9[%mul3A_44, %dma_start3A_66] : memref<16x128xi32, #tpu.memory_space<vmem>> -> memref<1x128xi32, #tpu.memory_space<vmem>>
          %dma_start3A_68 = tpu.memref_squeeze %dma_start3A_67 : memref<1x128xi32, #tpu.memory_space<vmem>> -> memref<128xi32, #tpu.memory_space<vmem>>
          %dma_start3A_69 = arith.constant 0 : i32
          %dma_start3A_70 = arith.constant 0 : i32
          %dma_start3A_71 = tpu.memref_slice %arg7[%dma_start3A_69, %dma_start3A_70] : memref<10112x128xf32, #tpu.memory_space<vmem_shared>> -> memref<10112x128xf32, #tpu.memory_space<vmem_shared>>
          tpu.enqueue_indirect_dma source(%arg10 : memref<128x128xf32, #tpu.memory_space<vmem>>) target(%dma_start3A_71 : memref<10112x128xf32, #tpu.memory_space<vmem_shared>>) offsets(%dma_start3A_68 : memref<128xi32, #tpu.memory_space<vmem>>) semaphore(%run_scoped3A : memref<!tpu.dma_semaphore, #tpu.memory_space<semaphore_mem>>) {add = true}
          %dma_wait3A_72 = arith.constant 0 : i32
          %dma_wait3A_73 = tpu.memref_slice %arg9[%mul3A_44, %dma_wait3A_72] : memref<16x128xi32, #tpu.memory_space<vmem>> -> memref<1x128xi32, #tpu.memory_space<vmem>>
          %dma_wait3A_74 = tpu.memref_squeeze %dma_wait3A_73 : memref<1x128xi32, #tpu.memory_space<vmem>> -> memref<128xi32, #tpu.memory_space<vmem>>
          %dma_wait3A_75 = arith.constant 0 : i32
          %dma_wait3A_76 = arith.constant 0 : i32
          %dma_wait3A_77 = tpu.memref_slice %arg7[%dma_wait3A_75, %dma_wait3A_76] : memref<10112x128xf32, #tpu.memory_space<vmem_shared>> -> memref<10112x128xf32, #tpu.memory_space<vmem_shared>>
          tpu.wait_indirect_dma semaphore(%run_scoped3A : memref<!tpu.dma_semaphore, #tpu.memory_space<semaphore_mem>>) src(%arg10 : memref<128x128xf32, #tpu.memory_space<vmem>>) dst(%dma_wait3A_77 : memref<10112x128xf32, #tpu.memory_space<vmem_shared>>)
          tpu.yield
        }) : () -> ()
        %lt3A = arith.constant 7 : i32
        %lt3A_58 = arith.cmpi slt, %scan3A_42, %lt3A : i32
        %convert_element_type3A = arith.extui %lt3A_58 : i1 to i32
        %cond3A = arith.constant 0 : i32
        %cond3A_59 = arith.cmpi ne, %convert_element_type3A, %cond3A : i32
        scf.if %cond3A_59 {
          %add3A_66 = arith.constant 2 : i32
          %add3A_67 = arith.addi %mul3A_44, %add3A_66 : i32
          %dma_start3A_68 = arith.constant 0 : i32
          %dma_start3A_69 = tpu.memref_slice %arg8[%add3A_67, %dma_start3A_68] : memref<16x128xi32, #tpu.memory_space<vmem>> -> memref<1x128xi32, #tpu.memory_space<vmem>>
          %dma_start3A_70 = tpu.memref_squeeze %dma_start3A_69 : memref<1x128xi32, #tpu.memory_space<vmem>> -> memref<128xi32, #tpu.memory_space<vmem>>
          %dma_start3A_71 = arith.constant 0 : i32
          %dma_start3A_72 = arith.constant 0 : i32
          %dma_start3A_73 = tpu.memref_slice %arg2[%dma_start3A_71, %dma_start3A_72] : memref<10000x128xf32, #tpu.memory_space<hbm>> -> memref<10000x128xf32, #tpu.memory_space<hbm>>
          tpu.enqueue_indirect_dma source(%dma_start3A_73 : memref<10000x128xf32, #tpu.memory_space<hbm>>) target(%arg10 : memref<128x128xf32, #tpu.memory_space<vmem>>) offsets(%dma_start3A_70 : memref<128xi32, #tpu.memory_space<vmem>>) semaphore(%arg12 : memref<!tpu.dma_semaphore, #tpu.memory_space<semaphore_mem>>)
        } else {
        }
        %dma_wait3A_60 = arith.constant 0 : i32
        %dma_wait3A_61 = tpu.memref_slice %arg8[%add3A_46, %dma_wait3A_60] : memref<16x128xi32, #tpu.memory_space<vmem>> -> memref<1x128xi32, #tpu.memory_space<vmem>>
        %dma_wait3A_62 = tpu.memref_squeeze %dma_wait3A_61 : memref<1x128xi32, #tpu.memory_space<vmem>> -> memref<128xi32, #tpu.memory_space<vmem>>
        %dma_wait3A_63 = arith.constant 0 : i32
        %dma_wait3A_64 = arith.constant 0 : i32
        %dma_wait3A_65 = tpu.memref_slice %arg2[%dma_wait3A_63, %dma_wait3A_64] : memref<10000x128xf32, #tpu.memory_space<hbm>> -> memref<10000x128xf32, #tpu.memory_space<hbm>>
        tpu.wait_indirect_dma semaphore(%arg13 : memref<!tpu.dma_semaphore, #tpu.memory_space<semaphore_mem>>) src(%dma_wait3A_65 : memref<10000x128xf32, #tpu.memory_space<hbm>>) dst(%arg11 : memref<128x128xf32, #tpu.memory_space<vmem>>)
        "tpu.region"() ({
          %run_scoped3A = tpu.sem_alloc : memref<!tpu.dma_semaphore, #tpu.memory_space<semaphore_mem>>
          %dma_start3A_66 = arith.constant 0 : i32
          %dma_start3A_67 = tpu.memref_slice %arg9[%add3A_46, %dma_start3A_66] : memref<16x128xi32, #tpu.memory_space<vmem>> -> memref<1x128xi32, #tpu.memory_space<vmem>>
          %dma_start3A_68 = tpu.memref_squeeze %dma_start3A_67 : memref<1x128xi32, #tpu.memory_space<vmem>> -> memref<128xi32, #tpu.memory_space<vmem>>
          %dma_start3A_69 = arith.constant 0 : i32
          %dma_start3A_70 = arith.constant 0 : i32
          %dma_start3A_71 = tpu.memref_slice %arg7[%dma_start3A_69, %dma_start3A_70] : memref<10112x128xf32, #tpu.memory_space<vmem_shared>> -> memref<10112x128xf32, #tpu.memory_space<vmem_shared>>
          tpu.enqueue_indirect_dma source(%arg11 : memref<128x128xf32, #tpu.memory_space<vmem>>) target(%dma_start3A_71 : memref<10112x128xf32, #tpu.memory_space<vmem_shared>>) offsets(%dma_start3A_68 : memref<128xi32, #tpu.memory_space<vmem>>) semaphore(%run_scoped3A : memref<!tpu.dma_semaphore, #tpu.memory_space<semaphore_mem>>) {add = true}
          %dma_wait3A_72 = arith.constant 0 : i32
          %dma_wait3A_73 = tpu.memref_slice %arg9[%add3A_46, %dma_wait3A_72] : memref<16x128xi32, #tpu.memory_space<vmem>> -> memref<1x128xi32, #tpu.memory_space<vmem>>
          %dma_wait3A_74 = tpu.memref_squeeze %dma_wait3A_73 : memref<1x128xi32, #tpu.memory_space<vmem>> -> memref<128xi32, #tpu.memory_space<vmem>>
          %dma_wait3A_75 = arith.constant 0 : i32
          %dma_wait3A_76 = arith.constant 0 : i32
          %dma_wait3A_77 = tpu.memref_slice %arg7[%dma_wait3A_75, %dma_wait3A_76] : memref<10112x128xf32, #tpu.memory_space<vmem_shared>> -> memref<10112x128xf32, #tpu.memory_space<vmem_shared>>
          tpu.wait_indirect_dma semaphore(%run_scoped3A : memref<!tpu.dma_semaphore, #tpu.memory_space<semaphore_mem>>) src(%arg11 : memref<128x128xf32, #tpu.memory_space<vmem>>) dst(%dma_wait3A_77 : memref<10112x128xf32, #tpu.memory_space<vmem_shared>>)
          tpu.yield
        }) : () -> ()
      }
      %scan3A_41 = arith.constant 8 : i32
    }
    %barrier3A_20 = arith.constant 0 : index
    tpu.barrier barrier_id(%barrier3A_20)
    %mul3A_21 = arith.constant 10112 : i32
    %mul3A_22 = arith.muli %arg0, %mul3A_21 : i32
    %add3A_23 = arith.addi %mul3A_22, %mul3A_0 : i32
    "tpu.region"() ({
      %run_scoped3A = tpu.sem_alloc : memref<!tpu.dma_semaphore, #tpu.memory_space<semaphore_mem>>
      %dma_start3A = arith.constant 0 : i32
      %dma_start3A_24 = tpu.memref_slice %arg6[%add3A_23, %dma_start3A] : memref<20224x128xf32, #tpu.memory_space<hbm>> -> memref<632x128xf32, #tpu.memory_space<hbm>>
      %dma_start3A_25 = arith.constant 0 : i32
      %dma_start3A_26 = tpu.memref_slice %arg7[%mul3A_0, %dma_start3A_25] : memref<10112x128xf32, #tpu.memory_space<vmem_shared>> -> memref<632x128xf32, #tpu.memory_space<vmem_shared>>
      tpu.enqueue_dma source(%dma_start3A_26 : memref<632x128xf32, #tpu.memory_space<vmem_shared>>) target(%dma_start3A_24 : memref<632x128xf32, #tpu.memory_space<hbm>>) target_semaphore(%run_scoped3A : memref<!tpu.dma_semaphore, #tpu.memory_space<semaphore_mem>>)
      %dma_wait3A = arith.constant 0 : i32
      %dma_wait3A_27 = tpu.memref_slice %arg6[%add3A_23, %dma_wait3A] : memref<20224x128xf32, #tpu.memory_space<hbm>> -> memref<632x128xf32, #tpu.memory_space<hbm>>
      %dma_wait3A_28 = arith.constant 0 : i32
      %dma_wait3A_29 = tpu.memref_slice %arg7[%mul3A_0, %dma_wait3A_28] : memref<10112x128xf32, #tpu.memory_space<vmem_shared>> -> memref<632x128xf32, #tpu.memory_space<vmem_shared>>
      tpu.wait_dma2 semaphore(%run_scoped3A : memref<!tpu.dma_semaphore, #tpu.memory_space<semaphore_mem>>) src(%dma_wait3A_29 : memref<632x128xf32, #tpu.memory_space<vmem_shared>>) dst(%dma_wait3A_27 : memref<632x128xf32, #tpu.memory_space<hbm>>)
      tpu.yield
    }) : () -> ()
    return
  }
}

#map = affine_map<(d0, d1) -> (0, 0)>
module attributes {stable_mosaic.version = 14 : i64} {
  func.func @_agg_body(%arg0: i32, %arg1: i32, %arg2: memref<10000x128xf32, #tpu.memory_space<hbm>>, %arg3: memref<2560x128xi32, #tpu.memory_space<hbm>>, %arg4: memref<2560x128xi32, #tpu.memory_space<hbm>>, %arg5: memref<10112x128xf32, #tpu.memory_space<hbm>>, %arg6: memref<20224x128xf32, #tpu.memory_space<hbm>>, %arg7: memref<10112x128xf32, #tpu.memory_space<vmem_shared>>, %arg8: memref<16x128xi32, #tpu.memory_space<vmem>>, %arg9: memref<16x128xi32, #tpu.memory_space<vmem>>, %arg10: memref<128x128xf32, #tpu.memory_space<vmem>>, %arg11: memref<128x128xf32, #tpu.memory_space<vmem>>, %arg12: memref<!tpu.dma_semaphore, #tpu.memory_space<semaphore_mem>>, %arg13: memref<!tpu.dma_semaphore, #tpu.memory_space<semaphore_mem>>) attributes {dimension_semantics = [#tpu.dimension_semantics<core_parallel>, #tpu.dimension_semantics<subcore_parallel>], iteration_bounds = array<i64: 2, 16>, scalar_prefetch = 0 : i64, scratch_operands = 7 : i64, tpu.core_type = #tpu.core_type<sc_vector_subcore>, window_params = [{transform_indices = #map}, {transform_indices = #map}, {transform_indices = #map}, {transform_indices = #map}, {transform_indices = #map}]} {
    %mul3A = arith.constant 632 : i32
    %mul3A_0 = arith.muli %arg1, %mul3A : i32
    "tpu.region"() ({
      %run_scoped3A = tpu.sem_alloc : memref<!tpu.dma_semaphore, #tpu.memory_space<semaphore_mem>>
      %dma_start3A = arith.constant 0 : i32
      %dma_start3A_24 = tpu.memref_slice %arg7[%mul3A_0, %dma_start3A] : memref<10112x128xf32, #tpu.memory_space<vmem_shared>> -> memref<632x128xf32, #tpu.memory_space<vmem_shared>>
      %dma_start3A_25 = arith.constant 0 : i32
      %dma_start3A_26 = tpu.memref_slice %arg5[%mul3A_0, %dma_start3A_25] : memref<10112x128xf32, #tpu.memory_space<hbm>> -> memref<632x128xf32, #tpu.memory_space<hbm>>
      tpu.enqueue_dma source(%dma_start3A_26 : memref<632x128xf32, #tpu.memory_space<hbm>>) target(%dma_start3A_24 : memref<632x128xf32, #tpu.memory_space<vmem_shared>>) target_semaphore(%run_scoped3A : memref<!tpu.dma_semaphore, #tpu.memory_space<semaphore_mem>>)
      %dma_wait3A = arith.constant 0 : i32
      %dma_wait3A_27 = tpu.memref_slice %arg7[%mul3A_0, %dma_wait3A] : memref<10112x128xf32, #tpu.memory_space<vmem_shared>> -> memref<632x128xf32, #tpu.memory_space<vmem_shared>>
      %dma_wait3A_28 = arith.constant 0 : i32
      %dma_wait3A_29 = tpu.memref_slice %arg5[%mul3A_0, %dma_wait3A_28] : memref<10112x128xf32, #tpu.memory_space<hbm>> -> memref<632x128xf32, #tpu.memory_space<hbm>>
      tpu.wait_dma2 semaphore(%run_scoped3A : memref<!tpu.dma_semaphore, #tpu.memory_space<semaphore_mem>>) src(%dma_wait3A_29 : memref<632x128xf32, #tpu.memory_space<hbm>>) dst(%dma_wait3A_27 : memref<632x128xf32, #tpu.memory_space<vmem_shared>>)
      tpu.yield
    }) : () -> ()
    %barrier3A = arith.constant 0 : index
    tpu.barrier barrier_id(%barrier3A)
    %eq3A = arith.constant 0 : i32
    %eq3A_1 = arith.cmpi eq, %arg0, %eq3A : i32
    %mul3A_2 = arith.constant 80 : i32
    %mul3A_3 = arith.muli %arg1, %mul3A_2 : i32
    %mul3A_4 = arith.constant 80 : i32
    %mul3A_5 = arith.muli %arg1, %mul3A_4 : i32
    %add3A = arith.constant 1280 : i32
    %add3A_6 = arith.addi %add3A, %mul3A_5 : i32
    %select_n3A = arith.select %eq3A_1, %mul3A_3, %add3A_6 : i32
    %eq3A_7 = arith.constant 0 : i32
    %eq3A_8 = arith.cmpi eq, %arg0, %eq3A_7 : i32
    %jit3A = arith.constant 5 : i32
    %jit3A_9 = arith.constant 5 : i32
    %select_n3A_10 = arith.select %eq3A_8, %jit3A, %jit3A_9 : i32
    %while3A = arith.constant 0 : i32
    %while3A_11 = arith.constant 0 : i32
    %while3A_12 = arith.subi %select_n3A_10, %while3A_11 : i32
    %while3A_13 = arith.addi %while3A_11, %while3A_12 : i32
    %while3A_14 = arith.constant 1 : i32
    %while3A_15 = arith.divsi %while3A_12, %while3A_14 : i32
    %while3A_16 = arith.muli %while3A_15, %while3A_14 : i32
    %while3A_17 = arith.addi %while3A_11, %while3A_16 : i32
    %while3A_18 = arith.constant 1 : i32
    scf.for %while3A_24 = %while3A_11 to %while3A_17 step %while3A_18  : i32 {
      %mul3A_25 = arith.constant 16 : i32
      %mul3A_26 = arith.muli %while3A_24, %mul3A_25 : i32
      %add3A_27 = arith.addi %select_n3A, %mul3A_26 : i32
      "tpu.region"() ({
        %run_scoped3A = tpu.sem_alloc : memref<!tpu.dma_semaphore, #tpu.memory_space<semaphore_mem>>
        %dma_start3A_42 = arith.constant 0 : i32
        %dma_start3A_43 = tpu.memref_slice %arg3[%add3A_27, %dma_start3A_42] : memref<2560x128xi32, #tpu.memory_space<hbm>> -> memref<16x128xi32, #tpu.memory_space<hbm>>
        %dma_start3A_44 = arith.constant 0 : i32
        %dma_start3A_45 = tpu.memref_slice %arg3[%add3A_27, %dma_start3A_44] : memref<2560x128xi32, #tpu.memory_space<hbm>> -> memref<16x128xi32, #tpu.memory_space<hbm>>
        tpu.enqueue_dma source(%dma_start3A_45 : memref<16x128xi32, #tpu.memory_space<hbm>>) target(%arg8 : memref<16x128xi32, #tpu.memory_space<vmem>>) target_semaphore(%run_scoped3A : memref<!tpu.dma_semaphore, #tpu.memory_space<semaphore_mem>>)
        %dma_wait3A = arith.constant 0 : i32
        %dma_wait3A_46 = tpu.memref_slice %arg3[%add3A_27, %dma_wait3A] : memref<2560x128xi32, #tpu.memory_space<hbm>> -> memref<16x128xi32, #tpu.memory_space<hbm>>
        %dma_wait3A_47 = arith.constant 0 : i32
        %dma_wait3A_48 = tpu.memref_slice %arg3[%add3A_27, %dma_wait3A_47] : memref<2560x128xi32, #tpu.memory_space<hbm>> -> memref<16x128xi32, #tpu.memory_space<hbm>>
        tpu.wait_dma2 semaphore(%run_scoped3A : memref<!tpu.dma_semaphore, #tpu.memory_space<semaphore_mem>>) src(%dma_wait3A_48 : memref<16x128xi32, #tpu.memory_space<hbm>>) dst(%arg8 : memref<16x128xi32, #tpu.memory_space<vmem>>)
        tpu.yield
      }) : () -> ()
      %mul3A_28 = arith.constant 16 : i32
      %mul3A_29 = arith.muli %while3A_24, %mul3A_28 : i32
      %add3A_30 = arith.addi %select_n3A, %mul3A_29 : i32
      "tpu.region"() ({
        %run_scoped3A = tpu.sem_alloc : memref<!tpu.dma_semaphore, #tpu.memory_space<semaphore_mem>>
        %dma_start3A_42 = arith.constant 0 : i32
        %dma_start3A_43 = tpu.memref_slice %arg4[%add3A_30, %dma_start3A_42] : memref<2560x128xi32, #tpu.memory_space<hbm>> -> memref<16x128xi32, #tpu.memory_space<hbm>>
        %dma_start3A_44 = arith.constant 0 : i32
        %dma_start3A_45 = tpu.memref_slice %arg4[%add3A_30, %dma_start3A_44] : memref<2560x128xi32, #tpu.memory_space<hbm>> -> memref<16x128xi32, #tpu.memory_space<hbm>>
        tpu.enqueue_dma source(%dma_start3A_45 : memref<16x128xi32, #tpu.memory_space<hbm>>) target(%arg9 : memref<16x128xi32, #tpu.memory_space<vmem>>) target_semaphore(%run_scoped3A : memref<!tpu.dma_semaphore, #tpu.memory_space<semaphore_mem>>)
        %dma_wait3A = arith.constant 0 : i32
        %dma_wait3A_46 = tpu.memref_slice %arg4[%add3A_30, %dma_wait3A] : memref<2560x128xi32, #tpu.memory_space<hbm>> -> memref<16x128xi32, #tpu.memory_space<hbm>>
        %dma_wait3A_47 = arith.constant 0 : i32
        %dma_wait3A_48 = tpu.memref_slice %arg4[%add3A_30, %dma_wait3A_47] : memref<2560x128xi32, #tpu.memory_space<hbm>> -> memref<16x128xi32, #tpu.memory_space<hbm>>
        tpu.wait_dma2 semaphore(%run_scoped3A : memref<!tpu.dma_semaphore, #tpu.memory_space<semaphore_mem>>) src(%dma_wait3A_48 : memref<16x128xi32, #tpu.memory_space<hbm>>) dst(%arg9 : memref<16x128xi32, #tpu.memory_space<vmem>>)
        tpu.yield
      }) : () -> ()
      %dma_start3A = arith.constant 0 : i32
      %dma_start3A_31 = arith.constant 0 : i32
      %dma_start3A_32 = tpu.memref_slice %arg8[%dma_start3A, %dma_start3A_31] : memref<16x128xi32, #tpu.memory_space<vmem>> -> memref<1x128xi32, #tpu.memory_space<vmem>>
      %dma_start3A_33 = tpu.memref_squeeze %dma_start3A_32 : memref<1x128xi32, #tpu.memory_space<vmem>> -> memref<128xi32, #tpu.memory_space<vmem>>
      %dma_start3A_34 = arith.constant 0 : i32
      %dma_start3A_35 = arith.constant 0 : i32
      %dma_start3A_36 = tpu.memref_slice %arg2[%dma_start3A_34, %dma_start3A_35] : memref<10000x128xf32, #tpu.memory_space<hbm>> -> memref<10000x128xf32, #tpu.memory_space<hbm>>
      tpu.enqueue_indirect_dma source(%dma_start3A_36 : memref<10000x128xf32, #tpu.memory_space<hbm>>) target(%arg10 : memref<128x128xf32, #tpu.memory_space<vmem>>) offsets(%dma_start3A_33 : memref<128xi32, #tpu.memory_space<vmem>>) semaphore(%arg12 : memref<!tpu.dma_semaphore, #tpu.memory_space<semaphore_mem>>)
      %scan3A = arith.constant 0 : i32
      %scan3A_37 = arith.constant 0 : i32
      %scan3A_38 = arith.constant 8 : i32
      %scan3A_39 = arith.addi %scan3A_37, %scan3A_38 : i32
      %scan3A_40 = arith.constant 1 : i32
      scf.for %scan3A_42 = %scan3A_37 to %scan3A_39 step %scan3A_40  : i32 {
        %mul3A_43 = arith.constant 2 : i32
        %mul3A_44 = arith.muli %mul3A_43, %scan3A_42 : i32
        %add3A_45 = arith.constant 1 : i32
        %add3A_46 = arith.addi %mul3A_44, %add3A_45 : i32
        %dma_start3A_47 = arith.constant 0 : i32
        %dma_start3A_48 = tpu.memref_slice %arg8[%add3A_46, %dma_start3A_47] : memref<16x128xi32, #tpu.memory_space<vmem>> -> memref<1x128xi32, #tpu.memory_space<vmem>>
        %dma_start3A_49 = tpu.memref_squeeze %dma_start3A_48 : memref<1x128xi32, #tpu.memory_space<vmem>> -> memref<128xi32, #tpu.memory_space<vmem>>
        %dma_start3A_50 = arith.constant 0 : i32
        %dma_start3A_51 = arith.constant 0 : i32
        %dma_start3A_52 = tpu.memref_slice %arg2[%dma_start3A_50, %dma_start3A_51] : memref<10000x128xf32, #tpu.memory_space<hbm>> -> memref<10000x128xf32, #tpu.memory_space<hbm>>
        tpu.enqueue_indirect_dma source(%dma_start3A_52 : memref<10000x128xf32, #tpu.memory_space<hbm>>) target(%arg11 : memref<128x128xf32, #tpu.memory_space<vmem>>) offsets(%dma_start3A_49 : memref<128xi32, #tpu.memory_space<vmem>>) semaphore(%arg13 : memref<!tpu.dma_semaphore, #tpu.memory_space<semaphore_mem>>)
        %dma_wait3A = arith.constant 0 : i32
        %dma_wait3A_53 = tpu.memref_slice %arg8[%mul3A_44, %dma_wait3A] : memref<16x128xi32, #tpu.memory_space<vmem>> -> memref<1x128xi32, #tpu.memory_space<vmem>>
        %dma_wait3A_54 = tpu.memref_squeeze %dma_wait3A_53 : memref<1x128xi32, #tpu.memory_space<vmem>> -> memref<128xi32, #tpu.memory_space<vmem>>
        %dma_wait3A_55 = arith.constant 0 : i32
        %dma_wait3A_56 = arith.constant 0 : i32
        %dma_wait3A_57 = tpu.memref_slice %arg2[%dma_wait3A_55, %dma_wait3A_56] : memref<10000x128xf32, #tpu.memory_space<hbm>> -> memref<10000x128xf32, #tpu.memory_space<hbm>>
        tpu.wait_indirect_dma semaphore(%arg12 : memref<!tpu.dma_semaphore, #tpu.memory_space<semaphore_mem>>) src(%dma_wait3A_57 : memref<10000x128xf32, #tpu.memory_space<hbm>>) dst(%arg10 : memref<128x128xf32, #tpu.memory_space<vmem>>)
        "tpu.region"() ({
          %run_scoped3A = tpu.sem_alloc : memref<!tpu.dma_semaphore, #tpu.memory_space<semaphore_mem>>
          %dma_start3A_66 = arith.constant 0 : i32
          %dma_start3A_67 = tpu.memref_slice %arg9[%mul3A_44, %dma_start3A_66] : memref<16x128xi32, #tpu.memory_space<vmem>> -> memref<1x128xi32, #tpu.memory_space<vmem>>
          %dma_start3A_68 = tpu.memref_squeeze %dma_start3A_67 : memref<1x128xi32, #tpu.memory_space<vmem>> -> memref<128xi32, #tpu.memory_space<vmem>>
          %dma_start3A_69 = arith.constant 0 : i32
          %dma_start3A_70 = arith.constant 0 : i32
          %dma_start3A_71 = tpu.memref_slice %arg7[%dma_start3A_69, %dma_start3A_70] : memref<10112x128xf32, #tpu.memory_space<vmem_shared>> -> memref<10112x128xf32, #tpu.memory_space<vmem_shared>>
          tpu.enqueue_indirect_dma source(%arg10 : memref<128x128xf32, #tpu.memory_space<vmem>>) target(%dma_start3A_71 : memref<10112x128xf32, #tpu.memory_space<vmem_shared>>) offsets(%dma_start3A_68 : memref<128xi32, #tpu.memory_space<vmem>>) semaphore(%run_scoped3A : memref<!tpu.dma_semaphore, #tpu.memory_space<semaphore_mem>>) {add = true}
          %dma_wait3A_72 = arith.constant 0 : i32
          %dma_wait3A_73 = tpu.memref_slice %arg9[%mul3A_44, %dma_wait3A_72] : memref<16x128xi32, #tpu.memory_space<vmem>> -> memref<1x128xi32, #tpu.memory_space<vmem>>
          %dma_wait3A_74 = tpu.memref_squeeze %dma_wait3A_73 : memref<1x128xi32, #tpu.memory_space<vmem>> -> memref<128xi32, #tpu.memory_space<vmem>>
          %dma_wait3A_75 = arith.constant 0 : i32
          %dma_wait3A_76 = arith.constant 0 : i32
          %dma_wait3A_77 = tpu.memref_slice %arg7[%dma_wait3A_75, %dma_wait3A_76] : memref<10112x128xf32, #tpu.memory_space<vmem_shared>> -> memref<10112x128xf32, #tpu.memory_space<vmem_shared>>
          tpu.wait_indirect_dma semaphore(%run_scoped3A : memref<!tpu.dma_semaphore, #tpu.memory_space<semaphore_mem>>) src(%arg10 : memref<128x128xf32, #tpu.memory_space<vmem>>) dst(%dma_wait3A_77 : memref<10112x128xf32, #tpu.memory_space<vmem_shared>>)
          tpu.yield
        }) : () -> ()
        %lt3A = arith.constant 7 : i32
        %lt3A_58 = arith.cmpi slt, %scan3A_42, %lt3A : i32
        %convert_element_type3A = arith.extui %lt3A_58 : i1 to i32
        %cond3A = arith.constant 0 : i32
        %cond3A_59 = arith.cmpi ne, %convert_element_type3A, %cond3A : i32
        scf.if %cond3A_59 {
          %add3A_66 = arith.constant 2 : i32
          %add3A_67 = arith.addi %mul3A_44, %add3A_66 : i32
          %dma_start3A_68 = arith.constant 0 : i32
          %dma_start3A_69 = tpu.memref_slice %arg8[%add3A_67, %dma_start3A_68] : memref<16x128xi32, #tpu.memory_space<vmem>> -> memref<1x128xi32, #tpu.memory_space<vmem>>
          %dma_start3A_70 = tpu.memref_squeeze %dma_start3A_69 : memref<1x128xi32, #tpu.memory_space<vmem>> -> memref<128xi32, #tpu.memory_space<vmem>>
          %dma_start3A_71 = arith.constant 0 : i32
          %dma_start3A_72 = arith.constant 0 : i32
          %dma_start3A_73 = tpu.memref_slice %arg2[%dma_start3A_71, %dma_start3A_72] : memref<10000x128xf32, #tpu.memory_space<hbm>> -> memref<10000x128xf32, #tpu.memory_space<hbm>>
          tpu.enqueue_indirect_dma source(%dma_start3A_73 : memref<10000x128xf32, #tpu.memory_space<hbm>>) target(%arg10 : memref<128x128xf32, #tpu.memory_space<vmem>>) offsets(%dma_start3A_70 : memref<128xi32, #tpu.memory_space<vmem>>) semaphore(%arg12 : memref<!tpu.dma_semaphore, #tpu.memory_space<semaphore_mem>>)
        } else {
        }
        %dma_wait3A_60 = arith.constant 0 : i32
        %dma_wait3A_61 = tpu.memref_slice %arg8[%add3A_46, %dma_wait3A_60] : memref<16x128xi32, #tpu.memory_space<vmem>> -> memref<1x128xi32, #tpu.memory_space<vmem>>
        %dma_wait3A_62 = tpu.memref_squeeze %dma_wait3A_61 : memref<1x128xi32, #tpu.memory_space<vmem>> -> memref<128xi32, #tpu.memory_space<vmem>>
        %dma_wait3A_63 = arith.constant 0 : i32
        %dma_wait3A_64 = arith.constant 0 : i32
        %dma_wait3A_65 = tpu.memref_slice %arg2[%dma_wait3A_63, %dma_wait3A_64] : memref<10000x128xf32, #tpu.memory_space<hbm>> -> memref<10000x128xf32, #tpu.memory_space<hbm>>
        tpu.wait_indirect_dma semaphore(%arg13 : memref<!tpu.dma_semaphore, #tpu.memory_space<semaphore_mem>>) src(%dma_wait3A_65 : memref<10000x128xf32, #tpu.memory_space<hbm>>) dst(%arg11 : memref<128x128xf32, #tpu.memory_space<vmem>>)
        "tpu.region"() ({
          %run_scoped3A = tpu.sem_alloc : memref<!tpu.dma_semaphore, #tpu.memory_space<semaphore_mem>>
          %dma_start3A_66 = arith.constant 0 : i32
          %dma_start3A_67 = tpu.memref_slice %arg9[%add3A_46, %dma_start3A_66] : memref<16x128xi32, #tpu.memory_space<vmem>> -> memref<1x128xi32, #tpu.memory_space<vmem>>
          %dma_start3A_68 = tpu.memref_squeeze %dma_start3A_67 : memref<1x128xi32, #tpu.memory_space<vmem>> -> memref<128xi32, #tpu.memory_space<vmem>>
          %dma_start3A_69 = arith.constant 0 : i32
          %dma_start3A_70 = arith.constant 0 : i32
          %dma_start3A_71 = tpu.memref_slice %arg7[%dma_start3A_69, %dma_start3A_70] : memref<10112x128xf32, #tpu.memory_space<vmem_shared>> -> memref<10112x128xf32, #tpu.memory_space<vmem_shared>>
          tpu.enqueue_indirect_dma source(%arg11 : memref<128x128xf32, #tpu.memory_space<vmem>>) target(%dma_start3A_71 : memref<10112x128xf32, #tpu.memory_space<vmem_shared>>) offsets(%dma_start3A_68 : memref<128xi32, #tpu.memory_space<vmem>>) semaphore(%run_scoped3A : memref<!tpu.dma_semaphore, #tpu.memory_space<semaphore_mem>>) {add = true}
          %dma_wait3A_72 = arith.constant 0 : i32
          %dma_wait3A_73 = tpu.memref_slice %arg9[%add3A_46, %dma_wait3A_72] : memref<16x128xi32, #tpu.memory_space<vmem>> -> memref<1x128xi32, #tpu.memory_space<vmem>>
          %dma_wait3A_74 = tpu.memref_squeeze %dma_wait3A_73 : memref<1x128xi32, #tpu.memory_space<vmem>> -> memref<128xi32, #tpu.memory_space<vmem>>
          %dma_wait3A_75 = arith.constant 0 : i32
          %dma_wait3A_76 = arith.constant 0 : i32
          %dma_wait3A_77 = tpu.memref_slice %arg7[%dma_wait3A_75, %dma_wait3A_76] : memref<10112x128xf32, #tpu.memory_space<vmem_shared>> -> memref<10112x128xf32, #tpu.memory_space<vmem_shared>>
          tpu.wait_indirect_dma semaphore(%run_scoped3A : memref<!tpu.dma_semaphore, #tpu.memory_space<semaphore_mem>>) src(%arg11 : memref<128x128xf32, #tpu.memory_space<vmem>>) dst(%dma_wait3A_77 : memref<10112x128xf32, #tpu.memory_space<vmem_shared>>)
          tpu.yield
        }) : () -> ()
      }
      %scan3A_41 = arith.constant 8 : i32
    }
    %while3A_19 = arith.constant 1 : i32
    scf.for %while3A_24 = %while3A_17 to %while3A_13 step %while3A_19  : i32 {
      %mul3A_25 = arith.constant 16 : i32
      %mul3A_26 = arith.muli %while3A_24, %mul3A_25 : i32
      %add3A_27 = arith.addi %select_n3A, %mul3A_26 : i32
      "tpu.region"() ({
        %run_scoped3A = tpu.sem_alloc : memref<!tpu.dma_semaphore, #tpu.memory_space<semaphore_mem>>
        %dma_start3A_42 = arith.constant 0 : i32
        %dma_start3A_43 = tpu.memref_slice %arg3[%add3A_27, %dma_start3A_42] : memref<2560x128xi32, #tpu.memory_space<hbm>> -> memref<16x128xi32, #tpu.memory_space<hbm>>
        %dma_start3A_44 = arith.constant 0 : i32
        %dma_start3A_45 = tpu.memref_slice %arg3[%add3A_27, %dma_start3A_44] : memref<2560x128xi32, #tpu.memory_space<hbm>> -> memref<16x128xi32, #tpu.memory_space<hbm>>
        tpu.enqueue_dma source(%dma_start3A_45 : memref<16x128xi32, #tpu.memory_space<hbm>>) target(%arg8 : memref<16x128xi32, #tpu.memory_space<vmem>>) target_semaphore(%run_scoped3A : memref<!tpu.dma_semaphore, #tpu.memory_space<semaphore_mem>>)
        %dma_wait3A = arith.constant 0 : i32
        %dma_wait3A_46 = tpu.memref_slice %arg3[%add3A_27, %dma_wait3A] : memref<2560x128xi32, #tpu.memory_space<hbm>> -> memref<16x128xi32, #tpu.memory_space<hbm>>
        %dma_wait3A_47 = arith.constant 0 : i32
        %dma_wait3A_48 = tpu.memref_slice %arg3[%add3A_27, %dma_wait3A_47] : memref<2560x128xi32, #tpu.memory_space<hbm>> -> memref<16x128xi32, #tpu.memory_space<hbm>>
        tpu.wait_dma2 semaphore(%run_scoped3A : memref<!tpu.dma_semaphore, #tpu.memory_space<semaphore_mem>>) src(%dma_wait3A_48 : memref<16x128xi32, #tpu.memory_space<hbm>>) dst(%arg8 : memref<16x128xi32, #tpu.memory_space<vmem>>)
        tpu.yield
      }) : () -> ()
      %mul3A_28 = arith.constant 16 : i32
      %mul3A_29 = arith.muli %while3A_24, %mul3A_28 : i32
      %add3A_30 = arith.addi %select_n3A, %mul3A_29 : i32
      "tpu.region"() ({
        %run_scoped3A = tpu.sem_alloc : memref<!tpu.dma_semaphore, #tpu.memory_space<semaphore_mem>>
        %dma_start3A_42 = arith.constant 0 : i32
        %dma_start3A_43 = tpu.memref_slice %arg4[%add3A_30, %dma_start3A_42] : memref<2560x128xi32, #tpu.memory_space<hbm>> -> memref<16x128xi32, #tpu.memory_space<hbm>>
        %dma_start3A_44 = arith.constant 0 : i32
        %dma_start3A_45 = tpu.memref_slice %arg4[%add3A_30, %dma_start3A_44] : memref<2560x128xi32, #tpu.memory_space<hbm>> -> memref<16x128xi32, #tpu.memory_space<hbm>>
        tpu.enqueue_dma source(%dma_start3A_45 : memref<16x128xi32, #tpu.memory_space<hbm>>) target(%arg9 : memref<16x128xi32, #tpu.memory_space<vmem>>) target_semaphore(%run_scoped3A : memref<!tpu.dma_semaphore, #tpu.memory_space<semaphore_mem>>)
        %dma_wait3A = arith.constant 0 : i32
        %dma_wait3A_46 = tpu.memref_slice %arg4[%add3A_30, %dma_wait3A] : memref<2560x128xi32, #tpu.memory_space<hbm>> -> memref<16x128xi32, #tpu.memory_space<hbm>>
        %dma_wait3A_47 = arith.constant 0 : i32
        %dma_wait3A_48 = tpu.memref_slice %arg4[%add3A_30, %dma_wait3A_47] : memref<2560x128xi32, #tpu.memory_space<hbm>> -> memref<16x128xi32, #tpu.memory_space<hbm>>
        tpu.wait_dma2 semaphore(%run_scoped3A : memref<!tpu.dma_semaphore, #tpu.memory_space<semaphore_mem>>) src(%dma_wait3A_48 : memref<16x128xi32, #tpu.memory_space<hbm>>) dst(%arg9 : memref<16x128xi32, #tpu.memory_space<vmem>>)
        tpu.yield
      }) : () -> ()
      %dma_start3A = arith.constant 0 : i32
      %dma_start3A_31 = arith.constant 0 : i32
      %dma_start3A_32 = tpu.memref_slice %arg8[%dma_start3A, %dma_start3A_31] : memref<16x128xi32, #tpu.memory_space<vmem>> -> memref<1x128xi32, #tpu.memory_space<vmem>>
      %dma_start3A_33 = tpu.memref_squeeze %dma_start3A_32 : memref<1x128xi32, #tpu.memory_space<vmem>> -> memref<128xi32, #tpu.memory_space<vmem>>
      %dma_start3A_34 = arith.constant 0 : i32
      %dma_start3A_35 = arith.constant 0 : i32
      %dma_start3A_36 = tpu.memref_slice %arg2[%dma_start3A_34, %dma_start3A_35] : memref<10000x128xf32, #tpu.memory_space<hbm>> -> memref<10000x128xf32, #tpu.memory_space<hbm>>
      tpu.enqueue_indirect_dma source(%dma_start3A_36 : memref<10000x128xf32, #tpu.memory_space<hbm>>) target(%arg10 : memref<128x128xf32, #tpu.memory_space<vmem>>) offsets(%dma_start3A_33 : memref<128xi32, #tpu.memory_space<vmem>>) semaphore(%arg12 : memref<!tpu.dma_semaphore, #tpu.memory_space<semaphore_mem>>)
      %scan3A = arith.constant 0 : i32
      %scan3A_37 = arith.constant 0 : i32
      %scan3A_38 = arith.constant 8 : i32
      %scan3A_39 = arith.addi %scan3A_37, %scan3A_38 : i32
      %scan3A_40 = arith.constant 1 : i32
      scf.for %scan3A_42 = %scan3A_37 to %scan3A_39 step %scan3A_40  : i32 {
        %mul3A_43 = arith.constant 2 : i32
        %mul3A_44 = arith.muli %mul3A_43, %scan3A_42 : i32
        %add3A_45 = arith.constant 1 : i32
        %add3A_46 = arith.addi %mul3A_44, %add3A_45 : i32
        %dma_start3A_47 = arith.constant 0 : i32
        %dma_start3A_48 = tpu.memref_slice %arg8[%add3A_46, %dma_start3A_47] : memref<16x128xi32, #tpu.memory_space<vmem>> -> memref<1x128xi32, #tpu.memory_space<vmem>>
        %dma_start3A_49 = tpu.memref_squeeze %dma_start3A_48 : memref<1x128xi32, #tpu.memory_space<vmem>> -> memref<128xi32, #tpu.memory_space<vmem>>
        %dma_start3A_50 = arith.constant 0 : i32
        %dma_start3A_51 = arith.constant 0 : i32
        %dma_start3A_52 = tpu.memref_slice %arg2[%dma_start3A_50, %dma_start3A_51] : memref<10000x128xf32, #tpu.memory_space<hbm>> -> memref<10000x128xf32, #tpu.memory_space<hbm>>
        tpu.enqueue_indirect_dma source(%dma_start3A_52 : memref<10000x128xf32, #tpu.memory_space<hbm>>) target(%arg11 : memref<128x128xf32, #tpu.memory_space<vmem>>) offsets(%dma_start3A_49 : memref<128xi32, #tpu.memory_space<vmem>>) semaphore(%arg13 : memref<!tpu.dma_semaphore, #tpu.memory_space<semaphore_mem>>)
        %dma_wait3A = arith.constant 0 : i32
        %dma_wait3A_53 = tpu.memref_slice %arg8[%mul3A_44, %dma_wait3A] : memref<16x128xi32, #tpu.memory_space<vmem>> -> memref<1x128xi32, #tpu.memory_space<vmem>>
        %dma_wait3A_54 = tpu.memref_squeeze %dma_wait3A_53 : memref<1x128xi32, #tpu.memory_space<vmem>> -> memref<128xi32, #tpu.memory_space<vmem>>
        %dma_wait3A_55 = arith.constant 0 : i32
        %dma_wait3A_56 = arith.constant 0 : i32
        %dma_wait3A_57 = tpu.memref_slice %arg2[%dma_wait3A_55, %dma_wait3A_56] : memref<10000x128xf32, #tpu.memory_space<hbm>> -> memref<10000x128xf32, #tpu.memory_space<hbm>>
        tpu.wait_indirect_dma semaphore(%arg12 : memref<!tpu.dma_semaphore, #tpu.memory_space<semaphore_mem>>) src(%dma_wait3A_57 : memref<10000x128xf32, #tpu.memory_space<hbm>>) dst(%arg10 : memref<128x128xf32, #tpu.memory_space<vmem>>)
        "tpu.region"() ({
          %run_scoped3A = tpu.sem_alloc : memref<!tpu.dma_semaphore, #tpu.memory_space<semaphore_mem>>
          %dma_start3A_66 = arith.constant 0 : i32
          %dma_start3A_67 = tpu.memref_slice %arg9[%mul3A_44, %dma_start3A_66] : memref<16x128xi32, #tpu.memory_space<vmem>> -> memref<1x128xi32, #tpu.memory_space<vmem>>
          %dma_start3A_68 = tpu.memref_squeeze %dma_start3A_67 : memref<1x128xi32, #tpu.memory_space<vmem>> -> memref<128xi32, #tpu.memory_space<vmem>>
          %dma_start3A_69 = arith.constant 0 : i32
          %dma_start3A_70 = arith.constant 0 : i32
          %dma_start3A_71 = tpu.memref_slice %arg7[%dma_start3A_69, %dma_start3A_70] : memref<10112x128xf32, #tpu.memory_space<vmem_shared>> -> memref<10112x128xf32, #tpu.memory_space<vmem_shared>>
          tpu.enqueue_indirect_dma source(%arg10 : memref<128x128xf32, #tpu.memory_space<vmem>>) target(%dma_start3A_71 : memref<10112x128xf32, #tpu.memory_space<vmem_shared>>) offsets(%dma_start3A_68 : memref<128xi32, #tpu.memory_space<vmem>>) semaphore(%run_scoped3A : memref<!tpu.dma_semaphore, #tpu.memory_space<semaphore_mem>>) {add = true}
          %dma_wait3A_72 = arith.constant 0 : i32
          %dma_wait3A_73 = tpu.memref_slice %arg9[%mul3A_44, %dma_wait3A_72] : memref<16x128xi32, #tpu.memory_space<vmem>> -> memref<1x128xi32, #tpu.memory_space<vmem>>
          %dma_wait3A_74 = tpu.memref_squeeze %dma_wait3A_73 : memref<1x128xi32, #tpu.memory_space<vmem>> -> memref<128xi32, #tpu.memory_space<vmem>>
          %dma_wait3A_75 = arith.constant 0 : i32
          %dma_wait3A_76 = arith.constant 0 : i32
          %dma_wait3A_77 = tpu.memref_slice %arg7[%dma_wait3A_75, %dma_wait3A_76] : memref<10112x128xf32, #tpu.memory_space<vmem_shared>> -> memref<10112x128xf32, #tpu.memory_space<vmem_shared>>
          tpu.wait_indirect_dma semaphore(%run_scoped3A : memref<!tpu.dma_semaphore, #tpu.memory_space<semaphore_mem>>) src(%arg10 : memref<128x128xf32, #tpu.memory_space<vmem>>) dst(%dma_wait3A_77 : memref<10112x128xf32, #tpu.memory_space<vmem_shared>>)
          tpu.yield
        }) : () -> ()
        %lt3A = arith.constant 7 : i32
        %lt3A_58 = arith.cmpi slt, %scan3A_42, %lt3A : i32
        %convert_element_type3A = arith.extui %lt3A_58 : i1 to i32
        %cond3A = arith.constant 0 : i32
        %cond3A_59 = arith.cmpi ne, %convert_element_type3A, %cond3A : i32
        scf.if %cond3A_59 {
          %add3A_66 = arith.constant 2 : i32
          %add3A_67 = arith.addi %mul3A_44, %add3A_66 : i32
          %dma_start3A_68 = arith.constant 0 : i32
          %dma_start3A_69 = tpu.memref_slice %arg8[%add3A_67, %dma_start3A_68] : memref<16x128xi32, #tpu.memory_space<vmem>> -> memref<1x128xi32, #tpu.memory_space<vmem>>
          %dma_start3A_70 = tpu.memref_squeeze %dma_start3A_69 : memref<1x128xi32, #tpu.memory_space<vmem>> -> memref<128xi32, #tpu.memory_space<vmem>>
          %dma_start3A_71 = arith.constant 0 : i32
          %dma_start3A_72 = arith.constant 0 : i32
          %dma_start3A_73 = tpu.memref_slice %arg2[%dma_start3A_71, %dma_start3A_72] : memref<10000x128xf32, #tpu.memory_space<hbm>> -> memref<10000x128xf32, #tpu.memory_space<hbm>>
          tpu.enqueue_indirect_dma source(%dma_start3A_73 : memref<10000x128xf32, #tpu.memory_space<hbm>>) target(%arg10 : memref<128x128xf32, #tpu.memory_space<vmem>>) offsets(%dma_start3A_70 : memref<128xi32, #tpu.memory_space<vmem>>) semaphore(%arg12 : memref<!tpu.dma_semaphore, #tpu.memory_space<semaphore_mem>>)
        } else {
        }
        %dma_wait3A_60 = arith.constant 0 : i32
        %dma_wait3A_61 = tpu.memref_slice %arg8[%add3A_46, %dma_wait3A_60] : memref<16x128xi32, #tpu.memory_space<vmem>> -> memref<1x128xi32, #tpu.memory_space<vmem>>
        %dma_wait3A_62 = tpu.memref_squeeze %dma_wait3A_61 : memref<1x128xi32, #tpu.memory_space<vmem>> -> memref<128xi32, #tpu.memory_space<vmem>>
        %dma_wait3A_63 = arith.constant 0 : i32
        %dma_wait3A_64 = arith.constant 0 : i32
        %dma_wait3A_65 = tpu.memref_slice %arg2[%dma_wait3A_63, %dma_wait3A_64] : memref<10000x128xf32, #tpu.memory_space<hbm>> -> memref<10000x128xf32, #tpu.memory_space<hbm>>
        tpu.wait_indirect_dma semaphore(%arg13 : memref<!tpu.dma_semaphore, #tpu.memory_space<semaphore_mem>>) src(%dma_wait3A_65 : memref<10000x128xf32, #tpu.memory_space<hbm>>) dst(%arg11 : memref<128x128xf32, #tpu.memory_space<vmem>>)
        "tpu.region"() ({
          %run_scoped3A = tpu.sem_alloc : memref<!tpu.dma_semaphore, #tpu.memory_space<semaphore_mem>>
          %dma_start3A_66 = arith.constant 0 : i32
          %dma_start3A_67 = tpu.memref_slice %arg9[%add3A_46, %dma_start3A_66] : memref<16x128xi32, #tpu.memory_space<vmem>> -> memref<1x128xi32, #tpu.memory_space<vmem>>
          %dma_start3A_68 = tpu.memref_squeeze %dma_start3A_67 : memref<1x128xi32, #tpu.memory_space<vmem>> -> memref<128xi32, #tpu.memory_space<vmem>>
          %dma_start3A_69 = arith.constant 0 : i32
          %dma_start3A_70 = arith.constant 0 : i32
          %dma_start3A_71 = tpu.memref_slice %arg7[%dma_start3A_69, %dma_start3A_70] : memref<10112x128xf32, #tpu.memory_space<vmem_shared>> -> memref<10112x128xf32, #tpu.memory_space<vmem_shared>>
          tpu.enqueue_indirect_dma source(%arg11 : memref<128x128xf32, #tpu.memory_space<vmem>>) target(%dma_start3A_71 : memref<10112x128xf32, #tpu.memory_space<vmem_shared>>) offsets(%dma_start3A_68 : memref<128xi32, #tpu.memory_space<vmem>>) semaphore(%run_scoped3A : memref<!tpu.dma_semaphore, #tpu.memory_space<semaphore_mem>>) {add = true}
          %dma_wait3A_72 = arith.constant 0 : i32
          %dma_wait3A_73 = tpu.memref_slice %arg9[%add3A_46, %dma_wait3A_72] : memref<16x128xi32, #tpu.memory_space<vmem>> -> memref<1x128xi32, #tpu.memory_space<vmem>>
          %dma_wait3A_74 = tpu.memref_squeeze %dma_wait3A_73 : memref<1x128xi32, #tpu.memory_space<vmem>> -> memref<128xi32, #tpu.memory_space<vmem>>
          %dma_wait3A_75 = arith.constant 0 : i32
          %dma_wait3A_76 = arith.constant 0 : i32
          %dma_wait3A_77 = tpu.memref_slice %arg7[%dma_wait3A_75, %dma_wait3A_76] : memref<10112x128xf32, #tpu.memory_space<vmem_shared>> -> memref<10112x128xf32, #tpu.memory_space<vmem_shared>>
          tpu.wait_indirect_dma semaphore(%run_scoped3A : memref<!tpu.dma_semaphore, #tpu.memory_space<semaphore_mem>>) src(%arg11 : memref<128x128xf32, #tpu.memory_space<vmem>>) dst(%dma_wait3A_77 : memref<10112x128xf32, #tpu.memory_space<vmem_shared>>)
          tpu.yield
        }) : () -> ()
      }
      %scan3A_41 = arith.constant 8 : i32
    }
    %barrier3A_20 = arith.constant 0 : index
    tpu.barrier barrier_id(%barrier3A_20)
    %mul3A_21 = arith.constant 10112 : i32
    %mul3A_22 = arith.muli %arg0, %mul3A_21 : i32
    %add3A_23 = arith.addi %mul3A_22, %mul3A_0 : i32
    "tpu.region"() ({
      %run_scoped3A = tpu.sem_alloc : memref<!tpu.dma_semaphore, #tpu.memory_space<semaphore_mem>>
      %dma_start3A = arith.constant 0 : i32
      %dma_start3A_24 = tpu.memref_slice %arg6[%add3A_23, %dma_start3A] : memref<20224x128xf32, #tpu.memory_space<hbm>> -> memref<632x128xf32, #tpu.memory_space<hbm>>
      %dma_start3A_25 = arith.constant 0 : i32
      %dma_start3A_26 = tpu.memref_slice %arg7[%mul3A_0, %dma_start3A_25] : memref<10112x128xf32, #tpu.memory_space<vmem_shared>> -> memref<632x128xf32, #tpu.memory_space<vmem_shared>>
      tpu.enqueue_dma source(%dma_start3A_26 : memref<632x128xf32, #tpu.memory_space<vmem_shared>>) target(%dma_start3A_24 : memref<632x128xf32, #tpu.memory_space<hbm>>) target_semaphore(%run_scoped3A : memref<!tpu.dma_semaphore, #tpu.memory_space<semaphore_mem>>)
      %dma_wait3A = arith.constant 0 : i32
      %dma_wait3A_27 = tpu.memref_slice %arg6[%add3A_23, %dma_wait3A] : memref<20224x128xf32, #tpu.memory_space<hbm>> -> memref<632x128xf32, #tpu.memory_space<hbm>>
      %dma_wait3A_28 = arith.constant 0 : i32
      %dma_wait3A_29 = tpu.memref_slice %arg7[%mul3A_0, %dma_wait3A_28] : memref<10112x128xf32, #tpu.memory_space<vmem_shared>> -> memref<632x128xf32, #tpu.memory_space<vmem_shared>>
      tpu.wait_dma2 semaphore(%run_scoped3A : memref<!tpu.dma_semaphore, #tpu.memory_space<semaphore_mem>>) src(%dma_wait3A_29 : memref<632x128xf32, #tpu.memory_space<vmem_shared>>) dst(%dma_wait3A_27 : memref<632x128xf32, #tpu.memory_space<hbm>>)
      tpu.yield
    }) : () -> ()
    return
  }
}

#map = affine_map<(d0, d1) -> (0, 0)>
module attributes {stable_mosaic.version = 14 : i64} {
  func.func @_agg_body(%arg0: i32, %arg1: i32, %arg2: memref<10000x128xf32, #tpu.memory_space<hbm>>, %arg3: memref<2560x128xi32, #tpu.memory_space<hbm>>, %arg4: memref<2560x128xi32, #tpu.memory_space<hbm>>, %arg5: memref<10112x128xf32, #tpu.memory_space<hbm>>, %arg6: memref<20224x128xf32, #tpu.memory_space<hbm>>, %arg7: memref<10112x128xf32, #tpu.memory_space<vmem_shared>>, %arg8: memref<16x128xi32, #tpu.memory_space<vmem>>, %arg9: memref<16x128xi32, #tpu.memory_space<vmem>>, %arg10: memref<128x128xf32, #tpu.memory_space<vmem>>, %arg11: memref<128x128xf32, #tpu.memory_space<vmem>>, %arg12: memref<!tpu.dma_semaphore, #tpu.memory_space<semaphore_mem>>, %arg13: memref<!tpu.dma_semaphore, #tpu.memory_space<semaphore_mem>>) attributes {dimension_semantics = [#tpu.dimension_semantics<core_parallel>, #tpu.dimension_semantics<subcore_parallel>], iteration_bounds = array<i64: 2, 16>, scalar_prefetch = 0 : i64, scratch_operands = 7 : i64, tpu.core_type = #tpu.core_type<sc_vector_subcore>, window_params = [{transform_indices = #map}, {transform_indices = #map}, {transform_indices = #map}, {transform_indices = #map}, {transform_indices = #map}]} {
    %mul3A = arith.constant 632 : i32
    %mul3A_0 = arith.muli %arg1, %mul3A : i32
    "tpu.region"() ({
      %run_scoped3A = tpu.sem_alloc : memref<!tpu.dma_semaphore, #tpu.memory_space<semaphore_mem>>
      %dma_start3A = arith.constant 0 : i32
      %dma_start3A_24 = tpu.memref_slice %arg7[%mul3A_0, %dma_start3A] : memref<10112x128xf32, #tpu.memory_space<vmem_shared>> -> memref<632x128xf32, #tpu.memory_space<vmem_shared>>
      %dma_start3A_25 = arith.constant 0 : i32
      %dma_start3A_26 = tpu.memref_slice %arg5[%mul3A_0, %dma_start3A_25] : memref<10112x128xf32, #tpu.memory_space<hbm>> -> memref<632x128xf32, #tpu.memory_space<hbm>>
      tpu.enqueue_dma source(%dma_start3A_26 : memref<632x128xf32, #tpu.memory_space<hbm>>) target(%dma_start3A_24 : memref<632x128xf32, #tpu.memory_space<vmem_shared>>) target_semaphore(%run_scoped3A : memref<!tpu.dma_semaphore, #tpu.memory_space<semaphore_mem>>)
      %dma_wait3A = arith.constant 0 : i32
      %dma_wait3A_27 = tpu.memref_slice %arg7[%mul3A_0, %dma_wait3A] : memref<10112x128xf32, #tpu.memory_space<vmem_shared>> -> memref<632x128xf32, #tpu.memory_space<vmem_shared>>
      %dma_wait3A_28 = arith.constant 0 : i32
      %dma_wait3A_29 = tpu.memref_slice %arg5[%mul3A_0, %dma_wait3A_28] : memref<10112x128xf32, #tpu.memory_space<hbm>> -> memref<632x128xf32, #tpu.memory_space<hbm>>
      tpu.wait_dma2 semaphore(%run_scoped3A : memref<!tpu.dma_semaphore, #tpu.memory_space<semaphore_mem>>) src(%dma_wait3A_29 : memref<632x128xf32, #tpu.memory_space<hbm>>) dst(%dma_wait3A_27 : memref<632x128xf32, #tpu.memory_space<vmem_shared>>)
      tpu.yield
    }) : () -> ()
    %barrier3A = arith.constant 0 : index
    tpu.barrier barrier_id(%barrier3A)
    %eq3A = arith.constant 0 : i32
    %eq3A_1 = arith.cmpi eq, %arg0, %eq3A : i32
    %mul3A_2 = arith.constant 80 : i32
    %mul3A_3 = arith.muli %arg1, %mul3A_2 : i32
    %mul3A_4 = arith.constant 80 : i32
    %mul3A_5 = arith.muli %arg1, %mul3A_4 : i32
    %add3A = arith.constant 1280 : i32
    %add3A_6 = arith.addi %add3A, %mul3A_5 : i32
    %select_n3A = arith.select %eq3A_1, %mul3A_3, %add3A_6 : i32
    %eq3A_7 = arith.constant 0 : i32
    %eq3A_8 = arith.cmpi eq, %arg0, %eq3A_7 : i32
    %jit3A = arith.constant 5 : i32
    %jit3A_9 = arith.constant 5 : i32
    %select_n3A_10 = arith.select %eq3A_8, %jit3A, %jit3A_9 : i32
    %while3A = arith.constant 0 : i32
    %while3A_11 = arith.constant 0 : i32
    %while3A_12 = arith.subi %select_n3A_10, %while3A_11 : i32
    %while3A_13 = arith.addi %while3A_11, %while3A_12 : i32
    %while3A_14 = arith.constant 1 : i32
    %while3A_15 = arith.divsi %while3A_12, %while3A_14 : i32
    %while3A_16 = arith.muli %while3A_15, %while3A_14 : i32
    %while3A_17 = arith.addi %while3A_11, %while3A_16 : i32
    %while3A_18 = arith.constant 1 : i32
    scf.for %while3A_24 = %while3A_11 to %while3A_17 step %while3A_18  : i32 {
      %mul3A_25 = arith.constant 16 : i32
      %mul3A_26 = arith.muli %while3A_24, %mul3A_25 : i32
      %add3A_27 = arith.addi %select_n3A, %mul3A_26 : i32
      "tpu.region"() ({
        %run_scoped3A = tpu.sem_alloc : memref<!tpu.dma_semaphore, #tpu.memory_space<semaphore_mem>>
        %dma_start3A_42 = arith.constant 0 : i32
        %dma_start3A_43 = tpu.memref_slice %arg3[%add3A_27, %dma_start3A_42] : memref<2560x128xi32, #tpu.memory_space<hbm>> -> memref<16x128xi32, #tpu.memory_space<hbm>>
        %dma_start3A_44 = arith.constant 0 : i32
        %dma_start3A_45 = tpu.memref_slice %arg3[%add3A_27, %dma_start3A_44] : memref<2560x128xi32, #tpu.memory_space<hbm>> -> memref<16x128xi32, #tpu.memory_space<hbm>>
        tpu.enqueue_dma source(%dma_start3A_45 : memref<16x128xi32, #tpu.memory_space<hbm>>) target(%arg8 : memref<16x128xi32, #tpu.memory_space<vmem>>) target_semaphore(%run_scoped3A : memref<!tpu.dma_semaphore, #tpu.memory_space<semaphore_mem>>)
        %dma_wait3A = arith.constant 0 : i32
        %dma_wait3A_46 = tpu.memref_slice %arg3[%add3A_27, %dma_wait3A] : memref<2560x128xi32, #tpu.memory_space<hbm>> -> memref<16x128xi32, #tpu.memory_space<hbm>>
        %dma_wait3A_47 = arith.constant 0 : i32
        %dma_wait3A_48 = tpu.memref_slice %arg3[%add3A_27, %dma_wait3A_47] : memref<2560x128xi32, #tpu.memory_space<hbm>> -> memref<16x128xi32, #tpu.memory_space<hbm>>
        tpu.wait_dma2 semaphore(%run_scoped3A : memref<!tpu.dma_semaphore, #tpu.memory_space<semaphore_mem>>) src(%dma_wait3A_48 : memref<16x128xi32, #tpu.memory_space<hbm>>) dst(%arg8 : memref<16x128xi32, #tpu.memory_space<vmem>>)
        tpu.yield
      }) : () -> ()
      %mul3A_28 = arith.constant 16 : i32
      %mul3A_29 = arith.muli %while3A_24, %mul3A_28 : i32
      %add3A_30 = arith.addi %select_n3A, %mul3A_29 : i32
      "tpu.region"() ({
        %run_scoped3A = tpu.sem_alloc : memref<!tpu.dma_semaphore, #tpu.memory_space<semaphore_mem>>
        %dma_start3A_42 = arith.constant 0 : i32
        %dma_start3A_43 = tpu.memref_slice %arg4[%add3A_30, %dma_start3A_42] : memref<2560x128xi32, #tpu.memory_space<hbm>> -> memref<16x128xi32, #tpu.memory_space<hbm>>
        %dma_start3A_44 = arith.constant 0 : i32
        %dma_start3A_45 = tpu.memref_slice %arg4[%add3A_30, %dma_start3A_44] : memref<2560x128xi32, #tpu.memory_space<hbm>> -> memref<16x128xi32, #tpu.memory_space<hbm>>
        tpu.enqueue_dma source(%dma_start3A_45 : memref<16x128xi32, #tpu.memory_space<hbm>>) target(%arg9 : memref<16x128xi32, #tpu.memory_space<vmem>>) target_semaphore(%run_scoped3A : memref<!tpu.dma_semaphore, #tpu.memory_space<semaphore_mem>>)
        %dma_wait3A = arith.constant 0 : i32
        %dma_wait3A_46 = tpu.memref_slice %arg4[%add3A_30, %dma_wait3A] : memref<2560x128xi32, #tpu.memory_space<hbm>> -> memref<16x128xi32, #tpu.memory_space<hbm>>
        %dma_wait3A_47 = arith.constant 0 : i32
        %dma_wait3A_48 = tpu.memref_slice %arg4[%add3A_30, %dma_wait3A_47] : memref<2560x128xi32, #tpu.memory_space<hbm>> -> memref<16x128xi32, #tpu.memory_space<hbm>>
        tpu.wait_dma2 semaphore(%run_scoped3A : memref<!tpu.dma_semaphore, #tpu.memory_space<semaphore_mem>>) src(%dma_wait3A_48 : memref<16x128xi32, #tpu.memory_space<hbm>>) dst(%arg9 : memref<16x128xi32, #tpu.memory_space<vmem>>)
        tpu.yield
      }) : () -> ()
      %dma_start3A = arith.constant 0 : i32
      %dma_start3A_31 = arith.constant 0 : i32
      %dma_start3A_32 = tpu.memref_slice %arg8[%dma_start3A, %dma_start3A_31] : memref<16x128xi32, #tpu.memory_space<vmem>> -> memref<1x128xi32, #tpu.memory_space<vmem>>
      %dma_start3A_33 = tpu.memref_squeeze %dma_start3A_32 : memref<1x128xi32, #tpu.memory_space<vmem>> -> memref<128xi32, #tpu.memory_space<vmem>>
      %dma_start3A_34 = arith.constant 0 : i32
      %dma_start3A_35 = arith.constant 0 : i32
      %dma_start3A_36 = tpu.memref_slice %arg2[%dma_start3A_34, %dma_start3A_35] : memref<10000x128xf32, #tpu.memory_space<hbm>> -> memref<10000x128xf32, #tpu.memory_space<hbm>>
      tpu.enqueue_indirect_dma source(%dma_start3A_36 : memref<10000x128xf32, #tpu.memory_space<hbm>>) target(%arg10 : memref<128x128xf32, #tpu.memory_space<vmem>>) offsets(%dma_start3A_33 : memref<128xi32, #tpu.memory_space<vmem>>) semaphore(%arg12 : memref<!tpu.dma_semaphore, #tpu.memory_space<semaphore_mem>>)
      %scan3A = arith.constant 0 : i32
      %scan3A_37 = arith.constant 0 : i32
      %scan3A_38 = arith.constant 8 : i32
      %scan3A_39 = arith.addi %scan3A_37, %scan3A_38 : i32
      %scan3A_40 = arith.constant 1 : i32
      scf.for %scan3A_42 = %scan3A_37 to %scan3A_39 step %scan3A_40  : i32 {
        %mul3A_43 = arith.constant 2 : i32
        %mul3A_44 = arith.muli %mul3A_43, %scan3A_42 : i32
        %add3A_45 = arith.constant 1 : i32
        %add3A_46 = arith.addi %mul3A_44, %add3A_45 : i32
        %dma_start3A_47 = arith.constant 0 : i32
        %dma_start3A_48 = tpu.memref_slice %arg8[%add3A_46, %dma_start3A_47] : memref<16x128xi32, #tpu.memory_space<vmem>> -> memref<1x128xi32, #tpu.memory_space<vmem>>
        %dma_start3A_49 = tpu.memref_squeeze %dma_start3A_48 : memref<1x128xi32, #tpu.memory_space<vmem>> -> memref<128xi32, #tpu.memory_space<vmem>>
        %dma_start3A_50 = arith.constant 0 : i32
        %dma_start3A_51 = arith.constant 0 : i32
        %dma_start3A_52 = tpu.memref_slice %arg2[%dma_start3A_50, %dma_start3A_51] : memref<10000x128xf32, #tpu.memory_space<hbm>> -> memref<10000x128xf32, #tpu.memory_space<hbm>>
        tpu.enqueue_indirect_dma source(%dma_start3A_52 : memref<10000x128xf32, #tpu.memory_space<hbm>>) target(%arg11 : memref<128x128xf32, #tpu.memory_space<vmem>>) offsets(%dma_start3A_49 : memref<128xi32, #tpu.memory_space<vmem>>) semaphore(%arg13 : memref<!tpu.dma_semaphore, #tpu.memory_space<semaphore_mem>>)
        %dma_wait3A = arith.constant 0 : i32
        %dma_wait3A_53 = tpu.memref_slice %arg8[%mul3A_44, %dma_wait3A] : memref<16x128xi32, #tpu.memory_space<vmem>> -> memref<1x128xi32, #tpu.memory_space<vmem>>
        %dma_wait3A_54 = tpu.memref_squeeze %dma_wait3A_53 : memref<1x128xi32, #tpu.memory_space<vmem>> -> memref<128xi32, #tpu.memory_space<vmem>>
        %dma_wait3A_55 = arith.constant 0 : i32
        %dma_wait3A_56 = arith.constant 0 : i32
        %dma_wait3A_57 = tpu.memref_slice %arg2[%dma_wait3A_55, %dma_wait3A_56] : memref<10000x128xf32, #tpu.memory_space<hbm>> -> memref<10000x128xf32, #tpu.memory_space<hbm>>
        tpu.wait_indirect_dma semaphore(%arg12 : memref<!tpu.dma_semaphore, #tpu.memory_space<semaphore_mem>>) src(%dma_wait3A_57 : memref<10000x128xf32, #tpu.memory_space<hbm>>) dst(%arg10 : memref<128x128xf32, #tpu.memory_space<vmem>>)
        "tpu.region"() ({
          %run_scoped3A = tpu.sem_alloc : memref<!tpu.dma_semaphore, #tpu.memory_space<semaphore_mem>>
          %dma_start3A_66 = arith.constant 0 : i32
          %dma_start3A_67 = tpu.memref_slice %arg9[%mul3A_44, %dma_start3A_66] : memref<16x128xi32, #tpu.memory_space<vmem>> -> memref<1x128xi32, #tpu.memory_space<vmem>>
          %dma_start3A_68 = tpu.memref_squeeze %dma_start3A_67 : memref<1x128xi32, #tpu.memory_space<vmem>> -> memref<128xi32, #tpu.memory_space<vmem>>
          %dma_start3A_69 = arith.constant 0 : i32
          %dma_start3A_70 = arith.constant 0 : i32
          %dma_start3A_71 = tpu.memref_slice %arg7[%dma_start3A_69, %dma_start3A_70] : memref<10112x128xf32, #tpu.memory_space<vmem_shared>> -> memref<10112x128xf32, #tpu.memory_space<vmem_shared>>
          tpu.enqueue_indirect_dma source(%arg10 : memref<128x128xf32, #tpu.memory_space<vmem>>) target(%dma_start3A_71 : memref<10112x128xf32, #tpu.memory_space<vmem_shared>>) offsets(%dma_start3A_68 : memref<128xi32, #tpu.memory_space<vmem>>) semaphore(%run_scoped3A : memref<!tpu.dma_semaphore, #tpu.memory_space<semaphore_mem>>) {add = true}
          %dma_wait3A_72 = arith.constant 0 : i32
          %dma_wait3A_73 = tpu.memref_slice %arg9[%mul3A_44, %dma_wait3A_72] : memref<16x128xi32, #tpu.memory_space<vmem>> -> memref<1x128xi32, #tpu.memory_space<vmem>>
          %dma_wait3A_74 = tpu.memref_squeeze %dma_wait3A_73 : memref<1x128xi32, #tpu.memory_space<vmem>> -> memref<128xi32, #tpu.memory_space<vmem>>
          %dma_wait3A_75 = arith.constant 0 : i32
          %dma_wait3A_76 = arith.constant 0 : i32
          %dma_wait3A_77 = tpu.memref_slice %arg7[%dma_wait3A_75, %dma_wait3A_76] : memref<10112x128xf32, #tpu.memory_space<vmem_shared>> -> memref<10112x128xf32, #tpu.memory_space<vmem_shared>>
          tpu.wait_indirect_dma semaphore(%run_scoped3A : memref<!tpu.dma_semaphore, #tpu.memory_space<semaphore_mem>>) src(%arg10 : memref<128x128xf32, #tpu.memory_space<vmem>>) dst(%dma_wait3A_77 : memref<10112x128xf32, #tpu.memory_space<vmem_shared>>)
          tpu.yield
        }) : () -> ()
        %lt3A = arith.constant 7 : i32
        %lt3A_58 = arith.cmpi slt, %scan3A_42, %lt3A : i32
        %convert_element_type3A = arith.extui %lt3A_58 : i1 to i32
        %cond3A = arith.constant 0 : i32
        %cond3A_59 = arith.cmpi ne, %convert_element_type3A, %cond3A : i32
        scf.if %cond3A_59 {
          %add3A_66 = arith.constant 2 : i32
          %add3A_67 = arith.addi %mul3A_44, %add3A_66 : i32
          %dma_start3A_68 = arith.constant 0 : i32
          %dma_start3A_69 = tpu.memref_slice %arg8[%add3A_67, %dma_start3A_68] : memref<16x128xi32, #tpu.memory_space<vmem>> -> memref<1x128xi32, #tpu.memory_space<vmem>>
          %dma_start3A_70 = tpu.memref_squeeze %dma_start3A_69 : memref<1x128xi32, #tpu.memory_space<vmem>> -> memref<128xi32, #tpu.memory_space<vmem>>
          %dma_start3A_71 = arith.constant 0 : i32
          %dma_start3A_72 = arith.constant 0 : i32
          %dma_start3A_73 = tpu.memref_slice %arg2[%dma_start3A_71, %dma_start3A_72] : memref<10000x128xf32, #tpu.memory_space<hbm>> -> memref<10000x128xf32, #tpu.memory_space<hbm>>
          tpu.enqueue_indirect_dma source(%dma_start3A_73 : memref<10000x128xf32, #tpu.memory_space<hbm>>) target(%arg10 : memref<128x128xf32, #tpu.memory_space<vmem>>) offsets(%dma_start3A_70 : memref<128xi32, #tpu.memory_space<vmem>>) semaphore(%arg12 : memref<!tpu.dma_semaphore, #tpu.memory_space<semaphore_mem>>)
        } else {
        }
        %dma_wait3A_60 = arith.constant 0 : i32
        %dma_wait3A_61 = tpu.memref_slice %arg8[%add3A_46, %dma_wait3A_60] : memref<16x128xi32, #tpu.memory_space<vmem>> -> memref<1x128xi32, #tpu.memory_space<vmem>>
        %dma_wait3A_62 = tpu.memref_squeeze %dma_wait3A_61 : memref<1x128xi32, #tpu.memory_space<vmem>> -> memref<128xi32, #tpu.memory_space<vmem>>
        %dma_wait3A_63 = arith.constant 0 : i32
        %dma_wait3A_64 = arith.constant 0 : i32
        %dma_wait3A_65 = tpu.memref_slice %arg2[%dma_wait3A_63, %dma_wait3A_64] : memref<10000x128xf32, #tpu.memory_space<hbm>> -> memref<10000x128xf32, #tpu.memory_space<hbm>>
        tpu.wait_indirect_dma semaphore(%arg13 : memref<!tpu.dma_semaphore, #tpu.memory_space<semaphore_mem>>) src(%dma_wait3A_65 : memref<10000x128xf32, #tpu.memory_space<hbm>>) dst(%arg11 : memref<128x128xf32, #tpu.memory_space<vmem>>)
        "tpu.region"() ({
          %run_scoped3A = tpu.sem_alloc : memref<!tpu.dma_semaphore, #tpu.memory_space<semaphore_mem>>
          %dma_start3A_66 = arith.constant 0 : i32
          %dma_start3A_67 = tpu.memref_slice %arg9[%add3A_46, %dma_start3A_66] : memref<16x128xi32, #tpu.memory_space<vmem>> -> memref<1x128xi32, #tpu.memory_space<vmem>>
          %dma_start3A_68 = tpu.memref_squeeze %dma_start3A_67 : memref<1x128xi32, #tpu.memory_space<vmem>> -> memref<128xi32, #tpu.memory_space<vmem>>
          %dma_start3A_69 = arith.constant 0 : i32
          %dma_start3A_70 = arith.constant 0 : i32
          %dma_start3A_71 = tpu.memref_slice %arg7[%dma_start3A_69, %dma_start3A_70] : memref<10112x128xf32, #tpu.memory_space<vmem_shared>> -> memref<10112x128xf32, #tpu.memory_space<vmem_shared>>
          tpu.enqueue_indirect_dma source(%arg11 : memref<128x128xf32, #tpu.memory_space<vmem>>) target(%dma_start3A_71 : memref<10112x128xf32, #tpu.memory_space<vmem_shared>>) offsets(%dma_start3A_68 : memref<128xi32, #tpu.memory_space<vmem>>) semaphore(%run_scoped3A : memref<!tpu.dma_semaphore, #tpu.memory_space<semaphore_mem>>) {add = true}
          %dma_wait3A_72 = arith.constant 0 : i32
          %dma_wait3A_73 = tpu.memref_slice %arg9[%add3A_46, %dma_wait3A_72] : memref<16x128xi32, #tpu.memory_space<vmem>> -> memref<1x128xi32, #tpu.memory_space<vmem>>
          %dma_wait3A_74 = tpu.memref_squeeze %dma_wait3A_73 : memref<1x128xi32, #tpu.memory_space<vmem>> -> memref<128xi32, #tpu.memory_space<vmem>>
          %dma_wait3A_75 = arith.constant 0 : i32
          %dma_wait3A_76 = arith.constant 0 : i32
          %dma_wait3A_77 = tpu.memref_slice %arg7[%dma_wait3A_75, %dma_wait3A_76] : memref<10112x128xf32, #tpu.memory_space<vmem_shared>> -> memref<10112x128xf32, #tpu.memory_space<vmem_shared>>
          tpu.wait_indirect_dma semaphore(%run_scoped3A : memref<!tpu.dma_semaphore, #tpu.memory_space<semaphore_mem>>) src(%arg11 : memref<128x128xf32, #tpu.memory_space<vmem>>) dst(%dma_wait3A_77 : memref<10112x128xf32, #tpu.memory_space<vmem_shared>>)
          tpu.yield
        }) : () -> ()
      }
      %scan3A_41 = arith.constant 8 : i32
    }
    %while3A_19 = arith.constant 1 : i32
    scf.for %while3A_24 = %while3A_17 to %while3A_13 step %while3A_19  : i32 {
      %mul3A_25 = arith.constant 16 : i32
      %mul3A_26 = arith.muli %while3A_24, %mul3A_25 : i32
      %add3A_27 = arith.addi %select_n3A, %mul3A_26 : i32
      "tpu.region"() ({
        %run_scoped3A = tpu.sem_alloc : memref<!tpu.dma_semaphore, #tpu.memory_space<semaphore_mem>>
        %dma_start3A_42 = arith.constant 0 : i32
        %dma_start3A_43 = tpu.memref_slice %arg3[%add3A_27, %dma_start3A_42] : memref<2560x128xi32, #tpu.memory_space<hbm>> -> memref<16x128xi32, #tpu.memory_space<hbm>>
        %dma_start3A_44 = arith.constant 0 : i32
        %dma_start3A_45 = tpu.memref_slice %arg3[%add3A_27, %dma_start3A_44] : memref<2560x128xi32, #tpu.memory_space<hbm>> -> memref<16x128xi32, #tpu.memory_space<hbm>>
        tpu.enqueue_dma source(%dma_start3A_45 : memref<16x128xi32, #tpu.memory_space<hbm>>) target(%arg8 : memref<16x128xi32, #tpu.memory_space<vmem>>) target_semaphore(%run_scoped3A : memref<!tpu.dma_semaphore, #tpu.memory_space<semaphore_mem>>)
        %dma_wait3A = arith.constant 0 : i32
        %dma_wait3A_46 = tpu.memref_slice %arg3[%add3A_27, %dma_wait3A] : memref<2560x128xi32, #tpu.memory_space<hbm>> -> memref<16x128xi32, #tpu.memory_space<hbm>>
        %dma_wait3A_47 = arith.constant 0 : i32
        %dma_wait3A_48 = tpu.memref_slice %arg3[%add3A_27, %dma_wait3A_47] : memref<2560x128xi32, #tpu.memory_space<hbm>> -> memref<16x128xi32, #tpu.memory_space<hbm>>
        tpu.wait_dma2 semaphore(%run_scoped3A : memref<!tpu.dma_semaphore, #tpu.memory_space<semaphore_mem>>) src(%dma_wait3A_48 : memref<16x128xi32, #tpu.memory_space<hbm>>) dst(%arg8 : memref<16x128xi32, #tpu.memory_space<vmem>>)
        tpu.yield
      }) : () -> ()
      %mul3A_28 = arith.constant 16 : i32
      %mul3A_29 = arith.muli %while3A_24, %mul3A_28 : i32
      %add3A_30 = arith.addi %select_n3A, %mul3A_29 : i32
      "tpu.region"() ({
        %run_scoped3A = tpu.sem_alloc : memref<!tpu.dma_semaphore, #tpu.memory_space<semaphore_mem>>
        %dma_start3A_42 = arith.constant 0 : i32
        %dma_start3A_43 = tpu.memref_slice %arg4[%add3A_30, %dma_start3A_42] : memref<2560x128xi32, #tpu.memory_space<hbm>> -> memref<16x128xi32, #tpu.memory_space<hbm>>
        %dma_start3A_44 = arith.constant 0 : i32
        %dma_start3A_45 = tpu.memref_slice %arg4[%add3A_30, %dma_start3A_44] : memref<2560x128xi32, #tpu.memory_space<hbm>> -> memref<16x128xi32, #tpu.memory_space<hbm>>
        tpu.enqueue_dma source(%dma_start3A_45 : memref<16x128xi32, #tpu.memory_space<hbm>>) target(%arg9 : memref<16x128xi32, #tpu.memory_space<vmem>>) target_semaphore(%run_scoped3A : memref<!tpu.dma_semaphore, #tpu.memory_space<semaphore_mem>>)
        %dma_wait3A = arith.constant 0 : i32
        %dma_wait3A_46 = tpu.memref_slice %arg4[%add3A_30, %dma_wait3A] : memref<2560x128xi32, #tpu.memory_space<hbm>> -> memref<16x128xi32, #tpu.memory_space<hbm>>
        %dma_wait3A_47 = arith.constant 0 : i32
        %dma_wait3A_48 = tpu.memref_slice %arg4[%add3A_30, %dma_wait3A_47] : memref<2560x128xi32, #tpu.memory_space<hbm>> -> memref<16x128xi32, #tpu.memory_space<hbm>>
        tpu.wait_dma2 semaphore(%run_scoped3A : memref<!tpu.dma_semaphore, #tpu.memory_space<semaphore_mem>>) src(%dma_wait3A_48 : memref<16x128xi32, #tpu.memory_space<hbm>>) dst(%arg9 : memref<16x128xi32, #tpu.memory_space<vmem>>)
        tpu.yield
      }) : () -> ()
      %dma_start3A = arith.constant 0 : i32
      %dma_start3A_31 = arith.constant 0 : i32
      %dma_start3A_32 = tpu.memref_slice %arg8[%dma_start3A, %dma_start3A_31] : memref<16x128xi32, #tpu.memory_space<vmem>> -> memref<1x128xi32, #tpu.memory_space<vmem>>
      %dma_start3A_33 = tpu.memref_squeeze %dma_start3A_32 : memref<1x128xi32, #tpu.memory_space<vmem>> -> memref<128xi32, #tpu.memory_space<vmem>>
      %dma_start3A_34 = arith.constant 0 : i32
      %dma_start3A_35 = arith.constant 0 : i32
      %dma_start3A_36 = tpu.memref_slice %arg2[%dma_start3A_34, %dma_start3A_35] : memref<10000x128xf32, #tpu.memory_space<hbm>> -> memref<10000x128xf32, #tpu.memory_space<hbm>>
      tpu.enqueue_indirect_dma source(%dma_start3A_36 : memref<10000x128xf32, #tpu.memory_space<hbm>>) target(%arg10 : memref<128x128xf32, #tpu.memory_space<vmem>>) offsets(%dma_start3A_33 : memref<128xi32, #tpu.memory_space<vmem>>) semaphore(%arg12 : memref<!tpu.dma_semaphore, #tpu.memory_space<semaphore_mem>>)
      %scan3A = arith.constant 0 : i32
      %scan3A_37 = arith.constant 0 : i32
      %scan3A_38 = arith.constant 8 : i32
      %scan3A_39 = arith.addi %scan3A_37, %scan3A_38 : i32
      %scan3A_40 = arith.constant 1 : i32
      scf.for %scan3A_42 = %scan3A_37 to %scan3A_39 step %scan3A_40  : i32 {
        %mul3A_43 = arith.constant 2 : i32
        %mul3A_44 = arith.muli %mul3A_43, %scan3A_42 : i32
        %add3A_45 = arith.constant 1 : i32
        %add3A_46 = arith.addi %mul3A_44, %add3A_45 : i32
        %dma_start3A_47 = arith.constant 0 : i32
        %dma_start3A_48 = tpu.memref_slice %arg8[%add3A_46, %dma_start3A_47] : memref<16x128xi32, #tpu.memory_space<vmem>> -> memref<1x128xi32, #tpu.memory_space<vmem>>
        %dma_start3A_49 = tpu.memref_squeeze %dma_start3A_48 : memref<1x128xi32, #tpu.memory_space<vmem>> -> memref<128xi32, #tpu.memory_space<vmem>>
        %dma_start3A_50 = arith.constant 0 : i32
        %dma_start3A_51 = arith.constant 0 : i32
        %dma_start3A_52 = tpu.memref_slice %arg2[%dma_start3A_50, %dma_start3A_51] : memref<10000x128xf32, #tpu.memory_space<hbm>> -> memref<10000x128xf32, #tpu.memory_space<hbm>>
        tpu.enqueue_indirect_dma source(%dma_start3A_52 : memref<10000x128xf32, #tpu.memory_space<hbm>>) target(%arg11 : memref<128x128xf32, #tpu.memory_space<vmem>>) offsets(%dma_start3A_49 : memref<128xi32, #tpu.memory_space<vmem>>) semaphore(%arg13 : memref<!tpu.dma_semaphore, #tpu.memory_space<semaphore_mem>>)
        %dma_wait3A = arith.constant 0 : i32
        %dma_wait3A_53 = tpu.memref_slice %arg8[%mul3A_44, %dma_wait3A] : memref<16x128xi32, #tpu.memory_space<vmem>> -> memref<1x128xi32, #tpu.memory_space<vmem>>
        %dma_wait3A_54 = tpu.memref_squeeze %dma_wait3A_53 : memref<1x128xi32, #tpu.memory_space<vmem>> -> memref<128xi32, #tpu.memory_space<vmem>>
        %dma_wait3A_55 = arith.constant 0 : i32
        %dma_wait3A_56 = arith.constant 0 : i32
        %dma_wait3A_57 = tpu.memref_slice %arg2[%dma_wait3A_55, %dma_wait3A_56] : memref<10000x128xf32, #tpu.memory_space<hbm>> -> memref<10000x128xf32, #tpu.memory_space<hbm>>
        tpu.wait_indirect_dma semaphore(%arg12 : memref<!tpu.dma_semaphore, #tpu.memory_space<semaphore_mem>>) src(%dma_wait3A_57 : memref<10000x128xf32, #tpu.memory_space<hbm>>) dst(%arg10 : memref<128x128xf32, #tpu.memory_space<vmem>>)
        "tpu.region"() ({
          %run_scoped3A = tpu.sem_alloc : memref<!tpu.dma_semaphore, #tpu.memory_space<semaphore_mem>>
          %dma_start3A_66 = arith.constant 0 : i32
          %dma_start3A_67 = tpu.memref_slice %arg9[%mul3A_44, %dma_start3A_66] : memref<16x128xi32, #tpu.memory_space<vmem>> -> memref<1x128xi32, #tpu.memory_space<vmem>>
          %dma_start3A_68 = tpu.memref_squeeze %dma_start3A_67 : memref<1x128xi32, #tpu.memory_space<vmem>> -> memref<128xi32, #tpu.memory_space<vmem>>
          %dma_start3A_69 = arith.constant 0 : i32
          %dma_start3A_70 = arith.constant 0 : i32
          %dma_start3A_71 = tpu.memref_slice %arg7[%dma_start3A_69, %dma_start3A_70] : memref<10112x128xf32, #tpu.memory_space<vmem_shared>> -> memref<10112x128xf32, #tpu.memory_space<vmem_shared>>
          tpu.enqueue_indirect_dma source(%arg10 : memref<128x128xf32, #tpu.memory_space<vmem>>) target(%dma_start3A_71 : memref<10112x128xf32, #tpu.memory_space<vmem_shared>>) offsets(%dma_start3A_68 : memref<128xi32, #tpu.memory_space<vmem>>) semaphore(%run_scoped3A : memref<!tpu.dma_semaphore, #tpu.memory_space<semaphore_mem>>) {add = true}
          %dma_wait3A_72 = arith.constant 0 : i32
          %dma_wait3A_73 = tpu.memref_slice %arg9[%mul3A_44, %dma_wait3A_72] : memref<16x128xi32, #tpu.memory_space<vmem>> -> memref<1x128xi32, #tpu.memory_space<vmem>>
          %dma_wait3A_74 = tpu.memref_squeeze %dma_wait3A_73 : memref<1x128xi32, #tpu.memory_space<vmem>> -> memref<128xi32, #tpu.memory_space<vmem>>
          %dma_wait3A_75 = arith.constant 0 : i32
          %dma_wait3A_76 = arith.constant 0 : i32
          %dma_wait3A_77 = tpu.memref_slice %arg7[%dma_wait3A_75, %dma_wait3A_76] : memref<10112x128xf32, #tpu.memory_space<vmem_shared>> -> memref<10112x128xf32, #tpu.memory_space<vmem_shared>>
          tpu.wait_indirect_dma semaphore(%run_scoped3A : memref<!tpu.dma_semaphore, #tpu.memory_space<semaphore_mem>>) src(%arg10 : memref<128x128xf32, #tpu.memory_space<vmem>>) dst(%dma_wait3A_77 : memref<10112x128xf32, #tpu.memory_space<vmem_shared>>)
          tpu.yield
        }) : () -> ()
        %lt3A = arith.constant 7 : i32
        %lt3A_58 = arith.cmpi slt, %scan3A_42, %lt3A : i32
        %convert_element_type3A = arith.extui %lt3A_58 : i1 to i32
        %cond3A = arith.constant 0 : i32
        %cond3A_59 = arith.cmpi ne, %convert_element_type3A, %cond3A : i32
        scf.if %cond3A_59 {
          %add3A_66 = arith.constant 2 : i32
          %add3A_67 = arith.addi %mul3A_44, %add3A_66 : i32
          %dma_start3A_68 = arith.constant 0 : i32
          %dma_start3A_69 = tpu.memref_slice %arg8[%add3A_67, %dma_start3A_68] : memref<16x128xi32, #tpu.memory_space<vmem>> -> memref<1x128xi32, #tpu.memory_space<vmem>>
          %dma_start3A_70 = tpu.memref_squeeze %dma_start3A_69 : memref<1x128xi32, #tpu.memory_space<vmem>> -> memref<128xi32, #tpu.memory_space<vmem>>
          %dma_start3A_71 = arith.constant 0 : i32
          %dma_start3A_72 = arith.constant 0 : i32
          %dma_start3A_73 = tpu.memref_slice %arg2[%dma_start3A_71, %dma_start3A_72] : memref<10000x128xf32, #tpu.memory_space<hbm>> -> memref<10000x128xf32, #tpu.memory_space<hbm>>
          tpu.enqueue_indirect_dma source(%dma_start3A_73 : memref<10000x128xf32, #tpu.memory_space<hbm>>) target(%arg10 : memref<128x128xf32, #tpu.memory_space<vmem>>) offsets(%dma_start3A_70 : memref<128xi32, #tpu.memory_space<vmem>>) semaphore(%arg12 : memref<!tpu.dma_semaphore, #tpu.memory_space<semaphore_mem>>)
        } else {
        }
        %dma_wait3A_60 = arith.constant 0 : i32
        %dma_wait3A_61 = tpu.memref_slice %arg8[%add3A_46, %dma_wait3A_60] : memref<16x128xi32, #tpu.memory_space<vmem>> -> memref<1x128xi32, #tpu.memory_space<vmem>>
        %dma_wait3A_62 = tpu.memref_squeeze %dma_wait3A_61 : memref<1x128xi32, #tpu.memory_space<vmem>> -> memref<128xi32, #tpu.memory_space<vmem>>
        %dma_wait3A_63 = arith.constant 0 : i32
        %dma_wait3A_64 = arith.constant 0 : i32
        %dma_wait3A_65 = tpu.memref_slice %arg2[%dma_wait3A_63, %dma_wait3A_64] : memref<10000x128xf32, #tpu.memory_space<hbm>> -> memref<10000x128xf32, #tpu.memory_space<hbm>>
        tpu.wait_indirect_dma semaphore(%arg13 : memref<!tpu.dma_semaphore, #tpu.memory_space<semaphore_mem>>) src(%dma_wait3A_65 : memref<10000x128xf32, #tpu.memory_space<hbm>>) dst(%arg11 : memref<128x128xf32, #tpu.memory_space<vmem>>)
        "tpu.region"() ({
          %run_scoped3A = tpu.sem_alloc : memref<!tpu.dma_semaphore, #tpu.memory_space<semaphore_mem>>
          %dma_start3A_66 = arith.constant 0 : i32
          %dma_start3A_67 = tpu.memref_slice %arg9[%add3A_46, %dma_start3A_66] : memref<16x128xi32, #tpu.memory_space<vmem>> -> memref<1x128xi32, #tpu.memory_space<vmem>>
          %dma_start3A_68 = tpu.memref_squeeze %dma_start3A_67 : memref<1x128xi32, #tpu.memory_space<vmem>> -> memref<128xi32, #tpu.memory_space<vmem>>
          %dma_start3A_69 = arith.constant 0 : i32
          %dma_start3A_70 = arith.constant 0 : i32
          %dma_start3A_71 = tpu.memref_slice %arg7[%dma_start3A_69, %dma_start3A_70] : memref<10112x128xf32, #tpu.memory_space<vmem_shared>> -> memref<10112x128xf32, #tpu.memory_space<vmem_shared>>
          tpu.enqueue_indirect_dma source(%arg11 : memref<128x128xf32, #tpu.memory_space<vmem>>) target(%dma_start3A_71 : memref<10112x128xf32, #tpu.memory_space<vmem_shared>>) offsets(%dma_start3A_68 : memref<128xi32, #tpu.memory_space<vmem>>) semaphore(%run_scoped3A : memref<!tpu.dma_semaphore, #tpu.memory_space<semaphore_mem>>) {add = true}
          %dma_wait3A_72 = arith.constant 0 : i32
          %dma_wait3A_73 = tpu.memref_slice %arg9[%add3A_46, %dma_wait3A_72] : memref<16x128xi32, #tpu.memory_space<vmem>> -> memref<1x128xi32, #tpu.memory_space<vmem>>
          %dma_wait3A_74 = tpu.memref_squeeze %dma_wait3A_73 : memref<1x128xi32, #tpu.memory_space<vmem>> -> memref<128xi32, #tpu.memory_space<vmem>>
          %dma_wait3A_75 = arith.constant 0 : i32
          %dma_wait3A_76 = arith.constant 0 : i32
          %dma_wait3A_77 = tpu.memref_slice %arg7[%dma_wait3A_75, %dma_wait3A_76] : memref<10112x128xf32, #tpu.memory_space<vmem_shared>> -> memref<10112x128xf32, #tpu.memory_space<vmem_shared>>
          tpu.wait_indirect_dma semaphore(%run_scoped3A : memref<!tpu.dma_semaphore, #tpu.memory_space<semaphore_mem>>) src(%arg11 : memref<128x128xf32, #tpu.memory_space<vmem>>) dst(%dma_wait3A_77 : memref<10112x128xf32, #tpu.memory_space<vmem_shared>>)
          tpu.yield
        }) : () -> ()
      }
      %scan3A_41 = arith.constant 8 : i32
    }
    %barrier3A_20 = arith.constant 0 : index
    tpu.barrier barrier_id(%barrier3A_20)
    %mul3A_21 = arith.constant 10112 : i32
    %mul3A_22 = arith.muli %arg0, %mul3A_21 : i32
    %add3A_23 = arith.addi %mul3A_22, %mul3A_0 : i32
    "tpu.region"() ({
      %run_scoped3A = tpu.sem_alloc : memref<!tpu.dma_semaphore, #tpu.memory_space<semaphore_mem>>
      %dma_start3A = arith.constant 0 : i32
      %dma_start3A_24 = tpu.memref_slice %arg6[%add3A_23, %dma_start3A] : memref<20224x128xf32, #tpu.memory_space<hbm>> -> memref<632x128xf32, #tpu.memory_space<hbm>>
      %dma_start3A_25 = arith.constant 0 : i32
      %dma_start3A_26 = tpu.memref_slice %arg7[%mul3A_0, %dma_start3A_25] : memref<10112x128xf32, #tpu.memory_space<vmem_shared>> -> memref<632x128xf32, #tpu.memory_space<vmem_shared>>
      tpu.enqueue_dma source(%dma_start3A_26 : memref<632x128xf32, #tpu.memory_space<vmem_shared>>) target(%dma_start3A_24 : memref<632x128xf32, #tpu.memory_space<hbm>>) target_semaphore(%run_scoped3A : memref<!tpu.dma_semaphore, #tpu.memory_space<semaphore_mem>>)
      %dma_wait3A = arith.constant 0 : i32
      %dma_wait3A_27 = tpu.memref_slice %arg6[%add3A_23, %dma_wait3A] : memref<20224x128xf32, #tpu.memory_space<hbm>> -> memref<632x128xf32, #tpu.memory_space<hbm>>
      %dma_wait3A_28 = arith.constant 0 : i32
      %dma_wait3A_29 = tpu.memref_slice %arg7[%mul3A_0, %dma_wait3A_28] : memref<10112x128xf32, #tpu.memory_space<vmem_shared>> -> memref<632x128xf32, #tpu.memory_space<vmem_shared>>
      tpu.wait_dma2 semaphore(%run_scoped3A : memref<!tpu.dma_semaphore, #tpu.memory_space<semaphore_mem>>) src(%dma_wait3A_29 : memref<632x128xf32, #tpu.memory_space<vmem_shared>>) dst(%dma_wait3A_27 : memref<632x128xf32, #tpu.memory_space<hbm>>)
      tpu.yield
    }) : () -> ()
    return
  }
}

module attributes {stable_mosaic.version = 14 : i64} {
  func.func @_proj_body(%arg0: memref<10000x128xf32, #tpu.memory_space<vmem>>, %arg1: memref<128x128xf32, #tpu.memory_space<vmem>>, %arg2: memref<1x128xf32, #tpu.memory_space<vmem>>, %arg3: memref<20224x128xf32, #tpu.memory_space<vmem>>, %arg4: memref<10000x128xf32, #tpu.memory_space<vmem>>, %arg5: memref<10000x128xf32, #tpu.memory_space<vmem>>, %arg6: memref<10112x1xf32, #tpu.memory_space<vmem>>) attributes {dimension_semantics = [], scalar_prefetch = 0 : i64, scratch_operands = 0 : i64, tpu.core_type = #tpu.core_type<tc>} {
    %get3A = arith.constant 0 : index
    %get3A_0 = arith.constant 0 : index
    %get3A_1 = vector.load %arg3[%get3A, %get3A_0] : memref<20224x128xf32, #tpu.memory_space<vmem>>, vector<10112x1xf32>
    %get3A_2 = arith.constant 10112 : index
    %get3A_3 = arith.constant 0 : index
    %get3A_4 = vector.load %arg3[%get3A_2, %get3A_3] : memref<20224x128xf32, #tpu.memory_space<vmem>>, vector<10112x1xf32>
    %add3A = arith.addf %get3A_1, %get3A_4 : vector<10112x1xf32>
    %max3A = arith.constant 1.000000e+00 : f32
    %max3A_5 = vector.broadcast %max3A : f32 to vector<10112x1xf32>
    %max3A_6 = arith.maximumf %add3A, %max3A_5 : vector<10112x1xf32>
    %rsqrt3A = math.rsqrt %max3A_6 : vector<10112x1xf32>
    %swap3A = arith.constant 0 : index
    %swap3A_7 = arith.constant 0 : index
    %swap3A_8 = vector.load %arg6[%swap3A, %swap3A_7] : memref<10112x1xf32, #tpu.memory_space<vmem>>, vector<10112x1xf32>
    tpu.vector_store %arg6[%swap3A, %swap3A_7], %rsqrt3A {strides = array<i32>} : memref<10112x1xf32, #tpu.memory_space<vmem>>, vector<10112x1xf32>,
    %get3A_9 = arith.constant 0 : index
    %get3A_10 = arith.constant 0 : index
    %get3A_11 = vector.load %arg0[%get3A_9, %get3A_10] : memref<10000x128xf32, #tpu.memory_space<vmem>>, vector<10000x128xf32>
    %get3A_12 = arith.constant 0 : index
    %get3A_13 = arith.constant 0 : index
    %get3A_14 = vector.load %arg1[%get3A_12, %get3A_13] : memref<128x128xf32, #tpu.memory_space<vmem>>, vector<128x128xf32>
    %dot_general3A = arith.constant dense<0.000000e+00> : vector<10000x128xf32>
    %dot_general3A_15 = tpu.matmul %get3A_11, %get3A_14, %dot_general3A {dimension_numbers = #tpu.dot_dimension_numbers<[1], [0], [0], [1], [0, 0, 1, 1], [], []>, transpose_lhs_hint = false} : vector<10000x128xf32>, vector<128x128xf32>, vector<10000x128xf32> -> vector<10000x128xf32>
    %get3A_16 = arith.constant 0 : index
    %get3A_17 = arith.constant 0 : index
    %get3A_18 = vector.load %arg2[%get3A_16, %get3A_17] : memref<1x128xf32, #tpu.memory_space<vmem>>, vector<1x128xf32>
    %add3A_19 = vector.broadcast %get3A_18 : vector<1x128xf32> to vector<10000x128xf32>
    %add3A_20 = arith.addf %dot_general3A_15, %add3A_19 : vector<10000x128xf32>
    %swap3A_21 = arith.constant 0 : index
    %swap3A_22 = arith.constant 0 : index
    %swap3A_23 = vector.load %arg4[%swap3A_21, %swap3A_22] : memref<10000x128xf32, #tpu.memory_space<vmem>>, vector<10000x128xf32>
    tpu.vector_store %arg4[%swap3A_21, %swap3A_22], %add3A_20 {strides = array<i32>} : memref<10000x128xf32, #tpu.memory_space<vmem>>, vector<10000x128xf32>,
    %slice3A = vector.extract_strided_slice %rsqrt3A {offsets = [0, 0], sizes = [10000, 1], strides = [1, 1]} : vector<10112x1xf32> to vector<10000x1xf32>
    %mul3A = vector.broadcast %slice3A : vector<10000x1xf32> to vector<10000x128xf32>
    %mul3A_24 = arith.mulf %mul3A, %add3A_20 : vector<10000x128xf32>
    %swap3A_25 = arith.constant 0 : index
    %swap3A_26 = arith.constant 0 : index
    %swap3A_27 = vector.load %arg5[%swap3A_25, %swap3A_26] : memref<10000x128xf32, #tpu.memory_space<vmem>>, vector<10000x128xf32>
    tpu.vector_store %arg5[%swap3A_25, %swap3A_26], %mul3A_24 {strides = array<i32>} : memref<10000x128xf32, #tpu.memory_space<vmem>>, vector<10000x128xf32>,
    return
  }
}

module attributes {stable_mosaic.version = 14 : i64} {
  func.func @_layer_body(%arg0: memref<20224x128xf32, #tpu.memory_space<vmem>>, %arg1: memref<10112x1xf32, #tpu.memory_space<vmem>>, %arg2: memref<10000x128xf32, #tpu.memory_space<vmem>>, %arg3: memref<128x128xf32, #tpu.memory_space<vmem>>, %arg4: memref<1x128xf32, #tpu.memory_space<vmem>>, %arg5: memref<10000x128xf32, #tpu.memory_space<vmem>>, %arg6: memref<10000x128xf32, #tpu.memory_space<vmem>>) attributes {dimension_semantics = [], scalar_prefetch = 0 : i64, scratch_operands = 0 : i64, tpu.core_type = #tpu.core_type<tc>} {
    %get3A = arith.constant 0 : index
    %get3A_0 = arith.constant 0 : index
    %get3A_1 = vector.load %arg0[%get3A, %get3A_0] : memref<20224x128xf32, #tpu.memory_space<vmem>>, vector<10000x128xf32>
    %get3A_2 = arith.constant 10112 : index
    %get3A_3 = arith.constant 0 : index
    %get3A_4 = vector.load %arg0[%get3A_2, %get3A_3] : memref<20224x128xf32, #tpu.memory_space<vmem>>, vector<10000x128xf32>
    %add3A = arith.addf %get3A_1, %get3A_4 : vector<10000x128xf32>
    %get3A_5 = arith.constant 0 : index
    %get3A_6 = arith.constant 0 : index
    %get3A_7 = vector.load %arg1[%get3A_5, %get3A_6] : memref<10112x1xf32, #tpu.memory_space<vmem>>, vector<10000x1xf32>
    %mul3A = vector.broadcast %get3A_7 : vector<10000x1xf32> to vector<10000x128xf32>
    %mul3A_8 = arith.mulf %add3A, %mul3A : vector<10000x128xf32>
    %get3A_9 = arith.constant 0 : index
    %get3A_10 = arith.constant 0 : index
    %get3A_11 = vector.load %arg3[%get3A_9, %get3A_10] : memref<128x128xf32, #tpu.memory_space<vmem>>, vector<128x128xf32>
    %dot_general3A = arith.constant dense<0.000000e+00> : vector<10000x128xf32>
    %dot_general3A_12 = tpu.matmul %mul3A_8, %get3A_11, %dot_general3A {dimension_numbers = #tpu.dot_dimension_numbers<[1], [0], [0], [1], [0, 0, 1, 1], [], []>, transpose_lhs_hint = false} : vector<10000x128xf32>, vector<128x128xf32>, vector<10000x128xf32> -> vector<10000x128xf32>
    %get3A_13 = arith.constant 0 : index
    %get3A_14 = arith.constant 0 : index
    %get3A_15 = vector.load %arg4[%get3A_13, %get3A_14] : memref<1x128xf32, #tpu.memory_space<vmem>>, vector<1x128xf32>
    %add3A_16 = vector.broadcast %get3A_15 : vector<1x128xf32> to vector<10000x128xf32>
    %add3A_17 = arith.addf %dot_general3A_12, %add3A_16 : vector<10000x128xf32>
    %max3A = arith.constant 0.000000e+00 : f32
    %max3A_18 = vector.broadcast %max3A : f32 to vector<10000x128xf32>
    %max3A_19 = arith.maximumf %add3A_17, %max3A_18 : vector<10000x128xf32>
    %get3A_20 = arith.constant 0 : index
    %get3A_21 = arith.constant 0 : index
    %get3A_22 = vector.load %arg2[%get3A_20, %get3A_21] : memref<10000x128xf32, #tpu.memory_space<vmem>>, vector<10000x128xf32>
    %add3A_23 = arith.addf %max3A_19, %get3A_22 : vector<10000x128xf32>
    %swap3A = arith.constant 0 : index
    %swap3A_24 = arith.constant 0 : index
    %swap3A_25 = vector.load %arg5[%swap3A, %swap3A_24] : memref<10000x128xf32, #tpu.memory_space<vmem>>, vector<10000x128xf32>
    tpu.vector_store %arg5[%swap3A, %swap3A_24], %add3A_23 {strides = array<i32>} : memref<10000x128xf32, #tpu.memory_space<vmem>>, vector<10000x128xf32>,
    %get3A_26 = arith.constant 0 : index
    %get3A_27 = arith.constant 0 : index
    %get3A_28 = vector.load %arg1[%get3A_26, %get3A_27] : memref<10112x1xf32, #tpu.memory_space<vmem>>, vector<10000x1xf32>
    %mul3A_29 = vector.broadcast %get3A_28 : vector<10000x1xf32> to vector<10000x128xf32>
    %mul3A_30 = arith.mulf %mul3A_29, %add3A_23 : vector<10000x128xf32>
    %swap3A_31 = arith.constant 0 : index
    %swap3A_32 = arith.constant 0 : index
    %swap3A_33 = vector.load %arg6[%swap3A_31, %swap3A_32] : memref<10000x128xf32, #tpu.memory_space<vmem>>, vector<10000x128xf32>
    tpu.vector_store %arg6[%swap3A_31, %swap3A_32], %mul3A_30 {strides = array<i32>} : memref<10000x128xf32, #tpu.memory_space<vmem>>, vector<10000x128xf32>,
    return
  }
}

module attributes {stable_mosaic.version = 14 : i64} {
  func.func @_layer_body(%arg0: memref<20224x128xf32, #tpu.memory_space<vmem>>, %arg1: memref<10112x1xf32, #tpu.memory_space<vmem>>, %arg2: memref<10000x128xf32, #tpu.memory_space<vmem>>, %arg3: memref<128x128xf32, #tpu.memory_space<vmem>>, %arg4: memref<1x128xf32, #tpu.memory_space<vmem>>, %arg5: memref<10000x128xf32, #tpu.memory_space<vmem>>, %arg6: memref<10000x128xf32, #tpu.memory_space<vmem>>) attributes {dimension_semantics = [], scalar_prefetch = 0 : i64, scratch_operands = 0 : i64, tpu.core_type = #tpu.core_type<tc>} {
    %get3A = arith.constant 0 : index
    %get3A_0 = arith.constant 0 : index
    %get3A_1 = vector.load %arg0[%get3A, %get3A_0] : memref<20224x128xf32, #tpu.memory_space<vmem>>, vector<10000x128xf32>
    %get3A_2 = arith.constant 10112 : index
    %get3A_3 = arith.constant 0 : index
    %get3A_4 = vector.load %arg0[%get3A_2, %get3A_3] : memref<20224x128xf32, #tpu.memory_space<vmem>>, vector<10000x128xf32>
    %add3A = arith.addf %get3A_1, %get3A_4 : vector<10000x128xf32>
    %get3A_5 = arith.constant 0 : index
    %get3A_6 = arith.constant 0 : index
    %get3A_7 = vector.load %arg1[%get3A_5, %get3A_6] : memref<10112x1xf32, #tpu.memory_space<vmem>>, vector<10000x1xf32>
    %mul3A = vector.broadcast %get3A_7 : vector<10000x1xf32> to vector<10000x128xf32>
    %mul3A_8 = arith.mulf %add3A, %mul3A : vector<10000x128xf32>
    %get3A_9 = arith.constant 0 : index
    %get3A_10 = arith.constant 0 : index
    %get3A_11 = vector.load %arg3[%get3A_9, %get3A_10] : memref<128x128xf32, #tpu.memory_space<vmem>>, vector<128x128xf32>
    %dot_general3A = arith.constant dense<0.000000e+00> : vector<10000x128xf32>
    %dot_general3A_12 = tpu.matmul %mul3A_8, %get3A_11, %dot_general3A {dimension_numbers = #tpu.dot_dimension_numbers<[1], [0], [0], [1], [0, 0, 1, 1], [], []>, transpose_lhs_hint = false} : vector<10000x128xf32>, vector<128x128xf32>, vector<10000x128xf32> -> vector<10000x128xf32>
    %get3A_13 = arith.constant 0 : index
    %get3A_14 = arith.constant 0 : index
    %get3A_15 = vector.load %arg4[%get3A_13, %get3A_14] : memref<1x128xf32, #tpu.memory_space<vmem>>, vector<1x128xf32>
    %add3A_16 = vector.broadcast %get3A_15 : vector<1x128xf32> to vector<10000x128xf32>
    %add3A_17 = arith.addf %dot_general3A_12, %add3A_16 : vector<10000x128xf32>
    %max3A = arith.constant 0.000000e+00 : f32
    %max3A_18 = vector.broadcast %max3A : f32 to vector<10000x128xf32>
    %max3A_19 = arith.maximumf %add3A_17, %max3A_18 : vector<10000x128xf32>
    %get3A_20 = arith.constant 0 : index
    %get3A_21 = arith.constant 0 : index
    %get3A_22 = vector.load %arg2[%get3A_20, %get3A_21] : memref<10000x128xf32, #tpu.memory_space<vmem>>, vector<10000x128xf32>
    %add3A_23 = arith.addf %max3A_19, %get3A_22 : vector<10000x128xf32>
    %swap3A = arith.constant 0 : index
    %swap3A_24 = arith.constant 0 : index
    %swap3A_25 = vector.load %arg5[%swap3A, %swap3A_24] : memref<10000x128xf32, #tpu.memory_space<vmem>>, vector<10000x128xf32>
    tpu.vector_store %arg5[%swap3A, %swap3A_24], %add3A_23 {strides = array<i32>} : memref<10000x128xf32, #tpu.memory_space<vmem>>, vector<10000x128xf32>,
    %get3A_26 = arith.constant 0 : index
    %get3A_27 = arith.constant 0 : index
    %get3A_28 = vector.load %arg1[%get3A_26, %get3A_27] : memref<10112x1xf32, #tpu.memory_space<vmem>>, vector<10000x1xf32>
    %mul3A_29 = vector.broadcast %get3A_28 : vector<10000x1xf32> to vector<10000x128xf32>
    %mul3A_30 = arith.mulf %mul3A_29, %add3A_23 : vector<10000x128xf32>
    %swap3A_31 = arith.constant 0 : index
    %swap3A_32 = arith.constant 0 : index
    %swap3A_33 = vector.load %arg6[%swap3A_31, %swap3A_32] : memref<10000x128xf32, #tpu.memory_space<vmem>>, vector<10000x128xf32>
    tpu.vector_store %arg6[%swap3A_31, %swap3A_32], %mul3A_30 {strides = array<i32>} : memref<10000x128xf32, #tpu.memory_space<vmem>>, vector<10000x128xf32>,
    return
  }
}

module attributes {stable_mosaic.version = 14 : i64} {
  func.func @_pool_body(%arg0: memref<10000x128xf32, #tpu.memory_space<vmem>>, %arg1: memref<1x10000xi32, #tpu.memory_space<vmem>>, %arg2: memref<128x64xf32, #tpu.memory_space<vmem>>, %arg3: memref<1x64xf32, #tpu.memory_space<vmem>>, %arg4: memref<64x128xf32, #tpu.memory_space<vmem>>, %arg5: memref<1x128xf32, #tpu.memory_space<vmem>>, %arg6: memref<128x128xf32, #tpu.memory_space<vmem>>) attributes {dimension_semantics = [], scalar_prefetch = 0 : i64, scratch_operands = 0 : i64, tpu.core_type = #tpu.core_type<tc>} {
    %iota3A = tpu.iota {dimensions = array<i32: 0>} : vector<128x10000xi32>
    %get3A = arith.constant 0 : index
    %get3A_0 = arith.constant 0 : index
    %get3A_1 = vector.load %arg1[%get3A, %get3A_0] : memref<1x10000xi32, #tpu.memory_space<vmem>>, vector<1x10000xi32>
    %eq3A = vector.broadcast %get3A_1 : vector<1x10000xi32> to vector<128x10000xi32>
    %eq3A_2 = arith.cmpi eq, %iota3A, %eq3A : vector<128x10000xi32>
    %jit3A = arith.constant 1.000000e+00 : f32
    %jit3A_3 = arith.constant 0.000000e+00 : f32
    %broadcast_in_dim3A = vector.broadcast %jit3A : f32 to vector<128x10000xf32>
    %broadcast_in_dim3A_4 = vector.broadcast %jit3A_3 : f32 to vector<128x10000xf32>
    %select_n3A = arith.select %eq3A_2, %broadcast_in_dim3A, %broadcast_in_dim3A_4 : vector<128x10000xi1>, vector<128x10000xf32>
    %get3A_5 = arith.constant 0 : index
    %get3A_6 = arith.constant 0 : index
    %get3A_7 = vector.load %arg0[%get3A_5, %get3A_6] : memref<10000x128xf32, #tpu.memory_space<vmem>>, vector<10000x128xf32>
    %dot_general3A = arith.constant dense<0.000000e+00> : vector<128x128xf32>
    %dot_general3A_8 = tpu.matmul %select_n3A, %get3A_7, %dot_general3A {dimension_numbers = #tpu.dot_dimension_numbers<[1], [0], [0], [1], [0, 0, 1, 1], [], []>, transpose_lhs_hint = false} : vector<128x10000xf32>, vector<10000x128xf32>, vector<128x128xf32> -> vector<128x128xf32>
    %broadcast_in_dim3A_9 = arith.constant 1.000000e+00 : f32
    %broadcast_in_dim3A_10 = vector.broadcast %broadcast_in_dim3A_9 : f32 to vector<10000x1xf32>
    %dot_general3A_11 = arith.constant dense<0.000000e+00> : vector<128x1xf32>
    %dot_general3A_12 = tpu.matmul %select_n3A, %broadcast_in_dim3A_10, %dot_general3A_11 {dimension_numbers = #tpu.dot_dimension_numbers<[1], [0], [0], [1], [0, 0, 1, 1], [], []>, transpose_lhs_hint = false} : vector<128x10000xf32>, vector<10000x1xf32>, vector<128x1xf32> -> vector<128x1xf32>
    %max3A = arith.constant 1.000000e+00 : f32
    %max3A_13 = vector.broadcast %max3A : f32 to vector<128x1xf32>
    %max3A_14 = arith.maximumf %dot_general3A_12, %max3A_13 : vector<128x1xf32>
    %div3A = vector.broadcast %max3A_14 : vector<128x1xf32> to vector<128x128xf32>
    %div3A_15 = arith.divf %dot_general3A_8, %div3A : vector<128x128xf32>
    %get3A_16 = arith.constant 0 : index
    %get3A_17 = arith.constant 0 : index
    %get3A_18 = vector.load %arg2[%get3A_16, %get3A_17] : memref<128x64xf32, #tpu.memory_space<vmem>>, vector<128x64xf32>
    %dot_general3A_19 = arith.constant dense<0.000000e+00> : vector<128x64xf32>
    %dot_general3A_20 = tpu.matmul %div3A_15, %get3A_18, %dot_general3A_19 {dimension_numbers = #tpu.dot_dimension_numbers<[1], [0], [0], [1], [0, 0, 1, 1], [], []>, transpose_lhs_hint = false} : vector<128x128xf32>, vector<128x64xf32>, vector<128x64xf32> -> vector<128x64xf32>
    %get3A_21 = arith.constant 0 : index
    %get3A_22 = arith.constant 0 : index
    %get3A_23 = vector.load %arg3[%get3A_21, %get3A_22] : memref<1x64xf32, #tpu.memory_space<vmem>>, vector<1x64xf32>
    %add3A = vector.broadcast %get3A_23 : vector<1x64xf32> to vector<128x64xf32>
    %add3A_24 = arith.addf %dot_general3A_20, %add3A : vector<128x64xf32>
    %max3A_25 = arith.constant 0.000000e+00 : f32
    %max3A_26 = vector.broadcast %max3A_25 : f32 to vector<128x64xf32>
    %max3A_27 = arith.maximumf %add3A_24, %max3A_26 : vector<128x64xf32>
    %get3A_28 = arith.constant 0 : index
    %get3A_29 = arith.constant 0 : index
    %get3A_30 = vector.load %arg4[%get3A_28, %get3A_29] : memref<64x128xf32, #tpu.memory_space<vmem>>, vector<64x128xf32>
    %dot_general3A_31 = arith.constant dense<0.000000e+00> : vector<128x128xf32>
    %dot_general3A_32 = tpu.matmul %max3A_27, %get3A_30, %dot_general3A_31 {dimension_numbers = #tpu.dot_dimension_numbers<[1], [0], [0], [1], [0, 0, 1, 1], [], []>, transpose_lhs_hint = false} : vector<128x64xf32>, vector<64x128xf32>, vector<128x128xf32> -> vector<128x128xf32>
    %get3A_33 = arith.constant 0 : index
    %get3A_34 = arith.constant 0 : index
    %get3A_35 = vector.load %arg5[%get3A_33, %get3A_34] : memref<1x128xf32, #tpu.memory_space<vmem>>, vector<1x128xf32>
    %add3A_36 = vector.broadcast %get3A_35 : vector<1x128xf32> to vector<128x128xf32>
    %add3A_37 = arith.addf %dot_general3A_32, %add3A_36 : vector<128x128xf32>
    %swap3A = arith.constant 0 : index
    %swap3A_38 = arith.constant 0 : index
    %swap3A_39 = vector.load %arg6[%swap3A, %swap3A_38] : memref<128x128xf32, #tpu.memory_space<vmem>>, vector<128x128xf32>
    tpu.vector_store %arg6[%swap3A, %swap3A_38], %add3A_37 {strides = array<i32>} : memref<128x128xf32, #tpu.memory_space<vmem>>, vector<128x128xf32>,
    return
  }
}

</mosaic_0001>

<sc_bundles>
// kernel: kernel.13.cloned.1.call-start
scs
__scs_entry_jumppad:
0x0: {  	(pc) =	sbr.rel $0x88, $3  }
0x1: {  	(tag) =	ssettag $0x0;
	lr =	simm.s32 $0x1  }
0x2: {  	[smem:$0x3F96] =	sst lr;
	_ =	strace $0xD0000000  }
0x3: {  	_ = 	snop  }
0x4: {  	_ = 	snop  }
0x5: {  	_ = 	snop  }
0x6: {  	_ = 	snop  }
0x7: {  	_ = 	snop  }
__scs_overlays_trampoline_lowered:
0x8: {  	[smem:$0x3FA5] =	sst s0  }
0x9: {  	[smem:$0x3FA6] =	sst s1  }
0xa: {  	[smem:$0x3FA7] =	sst s2  }
0xb: {  	[smem:$0x3FA8] =	sst s3  }
0xc: {  	[smem:$0x3FA9] =	sst s4  }
0xd: {  	[smem:$0x3FAA] =	sst s5  }
0xe: {  	[smem:$0x3FAB] =	sst s6  }
0xf: {  	[smem:$0x3FAC] =	sst s7  }
0x10: {  	[smem:$0x3FAD] =	sst s8  }
0x11: {  	[smem:$0x3FAE] =	sst s9;
	s0 =	simm.s32 @!p0 $0x0  }
0x12: {  	s1 =	sld [smem:$0x3F94];
	s0 =	simm.s32 @p0 $0x1  }
0x13: {  	[smem:$0x3FAF] =	sst s0;
	s0 =	simm.s32 @!p1 $0x0  }
0x14: {  	s2 =	sld [smem:$0x3F93];
	s0 =	simm.s32 @p1 $0x1  }
0x15: {  	[smem:$0x3FB0] =	sst s0;
	s0 =	simm.s32 @!p2 $0x0  }
0x16: {  	s3 =	sld [smem:$0x3FDB];
	s0 =	simm.s32 @p2 $0x1  }
0x17: {  	s4 =	simm.s32 $0x1BF5;
	[smem:$0x3FB2] =	sst s0  }
0x18: {  	s0 =	sld [smem:$0x3F95];
	_ =	swait.ge [sflag:s4], $0x0  }
0x19: {  	s7 =	sld [smem:$0x3F96]  }
0x1a: {  	s8 =	sadd.s32 $0xFFFFE003, lr  }
0x1b: {  	s9 =	sadd.s32 $0xFFFFFEF7, lr;
	s5 =	simm.s32 $0xFFFFFFFF;
	p2 =	slt.u32 s8, $0xFFFFF086  }
0x1c: {  	p1 =	slt.u32 s9, $0xF7A;
	s5 =	simm.s32 @!p2 $0x0  }
0x1d: {  	s5 =	simm.s32 @p1 $0x1;
	p0 =	seq.s32 s7, s2  }
0x1e: {  	s7 =	smul.u32 @!p0 $0xF7A, s2;
	p2 =	seq.s32 @!p0 s5, $0x0  }
0x1f: {  	s9 =	smul.u32 $0xF7A, s1;
	s8 =	simm.s32 @!p0 $0x1BF5;
	p2 =	por !p2, p0  }
0x20: {  	[sflag:s8] =	ssyncset.s32 @!p0 $0xFFFFF086;
	s6 =	sadd.s32 @!p0 s3, s7;
	s7 =	simm.s32 @!p0 $0x108  }
0x21: {  	s3 =	sadd.s32 s3, s9;
	s6 =	sadd.s32 @!p0 $0x88, s6;
	s7 =	simm.s32 @p2 $0x1082  }
0x22: {  	[simem:s7], [sflag:s8] =	dma.local @!p0 [hbm:s6], $0xF7A  }
0x23: {  	s9 =	sor.u32 $0xD0000000, s2;
	s6 =	simm.s32 $0x108;
	_ =	swait.ge @!p0 [sflag:s8], $0x0  }
0x24: {  	s3 =	sadd.s32 $0x88, s3;
	s6 =	simm.s32 @!p1 $0x1082;
	[sflag:s4] =	ssyncset.s32 $0xFFFFF086  }
0x25: {  	[simem:s6], [sflag:s4] =	dma.local [hbm:s3], $0xF7A  }
0x26: {  	[smem:$0x3F96] =	sst s1;
	(tag) =	ssettag s2;
	_ =	strace s9  }
0x27: {  	s1 =	sld [smem:$0x3FA6]  }
0x28: {  	s2 =	sld [smem:$0x3FA7]  }
0x29: {  	s4 =	sld [smem:$0x3FA9]  }
0x2a: {  	p0 =	seq.s32 s5, $0x0;
	s5 =	sld [smem:$0x3FAA]  }
0x2b: {  	s6 =	sld [smem:$0x3FAB]  }
0x2c: {  	s7 =	sld [smem:$0x3FAC]  }
0x2d: {  	s3 =	simm.s32 $0x108;
	s8 =	sld [smem:$0x3FAD]  }
0x2e: {  	s3 =	simm.s32 @!p0 $0x1082;
	s9 =	sld [smem:$0x3FAE]  }
0x2f: {  	lr =	sadd.s32 s0, s3;
	s0 =	sld [smem:$0x3FA5]  }
0x30: {  	s3 =	sld [smem:$0x3FA8]  }
0x31: {  	[smem:$0x3FB1] =	sst s10  }
0x32: {  	s10 =	sld [smem:$0x3FAF];
	_ =	sdelay $0x3  }
0x33: {  	p0 =	seq.s32 s10, $0x1;
	s10 =	sld [smem:$0x3FB1];
	_ =	sdelay $0x3  }
0x34: {  	[smem:$0x3FB1] =	sst s10  }
0x35: {  	s10 =	sld [smem:$0x3FB0];
	_ =	sdelay $0x3  }
0x36: {  	p1 =	seq.s32 s10, $0x1;
	s10 =	sld [smem:$0x3FB1];
	_ =	sdelay $0x3  }
0x37: {  	[smem:$0x3FB1] =	sst s10  }
0x38: {  	s10 =	sld [smem:$0x3FB2]  }
0x39: {  	_ = 	snop;
	(pc) =	sbr.ind lr, $3  }
0x3a: {  	_ = 	snop  }
0x3b: {  	_ = 	snop  }
0x3c: {  	p2 =	seq.s32 s10, $0x1;
	s10 =	sld [smem:$0x3FB1]  }
0x3d: {  	_ =	shalt  }
0x3e: {  	_ =	shalt  }
0x3f: {  	_ =	shalt  }
0x40: {  	_ =	shalt  }
0x41: {  	_ =	shalt  }
0x42: {  	_ =	shalt  }
0x43: {  	_ =	shalt  }
0x44: {  	_ =	shalt  }
0x45: {  	_ =	shalt  }
0x46: {  	_ =	shalt  }
0x47: {  	_ =	shalt  }
0x48: {  	_ =	shalt  }
0x49: {  	_ =	shalt  }
0x4a: {  	_ =	shalt  }
0x4b: {  	_ =	shalt  }
0x4c: {  	_ =	shalt  }
0x4d: {  	_ =	shalt  }
0x4e: {  	_ =	shalt  }
0x4f: {  	_ =	shalt  }
0x50: {  	_ =	shalt  }
0x51: {  	_ =	shalt  }
0x52: {  	_ =	shalt  }
0x53: {  	_ =	shalt  }
0x54: {  	_ =	shalt  }
0x55: {  	_ =	shalt  }
0x56: {  	_ =	shalt  }
0x57: {  	_ =	shalt  }
0x58: {  	_ =	shalt  }
0x59: {  	_ =	shalt  }
0x5a: {  	_ =	shalt  }
0x5b: {  	_ =	shalt  }
0x5c: {  	_ =	shalt  }
0x5d: {  	_ =	shalt  }
0x5e: {  	_ =	shalt  }
0x5f: {  	_ =	shalt  }
0x60: {  	_ =	shalt  }
0x61: {  	_ =	shalt  }
0x62: {  	_ =	shalt  }
0x63: {  	_ =	shalt  }
0x64: {  	_ =	shalt  }
0x65: {  	_ =	shalt  }
0x66: {  	_ =	shalt  }
0x67: {  	_ =	shalt  }
0x68: {  	_ =	shalt  }
0x69: {  	_ =	shalt  }
0x6a: {  	_ =	shalt  }
0x6b: {  	_ =	shalt  }
0x6c: {  	_ =	shalt  }
0x6d: {  	_ =	shalt  }
0x6e: {  	_ =	shalt  }
0x6f: {  	_ =	shalt  }
0x70: {  	_ =	shalt  }
0x71: {  	_ =	shalt  }
0x72: {  	_ =	shalt  }
0x73: {  	_ =	shalt  }
0x74: {  	_ =	shalt  }
0x75: {  	_ =	shalt  }
0x76: {  	_ =	shalt  }
0x77: {  	_ =	shalt  }
0x78: {  	_ =	shalt  }
0x79: {  	_ =	shalt  }
0x7a: {  	_ =	shalt  }
0x7b: {  	_ =	shalt  }
0x7c: {  	_ =	shalt  }
0x7d: {  	_ =	shalt  }
0x7e: {  	_ =	shalt  }
0x7f: {  	_ =	shalt  }
0x80: {  	_ =	shalt  }
0x81: {  	_ =	shalt  }
0x82: {  	_ =	shalt  }
0x83: {  	_ =	shalt  }
0x84: {  	_ =	shalt  }
0x85: {  	_ =	shalt  }
0x86: {  	_ =	shalt  }
0x87: {  	_ =	shalt  }
.Lfunc_end0:
.L_simem_size_0:
called_computation_lowered:
.L_overlay_start_0:
0x88: {  	s2 =	sld [smem:$0x3FD9]  }
0x89: {  	s3 =	sld [smem:$0x3FFE];
	_ =	sdelay $0x1  }
0x8a: {  	s1 =	srdreg.scid  }
0x8b: {  	s0 =	sand.u32 $0x1, s1  }
0x8c: {  	s17 =	sshll.u32 s0, $0xA;
	s2 =	sadd.s32 s3, s2  }
0x8d: {  	s2 =	sadd.s32 s2, s17  }
0x8e: {  	[smem:$0x3FBD] =	sst s2  }
0x8f: {  	_ = 	snop  }
0x90: {  	s2 =	sld [smem:$0x3FD0];
	(tm) =	ssettm $0x1  }
0x91: {  	s18 =	sld [smem:$0x3FFB];
	_ =	sdelay $0x3  }
0x92: {  	_ =	strace s18  }
0x93: {  	s3 =	sld [smem:$0x3FFC];
	_ =	sdelay $0x3  }
0x94: {  	_ =	strace s3  }
0x95: {  	s3 =	sld [smem:$0x3FFD];
	_ =	sdelay $0x3  }
0x96: {  	_ =	strace s3  }
0x97: {  	_ =	strace $0x8FFFFFFF  }
0x98: {  	s19 =	sld [smem:$0x3FDB];
	_ =	sdelay $0x1  }
0x99: {  	s4 =	simm.s32 $_scs_section_size  }
0x9a: {  	s5 =	simm.s32 $_size__tile_overlayer_lowered;
	s6 =	simm.s32 $_tile_overlayer_lowered  }
0x9b: {  	s22 =	simm.s32 $0x1BFF;
	s21 =	sshll.u32 s6, $0x1;
	s3 =	sadd.s32 s4, s19  }
0x9c: {  	s7 =	simm.s32 $0x0;
	s20 =	sshll.u32 s5, $0x1;
	s5 =	sadd.s32 s21, s3  }
0x9d: {  	[timem:s7], [sflag:s22] =	dma.local [hbm:s5], s20  }
0x9e: {  	_ =	swait.ge [sflag:s22], s20  }
0x9f: {  	s4 =	ssub.s32 $0x0, s20;
	[sflag:s22] =	ssyncset.done $0x0  }
0xa0: {  	[sflag:s22] =	ssyncadd.s32 s4;
	_ =	sdelay $0x1  }
0xa1: {  	s23 =	simm.s32 $0x1B8B  }
0xa2: {  	_ =	swait.ge [sflag:s23], $0x1  }
0xa3: {  	[sflag:s23] =	ssyncset.done $0x0  }
0xa4: {  	s25 =	simm.s32 $0x1B8E;
	s24 =	sld [smem:$0x3FFE];
	[sflag:s23] =	ssyncadd.s32 $0xFFFFFFFF  }
0xa5: {  	s26 =	simm.s32 $execute0_lowered;
	[smem:$0x3FD2] =	sst s25  }
0xa6: {  	s5 =	sshll.u32 s26, $0x1;
	_ =	strace $0x80000046;
	[dreg:$0x1] =	wrdreg $0xFFFFFFFF  }
0xa7: {  	s28 =	simm.s32 $_size_execute0_lowered;
	s3 =	sadd.s32 s3, s5;
	[dreg:$0x0] =	wrdreg $0x0  }
0xa8: {  	s5 =	sshll.u32 s28, $0x1;
	[dreg:$0x2] =	wrdreg s3  }
0xa9: {  	[dreg:$0x3] =	wrdreg s5  }
0xaa: {  	[dreg:$0x4] =	wrdreg $0xC0  }
0xab: {  	_ =	task [dreg:s7], $0x5FFFF  }
0xac: {  	[dreg:$0x1] =	wrdreg $0xFFFFFFFF  }
0xad: {  	[dreg:$0x0] =	wrdreg $0x60  }
0xae: {  	[dreg:$0x2] =	wrdreg s24  }
0xaf: {  	[dreg:$0x3] =	wrdreg s2  }
0xb0: {  	[dreg:$0x4] =	wrdreg $0x0  }
0xb1: {  	[dreg:$0x5] =	wrdreg $0x9  }
0xb2: {  	_ =	task.clear_ibuf [dreg:s7], $0x6FFFF;
	_ =	strace $0x90000046  }
0xb3: {  	s29 =	simm.s32 $0x9;
	_ =	strace $0x80000048  }
0xb4: {  	_ =	swait.ge [sflag:s29], $0x1  }
0xb5: {  	[sflag:s29] =	ssyncadd.s32 $0xFFFFFFFF  }
0xb6: {  	_ =	strace $0x90000048  }
0xb7: {  	_ =	sfence  }
0xb8: {  	s30 =	sld [smem:$0x0];
	_ =	sdelay $0x2  }
0xb9: {  	s31 =	sshll.u32 s1, $0xD;
	s1 =	sshrl.u32 s1, $0x2  }
0xba: {  	s3 =	sand.u32 $0x4000, s31;
	s1 =	sadd.s32 s1, s30  }
0xbb: {  	s0 =	sor.u32 s3, s0;
	s1 =	sshll.u32 s1, $0x11  }
0xbc: {  	s0 =	sor.u32 s1, s0  }
0xbd: {  	s0 =	sadd.s32 $0x8F2B, s0  }
0xbe: {  	[sflag:s0] =	ssyncadd.remote.s32 $0x1  }
0xbf: {  	_ =	sfence.sel $0xFFFF  }
0xc0: {  	[dreg:$0x0] =	wrdreg $0xFFFFFFFF;
	(pc) =	sbr.abs _section_cstart, $3  }
0xc1: {  	[dreg:$0x1] =	wrdreg $0xFFFFFFFF  }
0xc2: {  	_ =	task.clear_ibuf [dreg:s7], $0x2FFFF;
	_ =	strace $0x9FFFFFFF  }
0xc3: {  	(tm) =	ssettm $0x7FFFFFFF  }
tec
execute0_lowered:
.L_overlay_start_1:
0x0: {  	(tag) =	ssettag $0x1  }
0x1: {  	s6 =	rddreg [dreg:$0x0]  }
0x2: {  	s2 =	rddreg [dreg:$0x1]  }
0x3: {  	s0 =	srdreg.scid;
	s3 =	rddreg [dreg:$0x2]  }
0x4: {  	s4 =	simm.s32 $0x0;
	s5 =	sand.u32 $0x1, s0;
	s0 =	stileid.u32  }
0x5: {  	s13 =	simm.s32 $0x16400;
	s14 =	simm.s32 $0x80;
	s8 =	smul.u32 $0x2780, s0  }
0x6: {  	s15 =	simm.s32 $0x0;
	[smem:$0x7FF] =	sst s4;
	s9 =	smul.u32 $0x27800, s5  }
0x7: {  	s1 =	sshll.u32 s5, $0x4;
	s5 =	ssub.s32 $0x2, s5;
	s10 =	smul.u32 $0x4F000, s0  }
0x8: {  	s31 =	sshll.u32 s0, $0x6;
	s1 =	sor.u32 s0, s1;
	s29 =	sshrl.u32 s5, $0x1  }
0x9: {  	s7 =	smul.u32 $0x500, s1;
	s1 =	rddreg [dreg:$0x3];
	_ =	strace $0x80000047  }
0xa: {  	s9 =	sadd.s32 s8, s9;
	s8 =	sadd.s32 s8, s6;
	s11 =	ssub.s32 s5, s29  }
0xb: {  	s30 =	sshrl.u32 s10, $0x2;
	s10 =	simm.s32 $0x1;
	s9 =	sadd.s32 s9, s6  }
0xc: {  	s12 =	sadd.s32 s30, s3;
	s7 =	sadd.s32 s7, s6;
	s6 =	sadd.s32 $0x17E00, s8  }
0xd: {  	s8 =	smax.u32 s11, $0x1;
	s11 =	sor.u32 $0x1C01, s31;
	s12 =	sshrl.u32 s12, $0x3  }
0xe: {  	s5 =	sadd.s32 $0x3E00, s7;
	s7 =	sadd.s32 $0x3F600, s9;
	s9 =	simm.s32 $0x13C00  }
.LBB2_1:
0xf: {  	[tilespmem:s9], [sflag:$0x1] =	stream.linear.gather [hbm4b:s5+s4], $0x2800, $0x38;
	[tilespmem:$0x1A400] =	vst v63  }
0x10: {  	_ =	swait.ge [sflag:s10], $0x2800  }
0x11: {  	[sflag:s10] =	ssyncset.done $0x0  }
0x12: {  	[sflag:s10] =	ssyncadd.s32 $0xFFFFD800  }
0x13: {  	[spmem:s12], [sflag:s11] =	dma.local [hbm:s6], $0x2780  }
0x14: {  	_ =	swait.ge [sflag:s10], $0x2780  }
0x15: {  	[sflag:s10] =	ssyncset.done $0x0  }
0x16: {  	[sflag:s10] =	ssyncadd.s32 $0xFFFFD880  }
0x17: {  	[tilespmem:s13], [sflag:$0x1] =	stream.linear.gather [hbm4b:s2+s4], $0x4000, $0x38;
	[tilespmem:$0x1A400] =	vst v63  }
0x18: {  	_ =	swait.ge [sflag:s10], $0x4000  }
0x19: {  	[sflag:s10] =	ssyncset.done $0x0  }
0x1a: {  	[sflag:s10] =	ssyncadd.s32 $0xFFFFC000  }
0x1b: {  	s16 =	simm.s32 $0x13C00;
	[bflag:$0x0] =	sbarrier.arrive $0xFFFF  }
0x1c: {  	[spmem:s3] =	stream.indirect.scatter.add.f32 [tilespmem:s13], [sflag:$0x1], $0x80, s16, s14, $0xb8;
	[tilespmem:$0x1A400] =	vst v63  }
0x1d: {  	s16 =	simm.s32 $0x200;
	_ =	swait.ge [sflag:s10], $0x4000  }
.LBB2_2:
0x1e: {  	s17 =	sshra.s32 s16, $0x2;
	[sflag:s10] =	ssyncset.done $0x0;
	p0 =	sne.s32 s16, $0x9E00  }
.Ltmp0:
0x1f: {  	s17 =	sadd.s32 $0x13C00, s17;
	[sflag:s10] =	ssyncadd.s32 $0xFFFFC000;
	(pc) =	sbr.rel @p0 .LBB2_2-.Ltmp0, $3  }
0x20: {  	[spmem:s3] =	stream.indirect.scatter.add.f32 [tilespmem:s13], [sflag:$0x1], $0x80, s17, s14, $0xb8;
	[tilespmem:$0x1A400] =	vst v63  }
0x21: {  	s16 =	sadd.s32 $0x200, s16;
	_ =	sdelay $0x1  }
0x22: {  	_ =	swait.ge [sflag:s10], $0x4000  }
0x23: {  	[sflag:s10] =	ssyncset.done $0x0;
	s15 =	sadd.s32 $0x1, s15  }
0x24: {  	[sflag:s10] =	ssyncadd.s32 $0xFFFFC000;
	p0 =	sne.s32 s15, s8  }
.Ltmp1:
0x25: {  	[bflag:$0x0] =	sbarrier.arrive $0xFFFF;
	(pc) =	sbr.rel @p0 .LBB2_1-.Ltmp1, $4  }
0x26: {  	[hbm:s7], [sflag:s11] =	dma.local [spmem:s12], $0x2780  }
0x27: {  	_ =	swait.ge [sflag:s10], $0x2780  }
0x28: {  	[sflag:s10] =	ssyncset.done $0x0  }
0x29: {  	[sflag:s10] =	ssyncadd.s32 $0xFFFFD880  }
0x2a: {  	_ =	sfence.sel $0x180000  }
0x2b: {  	[bflag:$0x0] =	sbarrier.arrive $0xFFFF  }
0x2c: {  	p0 =	sne.s32 s0, $0x0;
	_ =	strace $0x90000047  }
0x2d: {  	s0 =	sadd.s32 @!p0 $0x100000, s1;
	[bflag:$0x2] =	sbarrier.arrive $0xFFFF  }
0x2e: {  	[sflag:s0] =	ssyncadd.tile.s32 @!p0 $0x1;
	_ =	shalt  }
.Lfunc_end2:
_tile_overlayer_lowered:
.L_overlay_start_2:
0x2f: {  	(tag) =	ssettag $0x2  }
0x30: {  	s0 =	rddreg [dreg:$0x0];
	s2 =	stileid.u32  }
0x31: {  	s1 =	rddreg [dreg:$0x1];
	p0 =	sne.s32 s2, $0x0  }
0x32: {  	s3 =	rddreg [dreg:$0x2];
	[bflag:$0x3] =	sbarrier.arrive $0xFFFF;
	s2 =	simm.s32 @!p0 $0x1C01  }
0x33: {  	[timem:s3], [sflag:s2] =	dma.local @!p0 [hbm:s0], s1  }
0x34: {  	s0 =	simm.s32 @!p0 $0x1  }
0x35: {  	_ =	swait.ge @!p0 [sflag:s0], s1  }
0x36: {  	s1 =	ssub.s32 @!p0 $0x0, s1;
	[sflag:s0] =	ssyncset.done @!p0 $0x0  }
0x37: {  	[sflag:s0] =	ssyncadd.s32 @!p0 s1  }
0x38: {  	[bflag:$0x3] =	sbarrier.arrive $0xFFFF  }
0x39: {  	_ =	shalt  }

// kernel: kernel.16.cloned.1.call-start
scs
__scs_entry_jumppad:
0x0: {  	(pc) =	sbr.rel $0x88, $3  }
0x1: {  	(tag) =	ssettag $0x0;
	lr =	simm.s32 $0x1  }
0x2: {  	[smem:$0x3F96] =	sst lr;
	_ =	strace $0xD0000000  }
0x3: {  	_ = 	snop  }
0x4: {  	_ = 	snop  }
0x5: {  	_ = 	snop  }
0x6: {  	_ = 	snop  }
0x7: {  	_ = 	snop  }
__scs_overlays_trampoline_lowered:
0x8: {  	[smem:$0x3FA5] =	sst s0  }
0x9: {  	[smem:$0x3FA6] =	sst s1  }
0xa: {  	[smem:$0x3FA7] =	sst s2  }
0xb: {  	[smem:$0x3FA8] =	sst s3  }
0xc: {  	[smem:$0x3FA9] =	sst s4  }
0xd: {  	[smem:$0x3FAA] =	sst s5  }
0xe: {  	[smem:$0x3FAB] =	sst s6  }
0xf: {  	[smem:$0x3FAC] =	sst s7  }
0x10: {  	[smem:$0x3FAD] =	sst s8  }
0x11: {  	[smem:$0x3FAE] =	sst s9;
	s0 =	simm.s32 @!p0 $0x0  }
0x12: {  	s1 =	sld [smem:$0x3F94];
	s0 =	simm.s32 @p0 $0x1  }
0x13: {  	[smem:$0x3FAF] =	sst s0;
	s0 =	simm.s32 @!p1 $0x0  }
0x14: {  	s2 =	sld [smem:$0x3F93];
	s0 =	simm.s32 @p1 $0x1  }
0x15: {  	[smem:$0x3FB0] =	sst s0;
	s0 =	simm.s32 @!p2 $0x0  }
0x16: {  	s3 =	sld [smem:$0x3FDB];
	s0 =	simm.s32 @p2 $0x1  }
0x17: {  	s4 =	simm.s32 $0x1BF5;
	[smem:$0x3FB2] =	sst s0  }
0x18: {  	s0 =	sld [smem:$0x3F95];
	_ =	swait.ge [sflag:s4], $0x0  }
0x19: {  	s7 =	sld [smem:$0x3F96]  }
0x1a: {  	s8 =	sadd.s32 $0xFFFFE003, lr  }
0x1b: {  	s9 =	sadd.s32 $0xFFFFFEF7, lr;
	s5 =	simm.s32 $0xFFFFFFFF;
	p2 =	slt.u32 s8, $0xFFFFF086  }
0x1c: {  	p1 =	slt.u32 s9, $0xF7A;
	s5 =	simm.s32 @!p2 $0x0  }
0x1d: {  	s5 =	simm.s32 @p1 $0x1;
	p0 =	seq.s32 s7, s2  }
0x1e: {  	s7 =	smul.u32 @!p0 $0xF7A, s2;
	p2 =	seq.s32 @!p0 s5, $0x0  }
0x1f: {  	s9 =	smul.u32 $0xF7A, s1;
	s8 =	simm.s32 @!p0 $0x1BF5;
	p2 =	por !p2, p0  }
0x20: {  	[sflag:s8] =	ssyncset.s32 @!p0 $0xFFFFF086;
	s6 =	sadd.s32 @!p0 s3, s7;
	s7 =	simm.s32 @!p0 $0x108  }
0x21: {  	s3 =	sadd.s32 s3, s9;
	s6 =	sadd.s32 @!p0 $0x88, s6;
	s7 =	simm.s32 @p2 $0x1082  }
0x22: {  	[simem:s7], [sflag:s8] =	dma.local @!p0 [hbm:s6], $0xF7A  }
0x23: {  	s9 =	sor.u32 $0xD0000000, s2;
	s6 =	simm.s32 $0x108;
	_ =	swait.ge @!p0 [sflag:s8], $0x0  }
0x24: {  	s3 =	sadd.s32 $0x88, s3;
	s6 =	simm.s32 @!p1 $0x1082;
	[sflag:s4] =	ssyncset.s32 $0xFFFFF086  }
0x25: {  	[simem:s6], [sflag:s4] =	dma.local [hbm:s3], $0xF7A  }
0x26: {  	[smem:$0x3F96] =	sst s1;
	(tag) =	ssettag s2;
	_ =	strace s9  }
0x27: {  	s1 =	sld [smem:$0x3FA6]  }
0x28: {  	s2 =	sld [smem:$0x3FA7]  }
0x29: {  	s4 =	sld [smem:$0x3FA9]  }
0x2a: {  	p0 =	seq.s32 s5, $0x0;
	s5 =	sld [smem:$0x3FAA]  }
0x2b: {  	s6 =	sld [smem:$0x3FAB]  }
0x2c: {  	s7 =	sld [smem:$0x3FAC]  }
0x2d: {  	s3 =	simm.s32 $0x108;
	s8 =	sld [smem:$0x3FAD]  }
0x2e: {  	s3 =	simm.s32 @!p0 $0x1082;
	s9 =	sld [smem:$0x3FAE]  }
0x2f: {  	lr =	sadd.s32 s0, s3;
	s0 =	sld [smem:$0x3FA5]  }
0x30: {  	s3 =	sld [smem:$0x3FA8]  }
0x31: {  	[smem:$0x3FB1] =	sst s10  }
0x32: {  	s10 =	sld [smem:$0x3FAF];
	_ =	sdelay $0x3  }
0x33: {  	p0 =	seq.s32 s10, $0x1;
	s10 =	sld [smem:$0x3FB1];
	_ =	sdelay $0x3  }
0x34: {  	[smem:$0x3FB1] =	sst s10  }
0x35: {  	s10 =	sld [smem:$0x3FB0];
	_ =	sdelay $0x3  }
0x36: {  	p1 =	seq.s32 s10, $0x1;
	s10 =	sld [smem:$0x3FB1];
	_ =	sdelay $0x3  }
0x37: {  	[smem:$0x3FB1] =	sst s10  }
0x38: {  	s10 =	sld [smem:$0x3FB2]  }
0x39: {  	_ = 	snop;
	(pc) =	sbr.ind lr, $3  }
0x3a: {  	_ = 	snop  }
0x3b: {  	_ = 	snop  }
0x3c: {  	p2 =	seq.s32 s10, $0x1;
	s10 =	sld [smem:$0x3FB1]  }
0x3d: {  	_ =	shalt  }
0x3e: {  	_ =	shalt  }
0x3f: {  	_ =	shalt  }
0x40: {  	_ =	shalt  }
0x41: {  	_ =	shalt  }
0x42: {  	_ =	shalt  }
0x43: {  	_ =	shalt  }
0x44: {  	_ =	shalt  }
0x45: {  	_ =	shalt  }
0x46: {  	_ =	shalt  }
0x47: {  	_ =	shalt  }
0x48: {  	_ =	shalt  }
0x49: {  	_ =	shalt  }
0x4a: {  	_ =	shalt  }
0x4b: {  	_ =	shalt  }
0x4c: {  	_ =	shalt  }
0x4d: {  	_ =	shalt  }
0x4e: {  	_ =	shalt  }
0x4f: {  	_ =	shalt  }
0x50: {  	_ =	shalt  }
0x51: {  	_ =	shalt  }
0x52: {  	_ =	shalt  }
0x53: {  	_ =	shalt  }
0x54: {  	_ =	shalt  }
0x55: {  	_ =	shalt  }
0x56: {  	_ =	shalt  }
0x57: {  	_ =	shalt  }
0x58: {  	_ =	shalt  }
0x59: {  	_ =	shalt  }
0x5a: {  	_ =	shalt  }
0x5b: {  	_ =	shalt  }
0x5c: {  	_ =	shalt  }
0x5d: {  	_ =	shalt  }
0x5e: {  	_ =	shalt  }
0x5f: {  	_ =	shalt  }
0x60: {  	_ =	shalt  }
0x61: {  	_ =	shalt  }
0x62: {  	_ =	shalt  }
0x63: {  	_ =	shalt  }
0x64: {  	_ =	shalt  }
0x65: {  	_ =	shalt  }
0x66: {  	_ =	shalt  }
0x67: {  	_ =	shalt  }
0x68: {  	_ =	shalt  }
0x69: {  	_ =	shalt  }
0x6a: {  	_ =	shalt  }
0x6b: {  	_ =	shalt  }
0x6c: {  	_ =	shalt  }
0x6d: {  	_ =	shalt  }
0x6e: {  	_ =	shalt  }
0x6f: {  	_ =	shalt  }
0x70: {  	_ =	shalt  }
0x71: {  	_ =	shalt  }
0x72: {  	_ =	shalt  }
0x73: {  	_ =	shalt  }
0x74: {  	_ =	shalt  }
0x75: {  	_ =	shalt  }
0x76: {  	_ =	shalt  }
0x77: {  	_ =	shalt  }
0x78: {  	_ =	shalt  }
0x79: {  	_ =	shalt  }
0x7a: {  	_ =	shalt  }
0x7b: {  	_ =	shalt  }
0x7c: {  	_ =	shalt  }
0x7d: {  	_ =	shalt  }
0x7e: {  	_ =	shalt  }
0x7f: {  	_ =	shalt  }
0x80: {  	_ =	shalt  }
0x81: {  	_ =	shalt  }
0x82: {  	_ =	shalt  }
0x83: {  	_ =	shalt  }
0x84: {  	_ =	shalt  }
0x85: {  	_ =	shalt  }
0x86: {  	_ =	shalt  }
0x87: {  	_ =	shalt  }
.Lfunc_end0:
.L_simem_size_0:
called_computation.1_lowered:
.L_overlay_start_0:
0x88: {  	s2 =	sld [smem:$0x3FD9]  }
0x89: {  	s3 =	sld [smem:$0x3FFE];
	_ =	sdelay $0x1  }
0x8a: {  	s1 =	srdreg.scid  }
0x8b: {  	s0 =	sand.u32 $0x1, s1  }
0x8c: {  	s16 =	sshll.u32 s0, $0xA;
	s2 =	sadd.s32 s3, s2  }
0x8d: {  	s2 =	sadd.s32 s2, s16  }
0x8e: {  	[smem:$0x3FBD] =	sst s2  }
0x8f: {  	_ = 	snop  }
0x90: {  	(tm) =	ssettm $0x1  }
0x91: {  	s17 =	sld [smem:$0x3FFB];
	_ =	sdelay $0x3  }
0x92: {  	_ =	strace s17  }
0x93: {  	s2 =	sld [smem:$0x3FFC];
	_ =	sdelay $0x3  }
0x94: {  	_ =	strace s2  }
0x95: {  	s2 =	sld [smem:$0x3FFD];
	_ =	sdelay $0x3  }
0x96: {  	_ =	strace s2  }
0x97: {  	_ =	strace $0x8FFFFFFF  }
0x98: {  	s18 =	sld [smem:$0x3FDB];
	_ =	sdelay $0x1  }
0x99: {  	s19 =	simm.s32 $_scs_section_size  }
0x9a: {  	s4 =	simm.s32 $_size__tile_overlayer_lowered;
	s5 =	simm.s32 $_tile_overlayer_lowered  }
0x9b: {  	s22 =	simm.s32 $0x1BFF;
	s21 =	sshll.u32 s5, $0x1;
	s2 =	sadd.s32 s19, s18  }
0x9c: {  	s6 =	simm.s32 $0x0;
	s20 =	sshll.u32 s4, $0x1;
	s4 =	sadd.s32 s21, s2  }
0x9d: {  	[timem:s6], [sflag:s22] =	dma.local [hbm:s4], s20  }
0x9e: {  	_ =	swait.ge [sflag:s22], s20  }
0x9f: {  	s3 =	ssub.s32 $0x0, s20;
	[sflag:s22] =	ssyncset.done $0x0  }
0xa0: {  	[sflag:s22] =	ssyncadd.s32 s3;
	_ =	sdelay $0x1  }
0xa1: {  	s23 =	simm.s32 $0x1B8B  }
0xa2: {  	_ =	swait.ge [sflag:s23], $0x1  }
0xa3: {  	[sflag:s23] =	ssyncset.done $0x0  }
0xa4: {  	s25 =	simm.s32 $0x1B8E;
	s24 =	sld [smem:$0x3FFE];
	[sflag:s23] =	ssyncadd.s32 $0xFFFFFFFF  }
0xa5: {  	s26 =	simm.s32 $execute0_lowered;
	[smem:$0x3FD2] =	sst s25  }
0xa6: {  	s4 =	sshll.u32 s26, $0x1;
	_ =	strace $0x80000049;
	[dreg:$0x1] =	wrdreg $0xFFFFFFFF  }
0xa7: {  	s28 =	simm.s32 $_size_execute0_lowered;
	s2 =	sadd.s32 s2, s4;
	[dreg:$0x0] =	wrdreg $0x0  }
0xa8: {  	s4 =	sshll.u32 s28, $0x1;
	[dreg:$0x2] =	wrdreg s2  }
0xa9: {  	[dreg:$0x3] =	wrdreg s4  }
0xaa: {  	[dreg:$0x4] =	wrdreg $0xC0  }
0xab: {  	_ =	task [dreg:s6], $0x5FFFF  }
0xac: {  	[dreg:$0x1] =	wrdreg $0xFFFFFFFF  }
0xad: {  	[dreg:$0x0] =	wrdreg $0x60  }
0xae: {  	[dreg:$0x2] =	wrdreg s24  }
0xaf: {  	[dreg:$0x3] =	wrdreg $0x0  }
0xb0: {  	[dreg:$0x4] =	wrdreg $0x9  }
0xb1: {  	_ =	task.clear_ibuf [dreg:s6], $0x5FFFF;
	_ =	strace $0x90000049  }
0xb2: {  	s29 =	simm.s32 $0x9;
	_ =	strace $0x8000004B  }
0xb3: {  	_ =	swait.ge [sflag:s29], $0x1  }
0xb4: {  	[sflag:s29] =	ssyncadd.s32 $0xFFFFFFFF  }
0xb5: {  	_ =	strace $0x9000004B  }
0xb6: {  	_ =	sfence  }
0xb7: {  	s30 =	sld [smem:$0x0];
	_ =	sdelay $0x2  }
0xb8: {  	s31 =	sshll.u32 s1, $0xD;
	s1 =	sshrl.u32 s1, $0x2  }
0xb9: {  	s3 =	sand.u32 $0x4000, s31;
	s1 =	sadd.s32 s1, s30  }
0xba: {  	s0 =	sor.u32 s3, s0;
	s1 =	sshll.u32 s1, $0x11  }
0xbb: {  	s0 =	sor.u32 s1, s0  }
0xbc: {  	s0 =	sadd.s32 $0x8F2B, s0  }
0xbd: {  	[sflag:s0] =	ssyncadd.remote.s32 $0x1  }
0xbe: {  	_ =	sfence.sel $0xFFFF  }
0xbf: {  	[dreg:$0x0] =	wrdreg $0xFFFFFFFF;
	(pc) =	sbr.abs _section_cstart, $3  }
0xc0: {  	[dreg:$0x1] =	wrdreg $0xFFFFFFFF  }
0xc1: {  	_ =	task.clear_ibuf [dreg:s6], $0x2FFFF;
	_ =	strace $0x9FFFFFFF  }
0xc2: {  	(tm) =	ssettm $0x7FFFFFFF  }
0xc3: {  	_ =	shalt  }
tec
execute0_lowered:
.L_overlay_start_1:
0x0: {  	(tag) =	ssettag $0x1  }
0x1: {  	s0 =	rddreg [dreg:$0x0];
	s9 =	stileid.u32  }
0x2: {  	s1 =	srdreg.scid;
	s2 =	rddreg [dreg:$0x1]  }
0x3: {  	s3 =	simm.s32 $0x0;
	s12 =	simm.s32 $0x13C80;
	s14 =	simm.s32 $0x13D00  }
0x4: {  	s15 =	simm.s32 $0x14480;
	s16 =	simm.s32 $0x13D80;
	s17 =	simm.s32 $0x14500  }
0x5: {  	s18 =	simm.s32 $0x13E00;
	s19 =	simm.s32 $0x14580;
	[smem:$0x7FF] =	sst s3  }
0x6: {  	s20 =	simm.s32 $0x13E80;
	_ =	strace $0x8000004A;
	[dreg:$0x5] =	wrdreg s12  }
0x7: {  	s21 =	simm.s32 $0x14600;
	s22 =	simm.s32 $0x13F00;
	[dreg:$0x6] =	wrdreg s14  }
0x8: {  	s23 =	simm.s32 $0x14680;
	s24 =	simm.s32 $0x13F80;
	[dreg:$0x7] =	wrdreg s15  }
0x9: {  	s25 =	simm.s32 $0x14700;
	s28 =	simm.s32 $0x14280;
	[dreg:$0x8] =	wrdreg s16  }
0xa: {  	s29 =	simm.s32 $0x14A00;
	s30 =	simm.s32 $0x14300;
	[dreg:$0x9] =	wrdreg s17  }
0xb: {  	s31 =	simm.s32 $0x14A80;
	s4 =	smul.u32 $0x2800, s9;
	[dreg:$0xa] =	wrdreg s18  }
0xc: {  	s1 =	sand.u32 $0x1, s1;
	s6 =	smul.u32 $0x2780, s9;
	[dreg:$0xb] =	wrdreg s19  }
0xd: {  	s8 =	smul.u32 $0x4F000, s9;
	s13 =	sshll.u32 s9, $0x6;
	[dreg:$0xc] =	wrdreg s20  }
0xe: {  	s9 =	simm.s32 $0x0;
	p0 =	seq.s32 s1, $0x0;
	[dreg:$0xd] =	wrdreg s21  }
0xf: {  	s7 =	smul.u32 $0x27800, s1;
	s1 =	ssub.s32 $0x2, s1;
	[dreg:$0xe] =	wrdreg s22  }
0x10: {  	s12 =	simm.s32 $0x14400;
	s14 =	simm.s32 $0x14C00;
	[dreg:$0xf] =	wrdreg s23  }
0x11: {  	s15 =	simm.s32 $0x18C00;
	s16 =	simm.s32 $0x1;
	[dreg:$0x10] =	wrdreg s24  }
0x12: {  	s17 =	simm.s32 $0x2;
	[dreg:$0x11] =	wrdreg s25;
	s18 =	simm.s32 $0x14780  }
0x13: {  	s19 =	simm.s32 $0x14080;
	s20 =	simm.s32 $0x14800;
	s21 =	simm.s32 $0x14100  }
0x14: {  	s22 =	simm.s32 $0x14880;
	s23 =	simm.s32 $0x14180;
	s24 =	simm.s32 $0x14900  }
0x15: {  	s25 =	simm.s32 $0x14200;
	s5 =	sadd.s32 $0x28000, s4;
	s26 =	sshrl.u32 s1, $0x1  }
0x16: {  	s10 =	sshrl.u32 s8, $0x2;
	s8 =	sor.u32 $0x1C03, s13;
	s13 =	simm.s32 $0x80  }
0x17: {  	s5 =	smov.u32 @p0 s4;
	s4 =	sadd.s32 $0x3F600, s0;
	s7 =	sadd.s32 s6, s7  }
0x18: {  	s6 =	sadd.s32 s6, s0;
	s1 =	ssub.s32 s1, s26;
	s26 =	simm.s32 $0x14000  }
0x19: {  	[dreg:$0x14] =	wrdreg s8;
	s5 =	sshrl.u32 s5, $0x3;
	s6 =	sadd.s32 $0x17E00, s6  }
0x1a: {  	s1 =	smax.u32 s1, $0x1;
	[dreg:$0x12] =	wrdreg s26;
	s26 =	simm.s32 $0x14980  }
0x1b: {  	s5 =	sadd.s32 s5, s0;
	s0 =	sadd.s32 s7, s0;
	[dreg:$0x13] =	wrdreg s6  }
0x1c: {  	s7 =	sadd.s32 s10, s2;
	[dreg:$0x16] =	wrdreg s1;
	s11 =	sadd.s32 $0x3E00, s5  }
0x1d: {  	s10 =	simm.s32 $0x3;
	s5 =	sadd.s32 $0xDE00, s5;
	[dreg:$0x3] =	wrdreg s11  }
0x1e: {  	s1 =	simm.s32 $0x14380;
	s0 =	sadd.s32 $0x66800, s0;
	[dreg:$0x4] =	wrdreg s5  }
0x1f: {  	s7 =	sshrl.u32 s7, $0x3;
	[dreg:$0x15] =	wrdreg s0;
	s11 =	simm.s32 $0x13C00  }
0x20: {  	s0 =	simm.s32 $0x14B00;
	s5 =	simm.s32 $0x14B80;
	[dreg:$0x17] =	wrdreg s7  }
.LBB2_1:
0x21: {  	[dreg:$0x18] =	wrdreg s9  }
0x22: {  	s6 =	rddreg [dreg:$0x13]  }
0x23: {  	[spmem:s7], [sflag:s8] =	dma.local [hbm:s6], $0x2780  }
0x24: {  	_ =	swait.ge [sflag:s10], $0x2780  }
0x25: {  	[sflag:s10] =	ssyncset.done $0x0  }
0x26: {  	[sflag:s10] =	ssyncadd.s32 $0xFFFFD880  }
0x27: {  	[bflag:$0x0] =	sbarrier.arrive $0xFFFF  }
0x28: {  	s9 =	rddreg [dreg:$0x4]  }
0x29: {  	s6 =	sadd.s32 $0x0, s9  }
0x2a: {  	[tilespmem:s11], [sflag:$0x3] =	stream.linear.gather [hbm4b:s6+s3], $0x800, $0x38;
	[tilespmem:$0x1CC00] =	vst v63  }
0x2b: {  	_ =	swait.ge [sflag:s10], $0x800  }
0x2c: {  	s7 =	rddreg [dreg:$0x3];
	[sflag:s10] =	ssyncset.done $0x0  }
0x2d: {  	[sflag:s10] =	ssyncadd.s32 $0xFFFFF800;
	s6 =	sadd.s32 $0x0, s7  }
0x2e: {  	[tilespmem:s12], [sflag:$0x3] =	stream.linear.gather [hbm4b:s6+s3], $0x800, $0x38;
	[tilespmem:$0x1CC00] =	vst v63  }
0x2f: {  	_ =	swait.ge [sflag:s10], $0x800  }
0x30: {  	[sflag:s10] =	ssyncset.done $0x0  }
0x31: {  	[sflag:s10] =	ssyncadd.s32 $0xFFFFF800  }
0x32: {  	[tilespmem:s14], [sflag:$0x1] =	stream.indirect.gather [hbm4b:s4+s13], $0x80, s11, s13, $0xb8;
	[tilespmem:$0x1CC00] =	vst v63  }
0x33: {  	s8 =	rddreg [dreg:$0x5]  }
0x34: {  	[tilespmem:s15], [sflag:$0x2] =	stream.indirect.gather [hbm4b:s4+s13], $0x80, s8, s13, $0xb8;
	[tilespmem:$0x1CC00] =	vst v63  }
0x35: {  	_ =	swait.ge [sflag:s16], $0x4000  }
0x36: {  	[sflag:s16] =	ssyncset.done $0x0  }
0x37: {  	[sflag:s16] =	ssyncadd.s32 $0xFFFFC000  }
0x38: {  	[spmem:s2] =	stream.indirect.scatter.add.f32 [tilespmem:s14], [sflag:$0x3], $0x80, s12, s13, $0xb8;
	[tilespmem:$0x1CC00] =	vst v63  }
0x39: {  	_ =	swait.ge [sflag:s10], $0x4000  }
0x3a: {  	[sflag:s10] =	ssyncset.done $0x0  }
0x3b: {  	s9 =	rddreg [dreg:$0x6];
	[sflag:s10] =	ssyncadd.s32 $0xFFFFC000  }
0x3c: {  	[tilespmem:s14], [sflag:$0x1] =	stream.indirect.gather [hbm4b:s4+s13], $0x80, s9, s13, $0xb8;
	[tilespmem:$0x1CC00] =	vst v63  }
0x3d: {  	_ =	swait.ge [sflag:s17], $0x4000  }
0x3e: {  	[sflag:s17] =	ssyncset.done $0x0  }
0x3f: {  	s7 =	rddreg [dreg:$0x7];
	[sflag:s17] =	ssyncadd.s32 $0xFFFFC000  }
0x40: {  	[spmem:s2] =	stream.indirect.scatter.add.f32 [tilespmem:s15], [sflag:$0x3], $0x80, s7, s13, $0xb8;
	[tilespmem:$0x1CC00] =	vst v63  }
0x41: {  	_ =	swait.ge [sflag:s10], $0x4000  }
0x42: {  	[sflag:s10] =	ssyncset.done $0x0  }
0x43: {  	s8 =	rddreg [dreg:$0x8];
	[sflag:s10] =	ssyncadd.s32 $0xFFFFC000  }
0x44: {  	[tilespmem:s15], [sflag:$0x2] =	stream.indirect.gather [hbm4b:s4+s13], $0x80, s8, s13, $0xb8;
	[tilespmem:$0x1CC00] =	vst v63  }
0x45: {  	_ =	swait.ge [sflag:s16], $0x4000  }
0x46: {  	[sflag:s16] =	ssyncset.done $0x0  }
0x47: {  	s9 =	rddreg [dreg:$0x9];
	[sflag:s16] =	ssyncadd.s32 $0xFFFFC000  }
0x48: {  	[spmem:s2] =	stream.indirect.scatter.add.f32 [tilespmem:s14], [sflag:$0x3], $0x80, s9, s13, $0xb8;
	[tilespmem:$0x1CC00] =	vst v63  }
0x49: {  	_ =	swait.ge [sflag:s10], $0x4000  }
0x4a: {  	[sflag:s10] =	ssyncset.done $0x0  }
0x4b: {  	s7 =	rddreg [dreg:$0xa];
	[sflag:s10] =	ssyncadd.s32 $0xFFFFC000  }
0x4c: {  	[tilespmem:s14], [sflag:$0x1] =	stream.indirect.gather [hbm4b:s4+s13], $0x80, s7, s13, $0xb8;
	[tilespmem:$0x1CC00] =	vst v63  }
0x4d: {  	_ =	swait.ge [sflag:s17], $0x4000  }
0x4e: {  	[sflag:s17] =	ssyncset.done $0x0  }
0x4f: {  	s8 =	rddreg [dreg:$0xb];
	[sflag:s17] =	ssyncadd.s32 $0xFFFFC000  }
0x50: {  	[spmem:s2] =	stream.indirect.scatter.add.f32 [tilespmem:s15], [sflag:$0x3], $0x80, s8, s13, $0xb8;
	[tilespmem:$0x1CC00] =	vst v63  }
0x51: {  	_ =	swait.ge [sflag:s10], $0x4000  }
0x52: {  	[sflag:s10] =	ssyncset.done $0x0  }
0x53: {  	s9 =	rddreg [dreg:$0xc];
	[sflag:s10] =	ssyncadd.s32 $0xFFFFC000  }
0x54: {  	[tilespmem:s15], [sflag:$0x2] =	stream.indirect.gather [hbm4b:s4+s13], $0x80, s9, s13, $0xb8;
	[tilespmem:$0x1CC00] =	vst v63  }
0x55: {  	_ =	swait.ge [sflag:s16], $0x4000  }
0x56: {  	[sflag:s16] =	ssyncset.done $0x0  }
0x57: {  	s7 =	rddreg [dreg:$0xd];
	[sflag:s16] =	ssyncadd.s32 $0xFFFFC000  }
0x58: {  	[spmem:s2] =	stream.indirect.scatter.add.f32 [tilespmem:s14], [sflag:$0x3], $0x80, s7, s13, $0xb8;
	[tilespmem:$0x1CC00] =	vst v63  }
0x59: {  	_ =	swait.ge [sflag:s10], $0x4000  }
0x5a: {  	[sflag:s10] =	ssyncset.done $0x0  }
0x5b: {  	s8 =	rddreg [dreg:$0xe];
	[sflag:s10] =	ssyncadd.s32 $0xFFFFC000  }
0x5c: {  	[tilespmem:s14], [sflag:$0x1] =	stream.indirect.gather [hbm4b:s4+s13], $0x80, s8, s13, $0xb8;
	[tilespmem:$0x1CC00] =	vst v63  }
0x5d: {  	_ =	swait.ge [sflag:s17], $0x4000  }
0x5e: {  	[sflag:s17] =	ssyncset.done $0x0  }
0x5f: {  	s9 =	rddreg [dreg:$0xf];
	[sflag:s17] =	ssyncadd.s32 $0xFFFFC000  }
0x60: {  	[spmem:s2] =	stream.indirect.scatter.add.f32 [tilespmem:s15], [sflag:$0x3], $0x80, s9, s13, $0xb8;
	[tilespmem:$0x1CC00] =	vst v63  }
0x61: {  	_ =	swait.ge [sflag:s10], $0x4000  }
0x62: {  	[sflag:s10] =	ssyncset.done $0x0  }
0x63: {  	s7 =	rddreg [dreg:$0x10];
	[sflag:s10] =	ssyncadd.s32 $0xFFFFC000  }
0x64: {  	[tilespmem:s15], [sflag:$0x2] =	stream.indirect.gather [hbm4b:s4+s13], $0x80, s7, s13, $0xb8;
	[tilespmem:$0x1CC00] =	vst v63  }
0x65: {  	_ =	swait.ge [sflag:s16], $0x4000  }
0x66: {  	[sflag:s16] =	ssyncset.done $0x0  }
0x67: {  	s8 =	rddreg [dreg:$0x11];
	[sflag:s16] =	ssyncadd.s32 $0xFFFFC000  }
0x68: {  	[spmem:s2] =	stream.indirect.scatter.add.f32 [tilespmem:s14], [sflag:$0x3], $0x80, s8, s13, $0xb8;
	[tilespmem:$0x1CC00] =	vst v63  }
0x69: {  	_ =	swait.ge [sflag:s10], $0x4000  }
0x6a: {  	[sflag:s10] =	ssyncset.done $0x0  }
0x6b: {  	s9 =	rddreg [dreg:$0x12];
	[sflag:s10] =	ssyncadd.s32 $0xFFFFC000  }
0x6c: {  	[tilespmem:s14], [sflag:$0x1] =	stream.indirect.gather [hbm4b:s4+s13], $0x80, s9, s13, $0xb8;
	[tilespmem:$0x1CC00] =	vst v63  }
0x6d: {  	_ =	swait.ge [sflag:s17], $0x4000  }
0x6e: {  	[sflag:s17] =	ssyncset.done $0x0  }
0x6f: {  	[sflag:s17] =	ssyncadd.s32 $0xFFFFC000  }
0x70: {  	[spmem:s2] =	stream.indirect.scatter.add.f32 [tilespmem:s15], [sflag:$0x3], $0x80, s18, s13, $0xb8;
	[tilespmem:$0x1CC00] =	vst v63  }
0x71: {  	_ =	swait.ge [sflag:s10], $0x4000  }
0x72: {  	[sflag:s10] =	ssyncset.done $0x0  }
0x73: {  	[sflag:s10] =	ssyncadd.s32 $0xFFFFC000  }
0x74: {  	[tilespmem:s15], [sflag:$0x2] =	stream.indirect.gather [hbm4b:s4+s13], $0x80, s19, s13, $0xb8;
	[tilespmem:$0x1CC00] =	vst v63  }
0x75: {  	_ =	swait.ge [sflag:s16], $0x4000  }
0x76: {  	[sflag:s16] =	ssyncset.done $0x0  }
0x77: {  	[sflag:s16] =	ssyncadd.s32 $0xFFFFC000  }
0x78: {  	[spmem:s2] =	stream.indirect.scatter.add.f32 [tilespmem:s14], [sflag:$0x3], $0x80, s20, s13, $0xb8;
	[tilespmem:$0x1CC00] =	vst v63  }
0x79: {  	_ =	swait.ge [sflag:s10], $0x4000  }
0x7a: {  	[sflag:s10] =	ssyncset.done $0x0  }
0x7b: {  	[sflag:s10] =	ssyncadd.s32 $0xFFFFC000  }
0x7c: {  	[tilespmem:s14], [sflag:$0x1] =	stream.indirect.gather [hbm4b:s4+s13], $0x80, s21, s13, $0xb8;
	[tilespmem:$0x1CC00] =	vst v63  }
0x7d: {  	_ =	swait.ge [sflag:s17], $0x4000  }
0x7e: {  	[sflag:s17] =	ssyncset.done $0x0  }
0x7f: {  	[sflag:s17] =	ssyncadd.s32 $0xFFFFC000  }
0x80: {  	[spmem:s2] =	stream.indirect.scatter.add.f32 [tilespmem:s15], [sflag:$0x3], $0x80, s22, s13, $0xb8;
	[tilespmem:$0x1CC00] =	vst v63  }
0x81: {  	_ =	swait.ge [sflag:s10], $0x4000  }
0x82: {  	[sflag:s10] =	ssyncset.done $0x0  }
0x83: {  	[sflag:s10] =	ssyncadd.s32 $0xFFFFC000  }
0x84: {  	[tilespmem:s15], [sflag:$0x2] =	stream.indirect.gather [hbm4b:s4+s13], $0x80, s23, s13, $0xb8;
	[tilespmem:$0x1CC00] =	vst v63  }
0x85: {  	_ =	swait.ge [sflag:s16], $0x4000  }
0x86: {  	[sflag:s16] =	ssyncset.done $0x0  }
0x87: {  	[sflag:s16] =	ssyncadd.s32 $0xFFFFC000  }
0x88: {  	[spmem:s2] =	stream.indirect.scatter.add.f32 [tilespmem:s14], [sflag:$0x3], $0x80, s24, s13, $0xb8;
	[tilespmem:$0x1CC00] =	vst v63  }
0x89: {  	_ =	swait.ge [sflag:s10], $0x4000  }
0x8a: {  	[sflag:s10] =	ssyncset.done $0x0  }
0x8b: {  	[sflag:s10] =	ssyncadd.s32 $0xFFFFC000  }
0x8c: {  	[tilespmem:s14], [sflag:$0x1] =	stream.indirect.gather [hbm4b:s4+s13], $0x80, s25, s13, $0xb8;
	[tilespmem:$0x1CC00] =	vst v63  }
0x8d: {  	_ =	swait.ge [sflag:s17], $0x4000  }
0x8e: {  	[sflag:s17] =	ssyncset.done $0x0  }
0x8f: {  	[sflag:s17] =	ssyncadd.s32 $0xFFFFC000  }
0x90: {  	[spmem:s2] =	stream.indirect.scatter.add.f32 [tilespmem:s15], [sflag:$0x3], $0x80, s26, s13, $0xb8;
	[tilespmem:$0x1CC00] =	vst v63  }
0x91: {  	_ =	swait.ge [sflag:s10], $0x4000  }
0x92: {  	[sflag:s10] =	ssyncset.done $0x0  }
0x93: {  	[sflag:s10] =	ssyncadd.s32 $0xFFFFC000  }
0x94: {  	[tilespmem:s15], [sflag:$0x2] =	stream.indirect.gather [hbm4b:s4+s13], $0x80, s28, s13, $0xb8;
	[tilespmem:$0x1CC00] =	vst v63  }
0x95: {  	_ =	swait.ge [sflag:s16], $0x4000  }
0x96: {  	[sflag:s16] =	ssyncset.done $0x0  }
0x97: {  	[sflag:s16] =	ssyncadd.s32 $0xFFFFC000  }
0x98: {  	[spmem:s2] =	stream.indirect.scatter.add.f32 [tilespmem:s14], [sflag:$0x3], $0x80, s29, s13, $0xb8;
	[tilespmem:$0x1CC00] =	vst v63  }
0x99: {  	_ =	swait.ge [sflag:s10], $0x4000  }
0x9a: {  	[sflag:s10] =	ssyncset.done $0x0  }
0x9b: {  	[sflag:s10] =	ssyncadd.s32 $0xFFFFC000  }
0x9c: {  	[tilespmem:s14], [sflag:$0x1] =	stream.indirect.gather [hbm4b:s4+s13], $0x80, s30, s13, $0xb8;
	[tilespmem:$0x1CC00] =	vst v63  }
0x9d: {  	_ =	swait.ge [sflag:s17], $0x4000  }
0x9e: {  	[sflag:s17] =	ssyncset.done $0x0  }
0x9f: {  	[sflag:s17] =	ssyncadd.s32 $0xFFFFC000  }
0xa0: {  	[spmem:s2] =	stream.indirect.scatter.add.f32 [tilespmem:s15], [sflag:$0x3], $0x80, s31, s13, $0xb8;
	[tilespmem:$0x1CC00] =	vst v63  }
0xa1: {  	_ =	swait.ge [sflag:s10], $0x4000  }
0xa2: {  	[sflag:s10] =	ssyncset.done $0x0  }
0xa3: {  	[sflag:s10] =	ssyncadd.s32 $0xFFFFC000  }
0xa4: {  	[tilespmem:s15], [sflag:$0x2] =	stream.indirect.gather [hbm4b:s4+s13], $0x80, s1, s13, $0xb8;
	[tilespmem:$0x1CC00] =	vst v63  }
0xa5: {  	_ =	swait.ge [sflag:s16], $0x4000  }
0xa6: {  	[sflag:s16] =	ssyncset.done $0x0  }
0xa7: {  	[sflag:s16] =	ssyncadd.s32 $0xFFFFC000  }
0xa8: {  	[spmem:s2] =	stream.indirect.scatter.add.f32 [tilespmem:s14], [sflag:$0x3], $0x80, s0, s13, $0xb8;
	[tilespmem:$0x1CC00] =	vst v63  }
0xa9: {  	_ =	swait.ge [sflag:s10], $0x4000  }
0xaa: {  	[sflag:s10] =	ssyncset.done $0x0  }
0xab: {  	[sflag:s10] =	ssyncadd.s32 $0xFFFFC000  }
0xac: {  	_ =	swait.ge [sflag:s17], $0x4000  }
0xad: {  	[sflag:s17] =	ssyncset.done $0x0  }
0xae: {  	[sflag:s17] =	ssyncadd.s32 $0xFFFFC000  }
0xaf: {  	[spmem:s2] =	stream.indirect.scatter.add.f32 [tilespmem:s15], [sflag:$0x3], $0x80, s5, s13, $0xb8;
	[tilespmem:$0x1CC00] =	vst v63  }
0xb0: {  	s6 =	simm.s32 $0x200;
	_ =	swait.ge [sflag:s10], $0x4000  }
0xb1: {  	s8 =	simm.s32 $0x100;
	s9 =	rddreg [dreg:$0x4];
	[sflag:s10] =	ssyncset.done $0x0  }
.LBB2_2:
0xb2: {  	[sflag:s10] =	ssyncadd.s32 $0xFFFFC000;
	s9 =	sadd.s32 s8, s9  }
0xb3: {  	[tilespmem:s11], [sflag:$0x3] =	stream.linear.gather [hbm4b:s9+s3], $0x800, $0x38;
	[tilespmem:$0x1CC00] =	vst v63  }
0xb4: {  	_ =	swait.ge [sflag:s10], $0x800  }
0xb5: {  	s9 =	rddreg [dreg:$0x3];
	[sflag:s10] =	ssyncset.done $0x0  }
0xb6: {  	[sflag:s10] =	ssyncadd.s32 $0xFFFFF800;
	s9 =	sadd.s32 s8, s9  }
0xb7: {  	[tilespmem:s12], [sflag:$0x3] =	stream.linear.gather [hbm4b:s9+s3], $0x800, $0x38;
	[tilespmem:$0x1CC00] =	vst v63  }
0xb8: {  	_ =	swait.ge [sflag:s10], $0x800  }
0xb9: {  	[sflag:s10] =	ssyncset.done $0x0  }
0xba: {  	[sflag:s10] =	ssyncadd.s32 $0xFFFFF800  }
0xbb: {  	[tilespmem:s14], [sflag:$0x1] =	stream.indirect.gather [hbm4b:s4+s13], $0x80, s11, s13, $0xb8;
	[tilespmem:$0x1CC00] =	vst v63  }
0xbc: {  	s9 =	rddreg [dreg:$0x5]  }
0xbd: {  	[tilespmem:s15], [sflag:$0x2] =	stream.indirect.gather [hbm4b:s4+s13], $0x80, s9, s13, $0xb8;
	[tilespmem:$0x1CC00] =	vst v63  }
0xbe: {  	_ =	swait.ge [sflag:s16], $0x4000  }
0xbf: {  	[sflag:s16] =	ssyncset.done $0x0  }
0xc0: {  	[sflag:s16] =	ssyncadd.s32 $0xFFFFC000  }
0xc1: {  	[spmem:s2] =	stream.indirect.scatter.add.f32 [tilespmem:s14], [sflag:$0x3], $0x80, s12, s13, $0xb8;
	[tilespmem:$0x1CC00] =	vst v63  }
0xc2: {  	_ =	swait.ge [sflag:s10], $0x4000  }
0xc3: {  	[sflag:s10] =	ssyncset.done $0x0  }
0xc4: {  	s9 =	rddreg [dreg:$0x6];
	[sflag:s10] =	ssyncadd.s32 $0xFFFFC000  }
0xc5: {  	[tilespmem:s14], [sflag:$0x1] =	stream.indirect.gather [hbm4b:s4+s13], $0x80, s9, s13, $0xb8;
	[tilespmem:$0x1CC00] =	vst v63  }
0xc6: {  	_ =	swait.ge [sflag:s17], $0x4000  }
0xc7: {  	[sflag:s17] =	ssyncset.done $0x0  }
0xc8: {  	s9 =	rddreg [dreg:$0x7];
	[sflag:s17] =	ssyncadd.s32 $0xFFFFC000  }
0xc9: {  	[spmem:s2] =	stream.indirect.scatter.add.f32 [tilespmem:s15], [sflag:$0x3], $0x80, s9, s13, $0xb8;
	[tilespmem:$0x1CC00] =	vst v63  }
0xca: {  	_ =	swait.ge [sflag:s10], $0x4000  }
0xcb: {  	[sflag:s10] =	ssyncset.done $0x0  }
0xcc: {  	s9 =	rddreg [dreg:$0x8];
	[sflag:s10] =	ssyncadd.s32 $0xFFFFC000  }
0xcd: {  	[tilespmem:s15], [sflag:$0x2] =	stream.indirect.gather [hbm4b:s4+s13], $0x80, s9, s13, $0xb8;
	[tilespmem:$0x1CC00] =	vst v63  }
0xce: {  	_ =	swait.ge [sflag:s16], $0x4000  }
0xcf: {  	[sflag:s16] =	ssyncset.done $0x0  }
0xd0: {  	s9 =	rddreg [dreg:$0x9];
	[sflag:s16] =	ssyncadd.s32 $0xFFFFC000  }
0xd1: {  	[spmem:s2] =	stream.indirect.scatter.add.f32 [tilespmem:s14], [sflag:$0x3], $0x80, s9, s13, $0xb8;
	[tilespmem:$0x1CC00] =	vst v63  }
0xd2: {  	_ =	swait.ge [sflag:s10], $0x4000  }
0xd3: {  	[sflag:s10] =	ssyncset.done $0x0  }
0xd4: {  	s9 =	rddreg [dreg:$0xa];
	[sflag:s10] =	ssyncadd.s32 $0xFFFFC000  }
0xd5: {  	[tilespmem:s14], [sflag:$0x1] =	stream.indirect.gather [hbm4b:s4+s13], $0x80, s9, s13, $0xb8;
	[tilespmem:$0x1CC00] =	vst v63  }
0xd6: {  	_ =	swait.ge [sflag:s17], $0x4000  }
0xd7: {  	[sflag:s17] =	ssyncset.done $0x0  }
0xd8: {  	s9 =	rddreg [dreg:$0xb];
	[sflag:s17] =	ssyncadd.s32 $0xFFFFC000  }
0xd9: {  	[spmem:s2] =	stream.indirect.scatter.add.f32 [tilespmem:s15], [sflag:$0x3], $0x80, s9, s13, $0xb8;
	[tilespmem:$0x1CC00] =	vst v63  }
0xda: {  	_ =	swait.ge [sflag:s10], $0x4000  }
0xdb: {  	[sflag:s10] =	ssyncset.done $0x0  }
0xdc: {  	s9 =	rddreg [dreg:$0xc];
	[sflag:s10] =	ssyncadd.s32 $0xFFFFC000  }
0xdd: {  	[tilespmem:s15], [sflag:$0x2] =	stream.indirect.gather [hbm4b:s4+s13], $0x80, s9, s13, $0xb8;
	[tilespmem:$0x1CC00] =	vst v63  }
0xde: {  	_ =	swait.ge [sflag:s16], $0x4000  }
0xdf: {  	[sflag:s16] =	ssyncset.done $0x0  }
0xe0: {  	s9 =	rddreg [dreg:$0xd];
	[sflag:s16] =	ssyncadd.s32 $0xFFFFC000  }
0xe1: {  	[spmem:s2] =	stream.indirect.scatter.add.f32 [tilespmem:s14], [sflag:$0x3], $0x80, s9, s13, $0xb8;
	[tilespmem:$0x1CC00] =	vst v63  }
0xe2: {  	_ =	swait.ge [sflag:s10], $0x4000  }
0xe3: {  	[sflag:s10] =	ssyncset.done $0x0  }
0xe4: {  	s9 =	rddreg [dreg:$0xe];
	[sflag:s10] =	ssyncadd.s32 $0xFFFFC000  }
0xe5: {  	[tilespmem:s14], [sflag:$0x1] =	stream.indirect.gather [hbm4b:s4+s13], $0x80, s9, s13, $0xb8;
	[tilespmem:$0x1CC00] =	vst v63  }
0xe6: {  	_ =	swait.ge [sflag:s17], $0x4000  }
0xe7: {  	[sflag:s17] =	ssyncset.done $0x0  }
0xe8: {  	s9 =	rddreg [dreg:$0xf];
	[sflag:s17] =	ssyncadd.s32 $0xFFFFC000  }
0xe9: {  	[spmem:s2] =	stream.indirect.scatter.add.f32 [tilespmem:s15], [sflag:$0x3], $0x80, s9, s13, $0xb8;
	[tilespmem:$0x1CC00] =	vst v63  }
0xea: {  	_ =	swait.ge [sflag:s10], $0x4000  }
0xeb: {  	[sflag:s10] =	ssyncset.done $0x0  }
0xec: {  	s9 =	rddreg [dreg:$0x10];
	[sflag:s10] =	ssyncadd.s32 $0xFFFFC000  }
0xed: {  	[tilespmem:s15], [sflag:$0x2] =	stream.indirect.gather [hbm4b:s4+s13], $0x80, s9, s13, $0xb8;
	[tilespmem:$0x1CC00] =	vst v63  }
0xee: {  	_ =	swait.ge [sflag:s16], $0x4000  }
0xef: {  	[sflag:s16] =	ssyncset.done $0x0  }
0xf0: {  	s9 =	rddreg [dreg:$0x11];
	[sflag:s16] =	ssyncadd.s32 $0xFFFFC000  }
0xf1: {  	[spmem:s2] =	stream.indirect.scatter.add.f32 [tilespmem:s14], [sflag:$0x3], $0x80, s9, s13, $0xb8;
	[tilespmem:$0x1CC00] =	vst v63  }
0xf2: {  	_ =	swait.ge [sflag:s10], $0x4000  }
0xf3: {  	[sflag:s10] =	ssyncset.done $0x0  }
0xf4: {  	s9 =	rddreg [dreg:$0x12];
	[sflag:s10] =	ssyncadd.s32 $0xFFFFC000  }
0xf5: {  	[tilespmem:s14], [sflag:$0x1] =	stream.indirect.gather [hbm4b:s4+s13], $0x80, s9, s13, $0xb8;
	[tilespmem:$0x1CC00] =	vst v63  }
0xf6: {  	_ =	swait.ge [sflag:s17], $0x4000  }
0xf7: {  	[sflag:s17] =	ssyncset.done $0x0  }
0xf8: {  	[sflag:s17] =	ssyncadd.s32 $0xFFFFC000  }
0xf9: {  	[spmem:s2] =	stream.indirect.scatter.add.f32 [tilespmem:s15], [sflag:$0x3], $0x80, s18, s13, $0xb8;
	[tilespmem:$0x1CC00] =	vst v63  }
0xfa: {  	_ =	swait.ge [sflag:s10], $0x4000  }
0xfb: {  	[sflag:s10] =	ssyncset.done $0x0  }
0xfc: {  	[sflag:s10] =	ssyncadd.s32 $0xFFFFC000  }
0xfd: {  	[tilespmem:s15], [sflag:$0x2] =	stream.indirect.gather [hbm4b:s4+s13], $0x80, s19, s13, $0xb8;
	[tilespmem:$0x1CC00] =	vst v63  }
0xfe: {  	_ =	swait.ge [sflag:s16], $0x4000  }
0xff: {  	[sflag:s16] =	ssyncset.done $0x0  }
0x100: {  	[sflag:s16] =	ssyncadd.s32 $0xFFFFC000  }
0x101: {  	[spmem:s2] =	stream.indirect.scatter.add.f32 [tilespmem:s14], [sflag:$0x3], $0x80, s20, s13, $0xb8;
	[tilespmem:$0x1CC00] =	vst v63  }
0x102: {  	_ =	swait.ge [sflag:s10], $0x4000  }
0x103: {  	[sflag:s10] =	ssyncset.done $0x0  }
0x104: {  	[sflag:s10] =	ssyncadd.s32 $0xFFFFC000  }
0x105: {  	[tilespmem:s14], [sflag:$0x1] =	stream.indirect.gather [hbm4b:s4+s13], $0x80, s21, s13, $0xb8;
	[tilespmem:$0x1CC00] =	vst v63  }
0x106: {  	_ =	swait.ge [sflag:s17], $0x4000  }
0x107: {  	[sflag:s17] =	ssyncset.done $0x0  }
0x108: {  	[sflag:s17] =	ssyncadd.s32 $0xFFFFC000  }
0x109: {  	[spmem:s2] =	stream.indirect.scatter.add.f32 [tilespmem:s15], [sflag:$0x3], $0x80, s22, s13, $0xb8;
	[tilespmem:$0x1CC00] =	vst v63  }
0x10a: {  	_ =	swait.ge [sflag:s10], $0x4000  }
0x10b: {  	[sflag:s10] =	ssyncset.done $0x0  }
0x10c: {  	[sflag:s10] =	ssyncadd.s32 $0xFFFFC000  }
0x10d: {  	[tilespmem:s15], [sflag:$0x2] =	stream.indirect.gather [hbm4b:s4+s13], $0x80, s23, s13, $0xb8;
	[tilespmem:$0x1CC00] =	vst v63  }
0x10e: {  	_ =	swait.ge [sflag:s16], $0x4000  }
0x10f: {  	[sflag:s16] =	ssyncset.done $0x0  }
0x110: {  	[sflag:s16] =	ssyncadd.s32 $0xFFFFC000  }
0x111: {  	[spmem:s2] =	stream.indirect.scatter.add.f32 [tilespmem:s14], [sflag:$0x3], $0x80, s24, s13, $0xb8;
	[tilespmem:$0x1CC00] =	vst v63  }
0x112: {  	_ =	swait.ge [sflag:s10], $0x4000  }
0x113: {  	[sflag:s10] =	ssyncset.done $0x0  }
0x114: {  	[sflag:s10] =	ssyncadd.s32 $0xFFFFC000  }
0x115: {  	[tilespmem:s14], [sflag:$0x1] =	stream.indirect.gather [hbm4b:s4+s13], $0x80, s25, s13, $0xb8;
	[tilespmem:$0x1CC00] =	vst v63  }
0x116: {  	_ =	swait.ge [sflag:s17], $0x4000  }
0x117: {  	[sflag:s17] =	ssyncset.done $0x0  }
0x118: {  	[sflag:s17] =	ssyncadd.s32 $0xFFFFC000  }
0x119: {  	[spmem:s2] =	stream.indirect.scatter.add.f32 [tilespmem:s15], [sflag:$0x3], $0x80, s26, s13, $0xb8;
	[tilespmem:$0x1CC00] =	vst v63  }
0x11a: {  	_ =	swait.ge [sflag:s10], $0x4000  }
0x11b: {  	[sflag:s10] =	ssyncset.done $0x0  }
0x11c: {  	[sflag:s10] =	ssyncadd.s32 $0xFFFFC000  }
0x11d: {  	[tilespmem:s15], [sflag:$0x2] =	stream.indirect.gather [hbm4b:s4+s13], $0x80, s28, s13, $0xb8;
	[tilespmem:$0x1CC00] =	vst v63  }
0x11e: {  	_ =	swait.ge [sflag:s16], $0x4000  }
0x11f: {  	[sflag:s16] =	ssyncset.done $0x0  }
0x120: {  	[sflag:s16] =	ssyncadd.s32 $0xFFFFC000  }
0x121: {  	[spmem:s2] =	stream.indirect.scatter.add.f32 [tilespmem:s14], [sflag:$0x3], $0x80, s29, s13, $0xb8;
	[tilespmem:$0x1CC00] =	vst v63  }
0x122: {  	_ =	swait.ge [sflag:s10], $0x4000  }
0x123: {  	[sflag:s10] =	ssyncset.done $0x0  }
0x124: {  	[sflag:s10] =	ssyncadd.s32 $0xFFFFC000  }
0x125: {  	[tilespmem:s14], [sflag:$0x1] =	stream.indirect.gather [hbm4b:s4+s13], $0x80, s30, s13, $0xb8;
	[tilespmem:$0x1CC00] =	vst v63  }
0x126: {  	_ =	swait.ge [sflag:s17], $0x4000  }
0x127: {  	[sflag:s17] =	ssyncset.done $0x0  }
0x128: {  	[sflag:s17] =	ssyncadd.s32 $0xFFFFC000  }
0x129: {  	[spmem:s2] =	stream.indirect.scatter.add.f32 [tilespmem:s15], [sflag:$0x3], $0x80, s31, s13, $0xb8;
	[tilespmem:$0x1CC00] =	vst v63  }
0x12a: {  	_ =	swait.ge [sflag:s10], $0x4000  }
0x12b: {  	[sflag:s10] =	ssyncset.done $0x0  }
0x12c: {  	[sflag:s10] =	ssyncadd.s32 $0xFFFFC000  }
0x12d: {  	[tilespmem:s15], [sflag:$0x2] =	stream.indirect.gather [hbm4b:s4+s13], $0x80, s1, s13, $0xb8;
	[tilespmem:$0x1CC00] =	vst v63  }
0x12e: {  	_ =	swait.ge [sflag:s16], $0x4000  }
0x12f: {  	[sflag:s16] =	ssyncset.done $0x0  }
0x130: {  	[sflag:s16] =	ssyncadd.s32 $0xFFFFC000  }
0x131: {  	[spmem:s2] =	stream.indirect.scatter.add.f32 [tilespmem:s14], [sflag:$0x3], $0x80, s0, s13, $0xb8;
	[tilespmem:$0x1CC00] =	vst v63  }
0x132: {  	_ =	swait.ge [sflag:s10], $0x4000  }
0x133: {  	[sflag:s10] =	ssyncset.done $0x0  }
0x134: {  	[sflag:s10] =	ssyncadd.s32 $0xFFFFC000  }
0x135: {  	p0 =	sne.s32 s6, $0x400;
	_ =	swait.ge [sflag:s17], $0x4000  }
.Ltmp0:
0x136: {  	[sflag:s17] =	ssyncset.done $0x0;
	(pc) =	sbr.rel @p0 .LBB2_2-.Ltmp0, $4  }
0x137: {  	[sflag:s17] =	ssyncadd.s32 $0xFFFFC000  }
0x138: {  	[spmem:s2] =	stream.indirect.scatter.add.f32 [tilespmem:s15], [sflag:$0x3], $0x80, s5, s13, $0xb8;
	[tilespmem:$0x1CC00] =	vst v63  }
0x139: {  	s7 =	smov.u32 s6;
	s6 =	sadd.s32 $0x100, s6;
	_ =	swait.ge [sflag:s10], $0x4000  }
0x13a: {  	s8 =	smov.u32 s7;
	s9 =	rddreg [dreg:$0x4];
	[sflag:s10] =	ssyncset.done $0x0  }
0x13b: {  	[sflag:s10] =	ssyncadd.s32 $0xFFFFC000;
	s6 =	sadd.s32 s8, s9  }
0x13c: {  	[tilespmem:s11], [sflag:$0x3] =	stream.linear.gather [hbm4b:s6+s3], $0x800, $0x38;
	[tilespmem:$0x1CC00] =	vst v63  }
0x13d: {  	_ =	swait.ge [sflag:s10], $0x800  }
0x13e: {  	s9 =	rddreg [dreg:$0x3];
	[sflag:s10] =	ssyncset.done $0x0  }
0x13f: {  	s6 =	sadd.s32 s8, s9;
	[sflag:s10] =	ssyncadd.s32 $0xFFFFF800  }
0x140: {  	[tilespmem:s12], [sflag:$0x3] =	stream.linear.gather [hbm4b:s6+s3], $0x800, $0x38;
	[tilespmem:$0x1CC00] =	vst v63  }
0x141: {  	_ =	swait.ge [sflag:s10], $0x800  }
0x142: {  	[sflag:s10] =	ssyncset.done $0x0  }
0x143: {  	[sflag:s10] =	ssyncadd.s32 $0xFFFFF800  }
0x144: {  	[tilespmem:s14], [sflag:$0x1] =	stream.indirect.gather [hbm4b:s4+s13], $0x80, s11, s13, $0xb8;
	[tilespmem:$0x1CC00] =	vst v63  }
0x145: {  	s7 =	rddreg [dreg:$0x5]  }
0x146: {  	[tilespmem:s15], [sflag:$0x2] =	stream.indirect.gather [hbm4b:s4+s13], $0x80, s7, s13, $0xb8;
	[tilespmem:$0x1CC00] =	vst v63  }
0x147: {  	_ =	swait.ge [sflag:s16], $0x4000  }
0x148: {  	[sflag:s16] =	ssyncset.done $0x0  }
0x149: {  	[sflag:s16] =	ssyncadd.s32 $0xFFFFC000  }
0x14a: {  	[spmem:s2] =	stream.indirect.scatter.add.f32 [tilespmem:s14], [sflag:$0x3], $0x80, s12, s13, $0xb8;
	[tilespmem:$0x1CC00] =	vst v63  }
0x14b: {  	_ =	swait.ge [sflag:s10], $0x4000  }
0x14c: {  	[sflag:s10] =	ssyncset.done $0x0  }
0x14d: {  	s8 =	rddreg [dreg:$0x6];
	[sflag:s10] =	ssyncadd.s32 $0xFFFFC000  }
0x14e: {  	[tilespmem:s14], [sflag:$0x1] =	stream.indirect.gather [hbm4b:s4+s13], $0x80, s8, s13, $0xb8;
	[tilespmem:$0x1CC00] =	vst v63  }
0x14f: {  	_ =	swait.ge [sflag:s17], $0x4000  }
0x150: {  	[sflag:s17] =	ssyncset.done $0x0  }
0x151: {  	s9 =	rddreg [dreg:$0x7];
	[sflag:s17] =	ssyncadd.s32 $0xFFFFC000  }
0x152: {  	[spmem:s2] =	stream.indirect.scatter.add.f32 [tilespmem:s15], [sflag:$0x3], $0x80, s9, s13, $0xb8;
	[tilespmem:$0x1CC00] =	vst v63  }
0x153: {  	_ =	swait.ge [sflag:s10], $0x4000  }
0x154: {  	[sflag:s10] =	ssyncset.done $0x0  }
0x155: {  	s7 =	rddreg [dreg:$0x8];
	[sflag:s10] =	ssyncadd.s32 $0xFFFFC000  }
0x156: {  	[tilespmem:s15], [sflag:$0x2] =	stream.indirect.gather [hbm4b:s4+s13], $0x80, s7, s13, $0xb8;
	[tilespmem:$0x1CC00] =	vst v63  }
0x157: {  	_ =	swait.ge [sflag:s16], $0x4000  }
0x158: {  	[sflag:s16] =	ssyncset.done $0x0  }
0x159: {  	s8 =	rddreg [dreg:$0x9];
	[sflag:s16] =	ssyncadd.s32 $0xFFFFC000  }
0x15a: {  	[spmem:s2] =	stream.indirect.scatter.add.f32 [tilespmem:s14], [sflag:$0x3], $0x80, s8, s13, $0xb8;
	[tilespmem:$0x1CC00] =	vst v63  }
0x15b: {  	_ =	swait.ge [sflag:s10], $0x4000  }
0x15c: {  	[sflag:s10] =	ssyncset.done $0x0  }
0x15d: {  	s9 =	rddreg [dreg:$0xa];
	[sflag:s10] =	ssyncadd.s32 $0xFFFFC000  }
0x15e: {  	[tilespmem:s14], [sflag:$0x1] =	stream.indirect.gather [hbm4b:s4+s13], $0x80, s9, s13, $0xb8;
	[tilespmem:$0x1CC00] =	vst v63  }
0x15f: {  	_ =	swait.ge [sflag:s17], $0x4000  }
0x160: {  	[sflag:s17] =	ssyncset.done $0x0  }
0x161: {  	s7 =	rddreg [dreg:$0xb];
	[sflag:s17] =	ssyncadd.s32 $0xFFFFC000  }
0x162: {  	[spmem:s2] =	stream.indirect.scatter.add.f32 [tilespmem:s15], [sflag:$0x3], $0x80, s7, s13, $0xb8;
	[tilespmem:$0x1CC00] =	vst v63  }
0x163: {  	_ =	swait.ge [sflag:s10], $0x4000  }
0x164: {  	[sflag:s10] =	ssyncset.done $0x0  }
0x165: {  	s8 =	rddreg [dreg:$0xc];
	[sflag:s10] =	ssyncadd.s32 $0xFFFFC000  }
0x166: {  	[tilespmem:s15], [sflag:$0x2] =	stream.indirect.gather [hbm4b:s4+s13], $0x80, s8, s13, $0xb8;
	[tilespmem:$0x1CC00] =	vst v63  }
0x167: {  	_ =	swait.ge [sflag:s16], $0x4000  }
0x168: {  	[sflag:s16] =	ssyncset.done $0x0  }
0x169: {  	s9 =	rddreg [dreg:$0xd];
	[sflag:s16] =	ssyncadd.s32 $0xFFFFC000  }
0x16a: {  	[spmem:s2] =	stream.indirect.scatter.add.f32 [tilespmem:s14], [sflag:$0x3], $0x80, s9, s13, $0xb8;
	[tilespmem:$0x1CC00] =	vst v63  }
0x16b: {  	_ =	swait.ge [sflag:s10], $0x4000  }
0x16c: {  	[sflag:s10] =	ssyncset.done $0x0  }
0x16d: {  	s7 =	rddreg [dreg:$0xe];
	[sflag:s10] =	ssyncadd.s32 $0xFFFFC000  }
0x16e: {  	[tilespmem:s14], [sflag:$0x1] =	stream.indirect.gather [hbm4b:s4+s13], $0x80, s7, s13, $0xb8;
	[tilespmem:$0x1CC00] =	vst v63  }
0x16f: {  	_ =	swait.ge [sflag:s17], $0x4000  }
0x170: {  	[sflag:s17] =	ssyncset.done $0x0  }
0x171: {  	s8 =	rddreg [dreg:$0xf];
	[sflag:s17] =	ssyncadd.s32 $0xFFFFC000  }
0x172: {  	[spmem:s2] =	stream.indirect.scatter.add.f32 [tilespmem:s15], [sflag:$0x3], $0x80, s8, s13, $0xb8;
	[tilespmem:$0x1CC00] =	vst v63  }
0x173: {  	_ =	swait.ge [sflag:s10], $0x4000  }
0x174: {  	[sflag:s10] =	ssyncset.done $0x0  }
0x175: {  	s9 =	rddreg [dreg:$0x10];
	[sflag:s10] =	ssyncadd.s32 $0xFFFFC000  }
0x176: {  	[tilespmem:s15], [sflag:$0x2] =	stream.indirect.gather [hbm4b:s4+s13], $0x80, s9, s13, $0xb8;
	[tilespmem:$0x1CC00] =	vst v63  }
0x177: {  	_ =	swait.ge [sflag:s16], $0x4000  }
0x178: {  	[sflag:s16] =	ssyncset.done $0x0  }
0x179: {  	s7 =	rddreg [dreg:$0x11];
	[sflag:s16] =	ssyncadd.s32 $0xFFFFC000  }
0x17a: {  	[spmem:s2] =	stream.indirect.scatter.add.f32 [tilespmem:s14], [sflag:$0x3], $0x80, s7, s13, $0xb8;
	[tilespmem:$0x1CC00] =	vst v63  }
0x17b: {  	_ =	swait.ge [sflag:s10], $0x4000  }
0x17c: {  	[sflag:s10] =	ssyncset.done $0x0  }
0x17d: {  	s8 =	rddreg [dreg:$0x12];
	[sflag:s10] =	ssyncadd.s32 $0xFFFFC000  }
0x17e: {  	[tilespmem:s14], [sflag:$0x1] =	stream.indirect.gather [hbm4b:s4+s13], $0x80, s8, s13, $0xb8;
	[tilespmem:$0x1CC00] =	vst v63  }
0x17f: {  	_ =	swait.ge [sflag:s17], $0x4000  }
0x180: {  	[sflag:s17] =	ssyncset.done $0x0  }
0x181: {  	[sflag:s17] =	ssyncadd.s32 $0xFFFFC000  }
0x182: {  	[spmem:s2] =	stream.indirect.scatter.add.f32 [tilespmem:s15], [sflag:$0x3], $0x80, s18, s13, $0xb8;
	[tilespmem:$0x1CC00] =	vst v63  }
0x183: {  	_ =	swait.ge [sflag:s10], $0x4000  }
0x184: {  	[sflag:s10] =	ssyncset.done $0x0  }
0x185: {  	[sflag:s10] =	ssyncadd.s32 $0xFFFFC000  }
0x186: {  	[tilespmem:s15], [sflag:$0x2] =	stream.indirect.gather [hbm4b:s4+s13], $0x80, s19, s13, $0xb8;
	[tilespmem:$0x1CC00] =	vst v63  }
0x187: {  	_ =	swait.ge [sflag:s16], $0x4000  }
0x188: {  	[sflag:s16] =	ssyncset.done $0x0  }
0x189: {  	[sflag:s16] =	ssyncadd.s32 $0xFFFFC000  }
0x18a: {  	[spmem:s2] =	stream.indirect.scatter.add.f32 [tilespmem:s14], [sflag:$0x3], $0x80, s20, s13, $0xb8;
	[tilespmem:$0x1CC00] =	vst v63  }
0x18b: {  	_ =	swait.ge [sflag:s10], $0x4000  }
0x18c: {  	[sflag:s10] =	ssyncset.done $0x0  }
0x18d: {  	[sflag:s10] =	ssyncadd.s32 $0xFFFFC000  }
0x18e: {  	[tilespmem:s14], [sflag:$0x1] =	stream.indirect.gather [hbm4b:s4+s13], $0x80, s21, s13, $0xb8;
	[tilespmem:$0x1CC00] =	vst v63  }
0x18f: {  	_ =	swait.ge [sflag:s17], $0x4000  }
0x190: {  	[sflag:s17] =	ssyncset.done $0x0  }
0x191: {  	[sflag:s17] =	ssyncadd.s32 $0xFFFFC000  }
0x192: {  	[spmem:s2] =	stream.indirect.scatter.add.f32 [tilespmem:s15], [sflag:$0x3], $0x80, s22, s13, $0xb8;
	[tilespmem:$0x1CC00] =	vst v63  }
0x193: {  	_ =	swait.ge [sflag:s10], $0x4000  }
0x194: {  	[sflag:s10] =	ssyncset.done $0x0  }
0x195: {  	[sflag:s10] =	ssyncadd.s32 $0xFFFFC000  }
0x196: {  	[tilespmem:s15], [sflag:$0x2] =	stream.indirect.gather [hbm4b:s4+s13], $0x80, s23, s13, $0xb8;
	[tilespmem:$0x1CC00] =	vst v63  }
0x197: {  	_ =	swait.ge [sflag:s16], $0x4000  }
0x198: {  	[sflag:s16] =	ssyncset.done $0x0  }
0x199: {  	[sflag:s16] =	ssyncadd.s32 $0xFFFFC000  }
0x19a: {  	[spmem:s2] =	stream.indirect.scatter.add.f32 [tilespmem:s14], [sflag:$0x3], $0x80, s24, s13, $0xb8;
	[tilespmem:$0x1CC00] =	vst v63  }
0x19b: {  	_ =	swait.ge [sflag:s10], $0x4000  }
0x19c: {  	[sflag:s10] =	ssyncset.done $0x0  }
0x19d: {  	[sflag:s10] =	ssyncadd.s32 $0xFFFFC000  }
0x19e: {  	[tilespmem:s14], [sflag:$0x1] =	stream.indirect.gather [hbm4b:s4+s13], $0x80, s25, s13, $0xb8;
	[tilespmem:$0x1CC00] =	vst v63  }
0x19f: {  	_ =	swait.ge [sflag:s17], $0x4000  }
0x1a0: {  	[sflag:s17] =	ssyncset.done $0x0  }
0x1a1: {  	[sflag:s17] =	ssyncadd.s32 $0xFFFFC000  }
0x1a2: {  	[spmem:s2] =	stream.indirect.scatter.add.f32 [tilespmem:s15], [sflag:$0x3], $0x80, s26, s13, $0xb8;
	[tilespmem:$0x1CC00] =	vst v63  }
0x1a3: {  	_ =	swait.ge [sflag:s10], $0x4000  }
0x1a4: {  	[sflag:s10] =	ssyncset.done $0x0  }
0x1a5: {  	[sflag:s10] =	ssyncadd.s32 $0xFFFFC000  }
0x1a6: {  	[tilespmem:s15], [sflag:$0x2] =	stream.indirect.gather [hbm4b:s4+s13], $0x80, s28, s13, $0xb8;
	[tilespmem:$0x1CC00] =	vst v63  }
0x1a7: {  	_ =	swait.ge [sflag:s16], $0x4000  }
0x1a8: {  	[sflag:s16] =	ssyncset.done $0x0  }
0x1a9: {  	[sflag:s16] =	ssyncadd.s32 $0xFFFFC000  }
0x1aa: {  	[spmem:s2] =	stream.indirect.scatter.add.f32 [tilespmem:s14], [sflag:$0x3], $0x80, s29, s13, $0xb8;
	[tilespmem:$0x1CC00] =	vst v63  }
0x1ab: {  	_ =	swait.ge [sflag:s10], $0x4000  }
0x1ac: {  	[sflag:s10] =	ssyncset.done $0x0  }
0x1ad: {  	[sflag:s10] =	ssyncadd.s32 $0xFFFFC000  }
0x1ae: {  	[tilespmem:s14], [sflag:$0x1] =	stream.indirect.gather [hbm4b:s4+s13], $0x80, s30, s13, $0xb8;
	[tilespmem:$0x1CC00] =	vst v63  }
0x1af: {  	_ =	swait.ge [sflag:s17], $0x4000  }
0x1b0: {  	[sflag:s17] =	ssyncset.done $0x0  }
0x1b1: {  	[sflag:s17] =	ssyncadd.s32 $0xFFFFC000  }
0x1b2: {  	[spmem:s2] =	stream.indirect.scatter.add.f32 [tilespmem:s15], [sflag:$0x3], $0x80, s31, s13, $0xb8;
	[tilespmem:$0x1CC00] =	vst v63  }
0x1b3: {  	_ =	swait.ge [sflag:s10], $0x4000  }
0x1b4: {  	[sflag:s10] =	ssyncset.done $0x0  }
0x1b5: {  	[sflag:s10] =	ssyncadd.s32 $0xFFFFC000  }
0x1b6: {  	[tilespmem:s15], [sflag:$0x2] =	stream.indirect.gather [hbm4b:s4+s13], $0x80, s1, s13, $0xb8;
	[tilespmem:$0x1CC00] =	vst v63  }
0x1b7: {  	_ =	swait.ge [sflag:s16], $0x4000  }
0x1b8: {  	[sflag:s16] =	ssyncset.done $0x0  }
0x1b9: {  	[sflag:s16] =	ssyncadd.s32 $0xFFFFC000  }
0x1ba: {  	[spmem:s2] =	stream.indirect.scatter.add.f32 [tilespmem:s14], [sflag:$0x3], $0x80, s0, s13, $0xb8;
	[tilespmem:$0x1CC00] =	vst v63  }
0x1bb: {  	_ =	swait.ge [sflag:s10], $0x4000  }
0x1bc: {  	[sflag:s10] =	ssyncset.done $0x0  }
0x1bd: {  	[sflag:s10] =	ssyncadd.s32 $0xFFFFC000  }
0x1be: {  	_ =	swait.ge [sflag:s17], $0x4000  }
0x1bf: {  	[sflag:s17] =	ssyncset.done $0x0  }
0x1c0: {  	[sflag:s17] =	ssyncadd.s32 $0xFFFFC000  }
0x1c1: {  	[spmem:s2] =	stream.indirect.scatter.add.f32 [tilespmem:s15], [sflag:$0x3], $0x80, s5, s13, $0xb8;
	[tilespmem:$0x1CC00] =	vst v63  }
0x1c2: {  	_ =	swait.ge [sflag:s10], $0x4000  }
0x1c3: {  	[sflag:s10] =	ssyncset.done $0x0  }
0x1c4: {  	[sflag:s10] =	ssyncadd.s32 $0xFFFFC000  }
0x1c5: {  	[bflag:$0x0] =	sbarrier.arrive $0xFFFF  }
0x1c6: {  	s8 =	rddreg [dreg:$0x14]  }
0x1c7: {  	s9 =	rddreg [dreg:$0x15]  }
0x1c8: {  	s7 =	rddreg [dreg:$0x17]  }
0x1c9: {  	[hbm:s9], [sflag:s8] =	dma.local [spmem:s7], $0x2780  }
0x1ca: {  	_ =	swait.ge [sflag:s10], $0x2780  }
0x1cb: {  	s6 =	rddreg [dreg:$0x18]  }
0x1cc: {  	s9 =	sadd.s32 $0x1, s6;
	s6 =	rddreg [dreg:$0x16]  }
0x1cd: {  	p0 =	sne.s32 s9, s6  }
.Ltmp1:
0x1ce: {  	_ = 	snop;
	(pc) =	sbr.rel @p0 .LBB2_1-.Ltmp1, $3  }
0x1cf: {  	_ =	sdelay $0x1  }
0x1d0: {  	[sflag:s10] =	ssyncset.done $0x0  }
0x1d1: {  	[sflag:s10] =	ssyncadd.s32 $0xFFFFD880  }
0x1d2: {  	_ =	sfence.sel $0x180000  }
0x1d3: {  	[bflag:$0x0] =	sbarrier.arrive $0xFFFF  }
0x1d4: {  	_ =	strace $0x9000004A  }
0x1d5: {  	s0 =	stileid.u32;
	[bflag:$0x2] =	sbarrier.arrive $0xFFFF  }
0x1d6: {  	p0 =	sne.s32 s0, $0x0;
	s0 =	rddreg [dreg:$0x2]  }
0x1d7: {  	s0 =	sadd.s32 @!p0 $0x100000, s0  }
0x1d8: {  	[sflag:s0] =	ssyncadd.tile.s32 @!p0 $0x1;
	_ =	shalt  }
.Lfunc_end2:
_tile_overlayer_lowered:
.L_overlay_start_2:
0x1d9: {  	(tag) =	ssettag $0x2  }
0x1da: {  	s0 =	rddreg [dreg:$0x0];
	s2 =	stileid.u32  }
0x1db: {  	s1 =	rddreg [dreg:$0x1];
	p0 =	sne.s32 s2, $0x0  }
0x1dc: {  	s3 =	rddreg [dreg:$0x2];
	[bflag:$0x3] =	sbarrier.arrive $0xFFFF;
	s2 =	simm.s32 @!p0 $0x1C03  }
0x1dd: {  	[timem:s3], [sflag:s2] =	dma.local @!p0 [hbm:s0], s1  }
0x1de: {  	s0 =	simm.s32 @!p0 $0x3  }
0x1df: {  	_ =	swait.ge @!p0 [sflag:s0], s1  }
0x1e0: {  	s1 =	ssub.s32 @!p0 $0x0, s1;
	[sflag:s0] =	ssyncset.done @!p0 $0x0  }
0x1e1: {  	[sflag:s0] =	ssyncadd.s32 @!p0 s1  }
0x1e2: {  	[bflag:$0x3] =	sbarrier.arrive $0xFFFF  }
0x1e3: {  	_ =	shalt  }

// kernel: kernel.19.cloned.1.call-start
scs
__scs_entry_jumppad:
0x0: {  	(pc) =	sbr.rel $0x88, $3  }
0x1: {  	(tag) =	ssettag $0x0;
	lr =	simm.s32 $0x1  }
0x2: {  	[smem:$0x3F96] =	sst lr;
	_ =	strace $0xD0000000  }
0x3: {  	_ = 	snop  }
0x4: {  	_ = 	snop  }
0x5: {  	_ = 	snop  }
0x6: {  	_ = 	snop  }
0x7: {  	_ = 	snop  }
__scs_overlays_trampoline_lowered:
0x8: {  	[smem:$0x3FA5] =	sst s0  }
0x9: {  	[smem:$0x3FA6] =	sst s1  }
0xa: {  	[smem:$0x3FA7] =	sst s2  }
0xb: {  	[smem:$0x3FA8] =	sst s3  }
0xc: {  	[smem:$0x3FA9] =	sst s4  }
0xd: {  	[smem:$0x3FAA] =	sst s5  }
0xe: {  	[smem:$0x3FAB] =	sst s6  }
0xf: {  	[smem:$0x3FAC] =	sst s7  }
0x10: {  	[smem:$0x3FAD] =	sst s8  }
0x11: {  	[smem:$0x3FAE] =	sst s9;
	s0 =	simm.s32 @!p0 $0x0  }
0x12: {  	s1 =	sld [smem:$0x3F94];
	s0 =	simm.s32 @p0 $0x1  }
0x13: {  	[smem:$0x3FAF] =	sst s0;
	s0 =	simm.s32 @!p1 $0x0  }
0x14: {  	s2 =	sld [smem:$0x3F93];
	s0 =	simm.s32 @p1 $0x1  }
0x15: {  	[smem:$0x3FB0] =	sst s0;
	s0 =	simm.s32 @!p2 $0x0  }
0x16: {  	s3 =	sld [smem:$0x3FDB];
	s0 =	simm.s32 @p2 $0x1  }
0x17: {  	s4 =	simm.s32 $0x1BF5;
	[smem:$0x3FB2] =	sst s0  }
0x18: {  	s0 =	sld [smem:$0x3F95];
	_ =	swait.ge [sflag:s4], $0x0  }
0x19: {  	s7 =	sld [smem:$0x3F96]  }
0x1a: {  	s8 =	sadd.s32 $0xFFFFE003, lr  }
0x1b: {  	s9 =	sadd.s32 $0xFFFFFEF7, lr;
	s5 =	simm.s32 $0xFFFFFFFF;
	p2 =	slt.u32 s8, $0xFFFFF086  }
0x1c: {  	p1 =	slt.u32 s9, $0xF7A;
	s5 =	simm.s32 @!p2 $0x0  }
0x1d: {  	s5 =	simm.s32 @p1 $0x1;
	p0 =	seq.s32 s7, s2  }
0x1e: {  	s7 =	smul.u32 @!p0 $0xF7A, s2;
	p2 =	seq.s32 @!p0 s5, $0x0  }
0x1f: {  	s9 =	smul.u32 $0xF7A, s1;
	s8 =	simm.s32 @!p0 $0x1BF5;
	p2 =	por !p2, p0  }
0x20: {  	[sflag:s8] =	ssyncset.s32 @!p0 $0xFFFFF086;
	s6 =	sadd.s32 @!p0 s3, s7;
	s7 =	simm.s32 @!p0 $0x108  }
0x21: {  	s3 =	sadd.s32 s3, s9;
	s6 =	sadd.s32 @!p0 $0x88, s6;
	s7 =	simm.s32 @p2 $0x1082  }
0x22: {  	[simem:s7], [sflag:s8] =	dma.local @!p0 [hbm:s6], $0xF7A  }
0x23: {  	s9 =	sor.u32 $0xD0000000, s2;
	s6 =	simm.s32 $0x108;
	_ =	swait.ge @!p0 [sflag:s8], $0x0  }
0x24: {  	s3 =	sadd.s32 $0x88, s3;
	s6 =	simm.s32 @!p1 $0x1082;
	[sflag:s4] =	ssyncset.s32 $0xFFFFF086  }
0x25: {  	[simem:s6], [sflag:s4] =	dma.local [hbm:s3], $0xF7A  }
0x26: {  	[smem:$0x3F96] =	sst s1;
	(tag) =	ssettag s2;
	_ =	strace s9  }
0x27: {  	s1 =	sld [smem:$0x3FA6]  }
0x28: {  	s2 =	sld [smem:$0x3FA7]  }
0x29: {  	s4 =	sld [smem:$0x3FA9]  }
0x2a: {  	p0 =	seq.s32 s5, $0x0;
	s5 =	sld [smem:$0x3FAA]  }
0x2b: {  	s6 =	sld [smem:$0x3FAB]  }
0x2c: {  	s7 =	sld [smem:$0x3FAC]  }
0x2d: {  	s3 =	simm.s32 $0x108;
	s8 =	sld [smem:$0x3FAD]  }
0x2e: {  	s3 =	simm.s32 @!p0 $0x1082;
	s9 =	sld [smem:$0x3FAE]  }
0x2f: {  	lr =	sadd.s32 s0, s3;
	s0 =	sld [smem:$0x3FA5]  }
0x30: {  	s3 =	sld [smem:$0x3FA8]  }
0x31: {  	[smem:$0x3FB1] =	sst s10  }
0x32: {  	s10 =	sld [smem:$0x3FAF];
	_ =	sdelay $0x3  }
0x33: {  	p0 =	seq.s32 s10, $0x1;
	s10 =	sld [smem:$0x3FB1];
	_ =	sdelay $0x3  }
0x34: {  	[smem:$0x3FB1] =	sst s10  }
0x35: {  	s10 =	sld [smem:$0x3FB0];
	_ =	sdelay $0x3  }
0x36: {  	p1 =	seq.s32 s10, $0x1;
	s10 =	sld [smem:$0x3FB1];
	_ =	sdelay $0x3  }
0x37: {  	[smem:$0x3FB1] =	sst s10  }
0x38: {  	s10 =	sld [smem:$0x3FB2]  }
0x39: {  	_ = 	snop;
	(pc) =	sbr.ind lr, $3  }
0x3a: {  	_ = 	snop  }
0x3b: {  	_ = 	snop  }
0x3c: {  	p2 =	seq.s32 s10, $0x1;
	s10 =	sld [smem:$0x3FB1]  }
0x3d: {  	_ =	shalt  }
0x3e: {  	_ =	shalt  }
0x3f: {  	_ =	shalt  }
0x40: {  	_ =	shalt  }
0x41: {  	_ =	shalt  }
0x42: {  	_ =	shalt  }
0x43: {  	_ =	shalt  }
0x44: {  	_ =	shalt  }
0x45: {  	_ =	shalt  }
0x46: {  	_ =	shalt  }
0x47: {  	_ =	shalt  }
0x48: {  	_ =	shalt  }
0x49: {  	_ =	shalt  }
0x4a: {  	_ =	shalt  }
0x4b: {  	_ =	shalt  }
0x4c: {  	_ =	shalt  }
0x4d: {  	_ =	shalt  }
0x4e: {  	_ =	shalt  }
0x4f: {  	_ =	shalt  }
0x50: {  	_ =	shalt  }
0x51: {  	_ =	shalt  }
0x52: {  	_ =	shalt  }
0x53: {  	_ =	shalt  }
0x54: {  	_ =	shalt  }
0x55: {  	_ =	shalt  }
0x56: {  	_ =	shalt  }
0x57: {  	_ =	shalt  }
0x58: {  	_ =	shalt  }
0x59: {  	_ =	shalt  }
0x5a: {  	_ =	shalt  }
0x5b: {  	_ =	shalt  }
0x5c: {  	_ =	shalt  }
0x5d: {  	_ =	shalt  }
0x5e: {  	_ =	shalt  }
0x5f: {  	_ =	shalt  }
0x60: {  	_ =	shalt  }
0x61: {  	_ =	shalt  }
0x62: {  	_ =	shalt  }
0x63: {  	_ =	shalt  }
0x64: {  	_ =	shalt  }
0x65: {  	_ =	shalt  }
0x66: {  	_ =	shalt  }
0x67: {  	_ =	shalt  }
0x68: {  	_ =	shalt  }
0x69: {  	_ =	shalt  }
0x6a: {  	_ =	shalt  }
0x6b: {  	_ =	shalt  }
0x6c: {  	_ =	shalt  }
0x6d: {  	_ =	shalt  }
0x6e: {  	_ =	shalt  }
0x6f: {  	_ =	shalt  }
0x70: {  	_ =	shalt  }
0x71: {  	_ =	shalt  }
0x72: {  	_ =	shalt  }
0x73: {  	_ =	shalt  }
0x74: {  	_ =	shalt  }
0x75: {  	_ =	shalt  }
0x76: {  	_ =	shalt  }
0x77: {  	_ =	shalt  }
0x78: {  	_ =	shalt  }
0x79: {  	_ =	shalt  }
0x7a: {  	_ =	shalt  }
0x7b: {  	_ =	shalt  }
0x7c: {  	_ =	shalt  }
0x7d: {  	_ =	shalt  }
0x7e: {  	_ =	shalt  }
0x7f: {  	_ =	shalt  }
0x80: {  	_ =	shalt  }
0x81: {  	_ =	shalt  }
0x82: {  	_ =	shalt  }
0x83: {  	_ =	shalt  }
0x84: {  	_ =	shalt  }
0x85: {  	_ =	shalt  }
0x86: {  	_ =	shalt  }
0x87: {  	_ =	shalt  }
.Lfunc_end0:
.L_simem_size_0:
called_computation.2_lowered:
.L_overlay_start_0:
0x88: {  	s2 =	sld [smem:$0x3FD9]  }
0x89: {  	s3 =	sld [smem:$0x3FFE];
	_ =	sdelay $0x1  }
0x8a: {  	s1 =	srdreg.scid  }
0x8b: {  	s0 =	sand.u32 $0x1, s1  }
0x8c: {  	s16 =	sshll.u32 s0, $0xA;
	s2 =	sadd.s32 s3, s2  }
0x8d: {  	s2 =	sadd.s32 s2, s16  }
0x8e: {  	[smem:$0x3FBD] =	sst s2  }
0x8f: {  	_ = 	snop  }
0x90: {  	(tm) =	ssettm $0x1  }
0x91: {  	s17 =	sld [smem:$0x3FFB];
	_ =	sdelay $0x3  }
0x92: {  	_ =	strace s17  }
0x93: {  	s2 =	sld [smem:$0x3FFC];
	_ =	sdelay $0x3  }
0x94: {  	_ =	strace s2  }
0x95: {  	s2 =	sld [smem:$0x3FFD];
	_ =	sdelay $0x3  }
0x96: {  	_ =	strace s2  }
0x97: {  	_ =	strace $0x8FFFFFFF  }
0x98: {  	s18 =	sld [smem:$0x3FDB];
	_ =	sdelay $0x1  }
0x99: {  	s19 =	simm.s32 $_scs_section_size  }
0x9a: {  	s4 =	simm.s32 $_size__tile_overlayer_lowered;
	s5 =	simm.s32 $_tile_overlayer_lowered  }
0x9b: {  	s22 =	simm.s32 $0x1BFF;
	s21 =	sshll.u32 s5, $0x1;
	s2 =	sadd.s32 s19, s18  }
0x9c: {  	s6 =	simm.s32 $0x0;
	s20 =	sshll.u32 s4, $0x1;
	s4 =	sadd.s32 s21, s2  }
0x9d: {  	[timem:s6], [sflag:s22] =	dma.local [hbm:s4], s20  }
0x9e: {  	_ =	swait.ge [sflag:s22], s20  }
0x9f: {  	s3 =	ssub.s32 $0x0, s20;
	[sflag:s22] =	ssyncset.done $0x0  }
0xa0: {  	[sflag:s22] =	ssyncadd.s32 s3;
	_ =	sdelay $0x1  }
0xa1: {  	s23 =	simm.s32 $0x1B8B  }
0xa2: {  	_ =	swait.ge [sflag:s23], $0x1  }
0xa3: {  	[sflag:s23] =	ssyncset.done $0x0  }
0xa4: {  	s25 =	simm.s32 $0x1B8E;
	s24 =	sld [smem:$0x3FFE];
	[sflag:s23] =	ssyncadd.s32 $0xFFFFFFFF  }
0xa5: {  	s26 =	simm.s32 $execute0_lowered;
	[smem:$0x3FD2] =	sst s25  }
0xa6: {  	s4 =	sshll.u32 s26, $0x1;
	_ =	strace $0x8000004C;
	[dreg:$0x1] =	wrdreg $0xFFFFFFFF  }
0xa7: {  	s28 =	simm.s32 $_size_execute0_lowered;
	s2 =	sadd.s32 s2, s4;
	[dreg:$0x0] =	wrdreg $0x0  }
0xa8: {  	s4 =	sshll.u32 s28, $0x1;
	[dreg:$0x2] =	wrdreg s2  }
0xa9: {  	[dreg:$0x3] =	wrdreg s4  }
0xaa: {  	[dreg:$0x4] =	wrdreg $0xC0  }
0xab: {  	_ =	task [dreg:s6], $0x5FFFF  }
0xac: {  	[dreg:$0x1] =	wrdreg $0xFFFFFFFF  }
0xad: {  	[dreg:$0x0] =	wrdreg $0x60  }
0xae: {  	[dreg:$0x2] =	wrdreg s24  }
0xaf: {  	[dreg:$0x3] =	wrdreg $0x0  }
0xb0: {  	[dreg:$0x4] =	wrdreg $0x9  }
0xb1: {  	_ =	task.clear_ibuf [dreg:s6], $0x5FFFF;
	_ =	strace $0x9000004C  }
0xb2: {  	s29 =	simm.s32 $0x9;
	_ =	strace $0x8000004E  }
0xb3: {  	_ =	swait.ge [sflag:s29], $0x1  }
0xb4: {  	[sflag:s29] =	ssyncadd.s32 $0xFFFFFFFF  }
0xb5: {  	_ =	strace $0x9000004E  }
0xb6: {  	_ =	sfence  }
0xb7: {  	s30 =	sld [smem:$0x0];
	_ =	sdelay $0x2  }
0xb8: {  	s31 =	sshll.u32 s1, $0xD;
	s1 =	sshrl.u32 s1, $0x2  }
0xb9: {  	s3 =	sand.u32 $0x4000, s31;
	s1 =	sadd.s32 s1, s30  }
0xba: {  	s0 =	sor.u32 s3, s0;
	s1 =	sshll.u32 s1, $0x11  }
0xbb: {  	s0 =	sor.u32 s1, s0  }
0xbc: {  	s0 =	sadd.s32 $0x8F2B, s0  }
0xbd: {  	[sflag:s0] =	ssyncadd.remote.s32 $0x1  }
0xbe: {  	_ =	sfence.sel $0xFFFF  }
0xbf: {  	[dreg:$0x0] =	wrdreg $0xFFFFFFFF;
	(pc) =	sbr.abs _section_cstart, $3  }
0xc0: {  	[dreg:$0x1] =	wrdreg $0xFFFFFFFF  }
0xc1: {  	_ =	task.clear_ibuf [dreg:s6], $0x2FFFF;
	_ =	strace $0x9FFFFFFF  }
0xc2: {  	(tm) =	ssettm $0x7FFFFFFF  }
0xc3: {  	_ =	shalt  }
tec
execute0_lowered:
.L_overlay_start_1:
0x0: {  	(tag) =	ssettag $0x1  }
0x1: {  	s0 =	rddreg [dreg:$0x0];
	s9 =	stileid.u32  }
0x2: {  	s1 =	srdreg.scid;
	s2 =	rddreg [dreg:$0x1]  }
0x3: {  	s3 =	simm.s32 $0x0;
	s12 =	simm.s32 $0x13C80;
	s14 =	simm.s32 $0x13D00  }
0x4: {  	s15 =	simm.s32 $0x14480;
	s16 =	simm.s32 $0x13D80;
	s17 =	simm.s32 $0x14500  }
0x5: {  	s18 =	simm.s32 $0x13E00;
	s19 =	simm.s32 $0x14580;
	[smem:$0x7FF] =	sst s3  }
0x6: {  	s20 =	simm.s32 $0x13E80;
	_ =	strace $0x8000004D;
	[dreg:$0x5] =	wrdreg s12  }
0x7: {  	s21 =	simm.s32 $0x14600;
	s22 =	simm.s32 $0x13F00;
	[dreg:$0x6] =	wrdreg s14  }
0x8: {  	s23 =	simm.s32 $0x14680;
	s24 =	simm.s32 $0x13F80;
	[dreg:$0x7] =	wrdreg s15  }
0x9: {  	s25 =	simm.s32 $0x14700;
	s28 =	simm.s32 $0x14280;
	[dreg:$0x8] =	wrdreg s16  }
0xa: {  	s29 =	simm.s32 $0x14A00;
	s30 =	simm.s32 $0x14300;
	[dreg:$0x9] =	wrdreg s17  }
0xb: {  	s31 =	simm.s32 $0x14A80;
	s4 =	smul.u32 $0x2800, s9;
	[dreg:$0xa] =	wrdreg s18  }
0xc: {  	s1 =	sand.u32 $0x1, s1;
	s6 =	smul.u32 $0x2780, s9;
	[dreg:$0xb] =	wrdreg s19  }
0xd: {  	s8 =	smul.u32 $0x4F000, s9;
	s13 =	sshll.u32 s9, $0x6;
	[dreg:$0xc] =	wrdreg s20  }
0xe: {  	s9 =	simm.s32 $0x0;
	p0 =	seq.s32 s1, $0x0;
	[dreg:$0xd] =	wrdreg s21  }
0xf: {  	s7 =	smul.u32 $0x27800, s1;
	s1 =	ssub.s32 $0x2, s1;
	[dreg:$0xe] =	wrdreg s22  }
0x10: {  	s12 =	simm.s32 $0x14400;
	s14 =	simm.s32 $0x14C00;
	[dreg:$0xf] =	wrdreg s23  }
0x11: {  	s15 =	simm.s32 $0x18C00;
	s16 =	simm.s32 $0x1;
	[dreg:$0x10] =	wrdreg s24  }
0x12: {  	s17 =	simm.s32 $0x2;
	[dreg:$0x11] =	wrdreg s25;
	s18 =	simm.s32 $0x14780  }
0x13: {  	s19 =	simm.s32 $0x14080;
	s20 =	simm.s32 $0x14800;
	s21 =	simm.s32 $0x14100  }
0x14: {  	s22 =	simm.s32 $0x14880;
	s23 =	simm.s32 $0x14180;
	s24 =	simm.s32 $0x14900  }
0x15: {  	s25 =	simm.s32 $0x14200;
	s5 =	sadd.s32 $0x28000, s4;
	s26 =	sshrl.u32 s1, $0x1  }
0x16: {  	s10 =	sshrl.u32 s8, $0x2;
	s8 =	sor.u32 $0x1C03, s13;
	s13 =	simm.s32 $0x80  }
0x17: {  	s5 =	smov.u32 @p0 s4;
	s4 =	sadd.s32 $0x3F600, s0;
	s7 =	sadd.s32 s6, s7  }
0x18: {  	s6 =	sadd.s32 s6, s0;
	s1 =	ssub.s32 s1, s26;
	s26 =	simm.s32 $0x14000  }
0x19: {  	[dreg:$0x14] =	wrdreg s8;
	s5 =	sshrl.u32 s5, $0x3;
	s6 =	sadd.s32 $0x17E00, s6  }
0x1a: {  	s1 =	smax.u32 s1, $0x1;
	[dreg:$0x12] =	wrdreg s26;
	s26 =	simm.s32 $0x14980  }
0x1b: {  	s5 =	sadd.s32 s5, s0;
	s0 =	sadd.s32 s7, s0;
	[dreg:$0x13] =	wrdreg s6  }
0x1c: {  	s7 =	sadd.s32 s10, s2;
	[dreg:$0x16] =	wrdreg s1;
	s11 =	sadd.s32 $0x3E00, s5  }
0x1d: {  	s10 =	simm.s32 $0x3;
	s5 =	sadd.s32 $0xDE00, s5;
	[dreg:$0x3] =	wrdreg s11  }
0x1e: {  	s1 =	simm.s32 $0x14380;
	s0 =	sadd.s32 $0x66800, s0;
	[dreg:$0x4] =	wrdreg s5  }
0x1f: {  	s7 =	sshrl.u32 s7, $0x3;
	[dreg:$0x15] =	wrdreg s0;
	s11 =	simm.s32 $0x13C00  }
0x20: {  	s0 =	simm.s32 $0x14B00;
	s5 =	simm.s32 $0x14B80;
	[dreg:$0x17] =	wrdreg s7  }
.LBB2_1:
0x21: {  	[dreg:$0x18] =	wrdreg s9  }
0x22: {  	s6 =	rddreg [dreg:$0x13]  }
0x23: {  	[spmem:s7], [sflag:s8] =	dma.local [hbm:s6], $0x2780  }
0x24: {  	_ =	swait.ge [sflag:s10], $0x2780  }
0x25: {  	[sflag:s10] =	ssyncset.done $0x0  }
0x26: {  	[sflag:s10] =	ssyncadd.s32 $0xFFFFD880  }
0x27: {  	[bflag:$0x0] =	sbarrier.arrive $0xFFFF  }
0x28: {  	s9 =	rddreg [dreg:$0x4]  }
0x29: {  	s6 =	sadd.s32 $0x0, s9  }
0x2a: {  	[tilespmem:s11], [sflag:$0x3] =	stream.linear.gather [hbm4b:s6+s3], $0x800, $0x38;
	[tilespmem:$0x1CC00] =	vst v63  }
0x2b: {  	_ =	swait.ge [sflag:s10], $0x800  }
0x2c: {  	s7 =	rddreg [dreg:$0x3];
	[sflag:s10] =	ssyncset.done $0x0  }
0x2d: {  	[sflag:s10] =	ssyncadd.s32 $0xFFFFF800;
	s6 =	sadd.s32 $0x0, s7  }
0x2e: {  	[tilespmem:s12], [sflag:$0x3] =	stream.linear.gather [hbm4b:s6+s3], $0x800, $0x38;
	[tilespmem:$0x1CC00] =	vst v63  }
0x2f: {  	_ =	swait.ge [sflag:s10], $0x800  }
0x30: {  	[sflag:s10] =	ssyncset.done $0x0  }
0x31: {  	[sflag:s10] =	ssyncadd.s32 $0xFFFFF800  }
0x32: {  	[tilespmem:s14], [sflag:$0x1] =	stream.indirect.gather [hbm4b:s4+s13], $0x80, s11, s13, $0xb8;
	[tilespmem:$0x1CC00] =	vst v63  }
0x33: {  	s8 =	rddreg [dreg:$0x5]  }
0x34: {  	[tilespmem:s15], [sflag:$0x2] =	stream.indirect.gather [hbm4b:s4+s13], $0x80, s8, s13, $0xb8;
	[tilespmem:$0x1CC00] =	vst v63  }
0x35: {  	_ =	swait.ge [sflag:s16], $0x4000  }
0x36: {  	[sflag:s16] =	ssyncset.done $0x0  }
0x37: {  	[sflag:s16] =	ssyncadd.s32 $0xFFFFC000  }
0x38: {  	[spmem:s2] =	stream.indirect.scatter.add.f32 [tilespmem:s14], [sflag:$0x3], $0x80, s12, s13, $0xb8;
	[tilespmem:$0x1CC00] =	vst v63  }
0x39: {  	_ =	swait.ge [sflag:s10], $0x4000  }
0x3a: {  	[sflag:s10] =	ssyncset.done $0x0  }
0x3b: {  	s9 =	rddreg [dreg:$0x6];
	[sflag:s10] =	ssyncadd.s32 $0xFFFFC000  }
0x3c: {  	[tilespmem:s14], [sflag:$0x1] =	stream.indirect.gather [hbm4b:s4+s13], $0x80, s9, s13, $0xb8;
	[tilespmem:$0x1CC00] =	vst v63  }
0x3d: {  	_ =	swait.ge [sflag:s17], $0x4000  }
0x3e: {  	[sflag:s17] =	ssyncset.done $0x0  }
0x3f: {  	s7 =	rddreg [dreg:$0x7];
	[sflag:s17] =	ssyncadd.s32 $0xFFFFC000  }
0x40: {  	[spmem:s2] =	stream.indirect.scatter.add.f32 [tilespmem:s15], [sflag:$0x3], $0x80, s7, s13, $0xb8;
	[tilespmem:$0x1CC00] =	vst v63  }
0x41: {  	_ =	swait.ge [sflag:s10], $0x4000  }
0x42: {  	[sflag:s10] =	ssyncset.done $0x0  }
0x43: {  	s8 =	rddreg [dreg:$0x8];
	[sflag:s10] =	ssyncadd.s32 $0xFFFFC000  }
0x44: {  	[tilespmem:s15], [sflag:$0x2] =	stream.indirect.gather [hbm4b:s4+s13], $0x80, s8, s13, $0xb8;
	[tilespmem:$0x1CC00] =	vst v63  }
0x45: {  	_ =	swait.ge [sflag:s16], $0x4000  }
0x46: {  	[sflag:s16] =	ssyncset.done $0x0  }
0x47: {  	s9 =	rddreg [dreg:$0x9];
	[sflag:s16] =	ssyncadd.s32 $0xFFFFC000  }
0x48: {  	[spmem:s2] =	stream.indirect.scatter.add.f32 [tilespmem:s14], [sflag:$0x3], $0x80, s9, s13, $0xb8;
	[tilespmem:$0x1CC00] =	vst v63  }
0x49: {  	_ =	swait.ge [sflag:s10], $0x4000  }
0x4a: {  	[sflag:s10] =	ssyncset.done $0x0  }
0x4b: {  	s7 =	rddreg [dreg:$0xa];
	[sflag:s10] =	ssyncadd.s32 $0xFFFFC000  }
0x4c: {  	[tilespmem:s14], [sflag:$0x1] =	stream.indirect.gather [hbm4b:s4+s13], $0x80, s7, s13, $0xb8;
	[tilespmem:$0x1CC00] =	vst v63  }
0x4d: {  	_ =	swait.ge [sflag:s17], $0x4000  }
0x4e: {  	[sflag:s17] =	ssyncset.done $0x0  }
0x4f: {  	s8 =	rddreg [dreg:$0xb];
	[sflag:s17] =	ssyncadd.s32 $0xFFFFC000  }
0x50: {  	[spmem:s2] =	stream.indirect.scatter.add.f32 [tilespmem:s15], [sflag:$0x3], $0x80, s8, s13, $0xb8;
	[tilespmem:$0x1CC00] =	vst v63  }
0x51: {  	_ =	swait.ge [sflag:s10], $0x4000  }
0x52: {  	[sflag:s10] =	ssyncset.done $0x0  }
0x53: {  	s9 =	rddreg [dreg:$0xc];
	[sflag:s10] =	ssyncadd.s32 $0xFFFFC000  }
0x54: {  	[tilespmem:s15], [sflag:$0x2] =	stream.indirect.gather [hbm4b:s4+s13], $0x80, s9, s13, $0xb8;
	[tilespmem:$0x1CC00] =	vst v63  }
0x55: {  	_ =	swait.ge [sflag:s16], $0x4000  }
0x56: {  	[sflag:s16] =	ssyncset.done $0x0  }
0x57: {  	s7 =	rddreg [dreg:$0xd];
	[sflag:s16] =	ssyncadd.s32 $0xFFFFC000  }
0x58: {  	[spmem:s2] =	stream.indirect.scatter.add.f32 [tilespmem:s14], [sflag:$0x3], $0x80, s7, s13, $0xb8;
	[tilespmem:$0x1CC00] =	vst v63  }
0x59: {  	_ =	swait.ge [sflag:s10], $0x4000  }
0x5a: {  	[sflag:s10] =	ssyncset.done $0x0  }
0x5b: {  	s8 =	rddreg [dreg:$0xe];
	[sflag:s10] =	ssyncadd.s32 $0xFFFFC000  }
0x5c: {  	[tilespmem:s14], [sflag:$0x1] =	stream.indirect.gather [hbm4b:s4+s13], $0x80, s8, s13, $0xb8;
	[tilespmem:$0x1CC00] =	vst v63  }
0x5d: {  	_ =	swait.ge [sflag:s17], $0x4000  }
0x5e: {  	[sflag:s17] =	ssyncset.done $0x0  }
0x5f: {  	s9 =	rddreg [dreg:$0xf];
	[sflag:s17] =	ssyncadd.s32 $0xFFFFC000  }
0x60: {  	[spmem:s2] =	stream.indirect.scatter.add.f32 [tilespmem:s15], [sflag:$0x3], $0x80, s9, s13, $0xb8;
	[tilespmem:$0x1CC00] =	vst v63  }
0x61: {  	_ =	swait.ge [sflag:s10], $0x4000  }
0x62: {  	[sflag:s10] =	ssyncset.done $0x0  }
0x63: {  	s7 =	rddreg [dreg:$0x10];
	[sflag:s10] =	ssyncadd.s32 $0xFFFFC000  }
0x64: {  	[tilespmem:s15], [sflag:$0x2] =	stream.indirect.gather [hbm4b:s4+s13], $0x80, s7, s13, $0xb8;
	[tilespmem:$0x1CC00] =	vst v63  }
0x65: {  	_ =	swait.ge [sflag:s16], $0x4000  }
0x66: {  	[sflag:s16] =	ssyncset.done $0x0  }
0x67: {  	s8 =	rddreg [dreg:$0x11];
	[sflag:s16] =	ssyncadd.s32 $0xFFFFC000  }
0x68: {  	[spmem:s2] =	stream.indirect.scatter.add.f32 [tilespmem:s14], [sflag:$0x3], $0x80, s8, s13, $0xb8;
	[tilespmem:$0x1CC00] =	vst v63  }
0x69: {  	_ =	swait.ge [sflag:s10], $0x4000  }
0x6a: {  	[sflag:s10] =	ssyncset.done $0x0  }
0x6b: {  	s9 =	rddreg [dreg:$0x12];
	[sflag:s10] =	ssyncadd.s32 $0xFFFFC000  }
0x6c: {  	[tilespmem:s14], [sflag:$0x1] =	stream.indirect.gather [hbm4b:s4+s13], $0x80, s9, s13, $0xb8;
	[tilespmem:$0x1CC00] =	vst v63  }
0x6d: {  	_ =	swait.ge [sflag:s17], $0x4000  }
0x6e: {  	[sflag:s17] =	ssyncset.done $0x0  }
0x6f: {  	[sflag:s17] =	ssyncadd.s32 $0xFFFFC000  }
0x70: {  	[spmem:s2] =	stream.indirect.scatter.add.f32 [tilespmem:s15], [sflag:$0x3], $0x80, s18, s13, $0xb8;
	[tilespmem:$0x1CC00] =	vst v63  }
0x71: {  	_ =	swait.ge [sflag:s10], $0x4000  }
0x72: {  	[sflag:s10] =	ssyncset.done $0x0  }
0x73: {  	[sflag:s10] =	ssyncadd.s32 $0xFFFFC000  }
0x74: {  	[tilespmem:s15], [sflag:$0x2] =	stream.indirect.gather [hbm4b:s4+s13], $0x80, s19, s13, $0xb8;
	[tilespmem:$0x1CC00] =	vst v63  }
0x75: {  	_ =	swait.ge [sflag:s16], $0x4000  }
0x76: {  	[sflag:s16] =	ssyncset.done $0x0  }
0x77: {  	[sflag:s16] =	ssyncadd.s32 $0xFFFFC000  }
0x78: {  	[spmem:s2] =	stream.indirect.scatter.add.f32 [tilespmem:s14], [sflag:$0x3], $0x80, s20, s13, $0xb8;
	[tilespmem:$0x1CC00] =	vst v63  }
0x79: {  	_ =	swait.ge [sflag:s10], $0x4000  }
0x7a: {  	[sflag:s10] =	ssyncset.done $0x0  }
0x7b: {  	[sflag:s10] =	ssyncadd.s32 $0xFFFFC000  }
0x7c: {  	[tilespmem:s14], [sflag:$0x1] =	stream.indirect.gather [hbm4b:s4+s13], $0x80, s21, s13, $0xb8;
	[tilespmem:$0x1CC00] =	vst v63  }
0x7d: {  	_ =	swait.ge [sflag:s17], $0x4000  }
0x7e: {  	[sflag:s17] =	ssyncset.done $0x0  }
0x7f: {  	[sflag:s17] =	ssyncadd.s32 $0xFFFFC000  }
0x80: {  	[spmem:s2] =	stream.indirect.scatter.add.f32 [tilespmem:s15], [sflag:$0x3], $0x80, s22, s13, $0xb8;
	[tilespmem:$0x1CC00] =	vst v63  }
0x81: {  	_ =	swait.ge [sflag:s10], $0x4000  }
0x82: {  	[sflag:s10] =	ssyncset.done $0x0  }
0x83: {  	[sflag:s10] =	ssyncadd.s32 $0xFFFFC000  }
0x84: {  	[tilespmem:s15], [sflag:$0x2] =	stream.indirect.gather [hbm4b:s4+s13], $0x80, s23, s13, $0xb8;
	[tilespmem:$0x1CC00] =	vst v63  }
0x85: {  	_ =	swait.ge [sflag:s16], $0x4000  }
0x86: {  	[sflag:s16] =	ssyncset.done $0x0  }
0x87: {  	[sflag:s16] =	ssyncadd.s32 $0xFFFFC000  }
0x88: {  	[spmem:s2] =	stream.indirect.scatter.add.f32 [tilespmem:s14], [sflag:$0x3], $0x80, s24, s13, $0xb8;
	[tilespmem:$0x1CC00] =	vst v63  }
0x89: {  	_ =	swait.ge [sflag:s10], $0x4000  }
0x8a: {  	[sflag:s10] =	ssyncset.done $0x0  }
0x8b: {  	[sflag:s10] =	ssyncadd.s32 $0xFFFFC000  }
0x8c: {  	[tilespmem:s14], [sflag:$0x1] =	stream.indirect.gather [hbm4b:s4+s13], $0x80, s25, s13, $0xb8;
	[tilespmem:$0x1CC00] =	vst v63  }
0x8d: {  	_ =	swait.ge [sflag:s17], $0x4000  }
0x8e: {  	[sflag:s17] =	ssyncset.done $0x0  }
0x8f: {  	[sflag:s17] =	ssyncadd.s32 $0xFFFFC000  }
0x90: {  	[spmem:s2] =	stream.indirect.scatter.add.f32 [tilespmem:s15], [sflag:$0x3], $0x80, s26, s13, $0xb8;
	[tilespmem:$0x1CC00] =	vst v63  }
0x91: {  	_ =	swait.ge [sflag:s10], $0x4000  }
0x92: {  	[sflag:s10] =	ssyncset.done $0x0  }
0x93: {  	[sflag:s10] =	ssyncadd.s32 $0xFFFFC000  }
0x94: {  	[tilespmem:s15], [sflag:$0x2] =	stream.indirect.gather [hbm4b:s4+s13], $0x80, s28, s13, $0xb8;
	[tilespmem:$0x1CC00] =	vst v63  }
0x95: {  	_ =	swait.ge [sflag:s16], $0x4000  }
0x96: {  	[sflag:s16] =	ssyncset.done $0x0  }
0x97: {  	[sflag:s16] =	ssyncadd.s32 $0xFFFFC000  }
0x98: {  	[spmem:s2] =	stream.indirect.scatter.add.f32 [tilespmem:s14], [sflag:$0x3], $0x80, s29, s13, $0xb8;
	[tilespmem:$0x1CC00] =	vst v63  }
0x99: {  	_ =	swait.ge [sflag:s10], $0x4000  }
0x9a: {  	[sflag:s10] =	ssyncset.done $0x0  }
0x9b: {  	[sflag:s10] =	ssyncadd.s32 $0xFFFFC000  }
0x9c: {  	[tilespmem:s14], [sflag:$0x1] =	stream.indirect.gather [hbm4b:s4+s13], $0x80, s30, s13, $0xb8;
	[tilespmem:$0x1CC00] =	vst v63  }
0x9d: {  	_ =	swait.ge [sflag:s17], $0x4000  }
0x9e: {  	[sflag:s17] =	ssyncset.done $0x0  }
0x9f: {  	[sflag:s17] =	ssyncadd.s32 $0xFFFFC000  }
0xa0: {  	[spmem:s2] =	stream.indirect.scatter.add.f32 [tilespmem:s15], [sflag:$0x3], $0x80, s31, s13, $0xb8;
	[tilespmem:$0x1CC00] =	vst v63  }
0xa1: {  	_ =	swait.ge [sflag:s10], $0x4000  }
0xa2: {  	[sflag:s10] =	ssyncset.done $0x0  }
0xa3: {  	[sflag:s10] =	ssyncadd.s32 $0xFFFFC000  }
0xa4: {  	[tilespmem:s15], [sflag:$0x2] =	stream.indirect.gather [hbm4b:s4+s13], $0x80, s1, s13, $0xb8;
	[tilespmem:$0x1CC00] =	vst v63  }
0xa5: {  	_ =	swait.ge [sflag:s16], $0x4000  }
0xa6: {  	[sflag:s16] =	ssyncset.done $0x0  }
0xa7: {  	[sflag:s16] =	ssyncadd.s32 $0xFFFFC000  }
0xa8: {  	[spmem:s2] =	stream.indirect.scatter.add.f32 [tilespmem:s14], [sflag:$0x3], $0x80, s0, s13, $0xb8;
	[tilespmem:$0x1CC00] =	vst v63  }
0xa9: {  	_ =	swait.ge [sflag:s10], $0x4000  }
0xaa: {  	[sflag:s10] =	ssyncset.done $0x0  }
0xab: {  	[sflag:s10] =	ssyncadd.s32 $0xFFFFC000  }
0xac: {  	_ =	swait.ge [sflag:s17], $0x4000  }
0xad: {  	[sflag:s17] =	ssyncset.done $0x0  }
0xae: {  	[sflag:s17] =	ssyncadd.s32 $0xFFFFC000  }
0xaf: {  	[spmem:s2] =	stream.indirect.scatter.add.f32 [tilespmem:s15], [sflag:$0x3], $0x80, s5, s13, $0xb8;
	[tilespmem:$0x1CC00] =	vst v63  }
0xb0: {  	s6 =	simm.s32 $0x200;
	_ =	swait.ge [sflag:s10], $0x4000  }
0xb1: {  	s8 =	simm.s32 $0x100;
	s9 =	rddreg [dreg:$0x4];
	[sflag:s10] =	ssyncset.done $0x0  }
.LBB2_2:
0xb2: {  	[sflag:s10] =	ssyncadd.s32 $0xFFFFC000;
	s9 =	sadd.s32 s8, s9  }
0xb3: {  	[tilespmem:s11], [sflag:$0x3] =	stream.linear.gather [hbm4b:s9+s3], $0x800, $0x38;
	[tilespmem:$0x1CC00] =	vst v63  }
0xb4: {  	_ =	swait.ge [sflag:s10], $0x800  }
0xb5: {  	s9 =	rddreg [dreg:$0x3];
	[sflag:s10] =	ssyncset.done $0x0  }
0xb6: {  	[sflag:s10] =	ssyncadd.s32 $0xFFFFF800;
	s9 =	sadd.s32 s8, s9  }
0xb7: {  	[tilespmem:s12], [sflag:$0x3] =	stream.linear.gather [hbm4b:s9+s3], $0x800, $0x38;
	[tilespmem:$0x1CC00] =	vst v63  }
0xb8: {  	_ =	swait.ge [sflag:s10], $0x800  }
0xb9: {  	[sflag:s10] =	ssyncset.done $0x0  }
0xba: {  	[sflag:s10] =	ssyncadd.s32 $0xFFFFF800  }
0xbb: {  	[tilespmem:s14], [sflag:$0x1] =	stream.indirect.gather [hbm4b:s4+s13], $0x80, s11, s13, $0xb8;
	[tilespmem:$0x1CC00] =	vst v63  }
0xbc: {  	s9 =	rddreg [dreg:$0x5]  }
0xbd: {  	[tilespmem:s15], [sflag:$0x2] =	stream.indirect.gather [hbm4b:s4+s13], $0x80, s9, s13, $0xb8;
	[tilespmem:$0x1CC00] =	vst v63  }
0xbe: {  	_ =	swait.ge [sflag:s16], $0x4000  }
0xbf: {  	[sflag:s16] =	ssyncset.done $0x0  }
0xc0: {  	[sflag:s16] =	ssyncadd.s32 $0xFFFFC000  }
0xc1: {  	[spmem:s2] =	stream.indirect.scatter.add.f32 [tilespmem:s14], [sflag:$0x3], $0x80, s12, s13, $0xb8;
	[tilespmem:$0x1CC00] =	vst v63  }
0xc2: {  	_ =	swait.ge [sflag:s10], $0x4000  }
0xc3: {  	[sflag:s10] =	ssyncset.done $0x0  }
0xc4: {  	s9 =	rddreg [dreg:$0x6];
	[sflag:s10] =	ssyncadd.s32 $0xFFFFC000  }
0xc5: {  	[tilespmem:s14], [sflag:$0x1] =	stream.indirect.gather [hbm4b:s4+s13], $0x80, s9, s13, $0xb8;
	[tilespmem:$0x1CC00] =	vst v63  }
0xc6: {  	_ =	swait.ge [sflag:s17], $0x4000  }
0xc7: {  	[sflag:s17] =	ssyncset.done $0x0  }
0xc8: {  	s9 =	rddreg [dreg:$0x7];
	[sflag:s17] =	ssyncadd.s32 $0xFFFFC000  }
0xc9: {  	[spmem:s2] =	stream.indirect.scatter.add.f32 [tilespmem:s15], [sflag:$0x3], $0x80, s9, s13, $0xb8;
	[tilespmem:$0x1CC00] =	vst v63  }
0xca: {  	_ =	swait.ge [sflag:s10], $0x4000  }
0xcb: {  	[sflag:s10] =	ssyncset.done $0x0  }
0xcc: {  	s9 =	rddreg [dreg:$0x8];
	[sflag:s10] =	ssyncadd.s32 $0xFFFFC000  }
0xcd: {  	[tilespmem:s15], [sflag:$0x2] =	stream.indirect.gather [hbm4b:s4+s13], $0x80, s9, s13, $0xb8;
	[tilespmem:$0x1CC00] =	vst v63  }
0xce: {  	_ =	swait.ge [sflag:s16], $0x4000  }
0xcf: {  	[sflag:s16] =	ssyncset.done $0x0  }
0xd0: {  	s9 =	rddreg [dreg:$0x9];
	[sflag:s16] =	ssyncadd.s32 $0xFFFFC000  }
0xd1: {  	[spmem:s2] =	stream.indirect.scatter.add.f32 [tilespmem:s14], [sflag:$0x3], $0x80, s9, s13, $0xb8;
	[tilespmem:$0x1CC00] =	vst v63  }
0xd2: {  	_ =	swait.ge [sflag:s10], $0x4000  }
0xd3: {  	[sflag:s10] =	ssyncset.done $0x0  }
0xd4: {  	s9 =	rddreg [dreg:$0xa];
	[sflag:s10] =	ssyncadd.s32 $0xFFFFC000  }
0xd5: {  	[tilespmem:s14], [sflag:$0x1] =	stream.indirect.gather [hbm4b:s4+s13], $0x80, s9, s13, $0xb8;
	[tilespmem:$0x1CC00] =	vst v63  }
0xd6: {  	_ =	swait.ge [sflag:s17], $0x4000  }
0xd7: {  	[sflag:s17] =	ssyncset.done $0x0  }
0xd8: {  	s9 =	rddreg [dreg:$0xb];
	[sflag:s17] =	ssyncadd.s32 $0xFFFFC000  }
0xd9: {  	[spmem:s2] =	stream.indirect.scatter.add.f32 [tilespmem:s15], [sflag:$0x3], $0x80, s9, s13, $0xb8;
	[tilespmem:$0x1CC00] =	vst v63  }
0xda: {  	_ =	swait.ge [sflag:s10], $0x4000  }
0xdb: {  	[sflag:s10] =	ssyncset.done $0x0  }
0xdc: {  	s9 =	rddreg [dreg:$0xc];
	[sflag:s10] =	ssyncadd.s32 $0xFFFFC000  }
0xdd: {  	[tilespmem:s15], [sflag:$0x2] =	stream.indirect.gather [hbm4b:s4+s13], $0x80, s9, s13, $0xb8;
	[tilespmem:$0x1CC00] =	vst v63  }
0xde: {  	_ =	swait.ge [sflag:s16], $0x4000  }
0xdf: {  	[sflag:s16] =	ssyncset.done $0x0  }
0xe0: {  	s9 =	rddreg [dreg:$0xd];
	[sflag:s16] =	ssyncadd.s32 $0xFFFFC000  }
0xe1: {  	[spmem:s2] =	stream.indirect.scatter.add.f32 [tilespmem:s14], [sflag:$0x3], $0x80, s9, s13, $0xb8;
	[tilespmem:$0x1CC00] =	vst v63  }
0xe2: {  	_ =	swait.ge [sflag:s10], $0x4000  }
0xe3: {  	[sflag:s10] =	ssyncset.done $0x0  }
0xe4: {  	s9 =	rddreg [dreg:$0xe];
	[sflag:s10] =	ssyncadd.s32 $0xFFFFC000  }
0xe5: {  	[tilespmem:s14], [sflag:$0x1] =	stream.indirect.gather [hbm4b:s4+s13], $0x80, s9, s13, $0xb8;
	[tilespmem:$0x1CC00] =	vst v63  }
0xe6: {  	_ =	swait.ge [sflag:s17], $0x4000  }
0xe7: {  	[sflag:s17] =	ssyncset.done $0x0  }
0xe8: {  	s9 =	rddreg [dreg:$0xf];
	[sflag:s17] =	ssyncadd.s32 $0xFFFFC000  }
0xe9: {  	[spmem:s2] =	stream.indirect.scatter.add.f32 [tilespmem:s15], [sflag:$0x3], $0x80, s9, s13, $0xb8;
	[tilespmem:$0x1CC00] =	vst v63  }
0xea: {  	_ =	swait.ge [sflag:s10], $0x4000  }
0xeb: {  	[sflag:s10] =	ssyncset.done $0x0  }
0xec: {  	s9 =	rddreg [dreg:$0x10];
	[sflag:s10] =	ssyncadd.s32 $0xFFFFC000  }
0xed: {  	[tilespmem:s15], [sflag:$0x2] =	stream.indirect.gather [hbm4b:s4+s13], $0x80, s9, s13, $0xb8;
	[tilespmem:$0x1CC00] =	vst v63  }
0xee: {  	_ =	swait.ge [sflag:s16], $0x4000  }
0xef: {  	[sflag:s16] =	ssyncset.done $0x0  }
0xf0: {  	s9 =	rddreg [dreg:$0x11];
	[sflag:s16] =	ssyncadd.s32 $0xFFFFC000  }
0xf1: {  	[spmem:s2] =	stream.indirect.scatter.add.f32 [tilespmem:s14], [sflag:$0x3], $0x80, s9, s13, $0xb8;
	[tilespmem:$0x1CC00] =	vst v63  }
0xf2: {  	_ =	swait.ge [sflag:s10], $0x4000  }
0xf3: {  	[sflag:s10] =	ssyncset.done $0x0  }
0xf4: {  	s9 =	rddreg [dreg:$0x12];
	[sflag:s10] =	ssyncadd.s32 $0xFFFFC000  }
0xf5: {  	[tilespmem:s14], [sflag:$0x1] =	stream.indirect.gather [hbm4b:s4+s13], $0x80, s9, s13, $0xb8;
	[tilespmem:$0x1CC00] =	vst v63  }
0xf6: {  	_ =	swait.ge [sflag:s17], $0x4000  }
0xf7: {  	[sflag:s17] =	ssyncset.done $0x0  }
0xf8: {  	[sflag:s17] =	ssyncadd.s32 $0xFFFFC000  }
0xf9: {  	[spmem:s2] =	stream.indirect.scatter.add.f32 [tilespmem:s15], [sflag:$0x3], $0x80, s18, s13, $0xb8;
	[tilespmem:$0x1CC00] =	vst v63  }
0xfa: {  	_ =	swait.ge [sflag:s10], $0x4000  }
0xfb: {  	[sflag:s10] =	ssyncset.done $0x0  }
0xfc: {  	[sflag:s10] =	ssyncadd.s32 $0xFFFFC000  }
0xfd: {  	[tilespmem:s15], [sflag:$0x2] =	stream.indirect.gather [hbm4b:s4+s13], $0x80, s19, s13, $0xb8;
	[tilespmem:$0x1CC00] =	vst v63  }
0xfe: {  	_ =	swait.ge [sflag:s16], $0x4000  }
0xff: {  	[sflag:s16] =	ssyncset.done $0x0  }
0x100: {  	[sflag:s16] =	ssyncadd.s32 $0xFFFFC000  }
0x101: {  	[spmem:s2] =	stream.indirect.scatter.add.f32 [tilespmem:s14], [sflag:$0x3], $0x80, s20, s13, $0xb8;
	[tilespmem:$0x1CC00] =	vst v63  }
0x102: {  	_ =	swait.ge [sflag:s10], $0x4000  }
0x103: {  	[sflag:s10] =	ssyncset.done $0x0  }
0x104: {  	[sflag:s10] =	ssyncadd.s32 $0xFFFFC000  }
0x105: {  	[tilespmem:s14], [sflag:$0x1] =	stream.indirect.gather [hbm4b:s4+s13], $0x80, s21, s13, $0xb8;
	[tilespmem:$0x1CC00] =	vst v63  }
0x106: {  	_ =	swait.ge [sflag:s17], $0x4000  }
0x107: {  	[sflag:s17] =	ssyncset.done $0x0  }
0x108: {  	[sflag:s17] =	ssyncadd.s32 $0xFFFFC000  }
0x109: {  	[spmem:s2] =	stream.indirect.scatter.add.f32 [tilespmem:s15], [sflag:$0x3], $0x80, s22, s13, $0xb8;
	[tilespmem:$0x1CC00] =	vst v63  }
0x10a: {  	_ =	swait.ge [sflag:s10], $0x4000  }
0x10b: {  	[sflag:s10] =	ssyncset.done $0x0  }
0x10c: {  	[sflag:s10] =	ssyncadd.s32 $0xFFFFC000  }
0x10d: {  	[tilespmem:s15], [sflag:$0x2] =	stream.indirect.gather [hbm4b:s4+s13], $0x80, s23, s13, $0xb8;
	[tilespmem:$0x1CC00] =	vst v63  }
0x10e: {  	_ =	swait.ge [sflag:s16], $0x4000  }
0x10f: {  	[sflag:s16] =	ssyncset.done $0x0  }
0x110: {  	[sflag:s16] =	ssyncadd.s32 $0xFFFFC000  }
0x111: {  	[spmem:s2] =	stream.indirect.scatter.add.f32 [tilespmem:s14], [sflag:$0x3], $0x80, s24, s13, $0xb8;
	[tilespmem:$0x1CC00] =	vst v63  }
0x112: {  	_ =	swait.ge [sflag:s10], $0x4000  }
0x113: {  	[sflag:s10] =	ssyncset.done $0x0  }
0x114: {  	[sflag:s10] =	ssyncadd.s32 $0xFFFFC000  }
0x115: {  	[tilespmem:s14], [sflag:$0x1] =	stream.indirect.gather [hbm4b:s4+s13], $0x80, s25, s13, $0xb8;
	[tilespmem:$0x1CC00] =	vst v63  }
0x116: {  	_ =	swait.ge [sflag:s17], $0x4000  }
0x117: {  	[sflag:s17] =	ssyncset.done $0x0  }
0x118: {  	[sflag:s17] =	ssyncadd.s32 $0xFFFFC000  }
0x119: {  	[spmem:s2] =	stream.indirect.scatter.add.f32 [tilespmem:s15], [sflag:$0x3], $0x80, s26, s13, $0xb8;
	[tilespmem:$0x1CC00] =	vst v63  }
0x11a: {  	_ =	swait.ge [sflag:s10], $0x4000  }
0x11b: {  	[sflag:s10] =	ssyncset.done $0x0  }
0x11c: {  	[sflag:s10] =	ssyncadd.s32 $0xFFFFC000  }
0x11d: {  	[tilespmem:s15], [sflag:$0x2] =	stream.indirect.gather [hbm4b:s4+s13], $0x80, s28, s13, $0xb8;
	[tilespmem:$0x1CC00] =	vst v63  }
0x11e: {  	_ =	swait.ge [sflag:s16], $0x4000  }
0x11f: {  	[sflag:s16] =	ssyncset.done $0x0  }
0x120: {  	[sflag:s16] =	ssyncadd.s32 $0xFFFFC000  }
0x121: {  	[spmem:s2] =	stream.indirect.scatter.add.f32 [tilespmem:s14], [sflag:$0x3], $0x80, s29, s13, $0xb8;
	[tilespmem:$0x1CC00] =	vst v63  }
0x122: {  	_ =	swait.ge [sflag:s10], $0x4000  }
0x123: {  	[sflag:s10] =	ssyncset.done $0x0  }
0x124: {  	[sflag:s10] =	ssyncadd.s32 $0xFFFFC000  }
0x125: {  	[tilespmem:s14], [sflag:$0x1] =	stream.indirect.gather [hbm4b:s4+s13], $0x80, s30, s13, $0xb8;
	[tilespmem:$0x1CC00] =	vst v63  }
0x126: {  	_ =	swait.ge [sflag:s17], $0x4000  }
0x127: {  	[sflag:s17] =	ssyncset.done $0x0  }
0x128: {  	[sflag:s17] =	ssyncadd.s32 $0xFFFFC000  }
0x129: {  	[spmem:s2] =	stream.indirect.scatter.add.f32 [tilespmem:s15], [sflag:$0x3], $0x80, s31, s13, $0xb8;
	[tilespmem:$0x1CC00] =	vst v63  }
0x12a: {  	_ =	swait.ge [sflag:s10], $0x4000  }
0x12b: {  	[sflag:s10] =	ssyncset.done $0x0  }
0x12c: {  	[sflag:s10] =	ssyncadd.s32 $0xFFFFC000  }
0x12d: {  	[tilespmem:s15], [sflag:$0x2] =	stream.indirect.gather [hbm4b:s4+s13], $0x80, s1, s13, $0xb8;
	[tilespmem:$0x1CC00] =	vst v63  }
0x12e: {  	_ =	swait.ge [sflag:s16], $0x4000  }
0x12f: {  	[sflag:s16] =	ssyncset.done $0x0  }
0x130: {  	[sflag:s16] =	ssyncadd.s32 $0xFFFFC000  }
0x131: {  	[spmem:s2] =	stream.indirect.scatter.add.f32 [tilespmem:s14], [sflag:$0x3], $0x80, s0, s13, $0xb8;
	[tilespmem:$0x1CC00] =	vst v63  }
0x132: {  	_ =	swait.ge [sflag:s10], $0x4000  }
0x133: {  	[sflag:s10] =	ssyncset.done $0x0  }
0x134: {  	[sflag:s10] =	ssyncadd.s32 $0xFFFFC000  }
0x135: {  	p0 =	sne.s32 s6, $0x400;
	_ =	swait.ge [sflag:s17], $0x4000  }
.Ltmp0:
0x136: {  	[sflag:s17] =	ssyncset.done $0x0;
	(pc) =	sbr.rel @p0 .LBB2_2-.Ltmp0, $4  }
0x137: {  	[sflag:s17] =	ssyncadd.s32 $0xFFFFC000  }
0x138: {  	[spmem:s2] =	stream.indirect.scatter.add.f32 [tilespmem:s15], [sflag:$0x3], $0x80, s5, s13, $0xb8;
	[tilespmem:$0x1CC00] =	vst v63  }
0x139: {  	s7 =	smov.u32 s6;
	s6 =	sadd.s32 $0x100, s6;
	_ =	swait.ge [sflag:s10], $0x4000  }
0x13a: {  	s8 =	smov.u32 s7;
	s9 =	rddreg [dreg:$0x4];
	[sflag:s10] =	ssyncset.done $0x0  }
0x13b: {  	[sflag:s10] =	ssyncadd.s32 $0xFFFFC000;
	s6 =	sadd.s32 s8, s9  }
0x13c: {  	[tilespmem:s11], [sflag:$0x3] =	stream.linear.gather [hbm4b:s6+s3], $0x800, $0x38;
	[tilespmem:$0x1CC00] =	vst v63  }
0x13d: {  	_ =	swait.ge [sflag:s10], $0x800  }
0x13e: {  	s9 =	rddreg [dreg:$0x3];
	[sflag:s10] =	ssyncset.done $0x0  }
0x13f: {  	s6 =	sadd.s32 s8, s9;
	[sflag:s10] =	ssyncadd.s32 $0xFFFFF800  }
0x140: {  	[tilespmem:s12], [sflag:$0x3] =	stream.linear.gather [hbm4b:s6+s3], $0x800, $0x38;
	[tilespmem:$0x1CC00] =	vst v63  }
0x141: {  	_ =	swait.ge [sflag:s10], $0x800  }
0x142: {  	[sflag:s10] =	ssyncset.done $0x0  }
0x143: {  	[sflag:s10] =	ssyncadd.s32 $0xFFFFF800  }
0x144: {  	[tilespmem:s14], [sflag:$0x1] =	stream.indirect.gather [hbm4b:s4+s13], $0x80, s11, s13, $0xb8;
	[tilespmem:$0x1CC00] =	vst v63  }
0x145: {  	s7 =	rddreg [dreg:$0x5]  }
0x146: {  	[tilespmem:s15], [sflag:$0x2] =	stream.indirect.gather [hbm4b:s4+s13], $0x80, s7, s13, $0xb8;
	[tilespmem:$0x1CC00] =	vst v63  }
0x147: {  	_ =	swait.ge [sflag:s16], $0x4000  }
0x148: {  	[sflag:s16] =	ssyncset.done $0x0  }
0x149: {  	[sflag:s16] =	ssyncadd.s32 $0xFFFFC000  }
0x14a: {  	[spmem:s2] =	stream.indirect.scatter.add.f32 [tilespmem:s14], [sflag:$0x3], $0x80, s12, s13, $0xb8;
	[tilespmem:$0x1CC00] =	vst v63  }
0x14b: {  	_ =	swait.ge [sflag:s10], $0x4000  }
0x14c: {  	[sflag:s10] =	ssyncset.done $0x0  }
0x14d: {  	s8 =	rddreg [dreg:$0x6];
	[sflag:s10] =	ssyncadd.s32 $0xFFFFC000  }
0x14e: {  	[tilespmem:s14], [sflag:$0x1] =	stream.indirect.gather [hbm4b:s4+s13], $0x80, s8, s13, $0xb8;
	[tilespmem:$0x1CC00] =	vst v63  }
0x14f: {  	_ =	swait.ge [sflag:s17], $0x4000  }
0x150: {  	[sflag:s17] =	ssyncset.done $0x0  }
0x151: {  	s9 =	rddreg [dreg:$0x7];
	[sflag:s17] =	ssyncadd.s32 $0xFFFFC000  }
0x152: {  	[spmem:s2] =	stream.indirect.scatter.add.f32 [tilespmem:s15], [sflag:$0x3], $0x80, s9, s13, $0xb8;
	[tilespmem:$0x1CC00] =	vst v63  }
0x153: {  	_ =	swait.ge [sflag:s10], $0x4000  }
0x154: {  	[sflag:s10] =	ssyncset.done $0x0  }
0x155: {  	s7 =	rddreg [dreg:$0x8];
	[sflag:s10] =	ssyncadd.s32 $0xFFFFC000  }
0x156: {  	[tilespmem:s15], [sflag:$0x2] =	stream.indirect.gather [hbm4b:s4+s13], $0x80, s7, s13, $0xb8;
	[tilespmem:$0x1CC00] =	vst v63  }
0x157: {  	_ =	swait.ge [sflag:s16], $0x4000  }
0x158: {  	[sflag:s16] =	ssyncset.done $0x0  }
0x159: {  	s8 =	rddreg [dreg:$0x9];
	[sflag:s16] =	ssyncadd.s32 $0xFFFFC000  }
0x15a: {  	[spmem:s2] =	stream.indirect.scatter.add.f32 [tilespmem:s14], [sflag:$0x3], $0x80, s8, s13, $0xb8;
	[tilespmem:$0x1CC00] =	vst v63  }
0x15b: {  	_ =	swait.ge [sflag:s10], $0x4000  }
0x15c: {  	[sflag:s10] =	ssyncset.done $0x0  }
0x15d: {  	s9 =	rddreg [dreg:$0xa];
	[sflag:s10] =	ssyncadd.s32 $0xFFFFC000  }
0x15e: {  	[tilespmem:s14], [sflag:$0x1] =	stream.indirect.gather [hbm4b:s4+s13], $0x80, s9, s13, $0xb8;
	[tilespmem:$0x1CC00] =	vst v63  }
0x15f: {  	_ =	swait.ge [sflag:s17], $0x4000  }
0x160: {  	[sflag:s17] =	ssyncset.done $0x0  }
0x161: {  	s7 =	rddreg [dreg:$0xb];
	[sflag:s17] =	ssyncadd.s32 $0xFFFFC000  }
0x162: {  	[spmem:s2] =	stream.indirect.scatter.add.f32 [tilespmem:s15], [sflag:$0x3], $0x80, s7, s13, $0xb8;
	[tilespmem:$0x1CC00] =	vst v63  }
0x163: {  	_ =	swait.ge [sflag:s10], $0x4000  }
0x164: {  	[sflag:s10] =	ssyncset.done $0x0  }
0x165: {  	s8 =	rddreg [dreg:$0xc];
	[sflag:s10] =	ssyncadd.s32 $0xFFFFC000  }
0x166: {  	[tilespmem:s15], [sflag:$0x2] =	stream.indirect.gather [hbm4b:s4+s13], $0x80, s8, s13, $0xb8;
	[tilespmem:$0x1CC00] =	vst v63  }
0x167: {  	_ =	swait.ge [sflag:s16], $0x4000  }
0x168: {  	[sflag:s16] =	ssyncset.done $0x0  }
0x169: {  	s9 =	rddreg [dreg:$0xd];
	[sflag:s16] =	ssyncadd.s32 $0xFFFFC000  }
0x16a: {  	[spmem:s2] =	stream.indirect.scatter.add.f32 [tilespmem:s14], [sflag:$0x3], $0x80, s9, s13, $0xb8;
	[tilespmem:$0x1CC00] =	vst v63  }
0x16b: {  	_ =	swait.ge [sflag:s10], $0x4000  }
0x16c: {  	[sflag:s10] =	ssyncset.done $0x0  }
0x16d: {  	s7 =	rddreg [dreg:$0xe];
	[sflag:s10] =	ssyncadd.s32 $0xFFFFC000  }
0x16e: {  	[tilespmem:s14], [sflag:$0x1] =	stream.indirect.gather [hbm4b:s4+s13], $0x80, s7, s13, $0xb8;
	[tilespmem:$0x1CC00] =	vst v63  }
0x16f: {  	_ =	swait.ge [sflag:s17], $0x4000  }
0x170: {  	[sflag:s17] =	ssyncset.done $0x0  }
0x171: {  	s8 =	rddreg [dreg:$0xf];
	[sflag:s17] =	ssyncadd.s32 $0xFFFFC000  }
0x172: {  	[spmem:s2] =	stream.indirect.scatter.add.f32 [tilespmem:s15], [sflag:$0x3], $0x80, s8, s13, $0xb8;
	[tilespmem:$0x1CC00] =	vst v63  }
0x173: {  	_ =	swait.ge [sflag:s10], $0x4000  }
0x174: {  	[sflag:s10] =	ssyncset.done $0x0  }
0x175: {  	s9 =	rddreg [dreg:$0x10];
	[sflag:s10] =	ssyncadd.s32 $0xFFFFC000  }
0x176: {  	[tilespmem:s15], [sflag:$0x2] =	stream.indirect.gather [hbm4b:s4+s13], $0x80, s9, s13, $0xb8;
	[tilespmem:$0x1CC00] =	vst v63  }
0x177: {  	_ =	swait.ge [sflag:s16], $0x4000  }
0x178: {  	[sflag:s16] =	ssyncset.done $0x0  }
0x179: {  	s7 =	rddreg [dreg:$0x11];
	[sflag:s16] =	ssyncadd.s32 $0xFFFFC000  }
0x17a: {  	[spmem:s2] =	stream.indirect.scatter.add.f32 [tilespmem:s14], [sflag:$0x3], $0x80, s7, s13, $0xb8;
	[tilespmem:$0x1CC00] =	vst v63  }
0x17b: {  	_ =	swait.ge [sflag:s10], $0x4000  }
0x17c: {  	[sflag:s10] =	ssyncset.done $0x0  }
0x17d: {  	s8 =	rddreg [dreg:$0x12];
	[sflag:s10] =	ssyncadd.s32 $0xFFFFC000  }
0x17e: {  	[tilespmem:s14], [sflag:$0x1] =	stream.indirect.gather [hbm4b:s4+s13], $0x80, s8, s13, $0xb8;
	[tilespmem:$0x1CC00] =	vst v63  }
0x17f: {  	_ =	swait.ge [sflag:s17], $0x4000  }
0x180: {  	[sflag:s17] =	ssyncset.done $0x0  }
0x181: {  	[sflag:s17] =	ssyncadd.s32 $0xFFFFC000  }
0x182: {  	[spmem:s2] =	stream.indirect.scatter.add.f32 [tilespmem:s15], [sflag:$0x3], $0x80, s18, s13, $0xb8;
	[tilespmem:$0x1CC00] =	vst v63  }
0x183: {  	_ =	swait.ge [sflag:s10], $0x4000  }
0x184: {  	[sflag:s10] =	ssyncset.done $0x0  }
0x185: {  	[sflag:s10] =	ssyncadd.s32 $0xFFFFC000  }
0x186: {  	[tilespmem:s15], [sflag:$0x2] =	stream.indirect.gather [hbm4b:s4+s13], $0x80, s19, s13, $0xb8;
	[tilespmem:$0x1CC00] =	vst v63  }
0x187: {  	_ =	swait.ge [sflag:s16], $0x4000  }
0x188: {  	[sflag:s16] =	ssyncset.done $0x0  }
0x189: {  	[sflag:s16] =	ssyncadd.s32 $0xFFFFC000  }
0x18a: {  	[spmem:s2] =	stream.indirect.scatter.add.f32 [tilespmem:s14], [sflag:$0x3], $0x80, s20, s13, $0xb8;
	[tilespmem:$0x1CC00] =	vst v63  }
0x18b: {  	_ =	swait.ge [sflag:s10], $0x4000  }
0x18c: {  	[sflag:s10] =	ssyncset.done $0x0  }
0x18d: {  	[sflag:s10] =	ssyncadd.s32 $0xFFFFC000  }
0x18e: {  	[tilespmem:s14], [sflag:$0x1] =	stream.indirect.gather [hbm4b:s4+s13], $0x80, s21, s13, $0xb8;
	[tilespmem:$0x1CC00] =	vst v63  }
0x18f: {  	_ =	swait.ge [sflag:s17], $0x4000  }
0x190: {  	[sflag:s17] =	ssyncset.done $0x0  }
0x191: {  	[sflag:s17] =	ssyncadd.s32 $0xFFFFC000  }
0x192: {  	[spmem:s2] =	stream.indirect.scatter.add.f32 [tilespmem:s15], [sflag:$0x3], $0x80, s22, s13, $0xb8;
	[tilespmem:$0x1CC00] =	vst v63  }
0x193: {  	_ =	swait.ge [sflag:s10], $0x4000  }
0x194: {  	[sflag:s10] =	ssyncset.done $0x0  }
0x195: {  	[sflag:s10] =	ssyncadd.s32 $0xFFFFC000  }
0x196: {  	[tilespmem:s15], [sflag:$0x2] =	stream.indirect.gather [hbm4b:s4+s13], $0x80, s23, s13, $0xb8;
	[tilespmem:$0x1CC00] =	vst v63  }
0x197: {  	_ =	swait.ge [sflag:s16], $0x4000  }
0x198: {  	[sflag:s16] =	ssyncset.done $0x0  }
0x199: {  	[sflag:s16] =	ssyncadd.s32 $0xFFFFC000  }
0x19a: {  	[spmem:s2] =	stream.indirect.scatter.add.f32 [tilespmem:s14], [sflag:$0x3], $0x80, s24, s13, $0xb8;
	[tilespmem:$0x1CC00] =	vst v63  }
0x19b: {  	_ =	swait.ge [sflag:s10], $0x4000  }
0x19c: {  	[sflag:s10] =	ssyncset.done $0x0  }
0x19d: {  	[sflag:s10] =	ssyncadd.s32 $0xFFFFC000  }
0x19e: {  	[tilespmem:s14], [sflag:$0x1] =	stream.indirect.gather [hbm4b:s4+s13], $0x80, s25, s13, $0xb8;
	[tilespmem:$0x1CC00] =	vst v63  }
0x19f: {  	_ =	swait.ge [sflag:s17], $0x4000  }
0x1a0: {  	[sflag:s17] =	ssyncset.done $0x0  }
0x1a1: {  	[sflag:s17] =	ssyncadd.s32 $0xFFFFC000  }
0x1a2: {  	[spmem:s2] =	stream.indirect.scatter.add.f32 [tilespmem:s15], [sflag:$0x3], $0x80, s26, s13, $0xb8;
	[tilespmem:$0x1CC00] =	vst v63  }
0x1a3: {  	_ =	swait.ge [sflag:s10], $0x4000  }
0x1a4: {  	[sflag:s10] =	ssyncset.done $0x0  }
0x1a5: {  	[sflag:s10] =	ssyncadd.s32 $0xFFFFC000  }
0x1a6: {  	[tilespmem:s15], [sflag:$0x2] =	stream.indirect.gather [hbm4b:s4+s13], $0x80, s28, s13, $0xb8;
	[tilespmem:$0x1CC00] =	vst v63  }
0x1a7: {  	_ =	swait.ge [sflag:s16], $0x4000  }
0x1a8: {  	[sflag:s16] =	ssyncset.done $0x0  }
0x1a9: {  	[sflag:s16] =	ssyncadd.s32 $0xFFFFC000  }
0x1aa: {  	[spmem:s2] =	stream.indirect.scatter.add.f32 [tilespmem:s14], [sflag:$0x3], $0x80, s29, s13, $0xb8;
	[tilespmem:$0x1CC00] =	vst v63  }
0x1ab: {  	_ =	swait.ge [sflag:s10], $0x4000  }
0x1ac: {  	[sflag:s10] =	ssyncset.done $0x0  }
0x1ad: {  	[sflag:s10] =	ssyncadd.s32 $0xFFFFC000  }
0x1ae: {  	[tilespmem:s14], [sflag:$0x1] =	stream.indirect.gather [hbm4b:s4+s13], $0x80, s30, s13, $0xb8;
	[tilespmem:$0x1CC00] =	vst v63  }
0x1af: {  	_ =	swait.ge [sflag:s17], $0x4000  }
0x1b0: {  	[sflag:s17] =	ssyncset.done $0x0  }
0x1b1: {  	[sflag:s17] =	ssyncadd.s32 $0xFFFFC000  }
0x1b2: {  	[spmem:s2] =	stream.indirect.scatter.add.f32 [tilespmem:s15], [sflag:$0x3], $0x80, s31, s13, $0xb8;
	[tilespmem:$0x1CC00] =	vst v63  }
0x1b3: {  	_ =	swait.ge [sflag:s10], $0x4000  }
0x1b4: {  	[sflag:s10] =	ssyncset.done $0x0  }
0x1b5: {  	[sflag:s10] =	ssyncadd.s32 $0xFFFFC000  }
0x1b6: {  	[tilespmem:s15], [sflag:$0x2] =	stream.indirect.gather [hbm4b:s4+s13], $0x80, s1, s13, $0xb8;
	[tilespmem:$0x1CC00] =	vst v63  }
0x1b7: {  	_ =	swait.ge [sflag:s16], $0x4000  }
0x1b8: {  	[sflag:s16] =	ssyncset.done $0x0  }
0x1b9: {  	[sflag:s16] =	ssyncadd.s32 $0xFFFFC000  }
0x1ba: {  	[spmem:s2] =	stream.indirect.scatter.add.f32 [tilespmem:s14], [sflag:$0x3], $0x80, s0, s13, $0xb8;
	[tilespmem:$0x1CC00] =	vst v63  }
0x1bb: {  	_ =	swait.ge [sflag:s10], $0x4000  }
0x1bc: {  	[sflag:s10] =	ssyncset.done $0x0  }
0x1bd: {  	[sflag:s10] =	ssyncadd.s32 $0xFFFFC000  }
0x1be: {  	_ =	swait.ge [sflag:s17], $0x4000  }
0x1bf: {  	[sflag:s17] =	ssyncset.done $0x0  }
0x1c0: {  	[sflag:s17] =	ssyncadd.s32 $0xFFFFC000  }
0x1c1: {  	[spmem:s2] =	stream.indirect.scatter.add.f32 [tilespmem:s15], [sflag:$0x3], $0x80, s5, s13, $0xb8;
	[tilespmem:$0x1CC00] =	vst v63  }
0x1c2: {  	_ =	swait.ge [sflag:s10], $0x4000  }
0x1c3: {  	[sflag:s10] =	ssyncset.done $0x0  }
0x1c4: {  	[sflag:s10] =	ssyncadd.s32 $0xFFFFC000  }
0x1c5: {  	[bflag:$0x0] =	sbarrier.arrive $0xFFFF  }
0x1c6: {  	s8 =	rddreg [dreg:$0x14]  }
0x1c7: {  	s9 =	rddreg [dreg:$0x15]  }
0x1c8: {  	s7 =	rddreg [dreg:$0x17]  }
0x1c9: {  	[hbm:s9], [sflag:s8] =	dma.local [spmem:s7], $0x2780  }
0x1ca: {  	_ =	swait.ge [sflag:s10], $0x2780  }
0x1cb: {  	s6 =	rddreg [dreg:$0x18]  }
0x1cc: {  	s9 =	sadd.s32 $0x1, s6;
	s6 =	rddreg [dreg:$0x16]  }
0x1cd: {  	p0 =	sne.s32 s9, s6  }
.Ltmp1:
0x1ce: {  	_ = 	snop;
	(pc) =	sbr.rel @p0 .LBB2_1-.Ltmp1, $3  }
0x1cf: {  	_ =	sdelay $0x1  }
0x1d0: {  	[sflag:s10] =	ssyncset.done $0x0  }
0x1d1: {  	[sflag:s10] =	ssyncadd.s32 $0xFFFFD880  }
0x1d2: {  	_ =	sfence.sel $0x180000  }
0x1d3: {  	[bflag:$0x0] =	sbarrier.arrive $0xFFFF  }
0x1d4: {  	_ =	strace $0x9000004D  }
0x1d5: {  	s0 =	stileid.u32;
	[bflag:$0x2] =	sbarrier.arrive $0xFFFF  }
0x1d6: {  	p0 =	sne.s32 s0, $0x0;
	s0 =	rddreg [dreg:$0x2]  }
0x1d7: {  	s0 =	sadd.s32 @!p0 $0x100000, s0  }
0x1d8: {  	[sflag:s0] =	ssyncadd.tile.s32 @!p0 $0x1;
	_ =	shalt  }
.Lfunc_end2:
_tile_overlayer_lowered:
.L_overlay_start_2:
0x1d9: {  	(tag) =	ssettag $0x2  }
0x1da: {  	s0 =	rddreg [dreg:$0x0];
	s2 =	stileid.u32  }
0x1db: {  	s1 =	rddreg [dreg:$0x1];
	p0 =	sne.s32 s2, $0x0  }
0x1dc: {  	s3 =	rddreg [dreg:$0x2];
	[bflag:$0x3] =	sbarrier.arrive $0xFFFF;
	s2 =	simm.s32 @!p0 $0x1C03  }
0x1dd: {  	[timem:s3], [sflag:s2] =	dma.local @!p0 [hbm:s0], s1  }
0x1de: {  	s0 =	simm.s32 @!p0 $0x3  }
0x1df: {  	_ =	swait.ge @!p0 [sflag:s0], s1  }
0x1e0: {  	s1 =	ssub.s32 @!p0 $0x0, s1;
	[sflag:s0] =	ssyncset.done @!p0 $0x0  }
0x1e1: {  	[sflag:s0] =	ssyncadd.s32 @!p0 s1  }
0x1e2: {  	[bflag:$0x3] =	sbarrier.arrive $0xFFFF  }
0x1e3: {  	_ =	shalt  }

// kernel: kernel.22.cloned.1.call-start
scs
__scs_entry_jumppad:
0x0: {  	(pc) =	sbr.rel $0x88, $3  }
0x1: {  	(tag) =	ssettag $0x0;
	lr =	simm.s32 $0x1  }
0x2: {  	[smem:$0x3F96] =	sst lr;
	_ =	strace $0xD0000000  }
0x3: {  	_ = 	snop  }
0x4: {  	_ = 	snop  }
0x5: {  	_ = 	snop  }
0x6: {  	_ = 	snop  }
0x7: {  	_ = 	snop  }
__scs_overlays_trampoline_lowered:
0x8: {  	[smem:$0x3FA5] =	sst s0  }
0x9: {  	[smem:$0x3FA6] =	sst s1  }
0xa: {  	[smem:$0x3FA7] =	sst s2  }
0xb: {  	[smem:$0x3FA8] =	sst s3  }
0xc: {  	[smem:$0x3FA9] =	sst s4  }
0xd: {  	[smem:$0x3FAA] =	sst s5  }
0xe: {  	[smem:$0x3FAB] =	sst s6  }
0xf: {  	[smem:$0x3FAC] =	sst s7  }
0x10: {  	[smem:$0x3FAD] =	sst s8  }
0x11: {  	[smem:$0x3FAE] =	sst s9;
	s0 =	simm.s32 @!p0 $0x0  }
0x12: {  	s1 =	sld [smem:$0x3F94];
	s0 =	simm.s32 @p0 $0x1  }
0x13: {  	[smem:$0x3FAF] =	sst s0;
	s0 =	simm.s32 @!p1 $0x0  }
0x14: {  	s2 =	sld [smem:$0x3F93];
	s0 =	simm.s32 @p1 $0x1  }
0x15: {  	[smem:$0x3FB0] =	sst s0;
	s0 =	simm.s32 @!p2 $0x0  }
0x16: {  	s3 =	sld [smem:$0x3FDB];
	s0 =	simm.s32 @p2 $0x1  }
0x17: {  	s4 =	simm.s32 $0x1BF5;
	[smem:$0x3FB2] =	sst s0  }
0x18: {  	s0 =	sld [smem:$0x3F95];
	_ =	swait.ge [sflag:s4], $0x0  }
0x19: {  	s7 =	sld [smem:$0x3F96]  }
0x1a: {  	s8 =	sadd.s32 $0xFFFFE003, lr  }
0x1b: {  	s9 =	sadd.s32 $0xFFFFFEF7, lr;
	s5 =	simm.s32 $0xFFFFFFFF;
	p2 =	slt.u32 s8, $0xFFFFF086  }
0x1c: {  	p1 =	slt.u32 s9, $0xF7A;
	s5 =	simm.s32 @!p2 $0x0  }
0x1d: {  	s5 =	simm.s32 @p1 $0x1;
	p0 =	seq.s32 s7, s2  }
0x1e: {  	s7 =	smul.u32 @!p0 $0xF7A, s2;
	p2 =	seq.s32 @!p0 s5, $0x0  }
0x1f: {  	s9 =	smul.u32 $0xF7A, s1;
	s8 =	simm.s32 @!p0 $0x1BF5;
	p2 =	por !p2, p0  }
0x20: {  	[sflag:s8] =	ssyncset.s32 @!p0 $0xFFFFF086;
	s6 =	sadd.s32 @!p0 s3, s7;
	s7 =	simm.s32 @!p0 $0x108  }
0x21: {  	s3 =	sadd.s32 s3, s9;
	s6 =	sadd.s32 @!p0 $0x88, s6;
	s7 =	simm.s32 @p2 $0x1082  }
0x22: {  	[simem:s7], [sflag:s8] =	dma.local @!p0 [hbm:s6], $0xF7A  }
0x23: {  	s9 =	sor.u32 $0xD0000000, s2;
	s6 =	simm.s32 $0x108;
	_ =	swait.ge @!p0 [sflag:s8], $0x0  }
0x24: {  	s3 =	sadd.s32 $0x88, s3;
	s6 =	simm.s32 @!p1 $0x1082;
	[sflag:s4] =	ssyncset.s32 $0xFFFFF086  }
0x25: {  	[simem:s6], [sflag:s4] =	dma.local [hbm:s3], $0xF7A  }
0x26: {  	[smem:$0x3F96] =	sst s1;
	(tag) =	ssettag s2;
	_ =	strace s9  }
0x27: {  	s1 =	sld [smem:$0x3FA6]  }
0x28: {  	s2 =	sld [smem:$0x3FA7]  }
0x29: {  	s4 =	sld [smem:$0x3FA9]  }
0x2a: {  	p0 =	seq.s32 s5, $0x0;
	s5 =	sld [smem:$0x3FAA]  }
0x2b: {  	s6 =	sld [smem:$0x3FAB]  }
0x2c: {  	s7 =	sld [smem:$0x3FAC]  }
0x2d: {  	s3 =	simm.s32 $0x108;
	s8 =	sld [smem:$0x3FAD]  }
0x2e: {  	s3 =	simm.s32 @!p0 $0x1082;
	s9 =	sld [smem:$0x3FAE]  }
0x2f: {  	lr =	sadd.s32 s0, s3;
	s0 =	sld [smem:$0x3FA5]  }
0x30: {  	s3 =	sld [smem:$0x3FA8]  }
0x31: {  	[smem:$0x3FB1] =	sst s10  }
0x32: {  	s10 =	sld [smem:$0x3FAF];
	_ =	sdelay $0x3  }
0x33: {  	p0 =	seq.s32 s10, $0x1;
	s10 =	sld [smem:$0x3FB1];
	_ =	sdelay $0x3  }
0x34: {  	[smem:$0x3FB1] =	sst s10  }
0x35: {  	s10 =	sld [smem:$0x3FB0];
	_ =	sdelay $0x3  }
0x36: {  	p1 =	seq.s32 s10, $0x1;
	s10 =	sld [smem:$0x3FB1];
	_ =	sdelay $0x3  }
0x37: {  	[smem:$0x3FB1] =	sst s10  }
0x38: {  	s10 =	sld [smem:$0x3FB2]  }
0x39: {  	_ = 	snop;
	(pc) =	sbr.ind lr, $3  }
0x3a: {  	_ = 	snop  }
0x3b: {  	_ = 	snop  }
0x3c: {  	p2 =	seq.s32 s10, $0x1;
	s10 =	sld [smem:$0x3FB1]  }
0x3d: {  	_ =	shalt  }
0x3e: {  	_ =	shalt  }
0x3f: {  	_ =	shalt  }
0x40: {  	_ =	shalt  }
0x41: {  	_ =	shalt  }
0x42: {  	_ =	shalt  }
0x43: {  	_ =	shalt  }
0x44: {  	_ =	shalt  }
0x45: {  	_ =	shalt  }
0x46: {  	_ =	shalt  }
0x47: {  	_ =	shalt  }
0x48: {  	_ =	shalt  }
0x49: {  	_ =	shalt  }
0x4a: {  	_ =	shalt  }
0x4b: {  	_ =	shalt  }
0x4c: {  	_ =	shalt  }
0x4d: {  	_ =	shalt  }
0x4e: {  	_ =	shalt  }
0x4f: {  	_ =	shalt  }
0x50: {  	_ =	shalt  }
0x51: {  	_ =	shalt  }
0x52: {  	_ =	shalt  }
0x53: {  	_ =	shalt  }
0x54: {  	_ =	shalt  }
0x55: {  	_ =	shalt  }
0x56: {  	_ =	shalt  }
0x57: {  	_ =	shalt  }
0x58: {  	_ =	shalt  }
0x59: {  	_ =	shalt  }
0x5a: {  	_ =	shalt  }
0x5b: {  	_ =	shalt  }
0x5c: {  	_ =	shalt  }
0x5d: {  	_ =	shalt  }
0x5e: {  	_ =	shalt  }
0x5f: {  	_ =	shalt  }
0x60: {  	_ =	shalt  }
0x61: {  	_ =	shalt  }
0x62: {  	_ =	shalt  }
0x63: {  	_ =	shalt  }
0x64: {  	_ =	shalt  }
0x65: {  	_ =	shalt  }
0x66: {  	_ =	shalt  }
0x67: {  	_ =	shalt  }
0x68: {  	_ =	shalt  }
0x69: {  	_ =	shalt  }
0x6a: {  	_ =	shalt  }
0x6b: {  	_ =	shalt  }
0x6c: {  	_ =	shalt  }
0x6d: {  	_ =	shalt  }
0x6e: {  	_ =	shalt  }
0x6f: {  	_ =	shalt  }
0x70: {  	_ =	shalt  }
0x71: {  	_ =	shalt  }
0x72: {  	_ =	shalt  }
0x73: {  	_ =	shalt  }
0x74: {  	_ =	shalt  }
0x75: {  	_ =	shalt  }
0x76: {  	_ =	shalt  }
0x77: {  	_ =	shalt  }
0x78: {  	_ =	shalt  }
0x79: {  	_ =	shalt  }
0x7a: {  	_ =	shalt  }
0x7b: {  	_ =	shalt  }
0x7c: {  	_ =	shalt  }
0x7d: {  	_ =	shalt  }
0x7e: {  	_ =	shalt  }
0x7f: {  	_ =	shalt  }
0x80: {  	_ =	shalt  }
0x81: {  	_ =	shalt  }
0x82: {  	_ =	shalt  }
0x83: {  	_ =	shalt  }
0x84: {  	_ =	shalt  }
0x85: {  	_ =	shalt  }
0x86: {  	_ =	shalt  }
0x87: {  	_ =	shalt  }
.Lfunc_end0:
.L_simem_size_0:
called_computation.3_lowered:
.L_overlay_start_0:
0x88: {  	s2 =	sld [smem:$0x3FD9]  }
0x89: {  	s3 =	sld [smem:$0x3FFE];
	_ =	sdelay $0x1  }
0x8a: {  	s1 =	srdreg.scid  }
0x8b: {  	s0 =	sand.u32 $0x1, s1  }
0x8c: {  	s16 =	sshll.u32 s0, $0xA;
	s2 =	sadd.s32 s3, s2  }
0x8d: {  	s2 =	sadd.s32 s2, s16  }
0x8e: {  	[smem:$0x3FBD] =	sst s2  }
0x8f: {  	_ = 	snop  }
0x90: {  	(tm) =	ssettm $0x1  }
0x91: {  	s17 =	sld [smem:$0x3FFB];
	_ =	sdelay $0x3  }
0x92: {  	_ =	strace s17  }
0x93: {  	s2 =	sld [smem:$0x3FFC];
	_ =	sdelay $0x3  }
0x94: {  	_ =	strace s2  }
0x95: {  	s2 =	sld [smem:$0x3FFD];
	_ =	sdelay $0x3  }
0x96: {  	_ =	strace s2  }
0x97: {  	_ =	strace $0x8FFFFFFF  }
0x98: {  	s18 =	sld [smem:$0x3FDB];
	_ =	sdelay $0x1  }
0x99: {  	s19 =	simm.s32 $_scs_section_size  }
0x9a: {  	s4 =	simm.s32 $_size__tile_overlayer_lowered;
	s5 =	simm.s32 $_tile_overlayer_lowered  }
0x9b: {  	s22 =	simm.s32 $0x1BFF;
	s21 =	sshll.u32 s5, $0x1;
	s2 =	sadd.s32 s19, s18  }
0x9c: {  	s6 =	simm.s32 $0x0;
	s20 =	sshll.u32 s4, $0x1;
	s4 =	sadd.s32 s21, s2  }
0x9d: {  	[timem:s6], [sflag:s22] =	dma.local [hbm:s4], s20  }
0x9e: {  	_ =	swait.ge [sflag:s22], s20  }
0x9f: {  	s3 =	ssub.s32 $0x0, s20;
	[sflag:s22] =	ssyncset.done $0x0  }
0xa0: {  	[sflag:s22] =	ssyncadd.s32 s3;
	_ =	sdelay $0x1  }
0xa1: {  	s23 =	simm.s32 $0x1B8B  }
0xa2: {  	_ =	swait.ge [sflag:s23], $0x1  }
0xa3: {  	[sflag:s23] =	ssyncset.done $0x0  }
0xa4: {  	s25 =	simm.s32 $0x1B8E;
	s24 =	sld [smem:$0x3FFE];
	[sflag:s23] =	ssyncadd.s32 $0xFFFFFFFF  }
0xa5: {  	s26 =	simm.s32 $execute0_lowered;
	[smem:$0x3FD2] =	sst s25  }
0xa6: {  	s4 =	sshll.u32 s26, $0x1;
	_ =	strace $0x8000004F;
	[dreg:$0x1] =	wrdreg $0xFFFFFFFF  }
0xa7: {  	s28 =	simm.s32 $_size_execute0_lowered;
	s2 =	sadd.s32 s2, s4;
	[dreg:$0x0] =	wrdreg $0x0  }
0xa8: {  	s4 =	sshll.u32 s28, $0x1;
	[dreg:$0x2] =	wrdreg s2  }
0xa9: {  	[dreg:$0x3] =	wrdreg s4  }
0xaa: {  	[dreg:$0x4] =	wrdreg $0xC0  }
0xab: {  	_ =	task [dreg:s6], $0x5FFFF  }
0xac: {  	[dreg:$0x1] =	wrdreg $0xFFFFFFFF  }
0xad: {  	[dreg:$0x0] =	wrdreg $0x60  }
0xae: {  	[dreg:$0x2] =	wrdreg s24  }
0xaf: {  	[dreg:$0x3] =	wrdreg $0x0  }
0xb0: {  	[dreg:$0x4] =	wrdreg $0x9  }
0xb1: {  	_ =	task.clear_ibuf [dreg:s6], $0x5FFFF;
	_ =	strace $0x9000004F  }
0xb2: {  	s29 =	simm.s32 $0x9;
	_ =	strace $0x80000051  }
0xb3: {  	_ =	swait.ge [sflag:s29], $0x1  }
0xb4: {  	[sflag:s29] =	ssyncadd.s32 $0xFFFFFFFF  }
0xb5: {  	_ =	strace $0x90000051  }
0xb6: {  	_ =	sfence  }
0xb7: {  	s30 =	sld [smem:$0x0];
	_ =	sdelay $0x2  }
0xb8: {  	s31 =	sshll.u32 s1, $0xD;
	s1 =	sshrl.u32 s1, $0x2  }
0xb9: {  	s3 =	sand.u32 $0x4000, s31;
	s1 =	sadd.s32 s1, s30  }
0xba: {  	s0 =	sor.u32 s3, s0;
	s1 =	sshll.u32 s1, $0x11  }
0xbb: {  	s0 =	sor.u32 s1, s0  }
0xbc: {  	s0 =	sadd.s32 $0x8F2B, s0  }
0xbd: {  	[sflag:s0] =	ssyncadd.remote.s32 $0x1  }
0xbe: {  	_ =	sfence.sel $0xFFFF  }
0xbf: {  	[dreg:$0x0] =	wrdreg $0xFFFFFFFF;
	(pc) =	sbr.abs _section_cstart, $3  }
0xc0: {  	[dreg:$0x1] =	wrdreg $0xFFFFFFFF  }
0xc1: {  	_ =	task.clear_ibuf [dreg:s6], $0x2FFFF;
	_ =	strace $0x9FFFFFFF  }
0xc2: {  	(tm) =	ssettm $0x7FFFFFFF  }
0xc3: {  	_ =	shalt  }
tec
execute0_lowered:
.L_overlay_start_1:
0x0: {  	(tag) =	ssettag $0x1  }
0x1: {  	s0 =	rddreg [dreg:$0x0];
	s9 =	stileid.u32  }
0x2: {  	s1 =	srdreg.scid;
	s2 =	rddreg [dreg:$0x1]  }
0x3: {  	s3 =	simm.s32 $0x0;
	s12 =	simm.s32 $0x13C80;
	s14 =	simm.s32 $0x13D00  }
0x4: {  	s15 =	simm.s32 $0x14480;
	s16 =	simm.s32 $0x13D80;
	s17 =	simm.s32 $0x14500  }
0x5: {  	s18 =	simm.s32 $0x13E00;
	s19 =	simm.s32 $0x14580;
	[smem:$0x7FF] =	sst s3  }
0x6: {  	s20 =	simm.s32 $0x13E80;
	_ =	strace $0x80000050;
	[dreg:$0x5] =	wrdreg s12  }
0x7: {  	s21 =	simm.s32 $0x14600;
	s22 =	simm.s32 $0x13F00;
	[dreg:$0x6] =	wrdreg s14  }
0x8: {  	s23 =	simm.s32 $0x14680;
	s24 =	simm.s32 $0x13F80;
	[dreg:$0x7] =	wrdreg s15  }
0x9: {  	s25 =	simm.s32 $0x14700;
	s28 =	simm.s32 $0x14280;
	[dreg:$0x8] =	wrdreg s16  }
0xa: {  	s29 =	simm.s32 $0x14A00;
	s30 =	simm.s32 $0x14300;
	[dreg:$0x9] =	wrdreg s17  }
0xb: {  	s31 =	simm.s32 $0x14A80;
	s4 =	smul.u32 $0x2800, s9;
	[dreg:$0xa] =	wrdreg s18  }
0xc: {  	s1 =	sand.u32 $0x1, s1;
	s6 =	smul.u32 $0x2780, s9;
	[dreg:$0xb] =	wrdreg s19  }
0xd: {  	s8 =	smul.u32 $0x4F000, s9;
	s13 =	sshll.u32 s9, $0x6;
	[dreg:$0xc] =	wrdreg s20  }
0xe: {  	s9 =	simm.s32 $0x0;
	p0 =	seq.s32 s1, $0x0;
	[dreg:$0xd] =	wrdreg s21  }
0xf: {  	s7 =	smul.u32 $0x27800, s1;
	s1 =	ssub.s32 $0x2, s1;
	[dreg:$0xe] =	wrdreg s22  }
0x10: {  	s12 =	simm.s32 $0x14400;
	s14 =	simm.s32 $0x14C00;
	[dreg:$0xf] =	wrdreg s23  }
0x11: {  	s15 =	simm.s32 $0x18C00;
	s16 =	simm.s32 $0x1;
	[dreg:$0x10] =	wrdreg s24  }
0x12: {  	s17 =	simm.s32 $0x2;
	[dreg:$0x11] =	wrdreg s25;
	s18 =	simm.s32 $0x14780  }
0x13: {  	s19 =	simm.s32 $0x14080;
	s20 =	simm.s32 $0x14800;
	s21 =	simm.s32 $0x14100  }
0x14: {  	s22 =	simm.s32 $0x14880;
	s23 =	simm.s32 $0x14180;
	s24 =	simm.s32 $0x14900  }
0x15: {  	s25 =	simm.s32 $0x14200;
	s5 =	sadd.s32 $0x28000, s4;
	s26 =	sshrl.u32 s1, $0x1  }
0x16: {  	s10 =	sshrl.u32 s8, $0x2;
	s8 =	sor.u32 $0x1C03, s13;
	s13 =	simm.s32 $0x80  }
0x17: {  	s5 =	smov.u32 @p0 s4;
	s4 =	sadd.s32 $0x3F600, s0;
	s7 =	sadd.s32 s6, s7  }
0x18: {  	s6 =	sadd.s32 s6, s0;
	s1 =	ssub.s32 s1, s26;
	s26 =	simm.s32 $0x14000  }
0x19: {  	[dreg:$0x14] =	wrdreg s8;
	s5 =	sshrl.u32 s5, $0x3;
	s6 =	sadd.s32 $0x17E00, s6  }
0x1a: {  	s1 =	smax.u32 s1, $0x1;
	[dreg:$0x12] =	wrdreg s26;
	s26 =	simm.s32 $0x14980  }
0x1b: {  	s5 =	sadd.s32 s5, s0;
	s0 =	sadd.s32 s7, s0;
	[dreg:$0x13] =	wrdreg s6  }
0x1c: {  	s7 =	sadd.s32 s10, s2;
	[dreg:$0x16] =	wrdreg s1;
	s11 =	sadd.s32 $0x3E00, s5  }
0x1d: {  	s10 =	simm.s32 $0x3;
	s5 =	sadd.s32 $0xDE00, s5;
	[dreg:$0x3] =	wrdreg s11  }
0x1e: {  	s1 =	simm.s32 $0x14380;
	s0 =	sadd.s32 $0x66800, s0;
	[dreg:$0x4] =	wrdreg s5  }
0x1f: {  	s7 =	sshrl.u32 s7, $0x3;
	[dreg:$0x15] =	wrdreg s0;
	s11 =	simm.s32 $0x13C00  }
0x20: {  	s0 =	simm.s32 $0x14B00;
	s5 =	simm.s32 $0x14B80;
	[dreg:$0x17] =	wrdreg s7  }
.LBB2_1:
0x21: {  	[dreg:$0x18] =	wrdreg s9  }
0x22: {  	s6 =	rddreg [dreg:$0x13]  }
0x23: {  	[spmem:s7], [sflag:s8] =	dma.local [hbm:s6], $0x2780  }
0x24: {  	_ =	swait.ge [sflag:s10], $0x2780  }
0x25: {  	[sflag:s10] =	ssyncset.done $0x0  }
0x26: {  	[sflag:s10] =	ssyncadd.s32 $0xFFFFD880  }
0x27: {  	[bflag:$0x0] =	sbarrier.arrive $0xFFFF  }
0x28: {  	s9 =	rddreg [dreg:$0x4]  }
0x29: {  	s6 =	sadd.s32 $0x0, s9  }
0x2a: {  	[tilespmem:s11], [sflag:$0x3] =	stream.linear.gather [hbm4b:s6+s3], $0x800, $0x38;
	[tilespmem:$0x1CC00] =	vst v63  }
0x2b: {  	_ =	swait.ge [sflag:s10], $0x800  }
0x2c: {  	s7 =	rddreg [dreg:$0x3];
	[sflag:s10] =	ssyncset.done $0x0  }
0x2d: {  	[sflag:s10] =	ssyncadd.s32 $0xFFFFF800;
	s6 =	sadd.s32 $0x0, s7  }
0x2e: {  	[tilespmem:s12], [sflag:$0x3] =	stream.linear.gather [hbm4b:s6+s3], $0x800, $0x38;
	[tilespmem:$0x1CC00] =	vst v63  }
0x2f: {  	_ =	swait.ge [sflag:s10], $0x800  }
0x30: {  	[sflag:s10] =	ssyncset.done $0x0  }
0x31: {  	[sflag:s10] =	ssyncadd.s32 $0xFFFFF800  }
0x32: {  	[tilespmem:s14], [sflag:$0x1] =	stream.indirect.gather [hbm4b:s4+s13], $0x80, s11, s13, $0xb8;
	[tilespmem:$0x1CC00] =	vst v63  }
0x33: {  	s8 =	rddreg [dreg:$0x5]  }
0x34: {  	[tilespmem:s15], [sflag:$0x2] =	stream.indirect.gather [hbm4b:s4+s13], $0x80, s8, s13, $0xb8;
	[tilespmem:$0x1CC00] =	vst v63  }
0x35: {  	_ =	swait.ge [sflag:s16], $0x4000  }
0x36: {  	[sflag:s16] =	ssyncset.done $0x0  }
0x37: {  	[sflag:s16] =	ssyncadd.s32 $0xFFFFC000  }
0x38: {  	[spmem:s2] =	stream.indirect.scatter.add.f32 [tilespmem:s14], [sflag:$0x3], $0x80, s12, s13, $0xb8;
	[tilespmem:$0x1CC00] =	vst v63  }
0x39: {  	_ =	swait.ge [sflag:s10], $0x4000  }
0x3a: {  	[sflag:s10] =	ssyncset.done $0x0  }
0x3b: {  	s9 =	rddreg [dreg:$0x6];
	[sflag:s10] =	ssyncadd.s32 $0xFFFFC000  }
0x3c: {  	[tilespmem:s14], [sflag:$0x1] =	stream.indirect.gather [hbm4b:s4+s13], $0x80, s9, s13, $0xb8;
	[tilespmem:$0x1CC00] =	vst v63  }
0x3d: {  	_ =	swait.ge [sflag:s17], $0x4000  }
0x3e: {  	[sflag:s17] =	ssyncset.done $0x0  }
0x3f: {  	s7 =	rddreg [dreg:$0x7];
	[sflag:s17] =	ssyncadd.s32 $0xFFFFC000  }
0x40: {  	[spmem:s2] =	stream.indirect.scatter.add.f32 [tilespmem:s15], [sflag:$0x3], $0x80, s7, s13, $0xb8;
	[tilespmem:$0x1CC00] =	vst v63  }
0x41: {  	_ =	swait.ge [sflag:s10], $0x4000  }
0x42: {  	[sflag:s10] =	ssyncset.done $0x0  }
0x43: {  	s8 =	rddreg [dreg:$0x8];
	[sflag:s10] =	ssyncadd.s32 $0xFFFFC000  }
0x44: {  	[tilespmem:s15], [sflag:$0x2] =	stream.indirect.gather [hbm4b:s4+s13], $0x80, s8, s13, $0xb8;
	[tilespmem:$0x1CC00] =	vst v63  }
0x45: {  	_ =	swait.ge [sflag:s16], $0x4000  }
0x46: {  	[sflag:s16] =	ssyncset.done $0x0  }
0x47: {  	s9 =	rddreg [dreg:$0x9];
	[sflag:s16] =	ssyncadd.s32 $0xFFFFC000  }
0x48: {  	[spmem:s2] =	stream.indirect.scatter.add.f32 [tilespmem:s14], [sflag:$0x3], $0x80, s9, s13, $0xb8;
	[tilespmem:$0x1CC00] =	vst v63  }
0x49: {  	_ =	swait.ge [sflag:s10], $0x4000  }
0x4a: {  	[sflag:s10] =	ssyncset.done $0x0  }
0x4b: {  	s7 =	rddreg [dreg:$0xa];
	[sflag:s10] =	ssyncadd.s32 $0xFFFFC000  }
0x4c: {  	[tilespmem:s14], [sflag:$0x1] =	stream.indirect.gather [hbm4b:s4+s13], $0x80, s7, s13, $0xb8;
	[tilespmem:$0x1CC00] =	vst v63  }
0x4d: {  	_ =	swait.ge [sflag:s17], $0x4000  }
0x4e: {  	[sflag:s17] =	ssyncset.done $0x0  }
0x4f: {  	s8 =	rddreg [dreg:$0xb];
	[sflag:s17] =	ssyncadd.s32 $0xFFFFC000  }
0x50: {  	[spmem:s2] =	stream.indirect.scatter.add.f32 [tilespmem:s15], [sflag:$0x3], $0x80, s8, s13, $0xb8;
	[tilespmem:$0x1CC00] =	vst v63  }
0x51: {  	_ =	swait.ge [sflag:s10], $0x4000  }
0x52: {  	[sflag:s10] =	ssyncset.done $0x0  }
0x53: {  	s9 =	rddreg [dreg:$0xc];
	[sflag:s10] =	ssyncadd.s32 $0xFFFFC000  }
0x54: {  	[tilespmem:s15], [sflag:$0x2] =	stream.indirect.gather [hbm4b:s4+s13], $0x80, s9, s13, $0xb8;
	[tilespmem:$0x1CC00] =	vst v63  }
0x55: {  	_ =	swait.ge [sflag:s16], $0x4000  }
0x56: {  	[sflag:s16] =	ssyncset.done $0x0  }
0x57: {  	s7 =	rddreg [dreg:$0xd];
	[sflag:s16] =	ssyncadd.s32 $0xFFFFC000  }
0x58: {  	[spmem:s2] =	stream.indirect.scatter.add.f32 [tilespmem:s14], [sflag:$0x3], $0x80, s7, s13, $0xb8;
	[tilespmem:$0x1CC00] =	vst v63  }
0x59: {  	_ =	swait.ge [sflag:s10], $0x4000  }
0x5a: {  	[sflag:s10] =	ssyncset.done $0x0  }
0x5b: {  	s8 =	rddreg [dreg:$0xe];
	[sflag:s10] =	ssyncadd.s32 $0xFFFFC000  }
0x5c: {  	[tilespmem:s14], [sflag:$0x1] =	stream.indirect.gather [hbm4b:s4+s13], $0x80, s8, s13, $0xb8;
	[tilespmem:$0x1CC00] =	vst v63  }
0x5d: {  	_ =	swait.ge [sflag:s17], $0x4000  }
0x5e: {  	[sflag:s17] =	ssyncset.done $0x0  }
0x5f: {  	s9 =	rddreg [dreg:$0xf];
	[sflag:s17] =	ssyncadd.s32 $0xFFFFC000  }
0x60: {  	[spmem:s2] =	stream.indirect.scatter.add.f32 [tilespmem:s15], [sflag:$0x3], $0x80, s9, s13, $0xb8;
	[tilespmem:$0x1CC00] =	vst v63  }
0x61: {  	_ =	swait.ge [sflag:s10], $0x4000  }
0x62: {  	[sflag:s10] =	ssyncset.done $0x0  }
0x63: {  	s7 =	rddreg [dreg:$0x10];
	[sflag:s10] =	ssyncadd.s32 $0xFFFFC000  }
0x64: {  	[tilespmem:s15], [sflag:$0x2] =	stream.indirect.gather [hbm4b:s4+s13], $0x80, s7, s13, $0xb8;
	[tilespmem:$0x1CC00] =	vst v63  }
0x65: {  	_ =	swait.ge [sflag:s16], $0x4000  }
0x66: {  	[sflag:s16] =	ssyncset.done $0x0  }
0x67: {  	s8 =	rddreg [dreg:$0x11];
	[sflag:s16] =	ssyncadd.s32 $0xFFFFC000  }
0x68: {  	[spmem:s2] =	stream.indirect.scatter.add.f32 [tilespmem:s14], [sflag:$0x3], $0x80, s8, s13, $0xb8;
	[tilespmem:$0x1CC00] =	vst v63  }
0x69: {  	_ =	swait.ge [sflag:s10], $0x4000  }
0x6a: {  	[sflag:s10] =	ssyncset.done $0x0  }
0x6b: {  	s9 =	rddreg [dreg:$0x12];
	[sflag:s10] =	ssyncadd.s32 $0xFFFFC000  }
0x6c: {  	[tilespmem:s14], [sflag:$0x1] =	stream.indirect.gather [hbm4b:s4+s13], $0x80, s9, s13, $0xb8;
	[tilespmem:$0x1CC00] =	vst v63  }
0x6d: {  	_ =	swait.ge [sflag:s17], $0x4000  }
0x6e: {  	[sflag:s17] =	ssyncset.done $0x0  }
0x6f: {  	[sflag:s17] =	ssyncadd.s32 $0xFFFFC000  }
0x70: {  	[spmem:s2] =	stream.indirect.scatter.add.f32 [tilespmem:s15], [sflag:$0x3], $0x80, s18, s13, $0xb8;
	[tilespmem:$0x1CC00] =	vst v63  }
0x71: {  	_ =	swait.ge [sflag:s10], $0x4000  }
0x72: {  	[sflag:s10] =	ssyncset.done $0x0  }
0x73: {  	[sflag:s10] =	ssyncadd.s32 $0xFFFFC000  }
0x74: {  	[tilespmem:s15], [sflag:$0x2] =	stream.indirect.gather [hbm4b:s4+s13], $0x80, s19, s13, $0xb8;
	[tilespmem:$0x1CC00] =	vst v63  }
0x75: {  	_ =	swait.ge [sflag:s16], $0x4000  }
0x76: {  	[sflag:s16] =	ssyncset.done $0x0  }
0x77: {  	[sflag:s16] =	ssyncadd.s32 $0xFFFFC000  }
0x78: {  	[spmem:s2] =	stream.indirect.scatter.add.f32 [tilespmem:s14], [sflag:$0x3], $0x80, s20, s13, $0xb8;
	[tilespmem:$0x1CC00] =	vst v63  }
0x79: {  	_ =	swait.ge [sflag:s10], $0x4000  }
0x7a: {  	[sflag:s10] =	ssyncset.done $0x0  }
0x7b: {  	[sflag:s10] =	ssyncadd.s32 $0xFFFFC000  }
0x7c: {  	[tilespmem:s14], [sflag:$0x1] =	stream.indirect.gather [hbm4b:s4+s13], $0x80, s21, s13, $0xb8;
	[tilespmem:$0x1CC00] =	vst v63  }
0x7d: {  	_ =	swait.ge [sflag:s17], $0x4000  }
0x7e: {  	[sflag:s17] =	ssyncset.done $0x0  }
0x7f: {  	[sflag:s17] =	ssyncadd.s32 $0xFFFFC000  }
0x80: {  	[spmem:s2] =	stream.indirect.scatter.add.f32 [tilespmem:s15], [sflag:$0x3], $0x80, s22, s13, $0xb8;
	[tilespmem:$0x1CC00] =	vst v63  }
0x81: {  	_ =	swait.ge [sflag:s10], $0x4000  }
0x82: {  	[sflag:s10] =	ssyncset.done $0x0  }
0x83: {  	[sflag:s10] =	ssyncadd.s32 $0xFFFFC000  }
0x84: {  	[tilespmem:s15], [sflag:$0x2] =	stream.indirect.gather [hbm4b:s4+s13], $0x80, s23, s13, $0xb8;
	[tilespmem:$0x1CC00] =	vst v63  }
0x85: {  	_ =	swait.ge [sflag:s16], $0x4000  }
0x86: {  	[sflag:s16] =	ssyncset.done $0x0  }
0x87: {  	[sflag:s16] =	ssyncadd.s32 $0xFFFFC000  }
0x88: {  	[spmem:s2] =	stream.indirect.scatter.add.f32 [tilespmem:s14], [sflag:$0x3], $0x80, s24, s13, $0xb8;
	[tilespmem:$0x1CC00] =	vst v63  }
0x89: {  	_ =	swait.ge [sflag:s10], $0x4000  }
0x8a: {  	[sflag:s10] =	ssyncset.done $0x0  }
0x8b: {  	[sflag:s10] =	ssyncadd.s32 $0xFFFFC000  }
0x8c: {  	[tilespmem:s14], [sflag:$0x1] =	stream.indirect.gather [hbm4b:s4+s13], $0x80, s25, s13, $0xb8;
	[tilespmem:$0x1CC00] =	vst v63  }
0x8d: {  	_ =	swait.ge [sflag:s17], $0x4000  }
0x8e: {  	[sflag:s17] =	ssyncset.done $0x0  }
0x8f: {  	[sflag:s17] =	ssyncadd.s32 $0xFFFFC000  }
0x90: {  	[spmem:s2] =	stream.indirect.scatter.add.f32 [tilespmem:s15], [sflag:$0x3], $0x80, s26, s13, $0xb8;
	[tilespmem:$0x1CC00] =	vst v63  }
0x91: {  	_ =	swait.ge [sflag:s10], $0x4000  }
0x92: {  	[sflag:s10] =	ssyncset.done $0x0  }
0x93: {  	[sflag:s10] =	ssyncadd.s32 $0xFFFFC000  }
0x94: {  	[tilespmem:s15], [sflag:$0x2] =	stream.indirect.gather [hbm4b:s4+s13], $0x80, s28, s13, $0xb8;
	[tilespmem:$0x1CC00] =	vst v63  }
0x95: {  	_ =	swait.ge [sflag:s16], $0x4000  }
0x96: {  	[sflag:s16] =	ssyncset.done $0x0  }
0x97: {  	[sflag:s16] =	ssyncadd.s32 $0xFFFFC000  }
0x98: {  	[spmem:s2] =	stream.indirect.scatter.add.f32 [tilespmem:s14], [sflag:$0x3], $0x80, s29, s13, $0xb8;
	[tilespmem:$0x1CC00] =	vst v63  }
0x99: {  	_ =	swait.ge [sflag:s10], $0x4000  }
0x9a: {  	[sflag:s10] =	ssyncset.done $0x0  }
0x9b: {  	[sflag:s10] =	ssyncadd.s32 $0xFFFFC000  }
0x9c: {  	[tilespmem:s14], [sflag:$0x1] =	stream.indirect.gather [hbm4b:s4+s13], $0x80, s30, s13, $0xb8;
	[tilespmem:$0x1CC00] =	vst v63  }
0x9d: {  	_ =	swait.ge [sflag:s17], $0x4000  }
0x9e: {  	[sflag:s17] =	ssyncset.done $0x0  }
0x9f: {  	[sflag:s17] =	ssyncadd.s32 $0xFFFFC000  }
0xa0: {  	[spmem:s2] =	stream.indirect.scatter.add.f32 [tilespmem:s15], [sflag:$0x3], $0x80, s31, s13, $0xb8;
	[tilespmem:$0x1CC00] =	vst v63  }
0xa1: {  	_ =	swait.ge [sflag:s10], $0x4000  }
0xa2: {  	[sflag:s10] =	ssyncset.done $0x0  }
0xa3: {  	[sflag:s10] =	ssyncadd.s32 $0xFFFFC000  }
0xa4: {  	[tilespmem:s15], [sflag:$0x2] =	stream.indirect.gather [hbm4b:s4+s13], $0x80, s1, s13, $0xb8;
	[tilespmem:$0x1CC00] =	vst v63  }
0xa5: {  	_ =	swait.ge [sflag:s16], $0x4000  }
0xa6: {  	[sflag:s16] =	ssyncset.done $0x0  }
0xa7: {  	[sflag:s16] =	ssyncadd.s32 $0xFFFFC000  }
0xa8: {  	[spmem:s2] =	stream.indirect.scatter.add.f32 [tilespmem:s14], [sflag:$0x3], $0x80, s0, s13, $0xb8;
	[tilespmem:$0x1CC00] =	vst v63  }
0xa9: {  	_ =	swait.ge [sflag:s10], $0x4000  }
0xaa: {  	[sflag:s10] =	ssyncset.done $0x0  }
0xab: {  	[sflag:s10] =	ssyncadd.s32 $0xFFFFC000  }
0xac: {  	_ =	swait.ge [sflag:s17], $0x4000  }
0xad: {  	[sflag:s17] =	ssyncset.done $0x0  }
0xae: {  	[sflag:s17] =	ssyncadd.s32 $0xFFFFC000  }
0xaf: {  	[spmem:s2] =	stream.indirect.scatter.add.f32 [tilespmem:s15], [sflag:$0x3], $0x80, s5, s13, $0xb8;
	[tilespmem:$0x1CC00] =	vst v63  }
0xb0: {  	s6 =	simm.s32 $0x200;
	_ =	swait.ge [sflag:s10], $0x4000  }
0xb1: {  	s8 =	simm.s32 $0x100;
	s9 =	rddreg [dreg:$0x4];
	[sflag:s10] =	ssyncset.done $0x0  }
.LBB2_2:
0xb2: {  	[sflag:s10] =	ssyncadd.s32 $0xFFFFC000;
	s9 =	sadd.s32 s8, s9  }
0xb3: {  	[tilespmem:s11], [sflag:$0x3] =	stream.linear.gather [hbm4b:s9+s3], $0x800, $0x38;
	[tilespmem:$0x1CC00] =	vst v63  }
0xb4: {  	_ =	swait.ge [sflag:s10], $0x800  }
0xb5: {  	s9 =	rddreg [dreg:$0x3];
	[sflag:s10] =	ssyncset.done $0x0  }
0xb6: {  	[sflag:s10] =	ssyncadd.s32 $0xFFFFF800;
	s9 =	sadd.s32 s8, s9  }
0xb7: {  	[tilespmem:s12], [sflag:$0x3] =	stream.linear.gather [hbm4b:s9+s3], $0x800, $0x38;
	[tilespmem:$0x1CC00] =	vst v63  }
0xb8: {  	_ =	swait.ge [sflag:s10], $0x800  }
0xb9: {  	[sflag:s10] =	ssyncset.done $0x0  }
0xba: {  	[sflag:s10] =	ssyncadd.s32 $0xFFFFF800  }
0xbb: {  	[tilespmem:s14], [sflag:$0x1] =	stream.indirect.gather [hbm4b:s4+s13], $0x80, s11, s13, $0xb8;
	[tilespmem:$0x1CC00] =	vst v63  }
0xbc: {  	s9 =	rddreg [dreg:$0x5]  }
0xbd: {  	[tilespmem:s15], [sflag:$0x2] =	stream.indirect.gather [hbm4b:s4+s13], $0x80, s9, s13, $0xb8;
	[tilespmem:$0x1CC00] =	vst v63  }
0xbe: {  	_ =	swait.ge [sflag:s16], $0x4000  }
0xbf: {  	[sflag:s16] =	ssyncset.done $0x0  }
0xc0: {  	[sflag:s16] =	ssyncadd.s32 $0xFFFFC000  }
0xc1: {  	[spmem:s2] =	stream.indirect.scatter.add.f32 [tilespmem:s14], [sflag:$0x3], $0x80, s12, s13, $0xb8;
	[tilespmem:$0x1CC00] =	vst v63  }
0xc2: {  	_ =	swait.ge [sflag:s10], $0x4000  }
0xc3: {  	[sflag:s10] =	ssyncset.done $0x0  }
0xc4: {  	s9 =	rddreg [dreg:$0x6];
	[sflag:s10] =	ssyncadd.s32 $0xFFFFC000  }
0xc5: {  	[tilespmem:s14], [sflag:$0x1] =	stream.indirect.gather [hbm4b:s4+s13], $0x80, s9, s13, $0xb8;
	[tilespmem:$0x1CC00] =	vst v63  }
0xc6: {  	_ =	swait.ge [sflag:s17], $0x4000  }
0xc7: {  	[sflag:s17] =	ssyncset.done $0x0  }
0xc8: {  	s9 =	rddreg [dreg:$0x7];
	[sflag:s17] =	ssyncadd.s32 $0xFFFFC000  }
0xc9: {  	[spmem:s2] =	stream.indirect.scatter.add.f32 [tilespmem:s15], [sflag:$0x3], $0x80, s9, s13, $0xb8;
	[tilespmem:$0x1CC00] =	vst v63  }
0xca: {  	_ =	swait.ge [sflag:s10], $0x4000  }
0xcb: {  	[sflag:s10] =	ssyncset.done $0x0  }
0xcc: {  	s9 =	rddreg [dreg:$0x8];
	[sflag:s10] =	ssyncadd.s32 $0xFFFFC000  }
0xcd: {  	[tilespmem:s15], [sflag:$0x2] =	stream.indirect.gather [hbm4b:s4+s13], $0x80, s9, s13, $0xb8;
	[tilespmem:$0x1CC00] =	vst v63  }
0xce: {  	_ =	swait.ge [sflag:s16], $0x4000  }
0xcf: {  	[sflag:s16] =	ssyncset.done $0x0  }
0xd0: {  	s9 =	rddreg [dreg:$0x9];
	[sflag:s16] =	ssyncadd.s32 $0xFFFFC000  }
0xd1: {  	[spmem:s2] =	stream.indirect.scatter.add.f32 [tilespmem:s14], [sflag:$0x3], $0x80, s9, s13, $0xb8;
	[tilespmem:$0x1CC00] =	vst v63  }
0xd2: {  	_ =	swait.ge [sflag:s10], $0x4000  }
0xd3: {  	[sflag:s10] =	ssyncset.done $0x0  }
0xd4: {  	s9 =	rddreg [dreg:$0xa];
	[sflag:s10] =	ssyncadd.s32 $0xFFFFC000  }
0xd5: {  	[tilespmem:s14], [sflag:$0x1] =	stream.indirect.gather [hbm4b:s4+s13], $0x80, s9, s13, $0xb8;
	[tilespmem:$0x1CC00] =	vst v63  }
0xd6: {  	_ =	swait.ge [sflag:s17], $0x4000  }
0xd7: {  	[sflag:s17] =	ssyncset.done $0x0  }
0xd8: {  	s9 =	rddreg [dreg:$0xb];
	[sflag:s17] =	ssyncadd.s32 $0xFFFFC000  }
0xd9: {  	[spmem:s2] =	stream.indirect.scatter.add.f32 [tilespmem:s15], [sflag:$0x3], $0x80, s9, s13, $0xb8;
	[tilespmem:$0x1CC00] =	vst v63  }
0xda: {  	_ =	swait.ge [sflag:s10], $0x4000  }
0xdb: {  	[sflag:s10] =	ssyncset.done $0x0  }
0xdc: {  	s9 =	rddreg [dreg:$0xc];
	[sflag:s10] =	ssyncadd.s32 $0xFFFFC000  }
0xdd: {  	[tilespmem:s15], [sflag:$0x2] =	stream.indirect.gather [hbm4b:s4+s13], $0x80, s9, s13, $0xb8;
	[tilespmem:$0x1CC00] =	vst v63  }
0xde: {  	_ =	swait.ge [sflag:s16], $0x4000  }
0xdf: {  	[sflag:s16] =	ssyncset.done $0x0  }
0xe0: {  	s9 =	rddreg [dreg:$0xd];
	[sflag:s16] =	ssyncadd.s32 $0xFFFFC000  }
0xe1: {  	[spmem:s2] =	stream.indirect.scatter.add.f32 [tilespmem:s14], [sflag:$0x3], $0x80, s9, s13, $0xb8;
	[tilespmem:$0x1CC00] =	vst v63  }
0xe2: {  	_ =	swait.ge [sflag:s10], $0x4000  }
0xe3: {  	[sflag:s10] =	ssyncset.done $0x0  }
0xe4: {  	s9 =	rddreg [dreg:$0xe];
	[sflag:s10] =	ssyncadd.s32 $0xFFFFC000  }
0xe5: {  	[tilespmem:s14], [sflag:$0x1] =	stream.indirect.gather [hbm4b:s4+s13], $0x80, s9, s13, $0xb8;
	[tilespmem:$0x1CC00] =	vst v63  }
0xe6: {  	_ =	swait.ge [sflag:s17], $0x4000  }
0xe7: {  	[sflag:s17] =	ssyncset.done $0x0  }
0xe8: {  	s9 =	rddreg [dreg:$0xf];
	[sflag:s17] =	ssyncadd.s32 $0xFFFFC000  }
0xe9: {  	[spmem:s2] =	stream.indirect.scatter.add.f32 [tilespmem:s15], [sflag:$0x3], $0x80, s9, s13, $0xb8;
	[tilespmem:$0x1CC00] =	vst v63  }
0xea: {  	_ =	swait.ge [sflag:s10], $0x4000  }
0xeb: {  	[sflag:s10] =	ssyncset.done $0x0  }
0xec: {  	s9 =	rddreg [dreg:$0x10];
	[sflag:s10] =	ssyncadd.s32 $0xFFFFC000  }
0xed: {  	[tilespmem:s15], [sflag:$0x2] =	stream.indirect.gather [hbm4b:s4+s13], $0x80, s9, s13, $0xb8;
	[tilespmem:$0x1CC00] =	vst v63  }
0xee: {  	_ =	swait.ge [sflag:s16], $0x4000  }
0xef: {  	[sflag:s16] =	ssyncset.done $0x0  }
0xf0: {  	s9 =	rddreg [dreg:$0x11];
	[sflag:s16] =	ssyncadd.s32 $0xFFFFC000  }
0xf1: {  	[spmem:s2] =	stream.indirect.scatter.add.f32 [tilespmem:s14], [sflag:$0x3], $0x80, s9, s13, $0xb8;
	[tilespmem:$0x1CC00] =	vst v63  }
0xf2: {  	_ =	swait.ge [sflag:s10], $0x4000  }
0xf3: {  	[sflag:s10] =	ssyncset.done $0x0  }
0xf4: {  	s9 =	rddreg [dreg:$0x12];
	[sflag:s10] =	ssyncadd.s32 $0xFFFFC000  }
0xf5: {  	[tilespmem:s14], [sflag:$0x1] =	stream.indirect.gather [hbm4b:s4+s13], $0x80, s9, s13, $0xb8;
	[tilespmem:$0x1CC00] =	vst v63  }
0xf6: {  	_ =	swait.ge [sflag:s17], $0x4000  }
0xf7: {  	[sflag:s17] =	ssyncset.done $0x0  }
0xf8: {  	[sflag:s17] =	ssyncadd.s32 $0xFFFFC000  }
0xf9: {  	[spmem:s2] =	stream.indirect.scatter.add.f32 [tilespmem:s15], [sflag:$0x3], $0x80, s18, s13, $0xb8;
	[tilespmem:$0x1CC00] =	vst v63  }
0xfa: {  	_ =	swait.ge [sflag:s10], $0x4000  }
0xfb: {  	[sflag:s10] =	ssyncset.done $0x0  }
0xfc: {  	[sflag:s10] =	ssyncadd.s32 $0xFFFFC000  }
0xfd: {  	[tilespmem:s15], [sflag:$0x2] =	stream.indirect.gather [hbm4b:s4+s13], $0x80, s19, s13, $0xb8;
	[tilespmem:$0x1CC00] =	vst v63  }
0xfe: {  	_ =	swait.ge [sflag:s16], $0x4000  }
0xff: {  	[sflag:s16] =	ssyncset.done $0x0  }
0x100: {  	[sflag:s16] =	ssyncadd.s32 $0xFFFFC000  }
0x101: {  	[spmem:s2] =	stream.indirect.scatter.add.f32 [tilespmem:s14], [sflag:$0x3], $0x80, s20, s13, $0xb8;
	[tilespmem:$0x1CC00] =	vst v63  }
0x102: {  	_ =	swait.ge [sflag:s10], $0x4000  }
0x103: {  	[sflag:s10] =	ssyncset.done $0x0  }
0x104: {  	[sflag:s10] =	ssyncadd.s32 $0xFFFFC000  }
0x105: {  	[tilespmem:s14], [sflag:$0x1] =	stream.indirect.gather [hbm4b:s4+s13], $0x80, s21, s13, $0xb8;
	[tilespmem:$0x1CC00] =	vst v63  }
0x106: {  	_ =	swait.ge [sflag:s17], $0x4000  }
0x107: {  	[sflag:s17] =	ssyncset.done $0x0  }
0x108: {  	[sflag:s17] =	ssyncadd.s32 $0xFFFFC000  }
0x109: {  	[spmem:s2] =	stream.indirect.scatter.add.f32 [tilespmem:s15], [sflag:$0x3], $0x80, s22, s13, $0xb8;
	[tilespmem:$0x1CC00] =	vst v63  }
0x10a: {  	_ =	swait.ge [sflag:s10], $0x4000  }
0x10b: {  	[sflag:s10] =	ssyncset.done $0x0  }
0x10c: {  	[sflag:s10] =	ssyncadd.s32 $0xFFFFC000  }
0x10d: {  	[tilespmem:s15], [sflag:$0x2] =	stream.indirect.gather [hbm4b:s4+s13], $0x80, s23, s13, $0xb8;
	[tilespmem:$0x1CC00] =	vst v63  }
0x10e: {  	_ =	swait.ge [sflag:s16], $0x4000  }
0x10f: {  	[sflag:s16] =	ssyncset.done $0x0  }
0x110: {  	[sflag:s16] =	ssyncadd.s32 $0xFFFFC000  }
0x111: {  	[spmem:s2] =	stream.indirect.scatter.add.f32 [tilespmem:s14], [sflag:$0x3], $0x80, s24, s13, $0xb8;
	[tilespmem:$0x1CC00] =	vst v63  }
0x112: {  	_ =	swait.ge [sflag:s10], $0x4000  }
0x113: {  	[sflag:s10] =	ssyncset.done $0x0  }
0x114: {  	[sflag:s10] =	ssyncadd.s32 $0xFFFFC000  }
0x115: {  	[tilespmem:s14], [sflag:$0x1] =	stream.indirect.gather [hbm4b:s4+s13], $0x80, s25, s13, $0xb8;
	[tilespmem:$0x1CC00] =	vst v63  }
0x116: {  	_ =	swait.ge [sflag:s17], $0x4000  }
0x117: {  	[sflag:s17] =	ssyncset.done $0x0  }
0x118: {  	[sflag:s17] =	ssyncadd.s32 $0xFFFFC000  }
0x119: {  	[spmem:s2] =	stream.indirect.scatter.add.f32 [tilespmem:s15], [sflag:$0x3], $0x80, s26, s13, $0xb8;
	[tilespmem:$0x1CC00] =	vst v63  }
0x11a: {  	_ =	swait.ge [sflag:s10], $0x4000  }
0x11b: {  	[sflag:s10] =	ssyncset.done $0x0  }
0x11c: {  	[sflag:s10] =	ssyncadd.s32 $0xFFFFC000  }
0x11d: {  	[tilespmem:s15], [sflag:$0x2] =	stream.indirect.gather [hbm4b:s4+s13], $0x80, s28, s13, $0xb8;
	[tilespmem:$0x1CC00] =	vst v63  }
0x11e: {  	_ =	swait.ge [sflag:s16], $0x4000  }
0x11f: {  	[sflag:s16] =	ssyncset.done $0x0  }
0x120: {  	[sflag:s16] =	ssyncadd.s32 $0xFFFFC000  }
0x121: {  	[spmem:s2] =	stream.indirect.scatter.add.f32 [tilespmem:s14], [sflag:$0x3], $0x80, s29, s13, $0xb8;
	[tilespmem:$0x1CC00] =	vst v63  }
0x122: {  	_ =	swait.ge [sflag:s10], $0x4000  }
0x123: {  	[sflag:s10] =	ssyncset.done $0x0  }
0x124: {  	[sflag:s10] =	ssyncadd.s32 $0xFFFFC000  }
0x125: {  	[tilespmem:s14], [sflag:$0x1] =	stream.indirect.gather [hbm4b:s4+s13], $0x80, s30, s13, $0xb8;
	[tilespmem:$0x1CC00] =	vst v63  }
0x126: {  	_ =	swait.ge [sflag:s17], $0x4000  }
0x127: {  	[sflag:s17] =	ssyncset.done $0x0  }
0x128: {  	[sflag:s17] =	ssyncadd.s32 $0xFFFFC000  }
0x129: {  	[spmem:s2] =	stream.indirect.scatter.add.f32 [tilespmem:s15], [sflag:$0x3], $0x80, s31, s13, $0xb8;
	[tilespmem:$0x1CC00] =	vst v63  }
0x12a: {  	_ =	swait.ge [sflag:s10], $0x4000  }
0x12b: {  	[sflag:s10] =	ssyncset.done $0x0  }
0x12c: {  	[sflag:s10] =	ssyncadd.s32 $0xFFFFC000  }
0x12d: {  	[tilespmem:s15], [sflag:$0x2] =	stream.indirect.gather [hbm4b:s4+s13], $0x80, s1, s13, $0xb8;
	[tilespmem:$0x1CC00] =	vst v63  }
0x12e: {  	_ =	swait.ge [sflag:s16], $0x4000  }
0x12f: {  	[sflag:s16] =	ssyncset.done $0x0  }
0x130: {  	[sflag:s16] =	ssyncadd.s32 $0xFFFFC000  }
0x131: {  	[spmem:s2] =	stream.indirect.scatter.add.f32 [tilespmem:s14], [sflag:$0x3], $0x80, s0, s13, $0xb8;
	[tilespmem:$0x1CC00] =	vst v63  }
0x132: {  	_ =	swait.ge [sflag:s10], $0x4000  }
0x133: {  	[sflag:s10] =	ssyncset.done $0x0  }
0x134: {  	[sflag:s10] =	ssyncadd.s32 $0xFFFFC000  }
0x135: {  	p0 =	sne.s32 s6, $0x400;
	_ =	swait.ge [sflag:s17], $0x4000  }
.Ltmp0:
0x136: {  	[sflag:s17] =	ssyncset.done $0x0;
	(pc) =	sbr.rel @p0 .LBB2_2-.Ltmp0, $4  }
0x137: {  	[sflag:s17] =	ssyncadd.s32 $0xFFFFC000  }
0x138: {  	[spmem:s2] =	stream.indirect.scatter.add.f32 [tilespmem:s15], [sflag:$0x3], $0x80, s5, s13, $0xb8;
	[tilespmem:$0x1CC00] =	vst v63  }
0x139: {  	s7 =	smov.u32 s6;
	s6 =	sadd.s32 $0x100, s6;
	_ =	swait.ge [sflag:s10], $0x4000  }
0x13a: {  	s8 =	smov.u32 s7;
	s9 =	rddreg [dreg:$0x4];
	[sflag:s10] =	ssyncset.done $0x0  }
0x13b: {  	[sflag:s10] =	ssyncadd.s32 $0xFFFFC000;
	s6 =	sadd.s32 s8, s9  }
0x13c: {  	[tilespmem:s11], [sflag:$0x3] =	stream.linear.gather [hbm4b:s6+s3], $0x800, $0x38;
	[tilespmem:$0x1CC00] =	vst v63  }
0x13d: {  	_ =	swait.ge [sflag:s10], $0x800  }
0x13e: {  	s9 =	rddreg [dreg:$0x3];
	[sflag:s10] =	ssyncset.done $0x0  }
0x13f: {  	s6 =	sadd.s32 s8, s9;
	[sflag:s10] =	ssyncadd.s32 $0xFFFFF800  }
0x140: {  	[tilespmem:s12], [sflag:$0x3] =	stream.linear.gather [hbm4b:s6+s3], $0x800, $0x38;
	[tilespmem:$0x1CC00] =	vst v63  }
0x141: {  	_ =	swait.ge [sflag:s10], $0x800  }
0x142: {  	[sflag:s10] =	ssyncset.done $0x0  }
0x143: {  	[sflag:s10] =	ssyncadd.s32 $0xFFFFF800  }
0x144: {  	[tilespmem:s14], [sflag:$0x1] =	stream.indirect.gather [hbm4b:s4+s13], $0x80, s11, s13, $0xb8;
	[tilespmem:$0x1CC00] =	vst v63  }
0x145: {  	s7 =	rddreg [dreg:$0x5]  }
0x146: {  	[tilespmem:s15], [sflag:$0x2] =	stream.indirect.gather [hbm4b:s4+s13], $0x80, s7, s13, $0xb8;
	[tilespmem:$0x1CC00] =	vst v63  }
0x147: {  	_ =	swait.ge [sflag:s16], $0x4000  }
0x148: {  	[sflag:s16] =	ssyncset.done $0x0  }
0x149: {  	[sflag:s16] =	ssyncadd.s32 $0xFFFFC000  }
0x14a: {  	[spmem:s2] =	stream.indirect.scatter.add.f32 [tilespmem:s14], [sflag:$0x3], $0x80, s12, s13, $0xb8;
	[tilespmem:$0x1CC00] =	vst v63  }
0x14b: {  	_ =	swait.ge [sflag:s10], $0x4000  }
0x14c: {  	[sflag:s10] =	ssyncset.done $0x0  }
0x14d: {  	s8 =	rddreg [dreg:$0x6];
	[sflag:s10] =	ssyncadd.s32 $0xFFFFC000  }
0x14e: {  	[tilespmem:s14], [sflag:$0x1] =	stream.indirect.gather [hbm4b:s4+s13], $0x80, s8, s13, $0xb8;
	[tilespmem:$0x1CC00] =	vst v63  }
0x14f: {  	_ =	swait.ge [sflag:s17], $0x4000  }
0x150: {  	[sflag:s17] =	ssyncset.done $0x0  }
0x151: {  	s9 =	rddreg [dreg:$0x7];
	[sflag:s17] =	ssyncadd.s32 $0xFFFFC000  }
0x152: {  	[spmem:s2] =	stream.indirect.scatter.add.f32 [tilespmem:s15], [sflag:$0x3], $0x80, s9, s13, $0xb8;
	[tilespmem:$0x1CC00] =	vst v63  }
0x153: {  	_ =	swait.ge [sflag:s10], $0x4000  }
0x154: {  	[sflag:s10] =	ssyncset.done $0x0  }
0x155: {  	s7 =	rddreg [dreg:$0x8];
	[sflag:s10] =	ssyncadd.s32 $0xFFFFC000  }
0x156: {  	[tilespmem:s15], [sflag:$0x2] =	stream.indirect.gather [hbm4b:s4+s13], $0x80, s7, s13, $0xb8;
	[tilespmem:$0x1CC00] =	vst v63  }
0x157: {  	_ =	swait.ge [sflag:s16], $0x4000  }
0x158: {  	[sflag:s16] =	ssyncset.done $0x0  }
0x159: {  	s8 =	rddreg [dreg:$0x9];
	[sflag:s16] =	ssyncadd.s32 $0xFFFFC000  }
0x15a: {  	[spmem:s2] =	stream.indirect.scatter.add.f32 [tilespmem:s14], [sflag:$0x3], $0x80, s8, s13, $0xb8;
	[tilespmem:$0x1CC00] =	vst v63  }
0x15b: {  	_ =	swait.ge [sflag:s10], $0x4000  }
0x15c: {  	[sflag:s10] =	ssyncset.done $0x0  }
0x15d: {  	s9 =	rddreg [dreg:$0xa];
	[sflag:s10] =	ssyncadd.s32 $0xFFFFC000  }
0x15e: {  	[tilespmem:s14], [sflag:$0x1] =	stream.indirect.gather [hbm4b:s4+s13], $0x80, s9, s13, $0xb8;
	[tilespmem:$0x1CC00] =	vst v63  }
0x15f: {  	_ =	swait.ge [sflag:s17], $0x4000  }
0x160: {  	[sflag:s17] =	ssyncset.done $0x0  }
0x161: {  	s7 =	rddreg [dreg:$0xb];
	[sflag:s17] =	ssyncadd.s32 $0xFFFFC000  }
0x162: {  	[spmem:s2] =	stream.indirect.scatter.add.f32 [tilespmem:s15], [sflag:$0x3], $0x80, s7, s13, $0xb8;
	[tilespmem:$0x1CC00] =	vst v63  }
0x163: {  	_ =	swait.ge [sflag:s10], $0x4000  }
0x164: {  	[sflag:s10] =	ssyncset.done $0x0  }
0x165: {  	s8 =	rddreg [dreg:$0xc];
	[sflag:s10] =	ssyncadd.s32 $0xFFFFC000  }
0x166: {  	[tilespmem:s15], [sflag:$0x2] =	stream.indirect.gather [hbm4b:s4+s13], $0x80, s8, s13, $0xb8;
	[tilespmem:$0x1CC00] =	vst v63  }
0x167: {  	_ =	swait.ge [sflag:s16], $0x4000  }
0x168: {  	[sflag:s16] =	ssyncset.done $0x0  }
0x169: {  	s9 =	rddreg [dreg:$0xd];
	[sflag:s16] =	ssyncadd.s32 $0xFFFFC000  }
0x16a: {  	[spmem:s2] =	stream.indirect.scatter.add.f32 [tilespmem:s14], [sflag:$0x3], $0x80, s9, s13, $0xb8;
	[tilespmem:$0x1CC00] =	vst v63  }
0x16b: {  	_ =	swait.ge [sflag:s10], $0x4000  }
0x16c: {  	[sflag:s10] =	ssyncset.done $0x0  }
0x16d: {  	s7 =	rddreg [dreg:$0xe];
	[sflag:s10] =	ssyncadd.s32 $0xFFFFC000  }
0x16e: {  	[tilespmem:s14], [sflag:$0x1] =	stream.indirect.gather [hbm4b:s4+s13], $0x80, s7, s13, $0xb8;
	[tilespmem:$0x1CC00] =	vst v63  }
0x16f: {  	_ =	swait.ge [sflag:s17], $0x4000  }
0x170: {  	[sflag:s17] =	ssyncset.done $0x0  }
0x171: {  	s8 =	rddreg [dreg:$0xf];
	[sflag:s17] =	ssyncadd.s32 $0xFFFFC000  }
0x172: {  	[spmem:s2] =	stream.indirect.scatter.add.f32 [tilespmem:s15], [sflag:$0x3], $0x80, s8, s13, $0xb8;
	[tilespmem:$0x1CC00] =	vst v63  }
0x173: {  	_ =	swait.ge [sflag:s10], $0x4000  }
0x174: {  	[sflag:s10] =	ssyncset.done $0x0  }
0x175: {  	s9 =	rddreg [dreg:$0x10];
	[sflag:s10] =	ssyncadd.s32 $0xFFFFC000  }
0x176: {  	[tilespmem:s15], [sflag:$0x2] =	stream.indirect.gather [hbm4b:s4+s13], $0x80, s9, s13, $0xb8;
	[tilespmem:$0x1CC00] =	vst v63  }
0x177: {  	_ =	swait.ge [sflag:s16], $0x4000  }
0x178: {  	[sflag:s16] =	ssyncset.done $0x0  }
0x179: {  	s7 =	rddreg [dreg:$0x11];
	[sflag:s16] =	ssyncadd.s32 $0xFFFFC000  }
0x17a: {  	[spmem:s2] =	stream.indirect.scatter.add.f32 [tilespmem:s14], [sflag:$0x3], $0x80, s7, s13, $0xb8;
	[tilespmem:$0x1CC00] =	vst v63  }
0x17b: {  	_ =	swait.ge [sflag:s10], $0x4000  }
0x17c: {  	[sflag:s10] =	ssyncset.done $0x0  }
0x17d: {  	s8 =	rddreg [dreg:$0x12];
	[sflag:s10] =	ssyncadd.s32 $0xFFFFC000  }
0x17e: {  	[tilespmem:s14], [sflag:$0x1] =	stream.indirect.gather [hbm4b:s4+s13], $0x80, s8, s13, $0xb8;
	[tilespmem:$0x1CC00] =	vst v63  }
0x17f: {  	_ =	swait.ge [sflag:s17], $0x4000  }
0x180: {  	[sflag:s17] =	ssyncset.done $0x0  }
0x181: {  	[sflag:s17] =	ssyncadd.s32 $0xFFFFC000  }
0x182: {  	[spmem:s2] =	stream.indirect.scatter.add.f32 [tilespmem:s15], [sflag:$0x3], $0x80, s18, s13, $0xb8;
	[tilespmem:$0x1CC00] =	vst v63  }
0x183: {  	_ =	swait.ge [sflag:s10], $0x4000  }
0x184: {  	[sflag:s10] =	ssyncset.done $0x0  }
0x185: {  	[sflag:s10] =	ssyncadd.s32 $0xFFFFC000  }
0x186: {  	[tilespmem:s15], [sflag:$0x2] =	stream.indirect.gather [hbm4b:s4+s13], $0x80, s19, s13, $0xb8;
	[tilespmem:$0x1CC00] =	vst v63  }
0x187: {  	_ =	swait.ge [sflag:s16], $0x4000  }
0x188: {  	[sflag:s16] =	ssyncset.done $0x0  }
0x189: {  	[sflag:s16] =	ssyncadd.s32 $0xFFFFC000  }
0x18a: {  	[spmem:s2] =	stream.indirect.scatter.add.f32 [tilespmem:s14], [sflag:$0x3], $0x80, s20, s13, $0xb8;
	[tilespmem:$0x1CC00] =	vst v63  }
0x18b: {  	_ =	swait.ge [sflag:s10], $0x4000  }
0x18c: {  	[sflag:s10] =	ssyncset.done $0x0  }
0x18d: {  	[sflag:s10] =	ssyncadd.s32 $0xFFFFC000  }
0x18e: {  	[tilespmem:s14], [sflag:$0x1] =	stream.indirect.gather [hbm4b:s4+s13], $0x80, s21, s13, $0xb8;
	[tilespmem:$0x1CC00] =	vst v63  }
0x18f: {  	_ =	swait.ge [sflag:s17], $0x4000  }
0x190: {  	[sflag:s17] =	ssyncset.done $0x0  }
0x191: {  	[sflag:s17] =	ssyncadd.s32 $0xFFFFC000  }
0x192: {  	[spmem:s2] =	stream.indirect.scatter.add.f32 [tilespmem:s15], [sflag:$0x3], $0x80, s22, s13, $0xb8;
	[tilespmem:$0x1CC00] =	vst v63  }
0x193: {  	_ =	swait.ge [sflag:s10], $0x4000  }
0x194: {  	[sflag:s10] =	ssyncset.done $0x0  }
0x195: {  	[sflag:s10] =	ssyncadd.s32 $0xFFFFC000  }
0x196: {  	[tilespmem:s15], [sflag:$0x2] =	stream.indirect.gather [hbm4b:s4+s13], $0x80, s23, s13, $0xb8;
	[tilespmem:$0x1CC00] =	vst v63  }
0x197: {  	_ =	swait.ge [sflag:s16], $0x4000  }
0x198: {  	[sflag:s16] =	ssyncset.done $0x0  }
0x199: {  	[sflag:s16] =	ssyncadd.s32 $0xFFFFC000  }
0x19a: {  	[spmem:s2] =	stream.indirect.scatter.add.f32 [tilespmem:s14], [sflag:$0x3], $0x80, s24, s13, $0xb8;
	[tilespmem:$0x1CC00] =	vst v63  }
0x19b: {  	_ =	swait.ge [sflag:s10], $0x4000  }
0x19c: {  	[sflag:s10] =	ssyncset.done $0x0  }
0x19d: {  	[sflag:s10] =	ssyncadd.s32 $0xFFFFC000  }
0x19e: {  	[tilespmem:s14], [sflag:$0x1] =	stream.indirect.gather [hbm4b:s4+s13], $0x80, s25, s13, $0xb8;
	[tilespmem:$0x1CC00] =	vst v63  }
0x19f: {  	_ =	swait.ge [sflag:s17], $0x4000  }
0x1a0: {  	[sflag:s17] =	ssyncset.done $0x0  }
0x1a1: {  	[sflag:s17] =	ssyncadd.s32 $0xFFFFC000  }
0x1a2: {  	[spmem:s2] =	stream.indirect.scatter.add.f32 [tilespmem:s15], [sflag:$0x3], $0x80, s26, s13, $0xb8;
	[tilespmem:$0x1CC00] =	vst v63  }
0x1a3: {  	_ =	swait.ge [sflag:s10], $0x4000  }
0x1a4: {  	[sflag:s10] =	ssyncset.done $0x0  }
0x1a5: {  	[sflag:s10] =	ssyncadd.s32 $0xFFFFC000  }
0x1a6: {  	[tilespmem:s15], [sflag:$0x2] =	stream.indirect.gather [hbm4b:s4+s13], $0x80, s28, s13, $0xb8;
	[tilespmem:$0x1CC00] =	vst v63  }
0x1a7: {  	_ =	swait.ge [sflag:s16], $0x4000  }
0x1a8: {  	[sflag:s16] =	ssyncset.done $0x0  }
0x1a9: {  	[sflag:s16] =	ssyncadd.s32 $0xFFFFC000  }
0x1aa: {  	[spmem:s2] =	stream.indirect.scatter.add.f32 [tilespmem:s14], [sflag:$0x3], $0x80, s29, s13, $0xb8;
	[tilespmem:$0x1CC00] =	vst v63  }
0x1ab: {  	_ =	swait.ge [sflag:s10], $0x4000  }
0x1ac: {  	[sflag:s10] =	ssyncset.done $0x0  }
0x1ad: {  	[sflag:s10] =	ssyncadd.s32 $0xFFFFC000  }
0x1ae: {  	[tilespmem:s14], [sflag:$0x1] =	stream.indirect.gather [hbm4b:s4+s13], $0x80, s30, s13, $0xb8;
	[tilespmem:$0x1CC00] =	vst v63  }
0x1af: {  	_ =	swait.ge [sflag:s17], $0x4000  }
0x1b0: {  	[sflag:s17] =	ssyncset.done $0x0  }
0x1b1: {  	[sflag:s17] =	ssyncadd.s32 $0xFFFFC000  }
0x1b2: {  	[spmem:s2] =	stream.indirect.scatter.add.f32 [tilespmem:s15], [sflag:$0x3], $0x80, s31, s13, $0xb8;
	[tilespmem:$0x1CC00] =	vst v63  }
0x1b3: {  	_ =	swait.ge [sflag:s10], $0x4000  }
0x1b4: {  	[sflag:s10] =	ssyncset.done $0x0  }
0x1b5: {  	[sflag:s10] =	ssyncadd.s32 $0xFFFFC000  }
0x1b6: {  	[tilespmem:s15], [sflag:$0x2] =	stream.indirect.gather [hbm4b:s4+s13], $0x80, s1, s13, $0xb8;
	[tilespmem:$0x1CC00] =	vst v63  }
0x1b7: {  	_ =	swait.ge [sflag:s16], $0x4000  }
0x1b8: {  	[sflag:s16] =	ssyncset.done $0x0  }
0x1b9: {  	[sflag:s16] =	ssyncadd.s32 $0xFFFFC000  }
0x1ba: {  	[spmem:s2] =	stream.indirect.scatter.add.f32 [tilespmem:s14], [sflag:$0x3], $0x80, s0, s13, $0xb8;
	[tilespmem:$0x1CC00] =	vst v63  }
0x1bb: {  	_ =	swait.ge [sflag:s10], $0x4000  }
0x1bc: {  	[sflag:s10] =	ssyncset.done $0x0  }
0x1bd: {  	[sflag:s10] =	ssyncadd.s32 $0xFFFFC000  }
0x1be: {  	_ =	swait.ge [sflag:s17], $0x4000  }
0x1bf: {  	[sflag:s17] =	ssyncset.done $0x0  }
0x1c0: {  	[sflag:s17] =	ssyncadd.s32 $0xFFFFC000  }
0x1c1: {  	[spmem:s2] =	stream.indirect.scatter.add.f32 [tilespmem:s15], [sflag:$0x3], $0x80, s5, s13, $0xb8;
	[tilespmem:$0x1CC00] =	vst v63  }
0x1c2: {  	_ =	swait.ge [sflag:s10], $0x4000  }
0x1c3: {  	[sflag:s10] =	ssyncset.done $0x0  }
0x1c4: {  	[sflag:s10] =	ssyncadd.s32 $0xFFFFC000  }
0x1c5: {  	[bflag:$0x0] =	sbarrier.arrive $0xFFFF  }
0x1c6: {  	s8 =	rddreg [dreg:$0x14]  }
0x1c7: {  	s9 =	rddreg [dreg:$0x15]  }
0x1c8: {  	s7 =	rddreg [dreg:$0x17]  }
0x1c9: {  	[hbm:s9], [sflag:s8] =	dma.local [spmem:s7], $0x2780  }
0x1ca: {  	_ =	swait.ge [sflag:s10], $0x2780  }
0x1cb: {  	s6 =	rddreg [dreg:$0x18]  }
0x1cc: {  	s9 =	sadd.s32 $0x1, s6;
	s6 =	rddreg [dreg:$0x16]  }
0x1cd: {  	p0 =	sne.s32 s9, s6  }
.Ltmp1:
0x1ce: {  	_ = 	snop;
	(pc) =	sbr.rel @p0 .LBB2_1-.Ltmp1, $3  }
0x1cf: {  	_ =	sdelay $0x1  }
0x1d0: {  	[sflag:s10] =	ssyncset.done $0x0  }
0x1d1: {  	[sflag:s10] =	ssyncadd.s32 $0xFFFFD880  }
0x1d2: {  	_ =	sfence.sel $0x180000  }
0x1d3: {  	[bflag:$0x0] =	sbarrier.arrive $0xFFFF  }
0x1d4: {  	_ =	strace $0x90000050  }
0x1d5: {  	s0 =	stileid.u32;
	[bflag:$0x2] =	sbarrier.arrive $0xFFFF  }
0x1d6: {  	p0 =	sne.s32 s0, $0x0;
	s0 =	rddreg [dreg:$0x2]  }
0x1d7: {  	s0 =	sadd.s32 @!p0 $0x100000, s0  }
0x1d8: {  	[sflag:s0] =	ssyncadd.tile.s32 @!p0 $0x1;
	_ =	shalt  }
.Lfunc_end2:
_tile_overlayer_lowered:
.L_overlay_start_2:
0x1d9: {  	(tag) =	ssettag $0x2  }
0x1da: {  	s0 =	rddreg [dreg:$0x0];
	s2 =	stileid.u32  }
0x1db: {  	s1 =	rddreg [dreg:$0x1];
	p0 =	sne.s32 s2, $0x0  }
0x1dc: {  	s3 =	rddreg [dreg:$0x2];
	[bflag:$0x3] =	sbarrier.arrive $0xFFFF;
	s2 =	simm.s32 @!p0 $0x1C03  }
0x1dd: {  	[timem:s3], [sflag:s2] =	dma.local @!p0 [hbm:s0], s1  }
0x1de: {  	s0 =	simm.s32 @!p0 $0x3  }
0x1df: {  	_ =	swait.ge @!p0 [sflag:s0], s1  }
0x1e0: {  	s1 =	ssub.s32 @!p0 $0x0, s1;
	[sflag:s0] =	ssyncset.done @!p0 $0x0  }
0x1e1: {  	[sflag:s0] =	ssyncadd.s32 @!p0 s1  }
0x1e2: {  	[bflag:$0x3] =	sbarrier.arrive $0xFFFF  }
0x1e3: {  	_ =	shalt  }

// kernel: kernel.25.cloned.1.call-start
scs
__scs_entry_jumppad:
0x0: {  	(pc) =	sbr.rel $0x88, $3  }
0x1: {  	(tag) =	ssettag $0x0;
	lr =	simm.s32 $0x1  }
0x2: {  	[smem:$0x3F96] =	sst lr;
	_ =	strace $0xD0000000  }
0x3: {  	_ = 	snop  }
0x4: {  	_ = 	snop  }
0x5: {  	_ = 	snop  }
0x6: {  	_ = 	snop  }
0x7: {  	_ = 	snop  }
__scs_overlays_trampoline_lowered:
0x8: {  	[smem:$0x3FA5] =	sst s0  }
0x9: {  	[smem:$0x3FA6] =	sst s1  }
0xa: {  	[smem:$0x3FA7] =	sst s2  }
0xb: {  	[smem:$0x3FA8] =	sst s3  }
0xc: {  	[smem:$0x3FA9] =	sst s4  }
0xd: {  	[smem:$0x3FAA] =	sst s5  }
0xe: {  	[smem:$0x3FAB] =	sst s6  }
0xf: {  	[smem:$0x3FAC] =	sst s7  }
0x10: {  	[smem:$0x3FAD] =	sst s8  }
0x11: {  	[smem:$0x3FAE] =	sst s9;
	s0 =	simm.s32 @!p0 $0x0  }
0x12: {  	s1 =	sld [smem:$0x3F94];
	s0 =	simm.s32 @p0 $0x1  }
0x13: {  	[smem:$0x3FAF] =	sst s0;
	s0 =	simm.s32 @!p1 $0x0  }
0x14: {  	s2 =	sld [smem:$0x3F93];
	s0 =	simm.s32 @p1 $0x1  }
0x15: {  	[smem:$0x3FB0] =	sst s0;
	s0 =	simm.s32 @!p2 $0x0  }
0x16: {  	s3 =	sld [smem:$0x3FDB];
	s0 =	simm.s32 @p2 $0x1  }
0x17: {  	s4 =	simm.s32 $0x1BF5;
	[smem:$0x3FB2] =	sst s0  }
0x18: {  	s0 =	sld [smem:$0x3F95];
	_ =	swait.ge [sflag:s4], $0x0  }
0x19: {  	s7 =	sld [smem:$0x3F96]  }
0x1a: {  	s8 =	sadd.s32 $0xFFFFE003, lr  }
0x1b: {  	s9 =	sadd.s32 $0xFFFFFEF7, lr;
	s5 =	simm.s32 $0xFFFFFFFF;
	p2 =	slt.u32 s8, $0xFFFFF086  }
0x1c: {  	p1 =	slt.u32 s9, $0xF7A;
	s5 =	simm.s32 @!p2 $0x0  }
0x1d: {  	s5 =	simm.s32 @p1 $0x1;
	p0 =	seq.s32 s7, s2  }
0x1e: {  	s7 =	smul.u32 @!p0 $0xF7A, s2;
	p2 =	seq.s32 @!p0 s5, $0x0  }
0x1f: {  	s9 =	smul.u32 $0xF7A, s1;
	s8 =	simm.s32 @!p0 $0x1BF5;
	p2 =	por !p2, p0  }
0x20: {  	[sflag:s8] =	ssyncset.s32 @!p0 $0xFFFFF086;
	s6 =	sadd.s32 @!p0 s3, s7;
	s7 =	simm.s32 @!p0 $0x108  }
0x21: {  	s3 =	sadd.s32 s3, s9;
	s6 =	sadd.s32 @!p0 $0x88, s6;
	s7 =	simm.s32 @p2 $0x1082  }
0x22: {  	[simem:s7], [sflag:s8] =	dma.local @!p0 [hbm:s6], $0xF7A  }
0x23: {  	s9 =	sor.u32 $0xD0000000, s2;
	s6 =	simm.s32 $0x108;
	_ =	swait.ge @!p0 [sflag:s8], $0x0  }
0x24: {  	s3 =	sadd.s32 $0x88, s3;
	s6 =	simm.s32 @!p1 $0x1082;
	[sflag:s4] =	ssyncset.s32 $0xFFFFF086  }
0x25: {  	[simem:s6], [sflag:s4] =	dma.local [hbm:s3], $0xF7A  }
0x26: {  	[smem:$0x3F96] =	sst s1;
	(tag) =	ssettag s2;
	_ =	strace s9  }
0x27: {  	s1 =	sld [smem:$0x3FA6]  }
0x28: {  	s2 =	sld [smem:$0x3FA7]  }
0x29: {  	s4 =	sld [smem:$0x3FA9]  }
0x2a: {  	p0 =	seq.s32 s5, $0x0;
	s5 =	sld [smem:$0x3FAA]  }
0x2b: {  	s6 =	sld [smem:$0x3FAB]  }
0x2c: {  	s7 =	sld [smem:$0x3FAC]  }
0x2d: {  	s3 =	simm.s32 $0x108;
	s8 =	sld [smem:$0x3FAD]  }
0x2e: {  	s3 =	simm.s32 @!p0 $0x1082;
	s9 =	sld [smem:$0x3FAE]  }
0x2f: {  	lr =	sadd.s32 s0, s3;
	s0 =	sld [smem:$0x3FA5]  }
0x30: {  	s3 =	sld [smem:$0x3FA8]  }
0x31: {  	[smem:$0x3FB1] =	sst s10  }
0x32: {  	s10 =	sld [smem:$0x3FAF];
	_ =	sdelay $0x3  }
0x33: {  	p0 =	seq.s32 s10, $0x1;
	s10 =	sld [smem:$0x3FB1];
	_ =	sdelay $0x3  }
0x34: {  	[smem:$0x3FB1] =	sst s10  }
0x35: {  	s10 =	sld [smem:$0x3FB0];
	_ =	sdelay $0x3  }
0x36: {  	p1 =	seq.s32 s10, $0x1;
	s10 =	sld [smem:$0x3FB1];
	_ =	sdelay $0x3  }
0x37: {  	[smem:$0x3FB1] =	sst s10  }
0x38: {  	s10 =	sld [smem:$0x3FB2]  }
0x39: {  	_ = 	snop;
	(pc) =	sbr.ind lr, $3  }
0x3a: {  	_ = 	snop  }
0x3b: {  	_ = 	snop  }
0x3c: {  	p2 =	seq.s32 s10, $0x1;
	s10 =	sld [smem:$0x3FB1]  }
0x3d: {  	_ =	shalt  }
0x3e: {  	_ =	shalt  }
0x3f: {  	_ =	shalt  }
0x40: {  	_ =	shalt  }
0x41: {  	_ =	shalt  }
0x42: {  	_ =	shalt  }
0x43: {  	_ =	shalt  }
0x44: {  	_ =	shalt  }
0x45: {  	_ =	shalt  }
0x46: {  	_ =	shalt  }
0x47: {  	_ =	shalt  }
0x48: {  	_ =	shalt  }
0x49: {  	_ =	shalt  }
0x4a: {  	_ =	shalt  }
0x4b: {  	_ =	shalt  }
0x4c: {  	_ =	shalt  }
0x4d: {  	_ =	shalt  }
0x4e: {  	_ =	shalt  }
0x4f: {  	_ =	shalt  }
0x50: {  	_ =	shalt  }
0x51: {  	_ =	shalt  }
0x52: {  	_ =	shalt  }
0x53: {  	_ =	shalt  }
0x54: {  	_ =	shalt  }
0x55: {  	_ =	shalt  }
0x56: {  	_ =	shalt  }
0x57: {  	_ =	shalt  }
0x58: {  	_ =	shalt  }
0x59: {  	_ =	shalt  }
0x5a: {  	_ =	shalt  }
0x5b: {  	_ =	shalt  }
0x5c: {  	_ =	shalt  }
0x5d: {  	_ =	shalt  }
0x5e: {  	_ =	shalt  }
0x5f: {  	_ =	shalt  }
0x60: {  	_ =	shalt  }
0x61: {  	_ =	shalt  }
0x62: {  	_ =	shalt  }
0x63: {  	_ =	shalt  }
0x64: {  	_ =	shalt  }
0x65: {  	_ =	shalt  }
0x66: {  	_ =	shalt  }
0x67: {  	_ =	shalt  }
0x68: {  	_ =	shalt  }
0x69: {  	_ =	shalt  }
0x6a: {  	_ =	shalt  }
0x6b: {  	_ =	shalt  }
0x6c: {  	_ =	shalt  }
0x6d: {  	_ =	shalt  }
0x6e: {  	_ =	shalt  }
0x6f: {  	_ =	shalt  }
0x70: {  	_ =	shalt  }
0x71: {  	_ =	shalt  }
0x72: {  	_ =	shalt  }
0x73: {  	_ =	shalt  }
0x74: {  	_ =	shalt  }
0x75: {  	_ =	shalt  }
0x76: {  	_ =	shalt  }
0x77: {  	_ =	shalt  }
0x78: {  	_ =	shalt  }
0x79: {  	_ =	shalt  }
0x7a: {  	_ =	shalt  }
0x7b: {  	_ =	shalt  }
0x7c: {  	_ =	shalt  }
0x7d: {  	_ =	shalt  }
0x7e: {  	_ =	shalt  }
0x7f: {  	_ =	shalt  }
0x80: {  	_ =	shalt  }
0x81: {  	_ =	shalt  }
0x82: {  	_ =	shalt  }
0x83: {  	_ =	shalt  }
0x84: {  	_ =	shalt  }
0x85: {  	_ =	shalt  }
0x86: {  	_ =	shalt  }
0x87: {  	_ =	shalt  }
.Lfunc_end0:
.L_simem_size_0:
called_computation.4_lowered:
.L_overlay_start_0:
0x88: {  	s2 =	sld [smem:$0x3FD9]  }
0x89: {  	s3 =	sld [smem:$0x3FFE];
	_ =	sdelay $0x1  }
0x8a: {  	s1 =	srdreg.scid  }
0x8b: {  	s0 =	sand.u32 $0x1, s1  }
0x8c: {  	s16 =	sshll.u32 s0, $0xA;
	s2 =	sadd.s32 s3, s2  }
0x8d: {  	s2 =	sadd.s32 s2, s16  }
0x8e: {  	[smem:$0x3FBD] =	sst s2  }
0x8f: {  	_ = 	snop  }
0x90: {  	(tm) =	ssettm $0x1  }
0x91: {  	s17 =	sld [smem:$0x3FFB];
	_ =	sdelay $0x3  }
0x92: {  	_ =	strace s17  }
0x93: {  	s2 =	sld [smem:$0x3FFC];
	_ =	sdelay $0x3  }
0x94: {  	_ =	strace s2  }
0x95: {  	s2 =	sld [smem:$0x3FFD];
	_ =	sdelay $0x3  }
0x96: {  	_ =	strace s2  }
0x97: {  	_ =	strace $0x8FFFFFFF  }
0x98: {  	s18 =	sld [smem:$0x3FDB];
	_ =	sdelay $0x1  }
0x99: {  	s19 =	simm.s32 $_scs_section_size  }
0x9a: {  	s4 =	simm.s32 $_size__tile_overlayer_lowered;
	s5 =	simm.s32 $_tile_overlayer_lowered  }
0x9b: {  	s22 =	simm.s32 $0x1BFF;
	s21 =	sshll.u32 s5, $0x1;
	s2 =	sadd.s32 s19, s18  }
0x9c: {  	s6 =	simm.s32 $0x0;
	s20 =	sshll.u32 s4, $0x1;
	s4 =	sadd.s32 s21, s2  }
0x9d: {  	[timem:s6], [sflag:s22] =	dma.local [hbm:s4], s20  }
0x9e: {  	_ =	swait.ge [sflag:s22], s20  }
0x9f: {  	s3 =	ssub.s32 $0x0, s20;
	[sflag:s22] =	ssyncset.done $0x0  }
0xa0: {  	[sflag:s22] =	ssyncadd.s32 s3;
	_ =	sdelay $0x1  }
0xa1: {  	s23 =	simm.s32 $0x1B8B  }
0xa2: {  	_ =	swait.ge [sflag:s23], $0x1  }
0xa3: {  	[sflag:s23] =	ssyncset.done $0x0  }
0xa4: {  	s25 =	simm.s32 $0x1B8E;
	s24 =	sld [smem:$0x3FFE];
	[sflag:s23] =	ssyncadd.s32 $0xFFFFFFFF  }
0xa5: {  	s26 =	simm.s32 $execute0_lowered;
	[smem:$0x3FD2] =	sst s25  }
0xa6: {  	s4 =	sshll.u32 s26, $0x1;
	_ =	strace $0x80000052;
	[dreg:$0x1] =	wrdreg $0xFFFFFFFF  }
0xa7: {  	s28 =	simm.s32 $_size_execute0_lowered;
	s2 =	sadd.s32 s2, s4;
	[dreg:$0x0] =	wrdreg $0x0  }
0xa8: {  	s4 =	sshll.u32 s28, $0x1;
	[dreg:$0x2] =	wrdreg s2  }
0xa9: {  	[dreg:$0x3] =	wrdreg s4  }
0xaa: {  	[dreg:$0x4] =	wrdreg $0xC0  }
0xab: {  	_ =	task [dreg:s6], $0x5FFFF  }
0xac: {  	[dreg:$0x1] =	wrdreg $0xFFFFFFFF  }
0xad: {  	[dreg:$0x0] =	wrdreg $0x60  }
0xae: {  	[dreg:$0x2] =	wrdreg s24  }
0xaf: {  	[dreg:$0x3] =	wrdreg $0x0  }
0xb0: {  	[dreg:$0x4] =	wrdreg $0x9  }
0xb1: {  	_ =	task.clear_ibuf [dreg:s6], $0x5FFFF;
	_ =	strace $0x90000052  }
0xb2: {  	s29 =	simm.s32 $0x9;
	_ =	strace $0x80000054  }
0xb3: {  	_ =	swait.ge [sflag:s29], $0x1  }
0xb4: {  	[sflag:s29] =	ssyncadd.s32 $0xFFFFFFFF  }
0xb5: {  	_ =	strace $0x90000054  }
0xb6: {  	_ =	sfence  }
0xb7: {  	s30 =	sld [smem:$0x0];
	_ =	sdelay $0x2  }
0xb8: {  	s31 =	sshll.u32 s1, $0xD;
	s1 =	sshrl.u32 s1, $0x2  }
0xb9: {  	s3 =	sand.u32 $0x4000, s31;
	s1 =	sadd.s32 s1, s30  }
0xba: {  	s0 =	sor.u32 s3, s0;
	s1 =	sshll.u32 s1, $0x11  }
0xbb: {  	s0 =	sor.u32 s1, s0  }
0xbc: {  	s0 =	sadd.s32 $0x8F2B, s0  }
0xbd: {  	[sflag:s0] =	ssyncadd.remote.s32 $0x1  }
0xbe: {  	_ =	sfence.sel $0xFFFF  }
0xbf: {  	[dreg:$0x0] =	wrdreg $0xFFFFFFFF;
	(pc) =	sbr.abs _section_cstart, $3  }
0xc0: {  	[dreg:$0x1] =	wrdreg $0xFFFFFFFF  }
0xc1: {  	_ =	task.clear_ibuf [dreg:s6], $0x2FFFF;
	_ =	strace $0x9FFFFFFF  }
0xc2: {  	(tm) =	ssettm $0x7FFFFFFF  }
0xc3: {  	_ =	shalt  }
tec
execute0_lowered:
.L_overlay_start_1:
0x0: {  	(tag) =	ssettag $0x1  }
0x1: {  	s0 =	rddreg [dreg:$0x0];
	s9 =	stileid.u32  }
0x2: {  	s1 =	srdreg.scid;
	s2 =	rddreg [dreg:$0x1]  }
0x3: {  	s3 =	simm.s32 $0x0;
	s12 =	simm.s32 $0x13C80;
	s14 =	simm.s32 $0x13D00  }
0x4: {  	s15 =	simm.s32 $0x14480;
	s16 =	simm.s32 $0x13D80;
	s17 =	simm.s32 $0x14500  }
0x5: {  	s18 =	simm.s32 $0x13E00;
	s19 =	simm.s32 $0x14580;
	[smem:$0x7FF] =	sst s3  }
0x6: {  	s20 =	simm.s32 $0x13E80;
	_ =	strace $0x80000053;
	[dreg:$0x5] =	wrdreg s12  }
0x7: {  	s21 =	simm.s32 $0x14600;
	s22 =	simm.s32 $0x13F00;
	[dreg:$0x6] =	wrdreg s14  }
0x8: {  	s23 =	simm.s32 $0x14680;
	s24 =	simm.s32 $0x13F80;
	[dreg:$0x7] =	wrdreg s15  }
0x9: {  	s25 =	simm.s32 $0x14700;
	s28 =	simm.s32 $0x14280;
	[dreg:$0x8] =	wrdreg s16  }
0xa: {  	s29 =	simm.s32 $0x14A00;
	s30 =	simm.s32 $0x14300;
	[dreg:$0x9] =	wrdreg s17  }
0xb: {  	s31 =	simm.s32 $0x14A80;
	s4 =	smul.u32 $0x2800, s9;
	[dreg:$0xa] =	wrdreg s18  }
0xc: {  	s1 =	sand.u32 $0x1, s1;
	s6 =	smul.u32 $0x2780, s9;
	[dreg:$0xb] =	wrdreg s19  }
0xd: {  	s8 =	smul.u32 $0x4F000, s9;
	s13 =	sshll.u32 s9, $0x6;
	[dreg:$0xc] =	wrdreg s20  }
0xe: {  	s9 =	simm.s32 $0x0;
	p0 =	seq.s32 s1, $0x0;
	[dreg:$0xd] =	wrdreg s21  }
0xf: {  	s7 =	smul.u32 $0x27800, s1;
	s1 =	ssub.s32 $0x2, s1;
	[dreg:$0xe] =	wrdreg s22  }
0x10: {  	s12 =	simm.s32 $0x14400;
	s14 =	simm.s32 $0x14C00;
	[dreg:$0xf] =	wrdreg s23  }
0x11: {  	s15 =	simm.s32 $0x18C00;
	s16 =	simm.s32 $0x1;
	[dreg:$0x10] =	wrdreg s24  }
0x12: {  	s17 =	simm.s32 $0x2;
	[dreg:$0x11] =	wrdreg s25;
	s18 =	simm.s32 $0x14780  }
0x13: {  	s19 =	simm.s32 $0x14080;
	s20 =	simm.s32 $0x14800;
	s21 =	simm.s32 $0x14100  }
0x14: {  	s22 =	simm.s32 $0x14880;
	s23 =	simm.s32 $0x14180;
	s24 =	simm.s32 $0x14900  }
0x15: {  	s25 =	simm.s32 $0x14200;
	s5 =	sadd.s32 $0x28000, s4;
	s26 =	sshrl.u32 s1, $0x1  }
0x16: {  	s10 =	sshrl.u32 s8, $0x2;
	s8 =	sor.u32 $0x1C03, s13;
	s13 =	simm.s32 $0x80  }
0x17: {  	s5 =	smov.u32 @p0 s4;
	s4 =	sadd.s32 $0x3F600, s0;
	s7 =	sadd.s32 s6, s7  }
0x18: {  	s6 =	sadd.s32 s6, s0;
	s1 =	ssub.s32 s1, s26;
	s26 =	simm.s32 $0x14000  }
0x19: {  	[dreg:$0x14] =	wrdreg s8;
	s5 =	sshrl.u32 s5, $0x3;
	s6 =	sadd.s32 $0x17E00, s6  }
0x1a: {  	s1 =	smax.u32 s1, $0x1;
	[dreg:$0x12] =	wrdreg s26;
	s26 =	simm.s32 $0x14980  }
0x1b: {  	s5 =	sadd.s32 s5, s0;
	s0 =	sadd.s32 s7, s0;
	[dreg:$0x13] =	wrdreg s6  }
0x1c: {  	s7 =	sadd.s32 s10, s2;
	[dreg:$0x16] =	wrdreg s1;
	s11 =	sadd.s32 $0x3E00, s5  }
0x1d: {  	s10 =	simm.s32 $0x3;
	s5 =	sadd.s32 $0xDE00, s5;
	[dreg:$0x3] =	wrdreg s11  }
0x1e: {  	s1 =	simm.s32 $0x14380;
	s0 =	sadd.s32 $0x66800, s0;
	[dreg:$0x4] =	wrdreg s5  }
0x1f: {  	s7 =	sshrl.u32 s7, $0x3;
	[dreg:$0x15] =	wrdreg s0;
	s11 =	simm.s32 $0x13C00  }
0x20: {  	s0 =	simm.s32 $0x14B00;
	s5 =	simm.s32 $0x14B80;
	[dreg:$0x17] =	wrdreg s7  }
.LBB2_1:
0x21: {  	[dreg:$0x18] =	wrdreg s9  }
0x22: {  	s6 =	rddreg [dreg:$0x13]  }
0x23: {  	[spmem:s7], [sflag:s8] =	dma.local [hbm:s6], $0x2780  }
0x24: {  	_ =	swait.ge [sflag:s10], $0x2780  }
0x25: {  	[sflag:s10] =	ssyncset.done $0x0  }
0x26: {  	[sflag:s10] =	ssyncadd.s32 $0xFFFFD880  }
0x27: {  	[bflag:$0x0] =	sbarrier.arrive $0xFFFF  }
0x28: {  	s9 =	rddreg [dreg:$0x4]  }
0x29: {  	s6 =	sadd.s32 $0x0, s9  }
0x2a: {  	[tilespmem:s11], [sflag:$0x3] =	stream.linear.gather [hbm4b:s6+s3], $0x800, $0x38;
	[tilespmem:$0x1CC00] =	vst v63  }
0x2b: {  	_ =	swait.ge [sflag:s10], $0x800  }
0x2c: {  	s7 =	rddreg [dreg:$0x3];
	[sflag:s10] =	ssyncset.done $0x0  }
0x2d: {  	[sflag:s10] =	ssyncadd.s32 $0xFFFFF800;
	s6 =	sadd.s32 $0x0, s7  }
0x2e: {  	[tilespmem:s12], [sflag:$0x3] =	stream.linear.gather [hbm4b:s6+s3], $0x800, $0x38;
	[tilespmem:$0x1CC00] =	vst v63  }
0x2f: {  	_ =	swait.ge [sflag:s10], $0x800  }
0x30: {  	[sflag:s10] =	ssyncset.done $0x0  }
0x31: {  	[sflag:s10] =	ssyncadd.s32 $0xFFFFF800  }
0x32: {  	[tilespmem:s14], [sflag:$0x1] =	stream.indirect.gather [hbm4b:s4+s13], $0x80, s11, s13, $0xb8;
	[tilespmem:$0x1CC00] =	vst v63  }
0x33: {  	s8 =	rddreg [dreg:$0x5]  }
0x34: {  	[tilespmem:s15], [sflag:$0x2] =	stream.indirect.gather [hbm4b:s4+s13], $0x80, s8, s13, $0xb8;
	[tilespmem:$0x1CC00] =	vst v63  }
0x35: {  	_ =	swait.ge [sflag:s16], $0x4000  }
0x36: {  	[sflag:s16] =	ssyncset.done $0x0  }
0x37: {  	[sflag:s16] =	ssyncadd.s32 $0xFFFFC000  }
0x38: {  	[spmem:s2] =	stream.indirect.scatter.add.f32 [tilespmem:s14], [sflag:$0x3], $0x80, s12, s13, $0xb8;
	[tilespmem:$0x1CC00] =	vst v63  }
0x39: {  	_ =	swait.ge [sflag:s10], $0x4000  }
0x3a: {  	[sflag:s10] =	ssyncset.done $0x0  }
0x3b: {  	s9 =	rddreg [dreg:$0x6];
	[sflag:s10] =	ssyncadd.s32 $0xFFFFC000  }
0x3c: {  	[tilespmem:s14], [sflag:$0x1] =	stream.indirect.gather [hbm4b:s4+s13], $0x80, s9, s13, $0xb8;
	[tilespmem:$0x1CC00] =	vst v63  }
0x3d: {  	_ =	swait.ge [sflag:s17], $0x4000  }
0x3e: {  	[sflag:s17] =	ssyncset.done $0x0  }
0x3f: {  	s7 =	rddreg [dreg:$0x7];
	[sflag:s17] =	ssyncadd.s32 $0xFFFFC000  }
0x40: {  	[spmem:s2] =	stream.indirect.scatter.add.f32 [tilespmem:s15], [sflag:$0x3], $0x80, s7, s13, $0xb8;
	[tilespmem:$0x1CC00] =	vst v63  }
0x41: {  	_ =	swait.ge [sflag:s10], $0x4000  }
0x42: {  	[sflag:s10] =	ssyncset.done $0x0  }
0x43: {  	s8 =	rddreg [dreg:$0x8];
	[sflag:s10] =	ssyncadd.s32 $0xFFFFC000  }
0x44: {  	[tilespmem:s15], [sflag:$0x2] =	stream.indirect.gather [hbm4b:s4+s13], $0x80, s8, s13, $0xb8;
	[tilespmem:$0x1CC00] =	vst v63  }
0x45: {  	_ =	swait.ge [sflag:s16], $0x4000  }
0x46: {  	[sflag:s16] =	ssyncset.done $0x0  }
0x47: {  	s9 =	rddreg [dreg:$0x9];
	[sflag:s16] =	ssyncadd.s32 $0xFFFFC000  }
0x48: {  	[spmem:s2] =	stream.indirect.scatter.add.f32 [tilespmem:s14], [sflag:$0x3], $0x80, s9, s13, $0xb8;
	[tilespmem:$0x1CC00] =	vst v63  }
0x49: {  	_ =	swait.ge [sflag:s10], $0x4000  }
0x4a: {  	[sflag:s10] =	ssyncset.done $0x0  }
0x4b: {  	s7 =	rddreg [dreg:$0xa];
	[sflag:s10] =	ssyncadd.s32 $0xFFFFC000  }
0x4c: {  	[tilespmem:s14], [sflag:$0x1] =	stream.indirect.gather [hbm4b:s4+s13], $0x80, s7, s13, $0xb8;
	[tilespmem:$0x1CC00] =	vst v63  }
0x4d: {  	_ =	swait.ge [sflag:s17], $0x4000  }
0x4e: {  	[sflag:s17] =	ssyncset.done $0x0  }
0x4f: {  	s8 =	rddreg [dreg:$0xb];
	[sflag:s17] =	ssyncadd.s32 $0xFFFFC000  }
0x50: {  	[spmem:s2] =	stream.indirect.scatter.add.f32 [tilespmem:s15], [sflag:$0x3], $0x80, s8, s13, $0xb8;
	[tilespmem:$0x1CC00] =	vst v63  }
0x51: {  	_ =	swait.ge [sflag:s10], $0x4000  }
0x52: {  	[sflag:s10] =	ssyncset.done $0x0  }
0x53: {  	s9 =	rddreg [dreg:$0xc];
	[sflag:s10] =	ssyncadd.s32 $0xFFFFC000  }
0x54: {  	[tilespmem:s15], [sflag:$0x2] =	stream.indirect.gather [hbm4b:s4+s13], $0x80, s9, s13, $0xb8;
	[tilespmem:$0x1CC00] =	vst v63  }
0x55: {  	_ =	swait.ge [sflag:s16], $0x4000  }
0x56: {  	[sflag:s16] =	ssyncset.done $0x0  }
0x57: {  	s7 =	rddreg [dreg:$0xd];
	[sflag:s16] =	ssyncadd.s32 $0xFFFFC000  }
0x58: {  	[spmem:s2] =	stream.indirect.scatter.add.f32 [tilespmem:s14], [sflag:$0x3], $0x80, s7, s13, $0xb8;
	[tilespmem:$0x1CC00] =	vst v63  }
0x59: {  	_ =	swait.ge [sflag:s10], $0x4000  }
0x5a: {  	[sflag:s10] =	ssyncset.done $0x0  }
0x5b: {  	s8 =	rddreg [dreg:$0xe];
	[sflag:s10] =	ssyncadd.s32 $0xFFFFC000  }
0x5c: {  	[tilespmem:s14], [sflag:$0x1] =	stream.indirect.gather [hbm4b:s4+s13], $0x80, s8, s13, $0xb8;
	[tilespmem:$0x1CC00] =	vst v63  }
0x5d: {  	_ =	swait.ge [sflag:s17], $0x4000  }
0x5e: {  	[sflag:s17] =	ssyncset.done $0x0  }
0x5f: {  	s9 =	rddreg [dreg:$0xf];
	[sflag:s17] =	ssyncadd.s32 $0xFFFFC000  }
0x60: {  	[spmem:s2] =	stream.indirect.scatter.add.f32 [tilespmem:s15], [sflag:$0x3], $0x80, s9, s13, $0xb8;
	[tilespmem:$0x1CC00] =	vst v63  }
0x61: {  	_ =	swait.ge [sflag:s10], $0x4000  }
0x62: {  	[sflag:s10] =	ssyncset.done $0x0  }
0x63: {  	s7 =	rddreg [dreg:$0x10];
	[sflag:s10] =	ssyncadd.s32 $0xFFFFC000  }
0x64: {  	[tilespmem:s15], [sflag:$0x2] =	stream.indirect.gather [hbm4b:s4+s13], $0x80, s7, s13, $0xb8;
	[tilespmem:$0x1CC00] =	vst v63  }
0x65: {  	_ =	swait.ge [sflag:s16], $0x4000  }
0x66: {  	[sflag:s16] =	ssyncset.done $0x0  }
0x67: {  	s8 =	rddreg [dreg:$0x11];
	[sflag:s16] =	ssyncadd.s32 $0xFFFFC000  }
0x68: {  	[spmem:s2] =	stream.indirect.scatter.add.f32 [tilespmem:s14], [sflag:$0x3], $0x80, s8, s13, $0xb8;
	[tilespmem:$0x1CC00] =	vst v63  }
0x69: {  	_ =	swait.ge [sflag:s10], $0x4000  }
0x6a: {  	[sflag:s10] =	ssyncset.done $0x0  }
0x6b: {  	s9 =	rddreg [dreg:$0x12];
	[sflag:s10] =	ssyncadd.s32 $0xFFFFC000  }
0x6c: {  	[tilespmem:s14], [sflag:$0x1] =	stream.indirect.gather [hbm4b:s4+s13], $0x80, s9, s13, $0xb8;
	[tilespmem:$0x1CC00] =	vst v63  }
0x6d: {  	_ =	swait.ge [sflag:s17], $0x4000  }
0x6e: {  	[sflag:s17] =	ssyncset.done $0x0  }
0x6f: {  	[sflag:s17] =	ssyncadd.s32 $0xFFFFC000  }
0x70: {  	[spmem:s2] =	stream.indirect.scatter.add.f32 [tilespmem:s15], [sflag:$0x3], $0x80, s18, s13, $0xb8;
	[tilespmem:$0x1CC00] =	vst v63  }
0x71: {  	_ =	swait.ge [sflag:s10], $0x4000  }
0x72: {  	[sflag:s10] =	ssyncset.done $0x0  }
0x73: {  	[sflag:s10] =	ssyncadd.s32 $0xFFFFC000  }
0x74: {  	[tilespmem:s15], [sflag:$0x2] =	stream.indirect.gather [hbm4b:s4+s13], $0x80, s19, s13, $0xb8;
	[tilespmem:$0x1CC00] =	vst v63  }
0x75: {  	_ =	swait.ge [sflag:s16], $0x4000  }
0x76: {  	[sflag:s16] =	ssyncset.done $0x0  }
0x77: {  	[sflag:s16] =	ssyncadd.s32 $0xFFFFC000  }
0x78: {  	[spmem:s2] =	stream.indirect.scatter.add.f32 [tilespmem:s14], [sflag:$0x3], $0x80, s20, s13, $0xb8;
	[tilespmem:$0x1CC00] =	vst v63  }
0x79: {  	_ =	swait.ge [sflag:s10], $0x4000  }
0x7a: {  	[sflag:s10] =	ssyncset.done $0x0  }
0x7b: {  	[sflag:s10] =	ssyncadd.s32 $0xFFFFC000  }
0x7c: {  	[tilespmem:s14], [sflag:$0x1] =	stream.indirect.gather [hbm4b:s4+s13], $0x80, s21, s13, $0xb8;
	[tilespmem:$0x1CC00] =	vst v63  }
0x7d: {  	_ =	swait.ge [sflag:s17], $0x4000  }
0x7e: {  	[sflag:s17] =	ssyncset.done $0x0  }
0x7f: {  	[sflag:s17] =	ssyncadd.s32 $0xFFFFC000  }
0x80: {  	[spmem:s2] =	stream.indirect.scatter.add.f32 [tilespmem:s15], [sflag:$0x3], $0x80, s22, s13, $0xb8;
	[tilespmem:$0x1CC00] =	vst v63  }
0x81: {  	_ =	swait.ge [sflag:s10], $0x4000  }
0x82: {  	[sflag:s10] =	ssyncset.done $0x0  }
0x83: {  	[sflag:s10] =	ssyncadd.s32 $0xFFFFC000  }
0x84: {  	[tilespmem:s15], [sflag:$0x2] =	stream.indirect.gather [hbm4b:s4+s13], $0x80, s23, s13, $0xb8;
	[tilespmem:$0x1CC00] =	vst v63  }
0x85: {  	_ =	swait.ge [sflag:s16], $0x4000  }
0x86: {  	[sflag:s16] =	ssyncset.done $0x0  }
0x87: {  	[sflag:s16] =	ssyncadd.s32 $0xFFFFC000  }
0x88: {  	[spmem:s2] =	stream.indirect.scatter.add.f32 [tilespmem:s14], [sflag:$0x3], $0x80, s24, s13, $0xb8;
	[tilespmem:$0x1CC00] =	vst v63  }
0x89: {  	_ =	swait.ge [sflag:s10], $0x4000  }
0x8a: {  	[sflag:s10] =	ssyncset.done $0x0  }
0x8b: {  	[sflag:s10] =	ssyncadd.s32 $0xFFFFC000  }
0x8c: {  	[tilespmem:s14], [sflag:$0x1] =	stream.indirect.gather [hbm4b:s4+s13], $0x80, s25, s13, $0xb8;
	[tilespmem:$0x1CC00] =	vst v63  }
0x8d: {  	_ =	swait.ge [sflag:s17], $0x4000  }
0x8e: {  	[sflag:s17] =	ssyncset.done $0x0  }
0x8f: {  	[sflag:s17] =	ssyncadd.s32 $0xFFFFC000  }
0x90: {  	[spmem:s2] =	stream.indirect.scatter.add.f32 [tilespmem:s15], [sflag:$0x3], $0x80, s26, s13, $0xb8;
	[tilespmem:$0x1CC00] =	vst v63  }
0x91: {  	_ =	swait.ge [sflag:s10], $0x4000  }
0x92: {  	[sflag:s10] =	ssyncset.done $0x0  }
0x93: {  	[sflag:s10] =	ssyncadd.s32 $0xFFFFC000  }
0x94: {  	[tilespmem:s15], [sflag:$0x2] =	stream.indirect.gather [hbm4b:s4+s13], $0x80, s28, s13, $0xb8;
	[tilespmem:$0x1CC00] =	vst v63  }
0x95: {  	_ =	swait.ge [sflag:s16], $0x4000  }
0x96: {  	[sflag:s16] =	ssyncset.done $0x0  }
0x97: {  	[sflag:s16] =	ssyncadd.s32 $0xFFFFC000  }
0x98: {  	[spmem:s2] =	stream.indirect.scatter.add.f32 [tilespmem:s14], [sflag:$0x3], $0x80, s29, s13, $0xb8;
	[tilespmem:$0x1CC00] =	vst v63  }
0x99: {  	_ =	swait.ge [sflag:s10], $0x4000  }
0x9a: {  	[sflag:s10] =	ssyncset.done $0x0  }
0x9b: {  	[sflag:s10] =	ssyncadd.s32 $0xFFFFC000  }
0x9c: {  	[tilespmem:s14], [sflag:$0x1] =	stream.indirect.gather [hbm4b:s4+s13], $0x80, s30, s13, $0xb8;
	[tilespmem:$0x1CC00] =	vst v63  }
0x9d: {  	_ =	swait.ge [sflag:s17], $0x4000  }
0x9e: {  	[sflag:s17] =	ssyncset.done $0x0  }
0x9f: {  	[sflag:s17] =	ssyncadd.s32 $0xFFFFC000  }
0xa0: {  	[spmem:s2] =	stream.indirect.scatter.add.f32 [tilespmem:s15], [sflag:$0x3], $0x80, s31, s13, $0xb8;
	[tilespmem:$0x1CC00] =	vst v63  }
0xa1: {  	_ =	swait.ge [sflag:s10], $0x4000  }
0xa2: {  	[sflag:s10] =	ssyncset.done $0x0  }
0xa3: {  	[sflag:s10] =	ssyncadd.s32 $0xFFFFC000  }
0xa4: {  	[tilespmem:s15], [sflag:$0x2] =	stream.indirect.gather [hbm4b:s4+s13], $0x80, s1, s13, $0xb8;
	[tilespmem:$0x1CC00] =	vst v63  }
0xa5: {  	_ =	swait.ge [sflag:s16], $0x4000  }
0xa6: {  	[sflag:s16] =	ssyncset.done $0x0  }
0xa7: {  	[sflag:s16] =	ssyncadd.s32 $0xFFFFC000  }
0xa8: {  	[spmem:s2] =	stream.indirect.scatter.add.f32 [tilespmem:s14], [sflag:$0x3], $0x80, s0, s13, $0xb8;
	[tilespmem:$0x1CC00] =	vst v63  }
0xa9: {  	_ =	swait.ge [sflag:s10], $0x4000  }
0xaa: {  	[sflag:s10] =	ssyncset.done $0x0  }
0xab: {  	[sflag:s10] =	ssyncadd.s32 $0xFFFFC000  }
0xac: {  	_ =	swait.ge [sflag:s17], $0x4000  }
0xad: {  	[sflag:s17] =	ssyncset.done $0x0  }
0xae: {  	[sflag:s17] =	ssyncadd.s32 $0xFFFFC000  }
0xaf: {  	[spmem:s2] =	stream.indirect.scatter.add.f32 [tilespmem:s15], [sflag:$0x3], $0x80, s5, s13, $0xb8;
	[tilespmem:$0x1CC00] =	vst v63  }
0xb0: {  	s6 =	simm.s32 $0x200;
	_ =	swait.ge [sflag:s10], $0x4000  }
0xb1: {  	s8 =	simm.s32 $0x100;
	s9 =	rddreg [dreg:$0x4];
	[sflag:s10] =	ssyncset.done $0x0  }
.LBB2_2:
0xb2: {  	[sflag:s10] =	ssyncadd.s32 $0xFFFFC000;
	s9 =	sadd.s32 s8, s9  }
0xb3: {  	[tilespmem:s11], [sflag:$0x3] =	stream.linear.gather [hbm4b:s9+s3], $0x800, $0x38;
	[tilespmem:$0x1CC00] =	vst v63  }
0xb4: {  	_ =	swait.ge [sflag:s10], $0x800  }
0xb5: {  	s9 =	rddreg [dreg:$0x3];
	[sflag:s10] =	ssyncset.done $0x0  }
0xb6: {  	[sflag:s10] =	ssyncadd.s32 $0xFFFFF800;
	s9 =	sadd.s32 s8, s9  }
0xb7: {  	[tilespmem:s12], [sflag:$0x3] =	stream.linear.gather [hbm4b:s9+s3], $0x800, $0x38;
	[tilespmem:$0x1CC00] =	vst v63  }
0xb8: {  	_ =	swait.ge [sflag:s10], $0x800  }
0xb9: {  	[sflag:s10] =	ssyncset.done $0x0  }
0xba: {  	[sflag:s10] =	ssyncadd.s32 $0xFFFFF800  }
0xbb: {  	[tilespmem:s14], [sflag:$0x1] =	stream.indirect.gather [hbm4b:s4+s13], $0x80, s11, s13, $0xb8;
	[tilespmem:$0x1CC00] =	vst v63  }
0xbc: {  	s9 =	rddreg [dreg:$0x5]  }
0xbd: {  	[tilespmem:s15], [sflag:$0x2] =	stream.indirect.gather [hbm4b:s4+s13], $0x80, s9, s13, $0xb8;
	[tilespmem:$0x1CC00] =	vst v63  }
0xbe: {  	_ =	swait.ge [sflag:s16], $0x4000  }
0xbf: {  	[sflag:s16] =	ssyncset.done $0x0  }
0xc0: {  	[sflag:s16] =	ssyncadd.s32 $0xFFFFC000  }
0xc1: {  	[spmem:s2] =	stream.indirect.scatter.add.f32 [tilespmem:s14], [sflag:$0x3], $0x80, s12, s13, $0xb8;
	[tilespmem:$0x1CC00] =	vst v63  }
0xc2: {  	_ =	swait.ge [sflag:s10], $0x4000  }
0xc3: {  	[sflag:s10] =	ssyncset.done $0x0  }
0xc4: {  	s9 =	rddreg [dreg:$0x6];
	[sflag:s10] =	ssyncadd.s32 $0xFFFFC000  }
0xc5: {  	[tilespmem:s14], [sflag:$0x1] =	stream.indirect.gather [hbm4b:s4+s13], $0x80, s9, s13, $0xb8;
	[tilespmem:$0x1CC00] =	vst v63  }
0xc6: {  	_ =	swait.ge [sflag:s17], $0x4000  }
0xc7: {  	[sflag:s17] =	ssyncset.done $0x0  }
0xc8: {  	s9 =	rddreg [dreg:$0x7];
	[sflag:s17] =	ssyncadd.s32 $0xFFFFC000  }
0xc9: {  	[spmem:s2] =	stream.indirect.scatter.add.f32 [tilespmem:s15], [sflag:$0x3], $0x80, s9, s13, $0xb8;
	[tilespmem:$0x1CC00] =	vst v63  }
0xca: {  	_ =	swait.ge [sflag:s10], $0x4000  }
0xcb: {  	[sflag:s10] =	ssyncset.done $0x0  }
0xcc: {  	s9 =	rddreg [dreg:$0x8];
	[sflag:s10] =	ssyncadd.s32 $0xFFFFC000  }
0xcd: {  	[tilespmem:s15], [sflag:$0x2] =	stream.indirect.gather [hbm4b:s4+s13], $0x80, s9, s13, $0xb8;
	[tilespmem:$0x1CC00] =	vst v63  }
0xce: {  	_ =	swait.ge [sflag:s16], $0x4000  }
0xcf: {  	[sflag:s16] =	ssyncset.done $0x0  }
0xd0: {  	s9 =	rddreg [dreg:$0x9];
	[sflag:s16] =	ssyncadd.s32 $0xFFFFC000  }
0xd1: {  	[spmem:s2] =	stream.indirect.scatter.add.f32 [tilespmem:s14], [sflag:$0x3], $0x80, s9, s13, $0xb8;
	[tilespmem:$0x1CC00] =	vst v63  }
0xd2: {  	_ =	swait.ge [sflag:s10], $0x4000  }
0xd3: {  	[sflag:s10] =	ssyncset.done $0x0  }
0xd4: {  	s9 =	rddreg [dreg:$0xa];
	[sflag:s10] =	ssyncadd.s32 $0xFFFFC000  }
0xd5: {  	[tilespmem:s14], [sflag:$0x1] =	stream.indirect.gather [hbm4b:s4+s13], $0x80, s9, s13, $0xb8;
	[tilespmem:$0x1CC00] =	vst v63  }
0xd6: {  	_ =	swait.ge [sflag:s17], $0x4000  }
0xd7: {  	[sflag:s17] =	ssyncset.done $0x0  }
0xd8: {  	s9 =	rddreg [dreg:$0xb];
	[sflag:s17] =	ssyncadd.s32 $0xFFFFC000  }
0xd9: {  	[spmem:s2] =	stream.indirect.scatter.add.f32 [tilespmem:s15], [sflag:$0x3], $0x80, s9, s13, $0xb8;
	[tilespmem:$0x1CC00] =	vst v63  }
0xda: {  	_ =	swait.ge [sflag:s10], $0x4000  }
0xdb: {  	[sflag:s10] =	ssyncset.done $0x0  }
0xdc: {  	s9 =	rddreg [dreg:$0xc];
	[sflag:s10] =	ssyncadd.s32 $0xFFFFC000  }
0xdd: {  	[tilespmem:s15], [sflag:$0x2] =	stream.indirect.gather [hbm4b:s4+s13], $0x80, s9, s13, $0xb8;
	[tilespmem:$0x1CC00] =	vst v63  }
0xde: {  	_ =	swait.ge [sflag:s16], $0x4000  }
0xdf: {  	[sflag:s16] =	ssyncset.done $0x0  }
0xe0: {  	s9 =	rddreg [dreg:$0xd];
	[sflag:s16] =	ssyncadd.s32 $0xFFFFC000  }
0xe1: {  	[spmem:s2] =	stream.indirect.scatter.add.f32 [tilespmem:s14], [sflag:$0x3], $0x80, s9, s13, $0xb8;
	[tilespmem:$0x1CC00] =	vst v63  }
0xe2: {  	_ =	swait.ge [sflag:s10], $0x4000  }
0xe3: {  	[sflag:s10] =	ssyncset.done $0x0  }
0xe4: {  	s9 =	rddreg [dreg:$0xe];
	[sflag:s10] =	ssyncadd.s32 $0xFFFFC000  }
0xe5: {  	[tilespmem:s14], [sflag:$0x1] =	stream.indirect.gather [hbm4b:s4+s13], $0x80, s9, s13, $0xb8;
	[tilespmem:$0x1CC00] =	vst v63  }
0xe6: {  	_ =	swait.ge [sflag:s17], $0x4000  }
0xe7: {  	[sflag:s17] =	ssyncset.done $0x0  }
0xe8: {  	s9 =	rddreg [dreg:$0xf];
	[sflag:s17] =	ssyncadd.s32 $0xFFFFC000  }
0xe9: {  	[spmem:s2] =	stream.indirect.scatter.add.f32 [tilespmem:s15], [sflag:$0x3], $0x80, s9, s13, $0xb8;
	[tilespmem:$0x1CC00] =	vst v63  }
0xea: {  	_ =	swait.ge [sflag:s10], $0x4000  }
0xeb: {  	[sflag:s10] =	ssyncset.done $0x0  }
0xec: {  	s9 =	rddreg [dreg:$0x10];
	[sflag:s10] =	ssyncadd.s32 $0xFFFFC000  }
0xed: {  	[tilespmem:s15], [sflag:$0x2] =	stream.indirect.gather [hbm4b:s4+s13], $0x80, s9, s13, $0xb8;
	[tilespmem:$0x1CC00] =	vst v63  }
0xee: {  	_ =	swait.ge [sflag:s16], $0x4000  }
0xef: {  	[sflag:s16] =	ssyncset.done $0x0  }
0xf0: {  	s9 =	rddreg [dreg:$0x11];
	[sflag:s16] =	ssyncadd.s32 $0xFFFFC000  }
0xf1: {  	[spmem:s2] =	stream.indirect.scatter.add.f32 [tilespmem:s14], [sflag:$0x3], $0x80, s9, s13, $0xb8;
	[tilespmem:$0x1CC00] =	vst v63  }
0xf2: {  	_ =	swait.ge [sflag:s10], $0x4000  }
0xf3: {  	[sflag:s10] =	ssyncset.done $0x0  }
0xf4: {  	s9 =	rddreg [dreg:$0x12];
	[sflag:s10] =	ssyncadd.s32 $0xFFFFC000  }
0xf5: {  	[tilespmem:s14], [sflag:$0x1] =	stream.indirect.gather [hbm4b:s4+s13], $0x80, s9, s13, $0xb8;
	[tilespmem:$0x1CC00] =	vst v63  }
0xf6: {  	_ =	swait.ge [sflag:s17], $0x4000  }
0xf7: {  	[sflag:s17] =	ssyncset.done $0x0  }
0xf8: {  	[sflag:s17] =	ssyncadd.s32 $0xFFFFC000  }
0xf9: {  	[spmem:s2] =	stream.indirect.scatter.add.f32 [tilespmem:s15], [sflag:$0x3], $0x80, s18, s13, $0xb8;
	[tilespmem:$0x1CC00] =	vst v63  }
0xfa: {  	_ =	swait.ge [sflag:s10], $0x4000  }
0xfb: {  	[sflag:s10] =	ssyncset.done $0x0  }
0xfc: {  	[sflag:s10] =	ssyncadd.s32 $0xFFFFC000  }
0xfd: {  	[tilespmem:s15], [sflag:$0x2] =	stream.indirect.gather [hbm4b:s4+s13], $0x80, s19, s13, $0xb8;
	[tilespmem:$0x1CC00] =	vst v63  }
0xfe: {  	_ =	swait.ge [sflag:s16], $0x4000  }
0xff: {  	[sflag:s16] =	ssyncset.done $0x0  }
0x100: {  	[sflag:s16] =	ssyncadd.s32 $0xFFFFC000  }
0x101: {  	[spmem:s2] =	stream.indirect.scatter.add.f32 [tilespmem:s14], [sflag:$0x3], $0x80, s20, s13, $0xb8;
	[tilespmem:$0x1CC00] =	vst v63  }
0x102: {  	_ =	swait.ge [sflag:s10], $0x4000  }
0x103: {  	[sflag:s10] =	ssyncset.done $0x0  }
0x104: {  	[sflag:s10] =	ssyncadd.s32 $0xFFFFC000  }
0x105: {  	[tilespmem:s14], [sflag:$0x1] =	stream.indirect.gather [hbm4b:s4+s13], $0x80, s21, s13, $0xb8;
	[tilespmem:$0x1CC00] =	vst v63  }
0x106: {  	_ =	swait.ge [sflag:s17], $0x4000  }
0x107: {  	[sflag:s17] =	ssyncset.done $0x0  }
0x108: {  	[sflag:s17] =	ssyncadd.s32 $0xFFFFC000  }
0x109: {  	[spmem:s2] =	stream.indirect.scatter.add.f32 [tilespmem:s15], [sflag:$0x3], $0x80, s22, s13, $0xb8;
	[tilespmem:$0x1CC00] =	vst v63  }
0x10a: {  	_ =	swait.ge [sflag:s10], $0x4000  }
0x10b: {  	[sflag:s10] =	ssyncset.done $0x0  }
0x10c: {  	[sflag:s10] =	ssyncadd.s32 $0xFFFFC000  }
0x10d: {  	[tilespmem:s15], [sflag:$0x2] =	stream.indirect.gather [hbm4b:s4+s13], $0x80, s23, s13, $0xb8;
	[tilespmem:$0x1CC00] =	vst v63  }
0x10e: {  	_ =	swait.ge [sflag:s16], $0x4000  }
0x10f: {  	[sflag:s16] =	ssyncset.done $0x0  }
0x110: {  	[sflag:s16] =	ssyncadd.s32 $0xFFFFC000  }
0x111: {  	[spmem:s2] =	stream.indirect.scatter.add.f32 [tilespmem:s14], [sflag:$0x3], $0x80, s24, s13, $0xb8;
	[tilespmem:$0x1CC00] =	vst v63  }
0x112: {  	_ =	swait.ge [sflag:s10], $0x4000  }
0x113: {  	[sflag:s10] =	ssyncset.done $0x0  }
0x114: {  	[sflag:s10] =	ssyncadd.s32 $0xFFFFC000  }
0x115: {  	[tilespmem:s14], [sflag:$0x1] =	stream.indirect.gather [hbm4b:s4+s13], $0x80, s25, s13, $0xb8;
	[tilespmem:$0x1CC00] =	vst v63  }
0x116: {  	_ =	swait.ge [sflag:s17], $0x4000  }
0x117: {  	[sflag:s17] =	ssyncset.done $0x0  }
0x118: {  	[sflag:s17] =	ssyncadd.s32 $0xFFFFC000  }
0x119: {  	[spmem:s2] =	stream.indirect.scatter.add.f32 [tilespmem:s15], [sflag:$0x3], $0x80, s26, s13, $0xb8;
	[tilespmem:$0x1CC00] =	vst v63  }
0x11a: {  	_ =	swait.ge [sflag:s10], $0x4000  }
0x11b: {  	[sflag:s10] =	ssyncset.done $0x0  }
0x11c: {  	[sflag:s10] =	ssyncadd.s32 $0xFFFFC000  }
0x11d: {  	[tilespmem:s15], [sflag:$0x2] =	stream.indirect.gather [hbm4b:s4+s13], $0x80, s28, s13, $0xb8;
	[tilespmem:$0x1CC00] =	vst v63  }
0x11e: {  	_ =	swait.ge [sflag:s16], $0x4000  }
0x11f: {  	[sflag:s16] =	ssyncset.done $0x0  }
0x120: {  	[sflag:s16] =	ssyncadd.s32 $0xFFFFC000  }
0x121: {  	[spmem:s2] =	stream.indirect.scatter.add.f32 [tilespmem:s14], [sflag:$0x3], $0x80, s29, s13, $0xb8;
	[tilespmem:$0x1CC00] =	vst v63  }
0x122: {  	_ =	swait.ge [sflag:s10], $0x4000  }
0x123: {  	[sflag:s10] =	ssyncset.done $0x0  }
0x124: {  	[sflag:s10] =	ssyncadd.s32 $0xFFFFC000  }
0x125: {  	[tilespmem:s14], [sflag:$0x1] =	stream.indirect.gather [hbm4b:s4+s13], $0x80, s30, s13, $0xb8;
	[tilespmem:$0x1CC00] =	vst v63  }
0x126: {  	_ =	swait.ge [sflag:s17], $0x4000  }
0x127: {  	[sflag:s17] =	ssyncset.done $0x0  }
0x128: {  	[sflag:s17] =	ssyncadd.s32 $0xFFFFC000  }
0x129: {  	[spmem:s2] =	stream.indirect.scatter.add.f32 [tilespmem:s15], [sflag:$0x3], $0x80, s31, s13, $0xb8;
	[tilespmem:$0x1CC00] =	vst v63  }
0x12a: {  	_ =	swait.ge [sflag:s10], $0x4000  }
0x12b: {  	[sflag:s10] =	ssyncset.done $0x0  }
0x12c: {  	[sflag:s10] =	ssyncadd.s32 $0xFFFFC000  }
0x12d: {  	[tilespmem:s15], [sflag:$0x2] =	stream.indirect.gather [hbm4b:s4+s13], $0x80, s1, s13, $0xb8;
	[tilespmem:$0x1CC00] =	vst v63  }
0x12e: {  	_ =	swait.ge [sflag:s16], $0x4000  }
0x12f: {  	[sflag:s16] =	ssyncset.done $0x0  }
0x130: {  	[sflag:s16] =	ssyncadd.s32 $0xFFFFC000  }
0x131: {  	[spmem:s2] =	stream.indirect.scatter.add.f32 [tilespmem:s14], [sflag:$0x3], $0x80, s0, s13, $0xb8;
	[tilespmem:$0x1CC00] =	vst v63  }
0x132: {  	_ =	swait.ge [sflag:s10], $0x4000  }
0x133: {  	[sflag:s10] =	ssyncset.done $0x0  }
0x134: {  	[sflag:s10] =	ssyncadd.s32 $0xFFFFC000  }
0x135: {  	p0 =	sne.s32 s6, $0x400;
	_ =	swait.ge [sflag:s17], $0x4000  }
.Ltmp0:
0x136: {  	[sflag:s17] =	ssyncset.done $0x0;
	(pc) =	sbr.rel @p0 .LBB2_2-.Ltmp0, $4  }
0x137: {  	[sflag:s17] =	ssyncadd.s32 $0xFFFFC000  }
0x138: {  	[spmem:s2] =	stream.indirect.scatter.add.f32 [tilespmem:s15], [sflag:$0x3], $0x80, s5, s13, $0xb8;
	[tilespmem:$0x1CC00] =	vst v63  }
0x139: {  	s7 =	smov.u32 s6;
	s6 =	sadd.s32 $0x100, s6;
	_ =	swait.ge [sflag:s10], $0x4000  }
0x13a: {  	s8 =	smov.u32 s7;
	s9 =	rddreg [dreg:$0x4];
	[sflag:s10] =	ssyncset.done $0x0  }
0x13b: {  	[sflag:s10] =	ssyncadd.s32 $0xFFFFC000;
	s6 =	sadd.s32 s8, s9  }
0x13c: {  	[tilespmem:s11], [sflag:$0x3] =	stream.linear.gather [hbm4b:s6+s3], $0x800, $0x38;
	[tilespmem:$0x1CC00] =	vst v63  }
0x13d: {  	_ =	swait.ge [sflag:s10], $0x800  }
0x13e: {  	s9 =	rddreg [dreg:$0x3];
	[sflag:s10] =	ssyncset.done $0x0  }
0x13f: {  	s6 =	sadd.s32 s8, s9;
	[sflag:s10] =	ssyncadd.s32 $0xFFFFF800  }
0x140: {  	[tilespmem:s12], [sflag:$0x3] =	stream.linear.gather [hbm4b:s6+s3], $0x800, $0x38;
	[tilespmem:$0x1CC00] =	vst v63  }
0x141: {  	_ =	swait.ge [sflag:s10], $0x800  }
0x142: {  	[sflag:s10] =	ssyncset.done $0x0  }
0x143: {  	[sflag:s10] =	ssyncadd.s32 $0xFFFFF800  }
0x144: {  	[tilespmem:s14], [sflag:$0x1] =	stream.indirect.gather [hbm4b:s4+s13], $0x80, s11, s13, $0xb8;
	[tilespmem:$0x1CC00] =	vst v63  }
0x145: {  	s7 =	rddreg [dreg:$0x5]  }
0x146: {  	[tilespmem:s15], [sflag:$0x2] =	stream.indirect.gather [hbm4b:s4+s13], $0x80, s7, s13, $0xb8;
	[tilespmem:$0x1CC00] =	vst v63  }
0x147: {  	_ =	swait.ge [sflag:s16], $0x4000  }
0x148: {  	[sflag:s16] =	ssyncset.done $0x0  }
0x149: {  	[sflag:s16] =	ssyncadd.s32 $0xFFFFC000  }
0x14a: {  	[spmem:s2] =	stream.indirect.scatter.add.f32 [tilespmem:s14], [sflag:$0x3], $0x80, s12, s13, $0xb8;
	[tilespmem:$0x1CC00] =	vst v63  }
0x14b: {  	_ =	swait.ge [sflag:s10], $0x4000  }
0x14c: {  	[sflag:s10] =	ssyncset.done $0x0  }
0x14d: {  	s8 =	rddreg [dreg:$0x6];
	[sflag:s10] =	ssyncadd.s32 $0xFFFFC000  }
0x14e: {  	[tilespmem:s14], [sflag:$0x1] =	stream.indirect.gather [hbm4b:s4+s13], $0x80, s8, s13, $0xb8;
	[tilespmem:$0x1CC00] =	vst v63  }
0x14f: {  	_ =	swait.ge [sflag:s17], $0x4000  }
0x150: {  	[sflag:s17] =	ssyncset.done $0x0  }
0x151: {  	s9 =	rddreg [dreg:$0x7];
	[sflag:s17] =	ssyncadd.s32 $0xFFFFC000  }
0x152: {  	[spmem:s2] =	stream.indirect.scatter.add.f32 [tilespmem:s15], [sflag:$0x3], $0x80, s9, s13, $0xb8;
	[tilespmem:$0x1CC00] =	vst v63  }
0x153: {  	_ =	swait.ge [sflag:s10], $0x4000  }
0x154: {  	[sflag:s10] =	ssyncset.done $0x0  }
0x155: {  	s7 =	rddreg [dreg:$0x8];
	[sflag:s10] =	ssyncadd.s32 $0xFFFFC000  }
0x156: {  	[tilespmem:s15], [sflag:$0x2] =	stream.indirect.gather [hbm4b:s4+s13], $0x80, s7, s13, $0xb8;
	[tilespmem:$0x1CC00] =	vst v63  }
0x157: {  	_ =	swait.ge [sflag:s16], $0x4000  }
0x158: {  	[sflag:s16] =	ssyncset.done $0x0  }
0x159: {  	s8 =	rddreg [dreg:$0x9];
	[sflag:s16] =	ssyncadd.s32 $0xFFFFC000  }
0x15a: {  	[spmem:s2] =	stream.indirect.scatter.add.f32 [tilespmem:s14], [sflag:$0x3], $0x80, s8, s13, $0xb8;
	[tilespmem:$0x1CC00] =	vst v63  }
0x15b: {  	_ =	swait.ge [sflag:s10], $0x4000  }
0x15c: {  	[sflag:s10] =	ssyncset.done $0x0  }
0x15d: {  	s9 =	rddreg [dreg:$0xa];
	[sflag:s10] =	ssyncadd.s32 $0xFFFFC000  }
0x15e: {  	[tilespmem:s14], [sflag:$0x1] =	stream.indirect.gather [hbm4b:s4+s13], $0x80, s9, s13, $0xb8;
	[tilespmem:$0x1CC00] =	vst v63  }
0x15f: {  	_ =	swait.ge [sflag:s17], $0x4000  }
0x160: {  	[sflag:s17] =	ssyncset.done $0x0  }
0x161: {  	s7 =	rddreg [dreg:$0xb];
	[sflag:s17] =	ssyncadd.s32 $0xFFFFC000  }
0x162: {  	[spmem:s2] =	stream.indirect.scatter.add.f32 [tilespmem:s15], [sflag:$0x3], $0x80, s7, s13, $0xb8;
	[tilespmem:$0x1CC00] =	vst v63  }
0x163: {  	_ =	swait.ge [sflag:s10], $0x4000  }
0x164: {  	[sflag:s10] =	ssyncset.done $0x0  }
0x165: {  	s8 =	rddreg [dreg:$0xc];
	[sflag:s10] =	ssyncadd.s32 $0xFFFFC000  }
0x166: {  	[tilespmem:s15], [sflag:$0x2] =	stream.indirect.gather [hbm4b:s4+s13], $0x80, s8, s13, $0xb8;
	[tilespmem:$0x1CC00] =	vst v63  }
0x167: {  	_ =	swait.ge [sflag:s16], $0x4000  }
0x168: {  	[sflag:s16] =	ssyncset.done $0x0  }
0x169: {  	s9 =	rddreg [dreg:$0xd];
	[sflag:s16] =	ssyncadd.s32 $0xFFFFC000  }
0x16a: {  	[spmem:s2] =	stream.indirect.scatter.add.f32 [tilespmem:s14], [sflag:$0x3], $0x80, s9, s13, $0xb8;
	[tilespmem:$0x1CC00] =	vst v63  }
0x16b: {  	_ =	swait.ge [sflag:s10], $0x4000  }
0x16c: {  	[sflag:s10] =	ssyncset.done $0x0  }
0x16d: {  	s7 =	rddreg [dreg:$0xe];
	[sflag:s10] =	ssyncadd.s32 $0xFFFFC000  }
0x16e: {  	[tilespmem:s14], [sflag:$0x1] =	stream.indirect.gather [hbm4b:s4+s13], $0x80, s7, s13, $0xb8;
	[tilespmem:$0x1CC00] =	vst v63  }
0x16f: {  	_ =	swait.ge [sflag:s17], $0x4000  }
0x170: {  	[sflag:s17] =	ssyncset.done $0x0  }
0x171: {  	s8 =	rddreg [dreg:$0xf];
	[sflag:s17] =	ssyncadd.s32 $0xFFFFC000  }
0x172: {  	[spmem:s2] =	stream.indirect.scatter.add.f32 [tilespmem:s15], [sflag:$0x3], $0x80, s8, s13, $0xb8;
	[tilespmem:$0x1CC00] =	vst v63  }
0x173: {  	_ =	swait.ge [sflag:s10], $0x4000  }
0x174: {  	[sflag:s10] =	ssyncset.done $0x0  }
0x175: {  	s9 =	rddreg [dreg:$0x10];
	[sflag:s10] =	ssyncadd.s32 $0xFFFFC000  }
0x176: {  	[tilespmem:s15], [sflag:$0x2] =	stream.indirect.gather [hbm4b:s4+s13], $0x80, s9, s13, $0xb8;
	[tilespmem:$0x1CC00] =	vst v63  }
0x177: {  	_ =	swait.ge [sflag:s16], $0x4000  }
0x178: {  	[sflag:s16] =	ssyncset.done $0x0  }
0x179: {  	s7 =	rddreg [dreg:$0x11];
	[sflag:s16] =	ssyncadd.s32 $0xFFFFC000  }
0x17a: {  	[spmem:s2] =	stream.indirect.scatter.add.f32 [tilespmem:s14], [sflag:$0x3], $0x80, s7, s13, $0xb8;
	[tilespmem:$0x1CC00] =	vst v63  }
0x17b: {  	_ =	swait.ge [sflag:s10], $0x4000  }
0x17c: {  	[sflag:s10] =	ssyncset.done $0x0  }
0x17d: {  	s8 =	rddreg [dreg:$0x12];
	[sflag:s10] =	ssyncadd.s32 $0xFFFFC000  }
0x17e: {  	[tilespmem:s14], [sflag:$0x1] =	stream.indirect.gather [hbm4b:s4+s13], $0x80, s8, s13, $0xb8;
	[tilespmem:$0x1CC00] =	vst v63  }
0x17f: {  	_ =	swait.ge [sflag:s17], $0x4000  }
0x180: {  	[sflag:s17] =	ssyncset.done $0x0  }
0x181: {  	[sflag:s17] =	ssyncadd.s32 $0xFFFFC000  }
0x182: {  	[spmem:s2] =	stream.indirect.scatter.add.f32 [tilespmem:s15], [sflag:$0x3], $0x80, s18, s13, $0xb8;
	[tilespmem:$0x1CC00] =	vst v63  }
0x183: {  	_ =	swait.ge [sflag:s10], $0x4000  }
0x184: {  	[sflag:s10] =	ssyncset.done $0x0  }
0x185: {  	[sflag:s10] =	ssyncadd.s32 $0xFFFFC000  }
0x186: {  	[tilespmem:s15], [sflag:$0x2] =	stream.indirect.gather [hbm4b:s4+s13], $0x80, s19, s13, $0xb8;
	[tilespmem:$0x1CC00] =	vst v63  }
0x187: {  	_ =	swait.ge [sflag:s16], $0x4000  }
0x188: {  	[sflag:s16] =	ssyncset.done $0x0  }
0x189: {  	[sflag:s16] =	ssyncadd.s32 $0xFFFFC000  }
0x18a: {  	[spmem:s2] =	stream.indirect.scatter.add.f32 [tilespmem:s14], [sflag:$0x3], $0x80, s20, s13, $0xb8;
	[tilespmem:$0x1CC00] =	vst v63  }
0x18b: {  	_ =	swait.ge [sflag:s10], $0x4000  }
0x18c: {  	[sflag:s10] =	ssyncset.done $0x0  }
0x18d: {  	[sflag:s10] =	ssyncadd.s32 $0xFFFFC000  }
0x18e: {  	[tilespmem:s14], [sflag:$0x1] =	stream.indirect.gather [hbm4b:s4+s13], $0x80, s21, s13, $0xb8;
	[tilespmem:$0x1CC00] =	vst v63  }
0x18f: {  	_ =	swait.ge [sflag:s17], $0x4000  }
0x190: {  	[sflag:s17] =	ssyncset.done $0x0  }
0x191: {  	[sflag:s17] =	ssyncadd.s32 $0xFFFFC000  }
0x192: {  	[spmem:s2] =	stream.indirect.scatter.add.f32 [tilespmem:s15], [sflag:$0x3], $0x80, s22, s13, $0xb8;
	[tilespmem:$0x1CC00] =	vst v63  }
0x193: {  	_ =	swait.ge [sflag:s10], $0x4000  }
0x194: {  	[sflag:s10] =	ssyncset.done $0x0  }
0x195: {  	[sflag:s10] =	ssyncadd.s32 $0xFFFFC000  }
0x196: {  	[tilespmem:s15], [sflag:$0x2] =	stream.indirect.gather [hbm4b:s4+s13], $0x80, s23, s13, $0xb8;
	[tilespmem:$0x1CC00] =	vst v63  }
0x197: {  	_ =	swait.ge [sflag:s16], $0x4000  }
0x198: {  	[sflag:s16] =	ssyncset.done $0x0  }
0x199: {  	[sflag:s16] =	ssyncadd.s32 $0xFFFFC000  }
0x19a: {  	[spmem:s2] =	stream.indirect.scatter.add.f32 [tilespmem:s14], [sflag:$0x3], $0x80, s24, s13, $0xb8;
	[tilespmem:$0x1CC00] =	vst v63  }
0x19b: {  	_ =	swait.ge [sflag:s10], $0x4000  }
0x19c: {  	[sflag:s10] =	ssyncset.done $0x0  }
0x19d: {  	[sflag:s10] =	ssyncadd.s32 $0xFFFFC000  }
0x19e: {  	[tilespmem:s14], [sflag:$0x1] =	stream.indirect.gather [hbm4b:s4+s13], $0x80, s25, s13, $0xb8;
	[tilespmem:$0x1CC00] =	vst v63  }
0x19f: {  	_ =	swait.ge [sflag:s17], $0x4000  }
0x1a0: {  	[sflag:s17] =	ssyncset.done $0x0  }
0x1a1: {  	[sflag:s17] =	ssyncadd.s32 $0xFFFFC000  }
0x1a2: {  	[spmem:s2] =	stream.indirect.scatter.add.f32 [tilespmem:s15], [sflag:$0x3], $0x80, s26, s13, $0xb8;
	[tilespmem:$0x1CC00] =	vst v63  }
0x1a3: {  	_ =	swait.ge [sflag:s10], $0x4000  }
0x1a4: {  	[sflag:s10] =	ssyncset.done $0x0  }
0x1a5: {  	[sflag:s10] =	ssyncadd.s32 $0xFFFFC000  }
0x1a6: {  	[tilespmem:s15], [sflag:$0x2] =	stream.indirect.gather [hbm4b:s4+s13], $0x80, s28, s13, $0xb8;
	[tilespmem:$0x1CC00] =	vst v63  }
0x1a7: {  	_ =	swait.ge [sflag:s16], $0x4000  }
0x1a8: {  	[sflag:s16] =	ssyncset.done $0x0  }
0x1a9: {  	[sflag:s16] =	ssyncadd.s32 $0xFFFFC000  }
0x1aa: {  	[spmem:s2] =	stream.indirect.scatter.add.f32 [tilespmem:s14], [sflag:$0x3], $0x80, s29, s13, $0xb8;
	[tilespmem:$0x1CC00] =	vst v63  }
0x1ab: {  	_ =	swait.ge [sflag:s10], $0x4000  }
0x1ac: {  	[sflag:s10] =	ssyncset.done $0x0  }
0x1ad: {  	[sflag:s10] =	ssyncadd.s32 $0xFFFFC000  }
0x1ae: {  	[tilespmem:s14], [sflag:$0x1] =	stream.indirect.gather [hbm4b:s4+s13], $0x80, s30, s13, $0xb8;
	[tilespmem:$0x1CC00] =	vst v63  }
0x1af: {  	_ =	swait.ge [sflag:s17], $0x4000  }
0x1b0: {  	[sflag:s17] =	ssyncset.done $0x0  }
0x1b1: {  	[sflag:s17] =	ssyncadd.s32 $0xFFFFC000  }
0x1b2: {  	[spmem:s2] =	stream.indirect.scatter.add.f32 [tilespmem:s15], [sflag:$0x3], $0x80, s31, s13, $0xb8;
	[tilespmem:$0x1CC00] =	vst v63  }
0x1b3: {  	_ =	swait.ge [sflag:s10], $0x4000  }
0x1b4: {  	[sflag:s10] =	ssyncset.done $0x0  }
0x1b5: {  	[sflag:s10] =	ssyncadd.s32 $0xFFFFC000  }
0x1b6: {  	[tilespmem:s15], [sflag:$0x2] =	stream.indirect.gather [hbm4b:s4+s13], $0x80, s1, s13, $0xb8;
	[tilespmem:$0x1CC00] =	vst v63  }
0x1b7: {  	_ =	swait.ge [sflag:s16], $0x4000  }
0x1b8: {  	[sflag:s16] =	ssyncset.done $0x0  }
0x1b9: {  	[sflag:s16] =	ssyncadd.s32 $0xFFFFC000  }
0x1ba: {  	[spmem:s2] =	stream.indirect.scatter.add.f32 [tilespmem:s14], [sflag:$0x3], $0x80, s0, s13, $0xb8;
	[tilespmem:$0x1CC00] =	vst v63  }
0x1bb: {  	_ =	swait.ge [sflag:s10], $0x4000  }
0x1bc: {  	[sflag:s10] =	ssyncset.done $0x0  }
0x1bd: {  	[sflag:s10] =	ssyncadd.s32 $0xFFFFC000  }
0x1be: {  	_ =	swait.ge [sflag:s17], $0x4000  }
0x1bf: {  	[sflag:s17] =	ssyncset.done $0x0  }
0x1c0: {  	[sflag:s17] =	ssyncadd.s32 $0xFFFFC000  }
0x1c1: {  	[spmem:s2] =	stream.indirect.scatter.add.f32 [tilespmem:s15], [sflag:$0x3], $0x80, s5, s13, $0xb8;
	[tilespmem:$0x1CC00] =	vst v63  }
0x1c2: {  	_ =	swait.ge [sflag:s10], $0x4000  }
0x1c3: {  	[sflag:s10] =	ssyncset.done $0x0  }
0x1c4: {  	[sflag:s10] =	ssyncadd.s32 $0xFFFFC000  }
0x1c5: {  	[bflag:$0x0] =	sbarrier.arrive $0xFFFF  }
0x1c6: {  	s8 =	rddreg [dreg:$0x14]  }
0x1c7: {  	s9 =	rddreg [dreg:$0x15]  }
0x1c8: {  	s7 =	rddreg [dreg:$0x17]  }
0x1c9: {  	[hbm:s9], [sflag:s8] =	dma.local [spmem:s7], $0x2780  }
0x1ca: {  	_ =	swait.ge [sflag:s10], $0x2780  }
0x1cb: {  	s6 =	rddreg [dreg:$0x18]  }
0x1cc: {  	s9 =	sadd.s32 $0x1, s6;
	s6 =	rddreg [dreg:$0x16]  }
0x1cd: {  	p0 =	sne.s32 s9, s6  }
.Ltmp1:
0x1ce: {  	_ = 	snop;
	(pc) =	sbr.rel @p0 .LBB2_1-.Ltmp1, $3  }
0x1cf: {  	_ =	sdelay $0x1  }
0x1d0: {  	[sflag:s10] =	ssyncset.done $0x0  }
0x1d1: {  	[sflag:s10] =	ssyncadd.s32 $0xFFFFD880  }
0x1d2: {  	_ =	sfence.sel $0x180000  }
0x1d3: {  	[bflag:$0x0] =	sbarrier.arrive $0xFFFF  }
0x1d4: {  	_ =	strace $0x90000053  }
0x1d5: {  	s0 =	stileid.u32;
	[bflag:$0x2] =	sbarrier.arrive $0xFFFF  }
0x1d6: {  	p0 =	sne.s32 s0, $0x0;
	s0 =	rddreg [dreg:$0x2]  }
0x1d7: {  	s0 =	sadd.s32 @!p0 $0x100000, s0  }
0x1d8: {  	[sflag:s0] =	ssyncadd.tile.s32 @!p0 $0x1;
	_ =	shalt  }
.Lfunc_end2:
_tile_overlayer_lowered:
.L_overlay_start_2:
0x1d9: {  	(tag) =	ssettag $0x2  }
0x1da: {  	s0 =	rddreg [dreg:$0x0];
	s2 =	stileid.u32  }
0x1db: {  	s1 =	rddreg [dreg:$0x1];
	p0 =	sne.s32 s2, $0x0  }
0x1dc: {  	s3 =	rddreg [dreg:$0x2];
	[bflag:$0x3] =	sbarrier.arrive $0xFFFF;
	s2 =	simm.s32 @!p0 $0x1C03  }
0x1dd: {  	[timem:s3], [sflag:s2] =	dma.local @!p0 [hbm:s0], s1  }
0x1de: {  	s0 =	simm.s32 @!p0 $0x3  }
0x1df: {  	_ =	swait.ge @!p0 [sflag:s0], s1  }
0x1e0: {  	s1 =	ssub.s32 @!p0 $0x0, s1;
	[sflag:s0] =	ssyncset.done @!p0 $0x0  }
0x1e1: {  	[sflag:s0] =	ssyncadd.s32 @!p0 s1  }
0x1e2: {  	[bflag:$0x3] =	sbarrier.arrive $0xFFFF  }
0x1e3: {  	_ =	shalt  }

</sc_bundles>
